<compile_context>
chip_gen: v7x
topology: tpu7x:2x2x1
jax: 0.10.2.dev20260603
libtpu: 0.0.44.dev20260713+nightly
codegen_flags: <defaults>
</compile_context>

<pallas_src>
import functools

import jax
import jax.numpy as jnp
from jax import lax
from jax.experimental import pallas as pl
from jax.experimental.pallas import tpu as pltpu
from jax.experimental.pallas import tpu_sc as plsc

F32 = jnp.float32
_PREC = jax.lax.Precision.DEFAULT

_N = 10000
_E = 320000
_DF = 128
_DE = 16
_DG = 16
_L = 16

_NC = 2
_NS = 16
_NW = _NC * _NS
_EPW = _E // _NW
_TB = 80
_CH = 2000
_TPC = _CH // _TB
_NCHUNK = _EPW // _CH
_NPS = _N // _NS

def _sc_gather_body(ps_hbm, pr_hbm, snd_hbm, rcv_hbm, gs_hbm, gr_hbm,
                    idx_s, idx_r, rows_s, rows_r, sem):
    cid = lax.axis_index("c")
    sid = lax.axis_index("s")
    wid = cid * _NS + sid
    base_e = wid * _EPW

    pltpu.sync_copy(snd_hbm.at[pl.ds(base_e, _EPW)], idx_s)
    pltpu.sync_copy(rcv_hbm.at[pl.ds(base_e, _EPW)], idx_r)

    def chunk(t, carry):
        descs = []
        for j in range(_TPC):
            src = pl.ds((t * _TPC + j) * _TB, _TB)
            dst = pl.ds(j * _TB, _TB)
            descs.append(pltpu.async_copy(ps_hbm.at[idx_s.at[src]],
                                          rows_s.at[dst], sem))
            descs.append(pltpu.async_copy(pr_hbm.at[idx_r.at[src]],
                                          rows_r.at[dst], sem))
        for d in descs:
            d.wait()
        pltpu.sync_copy(rows_s, gs_hbm.at[pl.ds(base_e + t * _CH, _CH)])
        pltpu.sync_copy(rows_r, gr_hbm.at[pl.ds(base_e + t * _CH, _CH)])
        return carry

    lax.fori_loop(0, _NCHUNK, chunk, 0)


def _sc_gather(ps, pr, snd, rcv):
    mesh = plsc.VectorSubcoreMesh(core_axis_name="c", subcore_axis_name="s")
    k = functools.partial(
        pl.kernel,
        out_type=(
            jax.ShapeDtypeStruct((_E, _L), F32),
            jax.ShapeDtypeStruct((_E, _L), F32),
        ),
        mesh=mesh,
        scratch_types=[
            pltpu.VMEM((_EPW,), jnp.int32),
            pltpu.VMEM((_EPW,), jnp.int32),
            pltpu.VMEM((_CH, _L), F32),
            pltpu.VMEM((_CH, _L), F32),
            pltpu.SemaphoreType.DMA,
        ],
        compiler_params=pltpu.CompilerParams(use_tc_tiling_on_sc=False),
    )(_sc_gather_body)
    return k(ps, pr, snd, rcv)


def _sc_scatter_body(ne_hbm, snd_hbm, rcv_hbm, out_hbm,
                     idx_s, idx_r, rows, zbuf, sh_s, sh_r):
    cid = lax.axis_index("c")
    sid = lax.axis_index("s")
    wid = cid * _NS + sid
    zslice = pl.ds(sid * _NPS, _NPS)

    def zrow(i, c):
        zbuf[i, :] = jnp.zeros((_L,), F32)
        return c

    lax.fori_loop(0, _NPS, zrow, 0)
    pltpu.sync_copy(zbuf, sh_s.at[zslice])
    pltpu.sync_copy(zbuf, sh_r.at[zslice])
    pltpu.sync_copy(snd_hbm.at[pl.ds(wid * _EPW, _EPW)], idx_s)
    pltpu.sync_copy(rcv_hbm.at[pl.ds(wid * _EPW, _EPW)], idx_r)
    plsc.subcore_barrier()

    def chunk(t, carry):
        pltpu.sync_copy(ne_hbm.at[pl.ds(wid * _EPW + t * _CH, _CH)], rows)
        for j in range(_TPC):
            isl = pl.ds((t * _TPC + j) * _TB, _TB)
            src = rows.at[pl.ds(j * _TB, _TB)]
            pltpu.sync_copy(src, sh_s.at[idx_s.at[isl]], add=True)
            pltpu.sync_copy(src, sh_r.at[idx_r.at[isl]], add=True)
        return carry

    lax.fori_loop(0, _NCHUNK, chunk, 0)
    plsc.subcore_barrier()

    pltpu.sync_copy(sh_s.at[zslice], out_hbm.at[cid, 0, zslice])
    pltpu.sync_copy(sh_r.at[zslice], out_hbm.at[cid, 1, zslice])


def _sc_scatter(ne, snd, rcv):
    mesh = plsc.VectorSubcoreMesh(core_axis_name="c", subcore_axis_name="s")
    k = functools.partial(
        pl.kernel,
        out_type=jax.ShapeDtypeStruct((_NC, 2, _N, _L), F32),
        mesh=mesh,
        scratch_types=[
            pltpu.VMEM((_EPW,), jnp.int32),
            pltpu.VMEM((_EPW,), jnp.int32),
            pltpu.VMEM((_CH, _L), F32),
            pltpu.VMEM((_NPS, _L), F32),
            pltpu.VMEM_SHARED((_N, _L), F32),
            pltpu.VMEM_SHARED((_N, _L), F32),
        ],
        compiler_params=pltpu.CompilerParams(use_tc_tiling_on_sc=False),
    )(_sc_scatter_body)
    return k(ne, snd, rcv)


_NP8 = _N // 8


def _dot8(n, w_ref):
    acc = None
    for j in range(8):
        p = jnp.dot(n[:, 128 * j:128 * (j + 1)],
                    w_ref[128 * j:128 * (j + 1), :],
                    preferred_element_type=F32, precision=_PREC)
        acc = p if acc is None else acc + p
    return acc


def _tc_project_body(n_ref, ws_ref, wr_ref, ps_ref, pr_ref):
    n = n_ref[...]
    ps_ref[...] = _dot8(n, ws_ref)
    pr_ref[...] = _dot8(n, wr_ref)


def _tc_project(nodes_r, wsb, wrb):
    bn = _NP8
    grid = _NP8 // bn
    return pl.pallas_call(
        _tc_project_body,
        grid=(grid,),
        in_specs=[
            pl.BlockSpec((bn, 8 * _DF), lambda i: (i, 0)),
            pl.BlockSpec((8 * _DF, 128), lambda i: (0, 0)),
            pl.BlockSpec((8 * _DF, 128), lambda i: (0, 0)),
        ],
        out_specs=[
            pl.BlockSpec((bn, 128), lambda i: (i, 0)),
            pl.BlockSpec((bn, 128), lambda i: (i, 0)),
        ],
        out_shape=[
            jax.ShapeDtypeStruct((_NP8, 128), F32),
            jax.ShapeDtypeStruct((_NP8, 128), F32),
        ],
    )(nodes_r, wsb, wrb)


_EP = _E // 8


def _tc_edge_body(e_ref, gs_ref, gr_ref, web1_ref, we1gt_ref, be1t_ref,
                  web2_ref, be2t_ref, g_ref, ne_ref, esum_ref):
    cst = (jnp.dot(g_ref[...], we1gt_ref[...], preferred_element_type=F32, precision=_PREC)
           + be1t_ref[...])
    pre = (jnp.dot(e_ref[...], web1_ref[...], preferred_element_type=F32, precision=_PREC)
           + gs_ref[...] + gr_ref[...] + cst)
    h = jnp.maximum(pre, 0.0)
    ne = jnp.dot(h, web2_ref[...], preferred_element_type=F32, precision=_PREC) + be2t_ref[...]
    ne_ref[...] = ne
    esum_ref[0, 0, :] = jnp.sum(ne, axis=0)


def _tc_edge(edges_p, gs_p, gr_p, web1, we1gt, be1t, web2, be2t, g):
    be = 4000
    grid = _EP // be
    return pl.pallas_call(
        _tc_edge_body,
        grid=(grid,),
        in_specs=[
            pl.BlockSpec((be, 128), lambda i: (i, 0)),
            pl.BlockSpec((be, 128), lambda i: (i, 0)),
            pl.BlockSpec((be, 128), lambda i: (i, 0)),
            pl.BlockSpec((128, 128), lambda i: (0, 0)),
            pl.BlockSpec((_DG, 128), lambda i: (0, 0)),
            pl.BlockSpec((1, 128), lambda i: (0, 0)),
            pl.BlockSpec((128, 128), lambda i: (0, 0)),
            pl.BlockSpec((1, 128), lambda i: (0, 0)),
            pl.BlockSpec((1, _DG), lambda i: (0, 0)),
        ],
        out_specs=[
            pl.BlockSpec((be, 128), lambda i: (i, 0)),
            pl.BlockSpec((1, 1, 128), lambda i: (i, 0, 0)),
        ],
        out_shape=[
            jax.ShapeDtypeStruct((_EP, 128), F32),
            jax.ShapeDtypeStruct((grid, 1, 128), F32),
        ],
    )(edges_p, gs_p, gr_p, web1, we1gt, be1t, web2, be2t, g)


def _tc_node_body(n_ref, p00_ref, p01_ref, p10_ref, p11_ref, esum_ref,
                  wn1x_ref, wn1s_ref, wn1r_ref, wn1g_ref, bn1_ref,
                  wn2_ref, bn2_ref, g_ref, sel_ref,
                  wg1n_ref, wg1e_ref, wg1g_ref, bg1_ref, wg2_ref, bg2_ref,
                  nn_ref, ng_ref, nsum_ref):
    sagg = p00_ref[0, 0] + p10_ref[0, 0]
    ragg = p01_ref[0, 0] + p11_ref[0, 0]
    cst = (jnp.dot(g_ref[...], wn1g_ref[...], preferred_element_type=F32, precision=_PREC)
           + bn1_ref[...])
    pre = (_dot8(n_ref[...], wn1x_ref)
           + jnp.dot(sagg, wn1s_ref[...], preferred_element_type=F32, precision=_PREC)
           + jnp.dot(ragg, wn1r_ref[...], preferred_element_type=F32, precision=_PREC)
           + cst)
    nn = (jnp.dot(jnp.maximum(pre, 0.0), wn2_ref[...],
                  preferred_element_type=F32, precision=_PREC) + bn2_ref[...])
    nn_ref[...] = nn

    i = pl.program_id(0)
    s = jnp.sum(nn, axis=0, keepdims=True)

    @pl.when(i == 0)
    def _():
        nsum_ref[...] = s

    @pl.when(i > 0)
    def _():
        nsum_ref[...] = nsum_ref[...] + s

    @pl.when(i == pl.num_programs(0) - 1)
    def _():
        nsum16 = jnp.dot(nsum_ref[...], sel_ref[...],
                         preferred_element_type=F32,
                         precision=jax.lax.Precision.HIGHEST)
        esum16 = jnp.dot(jnp.sum(esum_ref[...], axis=(0, 1)).reshape(1, 128),
                         sel_ref[...], preferred_element_type=F32,
                         precision=jax.lax.Precision.HIGHEST)
        gpre = (jnp.dot(nsum16 * (1.0 / _N), wg1n_ref[...],
                        preferred_element_type=F32, precision=_PREC)
                + jnp.dot(esum16 * (1.0 / _E), wg1e_ref[...],
                          preferred_element_type=F32, precision=_PREC)
                + jnp.dot(g_ref[...], wg1g_ref[...], preferred_element_type=F32, precision=_PREC)
                + bg1_ref[...])
        ng_ref[...] = (jnp.dot(jnp.maximum(gpre, 0.0), wg2_ref[...],
                               preferred_element_type=F32, precision=_PREC) + bg2_ref[...])


def _tc_node(nodes_r, partials_p, esums,
             wn1xb, wn1sb, wn1rb, wn1gt, bn1t, wn2b, bn2t, g, sel,
             wg1n, wg1e, wg1g, bg1, wg2, bg2):
    bn = _NP8
    grid = _NP8 // bn
    nblk = esums.shape[0]
    w16 = lambda i: (0, 0)
    return pl.pallas_call(
        _tc_node_body,
        grid=(grid,),
        in_specs=[
            pl.BlockSpec((bn, 8 * _DF), lambda i: (i, 0)),
            pl.BlockSpec((1, 1, bn, 128), lambda i: (0, 0, i, 0)),
            pl.BlockSpec((1, 1, bn, 128), lambda i: (0, 1, i, 0)),
            pl.BlockSpec((1, 1, bn, 128), lambda i: (1, 0, i, 0)),
            pl.BlockSpec((1, 1, bn, 128), lambda i: (1, 1, i, 0)),
            pl.BlockSpec((nblk, 1, 128), lambda i: (0, 0, 0)),
            pl.BlockSpec((8 * _DF, 128), w16),
            pl.BlockSpec((128, 128), w16),
            pl.BlockSpec((128, 128), w16),
            pl.BlockSpec((_DG, 128), w16),
            pl.BlockSpec((1, 128), w16),
            pl.BlockSpec((128, 128), w16),
            pl.BlockSpec((1, 128), w16),
            pl.BlockSpec((1, _DG), w16),
            pl.BlockSpec((128, _L), w16),
            pl.BlockSpec((_L, _L), w16),
            pl.BlockSpec((_L, _L), w16),
            pl.BlockSpec((_DG, _L), w16),
            pl.BlockSpec((1, _L), w16),
            pl.BlockSpec((_L, _L), w16),
            pl.BlockSpec((1, _L), w16),
        ],
        out_specs=[
            pl.BlockSpec((bn, 128), lambda i: (i, 0)),
            pl.BlockSpec((1, _L), lambda i: (0, 0)),
        ],
        out_shape=[
            jax.ShapeDtypeStruct((_NP8, 128), F32),
            jax.ShapeDtypeStruct((1, _L), F32),
        ],
        scratch_shapes=[pltpu.VMEM((1, 128), F32)],
    )(nodes_r, partials_p, partials_p, partials_p, partials_p, esums,
      wn1xb, wn1sb, wn1rb, wn1gt, bn1t, wn2b, bn2t, g, sel,
      wg1n, wg1e, wg1g, bg1, wg2, bg2)


def kernel(nodes, edges, senders, receivers, globals_,
           We1, be1, We2, be2, Wn1, bn1, Wn2, bn2, Wg1, bg1, Wg2, bg2):
    we1e = We1[:_DE]
    we1s = We1[_DE:_DE + _DF]
    we1r = We1[_DE + _DF:_DE + 2 * _DF]
    we1g = We1[_DE + 2 * _DF:]
    wn1x = Wn1[:_DF]
    wn1s = Wn1[_DF:_DF + _L]
    wn1r = Wn1[_DF + _L:_DF + 2 * _L]
    wn1g = Wn1[_DF + 2 * _L:]
    wg1n = Wg1[:_L]
    wg1e = Wg1[_L:2 * _L]
    wg1g = Wg1[2 * _L:]
    be1r = be1.reshape(1, _L)
    be2r = be2.reshape(1, _L)
    bn1r = bn1.reshape(1, _L)
    bn2r = bn2.reshape(1, _L)
    bg1r = bg1.reshape(1, _L)
    bg2r = bg2.reshape(1, _L)
    eye8 = jnp.eye(8, dtype=F32)
    web1 = jnp.kron(eye8, we1e)
    web2 = jnp.kron(eye8, We2)
    we1gt = jnp.tile(we1g, (1, 8))
    be1t = jnp.tile(be1r, (1, 8))
    be2t = jnp.tile(be2r, (1, 8))
    wsb = jnp.kron(eye8, we1s)
    wrb = jnp.kron(eye8, we1r)
    wn1xb = jnp.kron(eye8, wn1x)
    wn1sb = jnp.kron(eye8, wn1s)
    wn1rb = jnp.kron(eye8, wn1r)
    wn2b = jnp.kron(eye8, Wn2)
    wn1gt = jnp.tile(wn1g, (1, 8))
    bn1t = jnp.tile(bn1r, (1, 8))
    bn2t = jnp.tile(bn2r, (1, 8))
    sel16 = jnp.tile(jnp.eye(_L, dtype=F32), (8, 1))

    edges_p = edges.reshape(_EP, 128)
    nodes_r = nodes.reshape(_NP8, 8 * _DF)

    ps_p, pr_p = _tc_project(nodes_r, wsb, wrb)
    gs, gr = _sc_gather(ps_p.reshape(_N, _L), pr_p.reshape(_N, _L),
                        senders, receivers)
    ne_p, esums = _tc_edge(edges_p, gs.reshape(_EP, 128), gr.reshape(_EP, 128),
                           web1, we1gt, be1t, web2, be2t, globals_)
    new_edges = ne_p.reshape(_E, _L)
    partials = _sc_scatter(new_edges, senders, receivers)
    nn_p, new_globals = _tc_node(
        nodes_r, partials.reshape(_NC, 2, _NP8, 128), esums,
        wn1xb, wn1sb, wn1rb, wn1gt, bn1t, wn2b, bn2t,
        globals_, sel16, wg1n, wg1e, wg1g, bg1r, Wg2, bg2r)
    return nn_p.reshape(_N, _L), new_edges, new_globals

# --- scband reference (transcript-rebuilt; emitter-appended) ---
"""Pipeline reference for scband-mlpgraph-network-2010044695200 (READ-ONLY COPY).

The authoritative reference and input builder live on the scoring server;
editing this copy changes nothing except your own understanding.
"""

import jax, jax.numpy as jnp
import numpy as np

N = 10000
E = 320000
DF = 128
DE = 16
DG = 16
L = 16


def _glorot(key, shape):
    fan_in = shape[0]
    return jax.random.normal(key, shape, jnp.float32) / np.sqrt(fan_in)


def setup_inputs(seed: int = 0) -> dict:
    key = jax.random.key(seed)
    ks = jax.random.split(key, 20)
    nodes = jax.random.normal(ks[0], (N, DF), jnp.float32)
    edges = jax.random.normal(ks[1], (E, DE), jnp.float32)
    senders = jax.random.randint(ks[2], (E,), 0, N, jnp.int32)
    receivers = jax.random.randint(ks[3], (E,), 0, N, jnp.int32)
    globals_ = jax.random.normal(ks[4], (1, DG), jnp.float32)
    # edge MLP: input = d_edge + 2*d_feat + d_global = 16 + 256 + 16 = 288
    We1 = _glorot(ks[5], (DE + 2 * DF + DG, L)); be1 = jnp.zeros((L,), jnp.float32)
    We2 = _glorot(ks[6], (L, L)); be2 = jnp.zeros((L,), jnp.float32)
    # node MLP: input = d_feat + latent(sent agg) + latent(recv agg) + d_global = 176
    Wn1 = _glorot(ks[7], (DF + 2 * L + DG, L)); bn1 = jnp.zeros((L,), jnp.float32)
    Wn2 = _glorot(ks[8], (L, L)); bn2 = jnp.zeros((L,), jnp.float32)
    # global MLP: input = latent(node mean) + latent(edge mean) + d_global = 48
    Wg1 = _glorot(ks[9], (2 * L + DG, L)); bg1 = jnp.zeros((L,), jnp.float32)
    Wg2 = _glorot(ks[10], (L, L)); bg2 = jnp.zeros((L,), jnp.float32)
    return {"nodes": nodes, "edges": edges, "senders": senders, "receivers": receivers,
            "globals_": globals_,
            "We1": We1, "be1": be1, "We2": We2, "be2": be2,
            "Wn1": Wn1, "bn1": bn1, "Wn2": Wn2, "bn2": bn2,
            "Wg1": Wg1, "bg1": bg1, "Wg2": Wg2, "bg2": bg2}


def _mlp(x, W1, b1, W2, b2):
    # make_mlp_model(latent_size=16, num_layers=2): Linear(16) -> relu -> Linear(16)
    return jax.nn.relu(x @ W1 + b1) @ W2 + b2


def reference(nodes, edges, senders, receivers, globals_,
              We1, be1, We2, be2, Wn1, bn1, Wn2, bn2, Wg1, bg1, Wg2, bg2):
    # --- edge block (use_globals=True) ---
    g_e = jnp.broadcast_to(globals_[0], (E, DG))
    edge_in = jnp.concatenate([edges, nodes[senders], nodes[receivers], g_e], axis=1)
    new_edges = _mlp(edge_in, We1, be1, We2, be2)
    # --- node block (use_globals=True) ---
    sent_agg = jax.ops.segment_sum(new_edges, senders, num_segments=N)
    recv_agg = jax.ops.segment_sum(new_edges, receivers, num_segments=N)
    g_n = jnp.broadcast_to(globals_[0], (N, DG))
    node_in = jnp.concatenate([nodes, sent_agg, recv_agg, g_n], axis=1)
    new_nodes = _mlp(node_in, Wn1, bn1, Wn2, bn2)
    # --- global block (mean reducers, single graph => segment mean == mean) ---
    node_mean = jnp.mean(new_nodes, axis=0, keepdims=True)
    edge_mean = jnp.mean(new_edges, axis=0, keepdims=True)
    global_in = jnp.concatenate([node_mean, edge_mean, globals_], axis=1)
    new_globals = _mlp(global_in, Wg1, bg1, Wg2, bg2)
    return new_nodes, new_edges, new_globals

if __name__ == "__main__":
    import jax
    _d = setup_inputs()
    print(jax.jit(kernel)(*tuple(_d.values())))

</pallas_src>

<mosaic_0001>
#map = affine_map<(d0, d1) -> (0, 0)>
#map1 = affine_map<(d0, d1) -> (0)>
module attributes {stable_mosaic.version = 14 : i64} {
  func.func @_sc_gather_body(%arg0: i32, %arg1: i32, %arg2: memref<10000x16xf32, #tpu.memory_space<hbm>>, %arg3: memref<10000x16xf32, #tpu.memory_space<hbm>>, %arg4: memref<320000xi32, #tpu.memory_space<hbm>>, %arg5: memref<320000xi32, #tpu.memory_space<hbm>>, %arg6: memref<320000x16xf32, #tpu.memory_space<hbm>>, %arg7: memref<320000x16xf32, #tpu.memory_space<hbm>>, %arg8: memref<10000xi32, #tpu.memory_space<vmem>>, %arg9: memref<10000xi32, #tpu.memory_space<vmem>>, %arg10: memref<2000x16xf32, #tpu.memory_space<vmem>>, %arg11: memref<2000x16xf32, #tpu.memory_space<vmem>>, %arg12: memref<!tpu.dma_semaphore, #tpu.memory_space<semaphore_mem>>) attributes {dimension_semantics = [#tpu.dimension_semantics<core_parallel>, #tpu.dimension_semantics<subcore_parallel>], iteration_bounds = array<i64: 2, 16>, scalar_prefetch = 0 : i64, scratch_operands = 5 : i64, tpu.core_type = #tpu.core_type<sc_vector_subcore>, window_params = [{transform_indices = #map}, {transform_indices = #map}, {transform_indices = #map1}, {transform_indices = #map1}, {transform_indices = #map}, {transform_indices = #map}]} {
    %mul3A = arith.constant 16 : i32
    %mul3A_0 = arith.muli %arg0, %mul3A : i32
    %add3A = arith.addi %mul3A_0, %arg1 : i32
    %mul3A_1 = arith.constant 10000 : i32
    %mul3A_2 = arith.muli %add3A, %mul3A_1 : i32
    "tpu.region"() ({
      %run_scoped3A = tpu.sem_alloc : memref<!tpu.dma_semaphore, #tpu.memory_space<semaphore_mem>>
      %dma_start3A = tpu.memref_slice %arg4[%mul3A_2] : memref<320000xi32, #tpu.memory_space<hbm>> -> memref<10000xi32, #tpu.memory_space<hbm>>
      %dma_start3A_8 = tpu.memref_slice %arg4[%mul3A_2] : memref<320000xi32, #tpu.memory_space<hbm>> -> memref<10000xi32, #tpu.memory_space<hbm>>
      tpu.enqueue_dma source(%dma_start3A_8 : memref<10000xi32, #tpu.memory_space<hbm>>) target(%arg8 : memref<10000xi32, #tpu.memory_space<vmem>>) target_semaphore(%run_scoped3A : memref<!tpu.dma_semaphore, #tpu.memory_space<semaphore_mem>>)
      %dma_wait3A = tpu.memref_slice %arg4[%mul3A_2] : memref<320000xi32, #tpu.memory_space<hbm>> -> memref<10000xi32, #tpu.memory_space<hbm>>
      %dma_wait3A_9 = tpu.memref_slice %arg4[%mul3A_2] : memref<320000xi32, #tpu.memory_space<hbm>> -> memref<10000xi32, #tpu.memory_space<hbm>>
      tpu.wait_dma2 semaphore(%run_scoped3A : memref<!tpu.dma_semaphore, #tpu.memory_space<semaphore_mem>>) src(%dma_wait3A_9 : memref<10000xi32, #tpu.memory_space<hbm>>) dst(%arg8 : memref<10000xi32, #tpu.memory_space<vmem>>)
      tpu.yield
    }) : () -> ()
    "tpu.region"() ({
      %run_scoped3A = tpu.sem_alloc : memref<!tpu.dma_semaphore, #tpu.memory_space<semaphore_mem>>
      %dma_start3A = tpu.memref_slice %arg5[%mul3A_2] : memref<320000xi32, #tpu.memory_space<hbm>> -> memref<10000xi32, #tpu.memory_space<hbm>>
      %dma_start3A_8 = tpu.memref_slice %arg5[%mul3A_2] : memref<320000xi32, #tpu.memory_space<hbm>> -> memref<10000xi32, #tpu.memory_space<hbm>>
      tpu.enqueue_dma source(%dma_start3A_8 : memref<10000xi32, #tpu.memory_space<hbm>>) target(%arg9 : memref<10000xi32, #tpu.memory_space<vmem>>) target_semaphore(%run_scoped3A : memref<!tpu.dma_semaphore, #tpu.memory_space<semaphore_mem>>)
      %dma_wait3A = tpu.memref_slice %arg5[%mul3A_2] : memref<320000xi32, #tpu.memory_space<hbm>> -> memref<10000xi32, #tpu.memory_space<hbm>>
      %dma_wait3A_9 = tpu.memref_slice %arg5[%mul3A_2] : memref<320000xi32, #tpu.memory_space<hbm>> -> memref<10000xi32, #tpu.memory_space<hbm>>
      tpu.wait_dma2 semaphore(%run_scoped3A : memref<!tpu.dma_semaphore, #tpu.memory_space<semaphore_mem>>) src(%dma_wait3A_9 : memref<10000xi32, #tpu.memory_space<hbm>>) dst(%arg9 : memref<10000xi32, #tpu.memory_space<vmem>>)
      tpu.yield
    }) : () -> ()
    %scan3A = arith.constant 0 : i32
    %scan3A_3 = arith.constant 0 : i32
    %scan3A_4 = arith.constant 5 : i32
    %scan3A_5 = arith.addi %scan3A_3, %scan3A_4 : i32
    %scan3A_6 = arith.constant 1 : i32
    scf.for %scan3A_8 = %scan3A_3 to %scan3A_5 step %scan3A_6  : i32 {
      %mul3A_9 = arith.constant 25 : i32
      %mul3A_10 = arith.muli %scan3A_8, %mul3A_9 : i32
      %add3A_11 = arith.constant 0 : i32
      %add3A_12 = arith.addi %mul3A_10, %add3A_11 : i32
      %mul3A_13 = arith.constant 80 : i32
      %mul3A_14 = arith.muli %add3A_12, %mul3A_13 : i32
      %dma_start3A = arith.constant 0 : i32
      %dma_start3A_15 = arith.constant 0 : i32
      %dma_start3A_16 = tpu.memref_slice %arg10[%dma_start3A, %dma_start3A_15] : memref<2000x16xf32, #tpu.memory_space<vmem>> -> memref<80x16xf32, #tpu.memory_space<vmem>>
      %dma_start3A_17 = tpu.memref_slice %arg8[%mul3A_14] : memref<10000xi32, #tpu.memory_space<vmem>> -> memref<80xi32, #tpu.memory_space<vmem>>
      %dma_start3A_18 = arith.constant 0 : i32
      %dma_start3A_19 = arith.constant 0 : i32
      %dma_start3A_20 = tpu.memref_slice %arg2[%dma_start3A_18, %dma_start3A_19] : memref<10000x16xf32, #tpu.memory_space<hbm>> -> memref<10000x16xf32, #tpu.memory_space<hbm>>
      tpu.enqueue_indirect_dma source(%dma_start3A_20 : memref<10000x16xf32, #tpu.memory_space<hbm>>) target(%dma_start3A_16 : memref<80x16xf32, #tpu.memory_space<vmem>>) offsets(%dma_start3A_17 : memref<80xi32, #tpu.memory_space<vmem>>) semaphore(%arg12 : memref<!tpu.dma_semaphore, #tpu.memory_space<semaphore_mem>>)
      %dma_start3A_21 = arith.constant 0 : i32
      %dma_start3A_22 = arith.constant 0 : i32
      %dma_start3A_23 = tpu.memref_slice %arg11[%dma_start3A_21, %dma_start3A_22] : memref<2000x16xf32, #tpu.memory_space<vmem>> -> memref<80x16xf32, #tpu.memory_space<vmem>>
      %dma_start3A_24 = tpu.memref_slice %arg9[%mul3A_14] : memref<10000xi32, #tpu.memory_space<vmem>> -> memref<80xi32, #tpu.memory_space<vmem>>
      %dma_start3A_25 = arith.constant 0 : i32
      %dma_start3A_26 = arith.constant 0 : i32
      %dma_start3A_27 = tpu.memref_slice %arg3[%dma_start3A_25, %dma_start3A_26] : memref<10000x16xf32, #tpu.memory_space<hbm>> -> memref<10000x16xf32, #tpu.memory_space<hbm>>
      tpu.enqueue_indirect_dma source(%dma_start3A_27 : memref<10000x16xf32, #tpu.memory_space<hbm>>) target(%dma_start3A_23 : memref<80x16xf32, #tpu.memory_space<vmem>>) offsets(%dma_start3A_24 : memref<80xi32, #tpu.memory_space<vmem>>) semaphore(%arg12 : memref<!tpu.dma_semaphore, #tpu.memory_space<semaphore_mem>>)
      %mul3A_28 = arith.constant 25 : i32
      %mul3A_29 = arith.muli %scan3A_8, %mul3A_28 : i32
      %add3A_30 = arith.constant 1 : i32
      %add3A_31 = arith.addi %mul3A_29, %add3A_30 : i32
      %mul3A_32 = arith.constant 80 : i32
      %mul3A_33 = arith.muli %add3A_31, %mul3A_32 : i32
      %dma_start3A_34 = arith.constant 80 : i32
      %dma_start3A_35 = arith.constant 0 : i32
      %dma_start3A_36 = tpu.memref_slice %arg10[%dma_start3A_34, %dma_start3A_35] : memref<2000x16xf32, #tpu.memory_space<vmem>> -> memref<80x16xf32, #tpu.memory_space<vmem>>
      %dma_start3A_37 = tpu.memref_slice %arg8[%mul3A_33] : memref<10000xi32, #tpu.memory_space<vmem>> -> memref<80xi32, #tpu.memory_space<vmem>>
      %dma_start3A_38 = arith.constant 0 : i32
      %dma_start3A_39 = arith.constant 0 : i32
      %dma_start3A_40 = tpu.memref_slice %arg2[%dma_start3A_38, %dma_start3A_39] : memref<10000x16xf32, #tpu.memory_space<hbm>> -> memref<10000x16xf32, #tpu.memory_space<hbm>>
      tpu.enqueue_indirect_dma source(%dma_start3A_40 : memref<10000x16xf32, #tpu.memory_space<hbm>>) target(%dma_start3A_36 : memref<80x16xf32, #tpu.memory_space<vmem>>) offsets(%dma_start3A_37 : memref<80xi32, #tpu.memory_space<vmem>>) semaphore(%arg12 : memref<!tpu.dma_semaphore, #tpu.memory_space<semaphore_mem>>)
      %dma_start3A_41 = arith.constant 80 : i32
      %dma_start3A_42 = arith.constant 0 : i32
      %dma_start3A_43 = tpu.memref_slice %arg11[%dma_start3A_41, %dma_start3A_42] : memref<2000x16xf32, #tpu.memory_space<vmem>> -> memref<80x16xf32, #tpu.memory_space<vmem>>
      %dma_start3A_44 = tpu.memref_slice %arg9[%mul3A_33] : memref<10000xi32, #tpu.memory_space<vmem>> -> memref<80xi32, #tpu.memory_space<vmem>>
      %dma_start3A_45 = arith.constant 0 : i32
      %dma_start3A_46 = arith.constant 0 : i32
      %dma_start3A_47 = tpu.memref_slice %arg3[%dma_start3A_45, %dma_start3A_46] : memref<10000x16xf32, #tpu.memory_space<hbm>> -> memref<10000x16xf32, #tpu.memory_space<hbm>>
      tpu.enqueue_indirect_dma source(%dma_start3A_47 : memref<10000x16xf32, #tpu.memory_space<hbm>>) target(%dma_start3A_43 : memref<80x16xf32, #tpu.memory_space<vmem>>) offsets(%dma_start3A_44 : memref<80xi32, #tpu.memory_space<vmem>>) semaphore(%arg12 : memref<!tpu.dma_semaphore, #tpu.memory_space<semaphore_mem>>)
      %mul3A_48 = arith.constant 25 : i32
      %mul3A_49 = arith.muli %scan3A_8, %mul3A_48 : i32
      %add3A_50 = arith.constant 2 : i32
      %add3A_51 = arith.addi %mul3A_49, %add3A_50 : i32
      %mul3A_52 = arith.constant 80 : i32
      %mul3A_53 = arith.muli %add3A_51, %mul3A_52 : i32
      %dma_start3A_54 = arith.constant 160 : i32
      %dma_start3A_55 = arith.constant 0 : i32
      %dma_start3A_56 = tpu.memref_slice %arg10[%dma_start3A_54, %dma_start3A_55] : memref<2000x16xf32, #tpu.memory_space<vmem>> -> memref<80x16xf32, #tpu.memory_space<vmem>>
      %dma_start3A_57 = tpu.memref_slice %arg8[%mul3A_53] : memref<10000xi32, #tpu.memory_space<vmem>> -> memref<80xi32, #tpu.memory_space<vmem>>
      %dma_start3A_58 = arith.constant 0 : i32
      %dma_start3A_59 = arith.constant 0 : i32
      %dma_start3A_60 = tpu.memref_slice %arg2[%dma_start3A_58, %dma_start3A_59] : memref<10000x16xf32, #tpu.memory_space<hbm>> -> memref<10000x16xf32, #tpu.memory_space<hbm>>
      tpu.enqueue_indirect_dma source(%dma_start3A_60 : memref<10000x16xf32, #tpu.memory_space<hbm>>) target(%dma_start3A_56 : memref<80x16xf32, #tpu.memory_space<vmem>>) offsets(%dma_start3A_57 : memref<80xi32, #tpu.memory_space<vmem>>) semaphore(%arg12 : memref<!tpu.dma_semaphore, #tpu.memory_space<semaphore_mem>>)
      %dma_start3A_61 = arith.constant 160 : i32
      %dma_start3A_62 = arith.constant 0 : i32
      %dma_start3A_63 = tpu.memref_slice %arg11[%dma_start3A_61, %dma_start3A_62] : memref<2000x16xf32, #tpu.memory_space<vmem>> -> memref<80x16xf32, #tpu.memory_space<vmem>>
      %dma_start3A_64 = tpu.memref_slice %arg9[%mul3A_53] : memref<10000xi32, #tpu.memory_space<vmem>> -> memref<80xi32, #tpu.memory_space<vmem>>
      %dma_start3A_65 = arith.constant 0 : i32
      %dma_start3A_66 = arith.constant 0 : i32
      %dma_start3A_67 = tpu.memref_slice %arg3[%dma_start3A_65, %dma_start3A_66] : memref<10000x16xf32, #tpu.memory_space<hbm>> -> memref<10000x16xf32, #tpu.memory_space<hbm>>
      tpu.enqueue_indirect_dma source(%dma_start3A_67 : memref<10000x16xf32, #tpu.memory_space<hbm>>) target(%dma_start3A_63 : memref<80x16xf32, #tpu.memory_space<vmem>>) offsets(%dma_start3A_64 : memref<80xi32, #tpu.memory_space<vmem>>) semaphore(%arg12 : memref<!tpu.dma_semaphore, #tpu.memory_space<semaphore_mem>>)
      %mul3A_68 = arith.constant 25 : i32
      %mul3A_69 = arith.muli %scan3A_8, %mul3A_68 : i32
      %add3A_70 = arith.constant 3 : i32
      %add3A_71 = arith.addi %mul3A_69, %add3A_70 : i32
      %mul3A_72 = arith.constant 80 : i32
      %mul3A_73 = arith.muli %add3A_71, %mul3A_72 : i32
      %dma_start3A_74 = arith.constant 240 : i32
      %dma_start3A_75 = arith.constant 0 : i32
      %dma_start3A_76 = tpu.memref_slice %arg10[%dma_start3A_74, %dma_start3A_75] : memref<2000x16xf32, #tpu.memory_space<vmem>> -> memref<80x16xf32, #tpu.memory_space<vmem>>
      %dma_start3A_77 = tpu.memref_slice %arg8[%mul3A_73] : memref<10000xi32, #tpu.memory_space<vmem>> -> memref<80xi32, #tpu.memory_space<vmem>>
      %dma_start3A_78 = arith.constant 0 : i32
      %dma_start3A_79 = arith.constant 0 : i32
      %dma_start3A_80 = tpu.memref_slice %arg2[%dma_start3A_78, %dma_start3A_79] : memref<10000x16xf32, #tpu.memory_space<hbm>> -> memref<10000x16xf32, #tpu.memory_space<hbm>>
      tpu.enqueue_indirect_dma source(%dma_start3A_80 : memref<10000x16xf32, #tpu.memory_space<hbm>>) target(%dma_start3A_76 : memref<80x16xf32, #tpu.memory_space<vmem>>) offsets(%dma_start3A_77 : memref<80xi32, #tpu.memory_space<vmem>>) semaphore(%arg12 : memref<!tpu.dma_semaphore, #tpu.memory_space<semaphore_mem>>)
      %dma_start3A_81 = arith.constant 240 : i32
      %dma_start3A_82 = arith.constant 0 : i32
      %dma_start3A_83 = tpu.memref_slice %arg11[%dma_start3A_81, %dma_start3A_82] : memref<2000x16xf32, #tpu.memory_space<vmem>> -> memref<80x16xf32, #tpu.memory_space<vmem>>
      %dma_start3A_84 = tpu.memref_slice %arg9[%mul3A_73] : memref<10000xi32, #tpu.memory_space<vmem>> -> memref<80xi32, #tpu.memory_space<vmem>>
      %dma_start3A_85 = arith.constant 0 : i32
      %dma_start3A_86 = arith.constant 0 : i32
      %dma_start3A_87 = tpu.memref_slice %arg3[%dma_start3A_85, %dma_start3A_86] : memref<10000x16xf32, #tpu.memory_space<hbm>> -> memref<10000x16xf32, #tpu.memory_space<hbm>>
      tpu.enqueue_indirect_dma source(%dma_start3A_87 : memref<10000x16xf32, #tpu.memory_space<hbm>>) target(%dma_start3A_83 : memref<80x16xf32, #tpu.memory_space<vmem>>) offsets(%dma_start3A_84 : memref<80xi32, #tpu.memory_space<vmem>>) semaphore(%arg12 : memref<!tpu.dma_semaphore, #tpu.memory_space<semaphore_mem>>)
      %mul3A_88 = arith.constant 25 : i32
      %mul3A_89 = arith.muli %scan3A_8, %mul3A_88 : i32
      %add3A_90 = arith.constant 4 : i32
      %add3A_91 = arith.addi %mul3A_89, %add3A_90 : i32
      %mul3A_92 = arith.constant 80 : i32
      %mul3A_93 = arith.muli %add3A_91, %mul3A_92 : i32
      %dma_start3A_94 = arith.constant 320 : i32
      %dma_start3A_95 = arith.constant 0 : i32
      %dma_start3A_96 = tpu.memref_slice %arg10[%dma_start3A_94, %dma_start3A_95] : memref<2000x16xf32, #tpu.memory_space<vmem>> -> memref<80x16xf32, #tpu.memory_space<vmem>>
      %dma_start3A_97 = tpu.memref_slice %arg8[%mul3A_93] : memref<10000xi32, #tpu.memory_space<vmem>> -> memref<80xi32, #tpu.memory_space<vmem>>
      %dma_start3A_98 = arith.constant 0 : i32
      %dma_start3A_99 = arith.constant 0 : i32
      %dma_start3A_100 = tpu.memref_slice %arg2[%dma_start3A_98, %dma_start3A_99] : memref<10000x16xf32, #tpu.memory_space<hbm>> -> memref<10000x16xf32, #tpu.memory_space<hbm>>
      tpu.enqueue_indirect_dma source(%dma_start3A_100 : memref<10000x16xf32, #tpu.memory_space<hbm>>) target(%dma_start3A_96 : memref<80x16xf32, #tpu.memory_space<vmem>>) offsets(%dma_start3A_97 : memref<80xi32, #tpu.memory_space<vmem>>) semaphore(%arg12 : memref<!tpu.dma_semaphore, #tpu.memory_space<semaphore_mem>>)
      %dma_start3A_101 = arith.constant 320 : i32
      %dma_start3A_102 = arith.constant 0 : i32
      %dma_start3A_103 = tpu.memref_slice %arg11[%dma_start3A_101, %dma_start3A_102] : memref<2000x16xf32, #tpu.memory_space<vmem>> -> memref<80x16xf32, #tpu.memory_space<vmem>>
      %dma_start3A_104 = tpu.memref_slice %arg9[%mul3A_93] : memref<10000xi32, #tpu.memory_space<vmem>> -> memref<80xi32, #tpu.memory_space<vmem>>
      %dma_start3A_105 = arith.constant 0 : i32
      %dma_start3A_106 = arith.constant 0 : i32
      %dma_start3A_107 = tpu.memref_slice %arg3[%dma_start3A_105, %dma_start3A_106] : memref<10000x16xf32, #tpu.memory_space<hbm>> -> memref<10000x16xf32, #tpu.memory_space<hbm>>
      tpu.enqueue_indirect_dma source(%dma_start3A_107 : memref<10000x16xf32, #tpu.memory_space<hbm>>) target(%dma_start3A_103 : memref<80x16xf32, #tpu.memory_space<vmem>>) offsets(%dma_start3A_104 : memref<80xi32, #tpu.memory_space<vmem>>) semaphore(%arg12 : memref<!tpu.dma_semaphore, #tpu.memory_space<semaphore_mem>>)
      %mul3A_108 = arith.constant 25 : i32
      %mul3A_109 = arith.muli %scan3A_8, %mul3A_108 : i32
      %add3A_110 = arith.constant 5 : i32
      %add3A_111 = arith.addi %mul3A_109, %add3A_110 : i32
      %mul3A_112 = arith.constant 80 : i32
      %mul3A_113 = arith.muli %add3A_111, %mul3A_112 : i32
      %dma_start3A_114 = arith.constant 400 : i32
      %dma_start3A_115 = arith.constant 0 : i32
      %dma_start3A_116 = tpu.memref_slice %arg10[%dma_start3A_114, %dma_start3A_115] : memref<2000x16xf32, #tpu.memory_space<vmem>> -> memref<80x16xf32, #tpu.memory_space<vmem>>
      %dma_start3A_117 = tpu.memref_slice %arg8[%mul3A_113] : memref<10000xi32, #tpu.memory_space<vmem>> -> memref<80xi32, #tpu.memory_space<vmem>>
      %dma_start3A_118 = arith.constant 0 : i32
      %dma_start3A_119 = arith.constant 0 : i32
      %dma_start3A_120 = tpu.memref_slice %arg2[%dma_start3A_118, %dma_start3A_119] : memref<10000x16xf32, #tpu.memory_space<hbm>> -> memref<10000x16xf32, #tpu.memory_space<hbm>>
      tpu.enqueue_indirect_dma source(%dma_start3A_120 : memref<10000x16xf32, #tpu.memory_space<hbm>>) target(%dma_start3A_116 : memref<80x16xf32, #tpu.memory_space<vmem>>) offsets(%dma_start3A_117 : memref<80xi32, #tpu.memory_space<vmem>>) semaphore(%arg12 : memref<!tpu.dma_semaphore, #tpu.memory_space<semaphore_mem>>)
      %dma_start3A_121 = arith.constant 400 : i32
      %dma_start3A_122 = arith.constant 0 : i32
      %dma_start3A_123 = tpu.memref_slice %arg11[%dma_start3A_121, %dma_start3A_122] : memref<2000x16xf32, #tpu.memory_space<vmem>> -> memref<80x16xf32, #tpu.memory_space<vmem>>
      %dma_start3A_124 = tpu.memref_slice %arg9[%mul3A_113] : memref<10000xi32, #tpu.memory_space<vmem>> -> memref<80xi32, #tpu.memory_space<vmem>>
      %dma_start3A_125 = arith.constant 0 : i32
      %dma_start3A_126 = arith.constant 0 : i32
      %dma_start3A_127 = tpu.memref_slice %arg3[%dma_start3A_125, %dma_start3A_126] : memref<10000x16xf32, #tpu.memory_space<hbm>> -> memref<10000x16xf32, #tpu.memory_space<hbm>>
      tpu.enqueue_indirect_dma source(%dma_start3A_127 : memref<10000x16xf32, #tpu.memory_space<hbm>>) target(%dma_start3A_123 : memref<80x16xf32, #tpu.memory_space<vmem>>) offsets(%dma_start3A_124 : memref<80xi32, #tpu.memory_space<vmem>>) semaphore(%arg12 : memref<!tpu.dma_semaphore, #tpu.memory_space<semaphore_mem>>)
      %mul3A_128 = arith.constant 25 : i32
      %mul3A_129 = arith.muli %scan3A_8, %mul3A_128 : i32
      %add3A_130 = arith.constant 6 : i32
      %add3A_131 = arith.addi %mul3A_129, %add3A_130 : i32
      %mul3A_132 = arith.constant 80 : i32
      %mul3A_133 = arith.muli %add3A_131, %mul3A_132 : i32
      %dma_start3A_134 = arith.constant 480 : i32
      %dma_start3A_135 = arith.constant 0 : i32
      %dma_start3A_136 = tpu.memref_slice %arg10[%dma_start3A_134, %dma_start3A_135] : memref<2000x16xf32, #tpu.memory_space<vmem>> -> memref<80x16xf32, #tpu.memory_space<vmem>>
      %dma_start3A_137 = tpu.memref_slice %arg8[%mul3A_133] : memref<10000xi32, #tpu.memory_space<vmem>> -> memref<80xi32, #tpu.memory_space<vmem>>
      %dma_start3A_138 = arith.constant 0 : i32
      %dma_start3A_139 = arith.constant 0 : i32
      %dma_start3A_140 = tpu.memref_slice %arg2[%dma_start3A_138, %dma_start3A_139] : memref<10000x16xf32, #tpu.memory_space<hbm>> -> memref<10000x16xf32, #tpu.memory_space<hbm>>
      tpu.enqueue_indirect_dma source(%dma_start3A_140 : memref<10000x16xf32, #tpu.memory_space<hbm>>) target(%dma_start3A_136 : memref<80x16xf32, #tpu.memory_space<vmem>>) offsets(%dma_start3A_137 : memref<80xi32, #tpu.memory_space<vmem>>) semaphore(%arg12 : memref<!tpu.dma_semaphore, #tpu.memory_space<semaphore_mem>>)
      %dma_start3A_141 = arith.constant 480 : i32
      %dma_start3A_142 = arith.constant 0 : i32
      %dma_start3A_143 = tpu.memref_slice %arg11[%dma_start3A_141, %dma_start3A_142] : memref<2000x16xf32, #tpu.memory_space<vmem>> -> memref<80x16xf32, #tpu.memory_space<vmem>>
      %dma_start3A_144 = tpu.memref_slice %arg9[%mul3A_133] : memref<10000xi32, #tpu.memory_space<vmem>> -> memref<80xi32, #tpu.memory_space<vmem>>
      %dma_start3A_145 = arith.constant 0 : i32
      %dma_start3A_146 = arith.constant 0 : i32
      %dma_start3A_147 = tpu.memref_slice %arg3[%dma_start3A_145, %dma_start3A_146] : memref<10000x16xf32, #tpu.memory_space<hbm>> -> memref<10000x16xf32, #tpu.memory_space<hbm>>
      tpu.enqueue_indirect_dma source(%dma_start3A_147 : memref<10000x16xf32, #tpu.memory_space<hbm>>) target(%dma_start3A_143 : memref<80x16xf32, #tpu.memory_space<vmem>>) offsets(%dma_start3A_144 : memref<80xi32, #tpu.memory_space<vmem>>) semaphore(%arg12 : memref<!tpu.dma_semaphore, #tpu.memory_space<semaphore_mem>>)
      %mul3A_148 = arith.constant 25 : i32
      %mul3A_149 = arith.muli %scan3A_8, %mul3A_148 : i32
      %add3A_150 = arith.constant 7 : i32
      %add3A_151 = arith.addi %mul3A_149, %add3A_150 : i32
      %mul3A_152 = arith.constant 80 : i32
      %mul3A_153 = arith.muli %add3A_151, %mul3A_152 : i32
      %dma_start3A_154 = arith.constant 560 : i32
      %dma_start3A_155 = arith.constant 0 : i32
      %dma_start3A_156 = tpu.memref_slice %arg10[%dma_start3A_154, %dma_start3A_155] : memref<2000x16xf32, #tpu.memory_space<vmem>> -> memref<80x16xf32, #tpu.memory_space<vmem>>
      %dma_start3A_157 = tpu.memref_slice %arg8[%mul3A_153] : memref<10000xi32, #tpu.memory_space<vmem>> -> memref<80xi32, #tpu.memory_space<vmem>>
      %dma_start3A_158 = arith.constant 0 : i32
      %dma_start3A_159 = arith.constant 0 : i32
      %dma_start3A_160 = tpu.memref_slice %arg2[%dma_start3A_158, %dma_start3A_159] : memref<10000x16xf32, #tpu.memory_space<hbm>> -> memref<10000x16xf32, #tpu.memory_space<hbm>>
      tpu.enqueue_indirect_dma source(%dma_start3A_160 : memref<10000x16xf32, #tpu.memory_space<hbm>>) target(%dma_start3A_156 : memref<80x16xf32, #tpu.memory_space<vmem>>) offsets(%dma_start3A_157 : memref<80xi32, #tpu.memory_space<vmem>>) semaphore(%arg12 : memref<!tpu.dma_semaphore, #tpu.memory_space<semaphore_mem>>)
      %dma_start3A_161 = arith.constant 560 : i32
      %dma_start3A_162 = arith.constant 0 : i32
      %dma_start3A_163 = tpu.memref_slice %arg11[%dma_start3A_161, %dma_start3A_162] : memref<2000x16xf32, #tpu.memory_space<vmem>> -> memref<80x16xf32, #tpu.memory_space<vmem>>
      %dma_start3A_164 = tpu.memref_slice %arg9[%mul3A_153] : memref<10000xi32, #tpu.memory_space<vmem>> -> memref<80xi32, #tpu.memory_space<vmem>>
      %dma_start3A_165 = arith.constant 0 : i32
      %dma_start3A_166 = arith.constant 0 : i32
      %dma_start3A_167 = tpu.memref_slice %arg3[%dma_start3A_165, %dma_start3A_166] : memref<10000x16xf32, #tpu.memory_space<hbm>> -> memref<10000x16xf32, #tpu.memory_space<hbm>>
      tpu.enqueue_indirect_dma source(%dma_start3A_167 : memref<10000x16xf32, #tpu.memory_space<hbm>>) target(%dma_start3A_163 : memref<80x16xf32, #tpu.memory_space<vmem>>) offsets(%dma_start3A_164 : memref<80xi32, #tpu.memory_space<vmem>>) semaphore(%arg12 : memref<!tpu.dma_semaphore, #tpu.memory_space<semaphore_mem>>)
      %mul3A_168 = arith.constant 25 : i32
      %mul3A_169 = arith.muli %scan3A_8, %mul3A_168 : i32
      %add3A_170 = arith.constant 8 : i32
      %add3A_171 = arith.addi %mul3A_169, %add3A_170 : i32
      %mul3A_172 = arith.constant 80 : i32
      %mul3A_173 = arith.muli %add3A_171, %mul3A_172 : i32
      %dma_start3A_174 = arith.constant 640 : i32
      %dma_start3A_175 = arith.constant 0 : i32
      %dma_start3A_176 = tpu.memref_slice %arg10[%dma_start3A_174, %dma_start3A_175] : memref<2000x16xf32, #tpu.memory_space<vmem>> -> memref<80x16xf32, #tpu.memory_space<vmem>>
      %dma_start3A_177 = tpu.memref_slice %arg8[%mul3A_173] : memref<10000xi32, #tpu.memory_space<vmem>> -> memref<80xi32, #tpu.memory_space<vmem>>
      %dma_start3A_178 = arith.constant 0 : i32
      %dma_start3A_179 = arith.constant 0 : i32
      %dma_start3A_180 = tpu.memref_slice %arg2[%dma_start3A_178, %dma_start3A_179] : memref<10000x16xf32, #tpu.memory_space<hbm>> -> memref<10000x16xf32, #tpu.memory_space<hbm>>
      tpu.enqueue_indirect_dma source(%dma_start3A_180 : memref<10000x16xf32, #tpu.memory_space<hbm>>) target(%dma_start3A_176 : memref<80x16xf32, #tpu.memory_space<vmem>>) offsets(%dma_start3A_177 : memref<80xi32, #tpu.memory_space<vmem>>) semaphore(%arg12 : memref<!tpu.dma_semaphore, #tpu.memory_space<semaphore_mem>>)
      %dma_start3A_181 = arith.constant 640 : i32
      %dma_start3A_182 = arith.constant 0 : i32
      %dma_start3A_183 = tpu.memref_slice %arg11[%dma_start3A_181, %dma_start3A_182] : memref<2000x16xf32, #tpu.memory_space<vmem>> -> memref<80x16xf32, #tpu.memory_space<vmem>>
      %dma_start3A_184 = tpu.memref_slice %arg9[%mul3A_173] : memref<10000xi32, #tpu.memory_space<vmem>> -> memref<80xi32, #tpu.memory_space<vmem>>
      %dma_start3A_185 = arith.constant 0 : i32
      %dma_start3A_186 = arith.constant 0 : i32
      %dma_start3A_187 = tpu.memref_slice %arg3[%dma_start3A_185, %dma_start3A_186] : memref<10000x16xf32, #tpu.memory_space<hbm>> -> memref<10000x16xf32, #tpu.memory_space<hbm>>
      tpu.enqueue_indirect_dma source(%dma_start3A_187 : memref<10000x16xf32, #tpu.memory_space<hbm>>) target(%dma_start3A_183 : memref<80x16xf32, #tpu.memory_space<vmem>>) offsets(%dma_start3A_184 : memref<80xi32, #tpu.memory_space<vmem>>) semaphore(%arg12 : memref<!tpu.dma_semaphore, #tpu.memory_space<semaphore_mem>>)
      %mul3A_188 = arith.constant 25 : i32
      %mul3A_189 = arith.muli %scan3A_8, %mul3A_188 : i32
      %add3A_190 = arith.constant 9 : i32
      %add3A_191 = arith.addi %mul3A_189, %add3A_190 : i32
      %mul3A_192 = arith.constant 80 : i32
      %mul3A_193 = arith.muli %add3A_191, %mul3A_192 : i32
      %dma_start3A_194 = arith.constant 720 : i32
      %dma_start3A_195 = arith.constant 0 : i32
      %dma_start3A_196 = tpu.memref_slice %arg10[%dma_start3A_194, %dma_start3A_195] : memref<2000x16xf32, #tpu.memory_space<vmem>> -> memref<80x16xf32, #tpu.memory_space<vmem>>
      %dma_start3A_197 = tpu.memref_slice %arg8[%mul3A_193] : memref<10000xi32, #tpu.memory_space<vmem>> -> memref<80xi32, #tpu.memory_space<vmem>>
      %dma_start3A_198 = arith.constant 0 : i32
      %dma_start3A_199 = arith.constant 0 : i32
      %dma_start3A_200 = tpu.memref_slice %arg2[%dma_start3A_198, %dma_start3A_199] : memref<10000x16xf32, #tpu.memory_space<hbm>> -> memref<10000x16xf32, #tpu.memory_space<hbm>>
      tpu.enqueue_indirect_dma source(%dma_start3A_200 : memref<10000x16xf32, #tpu.memory_space<hbm>>) target(%dma_start3A_196 : memref<80x16xf32, #tpu.memory_space<vmem>>) offsets(%dma_start3A_197 : memref<80xi32, #tpu.memory_space<vmem>>) semaphore(%arg12 : memref<!tpu.dma_semaphore, #tpu.memory_space<semaphore_mem>>)
      %dma_start3A_201 = arith.constant 720 : i32
      %dma_start3A_202 = arith.constant 0 : i32
      %dma_start3A_203 = tpu.memref_slice %arg11[%dma_start3A_201, %dma_start3A_202] : memref<2000x16xf32, #tpu.memory_space<vmem>> -> memref<80x16xf32, #tpu.memory_space<vmem>>
      %dma_start3A_204 = tpu.memref_slice %arg9[%mul3A_193] : memref<10000xi32, #tpu.memory_space<vmem>> -> memref<80xi32, #tpu.memory_space<vmem>>
      %dma_start3A_205 = arith.constant 0 : i32
      %dma_start3A_206 = arith.constant 0 : i32
      %dma_start3A_207 = tpu.memref_slice %arg3[%dma_start3A_205, %dma_start3A_206] : memref<10000x16xf32, #tpu.memory_space<hbm>> -> memref<10000x16xf32, #tpu.memory_space<hbm>>
      tpu.enqueue_indirect_dma source(%dma_start3A_207 : memref<10000x16xf32, #tpu.memory_space<hbm>>) target(%dma_start3A_203 : memref<80x16xf32, #tpu.memory_space<vmem>>) offsets(%dma_start3A_204 : memref<80xi32, #tpu.memory_space<vmem>>) semaphore(%arg12 : memref<!tpu.dma_semaphore, #tpu.memory_space<semaphore_mem>>)
      %mul3A_208 = arith.constant 25 : i32
      %mul3A_209 = arith.muli %scan3A_8, %mul3A_208 : i32
      %add3A_210 = arith.constant 10 : i32
      %add3A_211 = arith.addi %mul3A_209, %add3A_210 : i32
      %mul3A_212 = arith.constant 80 : i32
      %mul3A_213 = arith.muli %add3A_211, %mul3A_212 : i32
      %dma_start3A_214 = arith.constant 800 : i32
      %dma_start3A_215 = arith.constant 0 : i32
      %dma_start3A_216 = tpu.memref_slice %arg10[%dma_start3A_214, %dma_start3A_215] : memref<2000x16xf32, #tpu.memory_space<vmem>> -> memref<80x16xf32, #tpu.memory_space<vmem>>
      %dma_start3A_217 = tpu.memref_slice %arg8[%mul3A_213] : memref<10000xi32, #tpu.memory_space<vmem>> -> memref<80xi32, #tpu.memory_space<vmem>>
      %dma_start3A_218 = arith.constant 0 : i32
      %dma_start3A_219 = arith.constant 0 : i32
      %dma_start3A_220 = tpu.memref_slice %arg2[%dma_start3A_218, %dma_start3A_219] : memref<10000x16xf32, #tpu.memory_space<hbm>> -> memref<10000x16xf32, #tpu.memory_space<hbm>>
      tpu.enqueue_indirect_dma source(%dma_start3A_220 : memref<10000x16xf32, #tpu.memory_space<hbm>>) target(%dma_start3A_216 : memref<80x16xf32, #tpu.memory_space<vmem>>) offsets(%dma_start3A_217 : memref<80xi32, #tpu.memory_space<vmem>>) semaphore(%arg12 : memref<!tpu.dma_semaphore, #tpu.memory_space<semaphore_mem>>)
      %dma_start3A_221 = arith.constant 800 : i32
      %dma_start3A_222 = arith.constant 0 : i32
      %dma_start3A_223 = tpu.memref_slice %arg11[%dma_start3A_221, %dma_start3A_222] : memref<2000x16xf32, #tpu.memory_space<vmem>> -> memref<80x16xf32, #tpu.memory_space<vmem>>
      %dma_start3A_224 = tpu.memref_slice %arg9[%mul3A_213] : memref<10000xi32, #tpu.memory_space<vmem>> -> memref<80xi32, #tpu.memory_space<vmem>>
      %dma_start3A_225 = arith.constant 0 : i32
      %dma_start3A_226 = arith.constant 0 : i32
      %dma_start3A_227 = tpu.memref_slice %arg3[%dma_start3A_225, %dma_start3A_226] : memref<10000x16xf32, #tpu.memory_space<hbm>> -> memref<10000x16xf32, #tpu.memory_space<hbm>>
      tpu.enqueue_indirect_dma source(%dma_start3A_227 : memref<10000x16xf32, #tpu.memory_space<hbm>>) target(%dma_start3A_223 : memref<80x16xf32, #tpu.memory_space<vmem>>) offsets(%dma_start3A_224 : memref<80xi32, #tpu.memory_space<vmem>>) semaphore(%arg12 : memref<!tpu.dma_semaphore, #tpu.memory_space<semaphore_mem>>)
      %mul3A_228 = arith.constant 25 : i32
      %mul3A_229 = arith.muli %scan3A_8, %mul3A_228 : i32
      %add3A_230 = arith.constant 11 : i32
      %add3A_231 = arith.addi %mul3A_229, %add3A_230 : i32
      %mul3A_232 = arith.constant 80 : i32
      %mul3A_233 = arith.muli %add3A_231, %mul3A_232 : i32
      %dma_start3A_234 = arith.constant 880 : i32
      %dma_start3A_235 = arith.constant 0 : i32
      %dma_start3A_236 = tpu.memref_slice %arg10[%dma_start3A_234, %dma_start3A_235] : memref<2000x16xf32, #tpu.memory_space<vmem>> -> memref<80x16xf32, #tpu.memory_space<vmem>>
      %dma_start3A_237 = tpu.memref_slice %arg8[%mul3A_233] : memref<10000xi32, #tpu.memory_space<vmem>> -> memref<80xi32, #tpu.memory_space<vmem>>
      %dma_start3A_238 = arith.constant 0 : i32
      %dma_start3A_239 = arith.constant 0 : i32
      %dma_start3A_240 = tpu.memref_slice %arg2[%dma_start3A_238, %dma_start3A_239] : memref<10000x16xf32, #tpu.memory_space<hbm>> -> memref<10000x16xf32, #tpu.memory_space<hbm>>
      tpu.enqueue_indirect_dma source(%dma_start3A_240 : memref<10000x16xf32, #tpu.memory_space<hbm>>) target(%dma_start3A_236 : memref<80x16xf32, #tpu.memory_space<vmem>>) offsets(%dma_start3A_237 : memref<80xi32, #tpu.memory_space<vmem>>) semaphore(%arg12 : memref<!tpu.dma_semaphore, #tpu.memory_space<semaphore_mem>>)
      %dma_start3A_241 = arith.constant 880 : i32
      %dma_start3A_242 = arith.constant 0 : i32
      %dma_start3A_243 = tpu.memref_slice %arg11[%dma_start3A_241, %dma_start3A_242] : memref<2000x16xf32, #tpu.memory_space<vmem>> -> memref<80x16xf32, #tpu.memory_space<vmem>>
      %dma_start3A_244 = tpu.memref_slice %arg9[%mul3A_233] : memref<10000xi32, #tpu.memory_space<vmem>> -> memref<80xi32, #tpu.memory_space<vmem>>
      %dma_start3A_245 = arith.constant 0 : i32
      %dma_start3A_246 = arith.constant 0 : i32
      %dma_start3A_247 = tpu.memref_slice %arg3[%dma_start3A_245, %dma_start3A_246] : memref<10000x16xf32, #tpu.memory_space<hbm>> -> memref<10000x16xf32, #tpu.memory_space<hbm>>
      tpu.enqueue_indirect_dma source(%dma_start3A_247 : memref<10000x16xf32, #tpu.memory_space<hbm>>) target(%dma_start3A_243 : memref<80x16xf32, #tpu.memory_space<vmem>>) offsets(%dma_start3A_244 : memref<80xi32, #tpu.memory_space<vmem>>) semaphore(%arg12 : memref<!tpu.dma_semaphore, #tpu.memory_space<semaphore_mem>>)
      %mul3A_248 = arith.constant 25 : i32
      %mul3A_249 = arith.muli %scan3A_8, %mul3A_248 : i32
      %add3A_250 = arith.constant 12 : i32
      %add3A_251 = arith.addi %mul3A_249, %add3A_250 : i32
      %mul3A_252 = arith.constant 80 : i32
      %mul3A_253 = arith.muli %add3A_251, %mul3A_252 : i32
      %dma_start3A_254 = arith.constant 960 : i32
      %dma_start3A_255 = arith.constant 0 : i32
      %dma_start3A_256 = tpu.memref_slice %arg10[%dma_start3A_254, %dma_start3A_255] : memref<2000x16xf32, #tpu.memory_space<vmem>> -> memref<80x16xf32, #tpu.memory_space<vmem>>
      %dma_start3A_257 = tpu.memref_slice %arg8[%mul3A_253] : memref<10000xi32, #tpu.memory_space<vmem>> -> memref<80xi32, #tpu.memory_space<vmem>>
      %dma_start3A_258 = arith.constant 0 : i32
      %dma_start3A_259 = arith.constant 0 : i32
      %dma_start3A_260 = tpu.memref_slice %arg2[%dma_start3A_258, %dma_start3A_259] : memref<10000x16xf32, #tpu.memory_space<hbm>> -> memref<10000x16xf32, #tpu.memory_space<hbm>>
      tpu.enqueue_indirect_dma source(%dma_start3A_260 : memref<10000x16xf32, #tpu.memory_space<hbm>>) target(%dma_start3A_256 : memref<80x16xf32, #tpu.memory_space<vmem>>) offsets(%dma_start3A_257 : memref<80xi32, #tpu.memory_space<vmem>>) semaphore(%arg12 : memref<!tpu.dma_semaphore, #tpu.memory_space<semaphore_mem>>)
      %dma_start3A_261 = arith.constant 960 : i32
      %dma_start3A_262 = arith.constant 0 : i32
      %dma_start3A_263 = tpu.memref_slice %arg11[%dma_start3A_261, %dma_start3A_262] : memref<2000x16xf32, #tpu.memory_space<vmem>> -> memref<80x16xf32, #tpu.memory_space<vmem>>
      %dma_start3A_264 = tpu.memref_slice %arg9[%mul3A_253] : memref<10000xi32, #tpu.memory_space<vmem>> -> memref<80xi32, #tpu.memory_space<vmem>>
      %dma_start3A_265 = arith.constant 0 : i32
      %dma_start3A_266 = arith.constant 0 : i32
      %dma_start3A_267 = tpu.memref_slice %arg3[%dma_start3A_265, %dma_start3A_266] : memref<10000x16xf32, #tpu.memory_space<hbm>> -> memref<10000x16xf32, #tpu.memory_space<hbm>>
      tpu.enqueue_indirect_dma source(%dma_start3A_267 : memref<10000x16xf32, #tpu.memory_space<hbm>>) target(%dma_start3A_263 : memref<80x16xf32, #tpu.memory_space<vmem>>) offsets(%dma_start3A_264 : memref<80xi32, #tpu.memory_space<vmem>>) semaphore(%arg12 : memref<!tpu.dma_semaphore, #tpu.memory_space<semaphore_mem>>)
      %mul3A_268 = arith.constant 25 : i32
      %mul3A_269 = arith.muli %scan3A_8, %mul3A_268 : i32
      %add3A_270 = arith.constant 13 : i32
      %add3A_271 = arith.addi %mul3A_269, %add3A_270 : i32
      %mul3A_272 = arith.constant 80 : i32
      %mul3A_273 = arith.muli %add3A_271, %mul3A_272 : i32
      %dma_start3A_274 = arith.constant 1040 : i32
      %dma_start3A_275 = arith.constant 0 : i32
      %dma_start3A_276 = tpu.memref_slice %arg10[%dma_start3A_274, %dma_start3A_275] : memref<2000x16xf32, #tpu.memory_space<vmem>> -> memref<80x16xf32, #tpu.memory_space<vmem>>
      %dma_start3A_277 = tpu.memref_slice %arg8[%mul3A_273] : memref<10000xi32, #tpu.memory_space<vmem>> -> memref<80xi32, #tpu.memory_space<vmem>>
      %dma_start3A_278 = arith.constant 0 : i32
      %dma_start3A_279 = arith.constant 0 : i32
      %dma_start3A_280 = tpu.memref_slice %arg2[%dma_start3A_278, %dma_start3A_279] : memref<10000x16xf32, #tpu.memory_space<hbm>> -> memref<10000x16xf32, #tpu.memory_space<hbm>>
      tpu.enqueue_indirect_dma source(%dma_start3A_280 : memref<10000x16xf32, #tpu.memory_space<hbm>>) target(%dma_start3A_276 : memref<80x16xf32, #tpu.memory_space<vmem>>) offsets(%dma_start3A_277 : memref<80xi32, #tpu.memory_space<vmem>>) semaphore(%arg12 : memref<!tpu.dma_semaphore, #tpu.memory_space<semaphore_mem>>)
      %dma_start3A_281 = arith.constant 1040 : i32
      %dma_start3A_282 = arith.constant 0 : i32
      %dma_start3A_283 = tpu.memref_slice %arg11[%dma_start3A_281, %dma_start3A_282] : memref<2000x16xf32, #tpu.memory_space<vmem>> -> memref<80x16xf32, #tpu.memory_space<vmem>>
      %dma_start3A_284 = tpu.memref_slice %arg9[%mul3A_273] : memref<10000xi32, #tpu.memory_space<vmem>> -> memref<80xi32, #tpu.memory_space<vmem>>
      %dma_start3A_285 = arith.constant 0 : i32
      %dma_start3A_286 = arith.constant 0 : i32
      %dma_start3A_287 = tpu.memref_slice %arg3[%dma_start3A_285, %dma_start3A_286] : memref<10000x16xf32, #tpu.memory_space<hbm>> -> memref<10000x16xf32, #tpu.memory_space<hbm>>
      tpu.enqueue_indirect_dma source(%dma_start3A_287 : memref<10000x16xf32, #tpu.memory_space<hbm>>) target(%dma_start3A_283 : memref<80x16xf32, #tpu.memory_space<vmem>>) offsets(%dma_start3A_284 : memref<80xi32, #tpu.memory_space<vmem>>) semaphore(%arg12 : memref<!tpu.dma_semaphore, #tpu.memory_space<semaphore_mem>>)
      %mul3A_288 = arith.constant 25 : i32
      %mul3A_289 = arith.muli %scan3A_8, %mul3A_288 : i32
      %add3A_290 = arith.constant 14 : i32
      %add3A_291 = arith.addi %mul3A_289, %add3A_290 : i32
      %mul3A_292 = arith.constant 80 : i32
      %mul3A_293 = arith.muli %add3A_291, %mul3A_292 : i32
      %dma_start3A_294 = arith.constant 1120 : i32
      %dma_start3A_295 = arith.constant 0 : i32
      %dma_start3A_296 = tpu.memref_slice %arg10[%dma_start3A_294, %dma_start3A_295] : memref<2000x16xf32, #tpu.memory_space<vmem>> -> memref<80x16xf32, #tpu.memory_space<vmem>>
      %dma_start3A_297 = tpu.memref_slice %arg8[%mul3A_293] : memref<10000xi32, #tpu.memory_space<vmem>> -> memref<80xi32, #tpu.memory_space<vmem>>
      %dma_start3A_298 = arith.constant 0 : i32
      %dma_start3A_299 = arith.constant 0 : i32
      %dma_start3A_300 = tpu.memref_slice %arg2[%dma_start3A_298, %dma_start3A_299] : memref<10000x16xf32, #tpu.memory_space<hbm>> -> memref<10000x16xf32, #tpu.memory_space<hbm>>
      tpu.enqueue_indirect_dma source(%dma_start3A_300 : memref<10000x16xf32, #tpu.memory_space<hbm>>) target(%dma_start3A_296 : memref<80x16xf32, #tpu.memory_space<vmem>>) offsets(%dma_start3A_297 : memref<80xi32, #tpu.memory_space<vmem>>) semaphore(%arg12 : memref<!tpu.dma_semaphore, #tpu.memory_space<semaphore_mem>>)
      %dma_start3A_301 = arith.constant 1120 : i32
      %dma_start3A_302 = arith.constant 0 : i32
      %dma_start3A_303 = tpu.memref_slice %arg11[%dma_start3A_301, %dma_start3A_302] : memref<2000x16xf32, #tpu.memory_space<vmem>> -> memref<80x16xf32, #tpu.memory_space<vmem>>
      %dma_start3A_304 = tpu.memref_slice %arg9[%mul3A_293] : memref<10000xi32, #tpu.memory_space<vmem>> -> memref<80xi32, #tpu.memory_space<vmem>>
      %dma_start3A_305 = arith.constant 0 : i32
      %dma_start3A_306 = arith.constant 0 : i32
      %dma_start3A_307 = tpu.memref_slice %arg3[%dma_start3A_305, %dma_start3A_306] : memref<10000x16xf32, #tpu.memory_space<hbm>> -> memref<10000x16xf32, #tpu.memory_space<hbm>>
      tpu.enqueue_indirect_dma source(%dma_start3A_307 : memref<10000x16xf32, #tpu.memory_space<hbm>>) target(%dma_start3A_303 : memref<80x16xf32, #tpu.memory_space<vmem>>) offsets(%dma_start3A_304 : memref<80xi32, #tpu.memory_space<vmem>>) semaphore(%arg12 : memref<!tpu.dma_semaphore, #tpu.memory_space<semaphore_mem>>)
      %mul3A_308 = arith.constant 25 : i32
      %mul3A_309 = arith.muli %scan3A_8, %mul3A_308 : i32
      %add3A_310 = arith.constant 15 : i32
      %add3A_311 = arith.addi %mul3A_309, %add3A_310 : i32
      %mul3A_312 = arith.constant 80 : i32
      %mul3A_313 = arith.muli %add3A_311, %mul3A_312 : i32
      %dma_start3A_314 = arith.constant 1200 : i32
      %dma_start3A_315 = arith.constant 0 : i32
      %dma_start3A_316 = tpu.memref_slice %arg10[%dma_start3A_314, %dma_start3A_315] : memref<2000x16xf32, #tpu.memory_space<vmem>> -> memref<80x16xf32, #tpu.memory_space<vmem>>
      %dma_start3A_317 = tpu.memref_slice %arg8[%mul3A_313] : memref<10000xi32, #tpu.memory_space<vmem>> -> memref<80xi32, #tpu.memory_space<vmem>>
      %dma_start3A_318 = arith.constant 0 : i32
      %dma_start3A_319 = arith.constant 0 : i32
      %dma_start3A_320 = tpu.memref_slice %arg2[%dma_start3A_318, %dma_start3A_319] : memref<10000x16xf32, #tpu.memory_space<hbm>> -> memref<10000x16xf32, #tpu.memory_space<hbm>>
      tpu.enqueue_indirect_dma source(%dma_start3A_320 : memref<10000x16xf32, #tpu.memory_space<hbm>>) target(%dma_start3A_316 : memref<80x16xf32, #tpu.memory_space<vmem>>) offsets(%dma_start3A_317 : memref<80xi32, #tpu.memory_space<vmem>>) semaphore(%arg12 : memref<!tpu.dma_semaphore, #tpu.memory_space<semaphore_mem>>)
      %dma_start3A_321 = arith.constant 1200 : i32
      %dma_start3A_322 = arith.constant 0 : i32
      %dma_start3A_323 = tpu.memref_slice %arg11[%dma_start3A_321, %dma_start3A_322] : memref<2000x16xf32, #tpu.memory_space<vmem>> -> memref<80x16xf32, #tpu.memory_space<vmem>>
      %dma_start3A_324 = tpu.memref_slice %arg9[%mul3A_313] : memref<10000xi32, #tpu.memory_space<vmem>> -> memref<80xi32, #tpu.memory_space<vmem>>
      %dma_start3A_325 = arith.constant 0 : i32
      %dma_start3A_326 = arith.constant 0 : i32
      %dma_start3A_327 = tpu.memref_slice %arg3[%dma_start3A_325, %dma_start3A_326] : memref<10000x16xf32, #tpu.memory_space<hbm>> -> memref<10000x16xf32, #tpu.memory_space<hbm>>
      tpu.enqueue_indirect_dma source(%dma_start3A_327 : memref<10000x16xf32, #tpu.memory_space<hbm>>) target(%dma_start3A_323 : memref<80x16xf32, #tpu.memory_space<vmem>>) offsets(%dma_start3A_324 : memref<80xi32, #tpu.memory_space<vmem>>) semaphore(%arg12 : memref<!tpu.dma_semaphore, #tpu.memory_space<semaphore_mem>>)
      %mul3A_328 = arith.constant 25 : i32
      %mul3A_329 = arith.muli %scan3A_8, %mul3A_328 : i32
      %add3A_330 = arith.constant 16 : i32
      %add3A_331 = arith.addi %mul3A_329, %add3A_330 : i32
      %mul3A_332 = arith.constant 80 : i32
      %mul3A_333 = arith.muli %add3A_331, %mul3A_332 : i32
      %dma_start3A_334 = arith.constant 1280 : i32
      %dma_start3A_335 = arith.constant 0 : i32
      %dma_start3A_336 = tpu.memref_slice %arg10[%dma_start3A_334, %dma_start3A_335] : memref<2000x16xf32, #tpu.memory_space<vmem>> -> memref<80x16xf32, #tpu.memory_space<vmem>>
      %dma_start3A_337 = tpu.memref_slice %arg8[%mul3A_333] : memref<10000xi32, #tpu.memory_space<vmem>> -> memref<80xi32, #tpu.memory_space<vmem>>
      %dma_start3A_338 = arith.constant 0 : i32
      %dma_start3A_339 = arith.constant 0 : i32
      %dma_start3A_340 = tpu.memref_slice %arg2[%dma_start3A_338, %dma_start3A_339] : memref<10000x16xf32, #tpu.memory_space<hbm>> -> memref<10000x16xf32, #tpu.memory_space<hbm>>
      tpu.enqueue_indirect_dma source(%dma_start3A_340 : memref<10000x16xf32, #tpu.memory_space<hbm>>) target(%dma_start3A_336 : memref<80x16xf32, #tpu.memory_space<vmem>>) offsets(%dma_start3A_337 : memref<80xi32, #tpu.memory_space<vmem>>) semaphore(%arg12 : memref<!tpu.dma_semaphore, #tpu.memory_space<semaphore_mem>>)
      %dma_start3A_341 = arith.constant 1280 : i32
      %dma_start3A_342 = arith.constant 0 : i32
      %dma_start3A_343 = tpu.memref_slice %arg11[%dma_start3A_341, %dma_start3A_342] : memref<2000x16xf32, #tpu.memory_space<vmem>> -> memref<80x16xf32, #tpu.memory_space<vmem>>
      %dma_start3A_344 = tpu.memref_slice %arg9[%mul3A_333] : memref<10000xi32, #tpu.memory_space<vmem>> -> memref<80xi32, #tpu.memory_space<vmem>>
      %dma_start3A_345 = arith.constant 0 : i32
      %dma_start3A_346 = arith.constant 0 : i32
      %dma_start3A_347 = tpu.memref_slice %arg3[%dma_start3A_345, %dma_start3A_346] : memref<10000x16xf32, #tpu.memory_space<hbm>> -> memref<10000x16xf32, #tpu.memory_space<hbm>>
      tpu.enqueue_indirect_dma source(%dma_start3A_347 : memref<10000x16xf32, #tpu.memory_space<hbm>>) target(%dma_start3A_343 : memref<80x16xf32, #tpu.memory_space<vmem>>) offsets(%dma_start3A_344 : memref<80xi32, #tpu.memory_space<vmem>>) semaphore(%arg12 : memref<!tpu.dma_semaphore, #tpu.memory_space<semaphore_mem>>)
      %mul3A_348 = arith.constant 25 : i32
      %mul3A_349 = arith.muli %scan3A_8, %mul3A_348 : i32
      %add3A_350 = arith.constant 17 : i32
      %add3A_351 = arith.addi %mul3A_349, %add3A_350 : i32
      %mul3A_352 = arith.constant 80 : i32
      %mul3A_353 = arith.muli %add3A_351, %mul3A_352 : i32
      %dma_start3A_354 = arith.constant 1360 : i32
      %dma_start3A_355 = arith.constant 0 : i32
      %dma_start3A_356 = tpu.memref_slice %arg10[%dma_start3A_354, %dma_start3A_355] : memref<2000x16xf32, #tpu.memory_space<vmem>> -> memref<80x16xf32, #tpu.memory_space<vmem>>
      %dma_start3A_357 = tpu.memref_slice %arg8[%mul3A_353] : memref<10000xi32, #tpu.memory_space<vmem>> -> memref<80xi32, #tpu.memory_space<vmem>>
      %dma_start3A_358 = arith.constant 0 : i32
      %dma_start3A_359 = arith.constant 0 : i32
      %dma_start3A_360 = tpu.memref_slice %arg2[%dma_start3A_358, %dma_start3A_359] : memref<10000x16xf32, #tpu.memory_space<hbm>> -> memref<10000x16xf32, #tpu.memory_space<hbm>>
      tpu.enqueue_indirect_dma source(%dma_start3A_360 : memref<10000x16xf32, #tpu.memory_space<hbm>>) target(%dma_start3A_356 : memref<80x16xf32, #tpu.memory_space<vmem>>) offsets(%dma_start3A_357 : memref<80xi32, #tpu.memory_space<vmem>>) semaphore(%arg12 : memref<!tpu.dma_semaphore, #tpu.memory_space<semaphore_mem>>)
      %dma_start3A_361 = arith.constant 1360 : i32
      %dma_start3A_362 = arith.constant 0 : i32
      %dma_start3A_363 = tpu.memref_slice %arg11[%dma_start3A_361, %dma_start3A_362] : memref<2000x16xf32, #tpu.memory_space<vmem>> -> memref<80x16xf32, #tpu.memory_space<vmem>>
      %dma_start3A_364 = tpu.memref_slice %arg9[%mul3A_353] : memref<10000xi32, #tpu.memory_space<vmem>> -> memref<80xi32, #tpu.memory_space<vmem>>
      %dma_start3A_365 = arith.constant 0 : i32
      %dma_start3A_366 = arith.constant 0 : i32
      %dma_start3A_367 = tpu.memref_slice %arg3[%dma_start3A_365, %dma_start3A_366] : memref<10000x16xf32, #tpu.memory_space<hbm>> -> memref<10000x16xf32, #tpu.memory_space<hbm>>
      tpu.enqueue_indirect_dma source(%dma_start3A_367 : memref<10000x16xf32, #tpu.memory_space<hbm>>) target(%dma_start3A_363 : memref<80x16xf32, #tpu.memory_space<vmem>>) offsets(%dma_start3A_364 : memref<80xi32, #tpu.memory_space<vmem>>) semaphore(%arg12 : memref<!tpu.dma_semaphore, #tpu.memory_space<semaphore_mem>>)
      %mul3A_368 = arith.constant 25 : i32
      %mul3A_369 = arith.muli %scan3A_8, %mul3A_368 : i32
      %add3A_370 = arith.constant 18 : i32
      %add3A_371 = arith.addi %mul3A_369, %add3A_370 : i32
      %mul3A_372 = arith.constant 80 : i32
      %mul3A_373 = arith.muli %add3A_371, %mul3A_372 : i32
      %dma_start3A_374 = arith.constant 1440 : i32
      %dma_start3A_375 = arith.constant 0 : i32
      %dma_start3A_376 = tpu.memref_slice %arg10[%dma_start3A_374, %dma_start3A_375] : memref<2000x16xf32, #tpu.memory_space<vmem>> -> memref<80x16xf32, #tpu.memory_space<vmem>>
      %dma_start3A_377 = tpu.memref_slice %arg8[%mul3A_373] : memref<10000xi32, #tpu.memory_space<vmem>> -> memref<80xi32, #tpu.memory_space<vmem>>
      %dma_start3A_378 = arith.constant 0 : i32
      %dma_start3A_379 = arith.constant 0 : i32
      %dma_start3A_380 = tpu.memref_slice %arg2[%dma_start3A_378, %dma_start3A_379] : memref<10000x16xf32, #tpu.memory_space<hbm>> -> memref<10000x16xf32, #tpu.memory_space<hbm>>
      tpu.enqueue_indirect_dma source(%dma_start3A_380 : memref<10000x16xf32, #tpu.memory_space<hbm>>) target(%dma_start3A_376 : memref<80x16xf32, #tpu.memory_space<vmem>>) offsets(%dma_start3A_377 : memref<80xi32, #tpu.memory_space<vmem>>) semaphore(%arg12 : memref<!tpu.dma_semaphore, #tpu.memory_space<semaphore_mem>>)
      %dma_start3A_381 = arith.constant 1440 : i32
      %dma_start3A_382 = arith.constant 0 : i32
      %dma_start3A_383 = tpu.memref_slice %arg11[%dma_start3A_381, %dma_start3A_382] : memref<2000x16xf32, #tpu.memory_space<vmem>> -> memref<80x16xf32, #tpu.memory_space<vmem>>
      %dma_start3A_384 = tpu.memref_slice %arg9[%mul3A_373] : memref<10000xi32, #tpu.memory_space<vmem>> -> memref<80xi32, #tpu.memory_space<vmem>>
      %dma_start3A_385 = arith.constant 0 : i32
      %dma_start3A_386 = arith.constant 0 : i32
      %dma_start3A_387 = tpu.memref_slice %arg3[%dma_start3A_385, %dma_start3A_386] : memref<10000x16xf32, #tpu.memory_space<hbm>> -> memref<10000x16xf32, #tpu.memory_space<hbm>>
      tpu.enqueue_indirect_dma source(%dma_start3A_387 : memref<10000x16xf32, #tpu.memory_space<hbm>>) target(%dma_start3A_383 : memref<80x16xf32, #tpu.memory_space<vmem>>) offsets(%dma_start3A_384 : memref<80xi32, #tpu.memory_space<vmem>>) semaphore(%arg12 : memref<!tpu.dma_semaphore, #tpu.memory_space<semaphore_mem>>)
      %mul3A_388 = arith.constant 25 : i32
      %mul3A_389 = arith.muli %scan3A_8, %mul3A_388 : i32
      %add3A_390 = arith.constant 19 : i32
      %add3A_391 = arith.addi %mul3A_389, %add3A_390 : i32
      %mul3A_392 = arith.constant 80 : i32
      %mul3A_393 = arith.muli %add3A_391, %mul3A_392 : i32
      %dma_start3A_394 = arith.constant 1520 : i32
      %dma_start3A_395 = arith.constant 0 : i32
      %dma_start3A_396 = tpu.memref_slice %arg10[%dma_start3A_394, %dma_start3A_395] : memref<2000x16xf32, #tpu.memory_space<vmem>> -> memref<80x16xf32, #tpu.memory_space<vmem>>
      %dma_start3A_397 = tpu.memref_slice %arg8[%mul3A_393] : memref<10000xi32, #tpu.memory_space<vmem>> -> memref<80xi32, #tpu.memory_space<vmem>>
      %dma_start3A_398 = arith.constant 0 : i32
      %dma_start3A_399 = arith.constant 0 : i32
      %dma_start3A_400 = tpu.memref_slice %arg2[%dma_start3A_398, %dma_start3A_399] : memref<10000x16xf32, #tpu.memory_space<hbm>> -> memref<10000x16xf32, #tpu.memory_space<hbm>>
      tpu.enqueue_indirect_dma source(%dma_start3A_400 : memref<10000x16xf32, #tpu.memory_space<hbm>>) target(%dma_start3A_396 : memref<80x16xf32, #tpu.memory_space<vmem>>) offsets(%dma_start3A_397 : memref<80xi32, #tpu.memory_space<vmem>>) semaphore(%arg12 : memref<!tpu.dma_semaphore, #tpu.memory_space<semaphore_mem>>)
      %dma_start3A_401 = arith.constant 1520 : i32
      %dma_start3A_402 = arith.constant 0 : i32
      %dma_start3A_403 = tpu.memref_slice %arg11[%dma_start3A_401, %dma_start3A_402] : memref<2000x16xf32, #tpu.memory_space<vmem>> -> memref<80x16xf32, #tpu.memory_space<vmem>>
      %dma_start3A_404 = tpu.memref_slice %arg9[%mul3A_393] : memref<10000xi32, #tpu.memory_space<vmem>> -> memref<80xi32, #tpu.memory_space<vmem>>
      %dma_start3A_405 = arith.constant 0 : i32
      %dma_start3A_406 = arith.constant 0 : i32
      %dma_start3A_407 = tpu.memref_slice %arg3[%dma_start3A_405, %dma_start3A_406] : memref<10000x16xf32, #tpu.memory_space<hbm>> -> memref<10000x16xf32, #tpu.memory_space<hbm>>
      tpu.enqueue_indirect_dma source(%dma_start3A_407 : memref<10000x16xf32, #tpu.memory_space<hbm>>) target(%dma_start3A_403 : memref<80x16xf32, #tpu.memory_space<vmem>>) offsets(%dma_start3A_404 : memref<80xi32, #tpu.memory_space<vmem>>) semaphore(%arg12 : memref<!tpu.dma_semaphore, #tpu.memory_space<semaphore_mem>>)
      %mul3A_408 = arith.constant 25 : i32
      %mul3A_409 = arith.muli %scan3A_8, %mul3A_408 : i32
      %add3A_410 = arith.constant 20 : i32
      %add3A_411 = arith.addi %mul3A_409, %add3A_410 : i32
      %mul3A_412 = arith.constant 80 : i32
      %mul3A_413 = arith.muli %add3A_411, %mul3A_412 : i32
      %dma_start3A_414 = arith.constant 1600 : i32
      %dma_start3A_415 = arith.constant 0 : i32
      %dma_start3A_416 = tpu.memref_slice %arg10[%dma_start3A_414, %dma_start3A_415] : memref<2000x16xf32, #tpu.memory_space<vmem>> -> memref<80x16xf32, #tpu.memory_space<vmem>>
      %dma_start3A_417 = tpu.memref_slice %arg8[%mul3A_413] : memref<10000xi32, #tpu.memory_space<vmem>> -> memref<80xi32, #tpu.memory_space<vmem>>
      %dma_start3A_418 = arith.constant 0 : i32
      %dma_start3A_419 = arith.constant 0 : i32
      %dma_start3A_420 = tpu.memref_slice %arg2[%dma_start3A_418, %dma_start3A_419] : memref<10000x16xf32, #tpu.memory_space<hbm>> -> memref<10000x16xf32, #tpu.memory_space<hbm>>
      tpu.enqueue_indirect_dma source(%dma_start3A_420 : memref<10000x16xf32, #tpu.memory_space<hbm>>) target(%dma_start3A_416 : memref<80x16xf32, #tpu.memory_space<vmem>>) offsets(%dma_start3A_417 : memref<80xi32, #tpu.memory_space<vmem>>) semaphore(%arg12 : memref<!tpu.dma_semaphore, #tpu.memory_space<semaphore_mem>>)
      %dma_start3A_421 = arith.constant 1600 : i32
      %dma_start3A_422 = arith.constant 0 : i32
      %dma_start3A_423 = tpu.memref_slice %arg11[%dma_start3A_421, %dma_start3A_422] : memref<2000x16xf32, #tpu.memory_space<vmem>> -> memref<80x16xf32, #tpu.memory_space<vmem>>
      %dma_start3A_424 = tpu.memref_slice %arg9[%mul3A_413] : memref<10000xi32, #tpu.memory_space<vmem>> -> memref<80xi32, #tpu.memory_space<vmem>>
      %dma_start3A_425 = arith.constant 0 : i32
      %dma_start3A_426 = arith.constant 0 : i32
      %dma_start3A_427 = tpu.memref_slice %arg3[%dma_start3A_425, %dma_start3A_426] : memref<10000x16xf32, #tpu.memory_space<hbm>> -> memref<10000x16xf32, #tpu.memory_space<hbm>>
      tpu.enqueue_indirect_dma source(%dma_start3A_427 : memref<10000x16xf32, #tpu.memory_space<hbm>>) target(%dma_start3A_423 : memref<80x16xf32, #tpu.memory_space<vmem>>) offsets(%dma_start3A_424 : memref<80xi32, #tpu.memory_space<vmem>>) semaphore(%arg12 : memref<!tpu.dma_semaphore, #tpu.memory_space<semaphore_mem>>)
      %mul3A_428 = arith.constant 25 : i32
      %mul3A_429 = arith.muli %scan3A_8, %mul3A_428 : i32
      %add3A_430 = arith.constant 21 : i32
      %add3A_431 = arith.addi %mul3A_429, %add3A_430 : i32
      %mul3A_432 = arith.constant 80 : i32
      %mul3A_433 = arith.muli %add3A_431, %mul3A_432 : i32
      %dma_start3A_434 = arith.constant 1680 : i32
      %dma_start3A_435 = arith.constant 0 : i32
      %dma_start3A_436 = tpu.memref_slice %arg10[%dma_start3A_434, %dma_start3A_435] : memref<2000x16xf32, #tpu.memory_space<vmem>> -> memref<80x16xf32, #tpu.memory_space<vmem>>
      %dma_start3A_437 = tpu.memref_slice %arg8[%mul3A_433] : memref<10000xi32, #tpu.memory_space<vmem>> -> memref<80xi32, #tpu.memory_space<vmem>>
      %dma_start3A_438 = arith.constant 0 : i32
      %dma_start3A_439 = arith.constant 0 : i32
      %dma_start3A_440 = tpu.memref_slice %arg2[%dma_start3A_438, %dma_start3A_439] : memref<10000x16xf32, #tpu.memory_space<hbm>> -> memref<10000x16xf32, #tpu.memory_space<hbm>>
      tpu.enqueue_indirect_dma source(%dma_start3A_440 : memref<10000x16xf32, #tpu.memory_space<hbm>>) target(%dma_start3A_436 : memref<80x16xf32, #tpu.memory_space<vmem>>) offsets(%dma_start3A_437 : memref<80xi32, #tpu.memory_space<vmem>>) semaphore(%arg12 : memref<!tpu.dma_semaphore, #tpu.memory_space<semaphore_mem>>)
      %dma_start3A_441 = arith.constant 1680 : i32
      %dma_start3A_442 = arith.constant 0 : i32
      %dma_start3A_443 = tpu.memref_slice %arg11[%dma_start3A_441, %dma_start3A_442] : memref<2000x16xf32, #tpu.memory_space<vmem>> -> memref<80x16xf32, #tpu.memory_space<vmem>>
      %dma_start3A_444 = tpu.memref_slice %arg9[%mul3A_433] : memref<10000xi32, #tpu.memory_space<vmem>> -> memref<80xi32, #tpu.memory_space<vmem>>
      %dma_start3A_445 = arith.constant 0 : i32
      %dma_start3A_446 = arith.constant 0 : i32
      %dma_start3A_447 = tpu.memref_slice %arg3[%dma_start3A_445, %dma_start3A_446] : memref<10000x16xf32, #tpu.memory_space<hbm>> -> memref<10000x16xf32, #tpu.memory_space<hbm>>
      tpu.enqueue_indirect_dma source(%dma_start3A_447 : memref<10000x16xf32, #tpu.memory_space<hbm>>) target(%dma_start3A_443 : memref<80x16xf32, #tpu.memory_space<vmem>>) offsets(%dma_start3A_444 : memref<80xi32, #tpu.memory_space<vmem>>) semaphore(%arg12 : memref<!tpu.dma_semaphore, #tpu.memory_space<semaphore_mem>>)
      %mul3A_448 = arith.constant 25 : i32
      %mul3A_449 = arith.muli %scan3A_8, %mul3A_448 : i32
      %add3A_450 = arith.constant 22 : i32
      %add3A_451 = arith.addi %mul3A_449, %add3A_450 : i32
      %mul3A_452 = arith.constant 80 : i32
      %mul3A_453 = arith.muli %add3A_451, %mul3A_452 : i32
      %dma_start3A_454 = arith.constant 1760 : i32
      %dma_start3A_455 = arith.constant 0 : i32
      %dma_start3A_456 = tpu.memref_slice %arg10[%dma_start3A_454, %dma_start3A_455] : memref<2000x16xf32, #tpu.memory_space<vmem>> -> memref<80x16xf32, #tpu.memory_space<vmem>>
      %dma_start3A_457 = tpu.memref_slice %arg8[%mul3A_453] : memref<10000xi32, #tpu.memory_space<vmem>> -> memref<80xi32, #tpu.memory_space<vmem>>
      %dma_start3A_458 = arith.constant 0 : i32
      %dma_start3A_459 = arith.constant 0 : i32
      %dma_start3A_460 = tpu.memref_slice %arg2[%dma_start3A_458, %dma_start3A_459] : memref<10000x16xf32, #tpu.memory_space<hbm>> -> memref<10000x16xf32, #tpu.memory_space<hbm>>
      tpu.enqueue_indirect_dma source(%dma_start3A_460 : memref<10000x16xf32, #tpu.memory_space<hbm>>) target(%dma_start3A_456 : memref<80x16xf32, #tpu.memory_space<vmem>>) offsets(%dma_start3A_457 : memref<80xi32, #tpu.memory_space<vmem>>) semaphore(%arg12 : memref<!tpu.dma_semaphore, #tpu.memory_space<semaphore_mem>>)
      %dma_start3A_461 = arith.constant 1760 : i32
      %dma_start3A_462 = arith.constant 0 : i32
      %dma_start3A_463 = tpu.memref_slice %arg11[%dma_start3A_461, %dma_start3A_462] : memref<2000x16xf32, #tpu.memory_space<vmem>> -> memref<80x16xf32, #tpu.memory_space<vmem>>
      %dma_start3A_464 = tpu.memref_slice %arg9[%mul3A_453] : memref<10000xi32, #tpu.memory_space<vmem>> -> memref<80xi32, #tpu.memory_space<vmem>>
      %dma_start3A_465 = arith.constant 0 : i32
      %dma_start3A_466 = arith.constant 0 : i32
      %dma_start3A_467 = tpu.memref_slice %arg3[%dma_start3A_465, %dma_start3A_466] : memref<10000x16xf32, #tpu.memory_space<hbm>> -> memref<10000x16xf32, #tpu.memory_space<hbm>>
      tpu.enqueue_indirect_dma source(%dma_start3A_467 : memref<10000x16xf32, #tpu.memory_space<hbm>>) target(%dma_start3A_463 : memref<80x16xf32, #tpu.memory_space<vmem>>) offsets(%dma_start3A_464 : memref<80xi32, #tpu.memory_space<vmem>>) semaphore(%arg12 : memref<!tpu.dma_semaphore, #tpu.memory_space<semaphore_mem>>)
      %mul3A_468 = arith.constant 25 : i32
      %mul3A_469 = arith.muli %scan3A_8, %mul3A_468 : i32
      %add3A_470 = arith.constant 23 : i32
      %add3A_471 = arith.addi %mul3A_469, %add3A_470 : i32
      %mul3A_472 = arith.constant 80 : i32
      %mul3A_473 = arith.muli %add3A_471, %mul3A_472 : i32
      %dma_start3A_474 = arith.constant 1840 : i32
      %dma_start3A_475 = arith.constant 0 : i32
      %dma_start3A_476 = tpu.memref_slice %arg10[%dma_start3A_474, %dma_start3A_475] : memref<2000x16xf32, #tpu.memory_space<vmem>> -> memref<80x16xf32, #tpu.memory_space<vmem>>
      %dma_start3A_477 = tpu.memref_slice %arg8[%mul3A_473] : memref<10000xi32, #tpu.memory_space<vmem>> -> memref<80xi32, #tpu.memory_space<vmem>>
      %dma_start3A_478 = arith.constant 0 : i32
      %dma_start3A_479 = arith.constant 0 : i32
      %dma_start3A_480 = tpu.memref_slice %arg2[%dma_start3A_478, %dma_start3A_479] : memref<10000x16xf32, #tpu.memory_space<hbm>> -> memref<10000x16xf32, #tpu.memory_space<hbm>>
      tpu.enqueue_indirect_dma source(%dma_start3A_480 : memref<10000x16xf32, #tpu.memory_space<hbm>>) target(%dma_start3A_476 : memref<80x16xf32, #tpu.memory_space<vmem>>) offsets(%dma_start3A_477 : memref<80xi32, #tpu.memory_space<vmem>>) semaphore(%arg12 : memref<!tpu.dma_semaphore, #tpu.memory_space<semaphore_mem>>)
      %dma_start3A_481 = arith.constant 1840 : i32
      %dma_start3A_482 = arith.constant 0 : i32
      %dma_start3A_483 = tpu.memref_slice %arg11[%dma_start3A_481, %dma_start3A_482] : memref<2000x16xf32, #tpu.memory_space<vmem>> -> memref<80x16xf32, #tpu.memory_space<vmem>>
      %dma_start3A_484 = tpu.memref_slice %arg9[%mul3A_473] : memref<10000xi32, #tpu.memory_space<vmem>> -> memref<80xi32, #tpu.memory_space<vmem>>
      %dma_start3A_485 = arith.constant 0 : i32
      %dma_start3A_486 = arith.constant 0 : i32
      %dma_start3A_487 = tpu.memref_slice %arg3[%dma_start3A_485, %dma_start3A_486] : memref<10000x16xf32, #tpu.memory_space<hbm>> -> memref<10000x16xf32, #tpu.memory_space<hbm>>
      tpu.enqueue_indirect_dma source(%dma_start3A_487 : memref<10000x16xf32, #tpu.memory_space<hbm>>) target(%dma_start3A_483 : memref<80x16xf32, #tpu.memory_space<vmem>>) offsets(%dma_start3A_484 : memref<80xi32, #tpu.memory_space<vmem>>) semaphore(%arg12 : memref<!tpu.dma_semaphore, #tpu.memory_space<semaphore_mem>>)
      %mul3A_488 = arith.constant 25 : i32
      %mul3A_489 = arith.muli %scan3A_8, %mul3A_488 : i32
      %add3A_490 = arith.constant 24 : i32
      %add3A_491 = arith.addi %mul3A_489, %add3A_490 : i32
      %mul3A_492 = arith.constant 80 : i32
      %mul3A_493 = arith.muli %add3A_491, %mul3A_492 : i32
      %dma_start3A_494 = arith.constant 1920 : i32
      %dma_start3A_495 = arith.constant 0 : i32
      %dma_start3A_496 = tpu.memref_slice %arg10[%dma_start3A_494, %dma_start3A_495] : memref<2000x16xf32, #tpu.memory_space<vmem>> -> memref<80x16xf32, #tpu.memory_space<vmem>>
      %dma_start3A_497 = tpu.memref_slice %arg8[%mul3A_493] : memref<10000xi32, #tpu.memory_space<vmem>> -> memref<80xi32, #tpu.memory_space<vmem>>
      %dma_start3A_498 = arith.constant 0 : i32
      %dma_start3A_499 = arith.constant 0 : i32
      %dma_start3A_500 = tpu.memref_slice %arg2[%dma_start3A_498, %dma_start3A_499] : memref<10000x16xf32, #tpu.memory_space<hbm>> -> memref<10000x16xf32, #tpu.memory_space<hbm>>
      tpu.enqueue_indirect_dma source(%dma_start3A_500 : memref<10000x16xf32, #tpu.memory_space<hbm>>) target(%dma_start3A_496 : memref<80x16xf32, #tpu.memory_space<vmem>>) offsets(%dma_start3A_497 : memref<80xi32, #tpu.memory_space<vmem>>) semaphore(%arg12 : memref<!tpu.dma_semaphore, #tpu.memory_space<semaphore_mem>>)
      %dma_start3A_501 = arith.constant 1920 : i32
      %dma_start3A_502 = arith.constant 0 : i32
      %dma_start3A_503 = tpu.memref_slice %arg11[%dma_start3A_501, %dma_start3A_502] : memref<2000x16xf32, #tpu.memory_space<vmem>> -> memref<80x16xf32, #tpu.memory_space<vmem>>
      %dma_start3A_504 = tpu.memref_slice %arg9[%mul3A_493] : memref<10000xi32, #tpu.memory_space<vmem>> -> memref<80xi32, #tpu.memory_space<vmem>>
      %dma_start3A_505 = arith.constant 0 : i32
      %dma_start3A_506 = arith.constant 0 : i32
      %dma_start3A_507 = tpu.memref_slice %arg3[%dma_start3A_505, %dma_start3A_506] : memref<10000x16xf32, #tpu.memory_space<hbm>> -> memref<10000x16xf32, #tpu.memory_space<hbm>>
      tpu.enqueue_indirect_dma source(%dma_start3A_507 : memref<10000x16xf32, #tpu.memory_space<hbm>>) target(%dma_start3A_503 : memref<80x16xf32, #tpu.memory_space<vmem>>) offsets(%dma_start3A_504 : memref<80xi32, #tpu.memory_space<vmem>>) semaphore(%arg12 : memref<!tpu.dma_semaphore, #tpu.memory_space<semaphore_mem>>)
      %dma_wait3A = arith.constant 0 : i32
      %dma_wait3A_508 = arith.constant 0 : i32
      %dma_wait3A_509 = tpu.memref_slice %arg10[%dma_wait3A, %dma_wait3A_508] : memref<2000x16xf32, #tpu.memory_space<vmem>> -> memref<80x16xf32, #tpu.memory_space<vmem>>
      %dma_wait3A_510 = tpu.memref_slice %arg8[%mul3A_14] : memref<10000xi32, #tpu.memory_space<vmem>> -> memref<80xi32, #tpu.memory_space<vmem>>
      %dma_wait3A_511 = arith.constant 0 : i32
      %dma_wait3A_512 = arith.constant 0 : i32
      %dma_wait3A_513 = tpu.memref_slice %arg2[%dma_wait3A_511, %dma_wait3A_512] : memref<10000x16xf32, #tpu.memory_space<hbm>> -> memref<10000x16xf32, #tpu.memory_space<hbm>>
      tpu.wait_indirect_dma semaphore(%arg12 : memref<!tpu.dma_semaphore, #tpu.memory_space<semaphore_mem>>) src(%dma_wait3A_513 : memref<10000x16xf32, #tpu.memory_space<hbm>>) dst(%dma_wait3A_509 : memref<80x16xf32, #tpu.memory_space<vmem>>)
      %dma_wait3A_514 = arith.constant 0 : i32
      %dma_wait3A_515 = arith.constant 0 : i32
      %dma_wait3A_516 = tpu.memref_slice %arg11[%dma_wait3A_514, %dma_wait3A_515] : memref<2000x16xf32, #tpu.memory_space<vmem>> -> memref<80x16xf32, #tpu.memory_space<vmem>>
      %dma_wait3A_517 = tpu.memref_slice %arg9[%mul3A_14] : memref<10000xi32, #tpu.memory_space<vmem>> -> memref<80xi32, #tpu.memory_space<vmem>>
      %dma_wait3A_518 = arith.constant 0 : i32
      %dma_wait3A_519 = arith.constant 0 : i32
      %dma_wait3A_520 = tpu.memref_slice %arg3[%dma_wait3A_518, %dma_wait3A_519] : memref<10000x16xf32, #tpu.memory_space<hbm>> -> memref<10000x16xf32, #tpu.memory_space<hbm>>
      tpu.wait_indirect_dma semaphore(%arg12 : memref<!tpu.dma_semaphore, #tpu.memory_space<semaphore_mem>>) src(%dma_wait3A_520 : memref<10000x16xf32, #tpu.memory_space<hbm>>) dst(%dma_wait3A_516 : memref<80x16xf32, #tpu.memory_space<vmem>>)
      %dma_wait3A_521 = arith.constant 80 : i32
      %dma_wait3A_522 = arith.constant 0 : i32
      %dma_wait3A_523 = tpu.memref_slice %arg10[%dma_wait3A_521, %dma_wait3A_522] : memref<2000x16xf32, #tpu.memory_space<vmem>> -> memref<80x16xf32, #tpu.memory_space<vmem>>
      %dma_wait3A_524 = tpu.memref_slice %arg8[%mul3A_33] : memref<10000xi32, #tpu.memory_space<vmem>> -> memref<80xi32, #tpu.memory_space<vmem>>
      %dma_wait3A_525 = arith.constant 0 : i32
      %dma_wait3A_526 = arith.constant 0 : i32
      %dma_wait3A_527 = tpu.memref_slice %arg2[%dma_wait3A_525, %dma_wait3A_526] : memref<10000x16xf32, #tpu.memory_space<hbm>> -> memref<10000x16xf32, #tpu.memory_space<hbm>>
      tpu.wait_indirect_dma semaphore(%arg12 : memref<!tpu.dma_semaphore, #tpu.memory_space<semaphore_mem>>) src(%dma_wait3A_527 : memref<10000x16xf32, #tpu.memory_space<hbm>>) dst(%dma_wait3A_523 : memref<80x16xf32, #tpu.memory_space<vmem>>)
      %dma_wait3A_528 = arith.constant 80 : i32
      %dma_wait3A_529 = arith.constant 0 : i32
      %dma_wait3A_530 = tpu.memref_slice %arg11[%dma_wait3A_528, %dma_wait3A_529] : memref<2000x16xf32, #tpu.memory_space<vmem>> -> memref<80x16xf32, #tpu.memory_space<vmem>>
      %dma_wait3A_531 = tpu.memref_slice %arg9[%mul3A_33] : memref<10000xi32, #tpu.memory_space<vmem>> -> memref<80xi32, #tpu.memory_space<vmem>>
      %dma_wait3A_532 = arith.constant 0 : i32
      %dma_wait3A_533 = arith.constant 0 : i32
      %dma_wait3A_534 = tpu.memref_slice %arg3[%dma_wait3A_532, %dma_wait3A_533] : memref<10000x16xf32, #tpu.memory_space<hbm>> -> memref<10000x16xf32, #tpu.memory_space<hbm>>
      tpu.wait_indirect_dma semaphore(%arg12 : memref<!tpu.dma_semaphore, #tpu.memory_space<semaphore_mem>>) src(%dma_wait3A_534 : memref<10000x16xf32, #tpu.memory_space<hbm>>) dst(%dma_wait3A_530 : memref<80x16xf32, #tpu.memory_space<vmem>>)
      %dma_wait3A_535 = arith.constant 160 : i32
      %dma_wait3A_536 = arith.constant 0 : i32
      %dma_wait3A_537 = tpu.memref_slice %arg10[%dma_wait3A_535, %dma_wait3A_536] : memref<2000x16xf32, #tpu.memory_space<vmem>> -> memref<80x16xf32, #tpu.memory_space<vmem>>
      %dma_wait3A_538 = tpu.memref_slice %arg8[%mul3A_53] : memref<10000xi32, #tpu.memory_space<vmem>> -> memref<80xi32, #tpu.memory_space<vmem>>
      %dma_wait3A_539 = arith.constant 0 : i32
      %dma_wait3A_540 = arith.constant 0 : i32
      %dma_wait3A_541 = tpu.memref_slice %arg2[%dma_wait3A_539, %dma_wait3A_540] : memref<10000x16xf32, #tpu.memory_space<hbm>> -> memref<10000x16xf32, #tpu.memory_space<hbm>>
      tpu.wait_indirect_dma semaphore(%arg12 : memref<!tpu.dma_semaphore, #tpu.memory_space<semaphore_mem>>) src(%dma_wait3A_541 : memref<10000x16xf32, #tpu.memory_space<hbm>>) dst(%dma_wait3A_537 : memref<80x16xf32, #tpu.memory_space<vmem>>)
      %dma_wait3A_542 = arith.constant 160 : i32
      %dma_wait3A_543 = arith.constant 0 : i32
      %dma_wait3A_544 = tpu.memref_slice %arg11[%dma_wait3A_542, %dma_wait3A_543] : memref<2000x16xf32, #tpu.memory_space<vmem>> -> memref<80x16xf32, #tpu.memory_space<vmem>>
      %dma_wait3A_545 = tpu.memref_slice %arg9[%mul3A_53] : memref<10000xi32, #tpu.memory_space<vmem>> -> memref<80xi32, #tpu.memory_space<vmem>>
      %dma_wait3A_546 = arith.constant 0 : i32
      %dma_wait3A_547 = arith.constant 0 : i32
      %dma_wait3A_548 = tpu.memref_slice %arg3[%dma_wait3A_546, %dma_wait3A_547] : memref<10000x16xf32, #tpu.memory_space<hbm>> -> memref<10000x16xf32, #tpu.memory_space<hbm>>
      tpu.wait_indirect_dma semaphore(%arg12 : memref<!tpu.dma_semaphore, #tpu.memory_space<semaphore_mem>>) src(%dma_wait3A_548 : memref<10000x16xf32, #tpu.memory_space<hbm>>) dst(%dma_wait3A_544 : memref<80x16xf32, #tpu.memory_space<vmem>>)
      %dma_wait3A_549 = arith.constant 240 : i32
      %dma_wait3A_550 = arith.constant 0 : i32
      %dma_wait3A_551 = tpu.memref_slice %arg10[%dma_wait3A_549, %dma_wait3A_550] : memref<2000x16xf32, #tpu.memory_space<vmem>> -> memref<80x16xf32, #tpu.memory_space<vmem>>
      %dma_wait3A_552 = tpu.memref_slice %arg8[%mul3A_73] : memref<10000xi32, #tpu.memory_space<vmem>> -> memref<80xi32, #tpu.memory_space<vmem>>
      %dma_wait3A_553 = arith.constant 0 : i32
      %dma_wait3A_554 = arith.constant 0 : i32
      %dma_wait3A_555 = tpu.memref_slice %arg2[%dma_wait3A_553, %dma_wait3A_554] : memref<10000x16xf32, #tpu.memory_space<hbm>> -> memref<10000x16xf32, #tpu.memory_space<hbm>>
      tpu.wait_indirect_dma semaphore(%arg12 : memref<!tpu.dma_semaphore, #tpu.memory_space<semaphore_mem>>) src(%dma_wait3A_555 : memref<10000x16xf32, #tpu.memory_space<hbm>>) dst(%dma_wait3A_551 : memref<80x16xf32, #tpu.memory_space<vmem>>)
      %dma_wait3A_556 = arith.constant 240 : i32
      %dma_wait3A_557 = arith.constant 0 : i32
      %dma_wait3A_558 = tpu.memref_slice %arg11[%dma_wait3A_556, %dma_wait3A_557] : memref<2000x16xf32, #tpu.memory_space<vmem>> -> memref<80x16xf32, #tpu.memory_space<vmem>>
      %dma_wait3A_559 = tpu.memref_slice %arg9[%mul3A_73] : memref<10000xi32, #tpu.memory_space<vmem>> -> memref<80xi32, #tpu.memory_space<vmem>>
      %dma_wait3A_560 = arith.constant 0 : i32
      %dma_wait3A_561 = arith.constant 0 : i32
      %dma_wait3A_562 = tpu.memref_slice %arg3[%dma_wait3A_560, %dma_wait3A_561] : memref<10000x16xf32, #tpu.memory_space<hbm>> -> memref<10000x16xf32, #tpu.memory_space<hbm>>
      tpu.wait_indirect_dma semaphore(%arg12 : memref<!tpu.dma_semaphore, #tpu.memory_space<semaphore_mem>>) src(%dma_wait3A_562 : memref<10000x16xf32, #tpu.memory_space<hbm>>) dst(%dma_wait3A_558 : memref<80x16xf32, #tpu.memory_space<vmem>>)
      %dma_wait3A_563 = arith.constant 320 : i32
      %dma_wait3A_564 = arith.constant 0 : i32
      %dma_wait3A_565 = tpu.memref_slice %arg10[%dma_wait3A_563, %dma_wait3A_564] : memref<2000x16xf32, #tpu.memory_space<vmem>> -> memref<80x16xf32, #tpu.memory_space<vmem>>
      %dma_wait3A_566 = tpu.memref_slice %arg8[%mul3A_93] : memref<10000xi32, #tpu.memory_space<vmem>> -> memref<80xi32, #tpu.memory_space<vmem>>
      %dma_wait3A_567 = arith.constant 0 : i32
      %dma_wait3A_568 = arith.constant 0 : i32
      %dma_wait3A_569 = tpu.memref_slice %arg2[%dma_wait3A_567, %dma_wait3A_568] : memref<10000x16xf32, #tpu.memory_space<hbm>> -> memref<10000x16xf32, #tpu.memory_space<hbm>>
      tpu.wait_indirect_dma semaphore(%arg12 : memref<!tpu.dma_semaphore, #tpu.memory_space<semaphore_mem>>) src(%dma_wait3A_569 : memref<10000x16xf32, #tpu.memory_space<hbm>>) dst(%dma_wait3A_565 : memref<80x16xf32, #tpu.memory_space<vmem>>)
      %dma_wait3A_570 = arith.constant 320 : i32
      %dma_wait3A_571 = arith.constant 0 : i32
      %dma_wait3A_572 = tpu.memref_slice %arg11[%dma_wait3A_570, %dma_wait3A_571] : memref<2000x16xf32, #tpu.memory_space<vmem>> -> memref<80x16xf32, #tpu.memory_space<vmem>>
      %dma_wait3A_573 = tpu.memref_slice %arg9[%mul3A_93] : memref<10000xi32, #tpu.memory_space<vmem>> -> memref<80xi32, #tpu.memory_space<vmem>>
      %dma_wait3A_574 = arith.constant 0 : i32
      %dma_wait3A_575 = arith.constant 0 : i32
      %dma_wait3A_576 = tpu.memref_slice %arg3[%dma_wait3A_574, %dma_wait3A_575] : memref<10000x16xf32, #tpu.memory_space<hbm>> -> memref<10000x16xf32, #tpu.memory_space<hbm>>
      tpu.wait_indirect_dma semaphore(%arg12 : memref<!tpu.dma_semaphore, #tpu.memory_space<semaphore_mem>>) src(%dma_wait3A_576 : memref<10000x16xf32, #tpu.memory_space<hbm>>) dst(%dma_wait3A_572 : memref<80x16xf32, #tpu.memory_space<vmem>>)
      %dma_wait3A_577 = arith.constant 400 : i32
      %dma_wait3A_578 = arith.constant 0 : i32
      %dma_wait3A_579 = tpu.memref_slice %arg10[%dma_wait3A_577, %dma_wait3A_578] : memref<2000x16xf32, #tpu.memory_space<vmem>> -> memref<80x16xf32, #tpu.memory_space<vmem>>
      %dma_wait3A_580 = tpu.memref_slice %arg8[%mul3A_113] : memref<10000xi32, #tpu.memory_space<vmem>> -> memref<80xi32, #tpu.memory_space<vmem>>
      %dma_wait3A_581 = arith.constant 0 : i32
      %dma_wait3A_582 = arith.constant 0 : i32
      %dma_wait3A_583 = tpu.memref_slice %arg2[%dma_wait3A_581, %dma_wait3A_582] : memref<10000x16xf32, #tpu.memory_space<hbm>> -> memref<10000x16xf32, #tpu.memory_space<hbm>>
      tpu.wait_indirect_dma semaphore(%arg12 : memref<!tpu.dma_semaphore, #tpu.memory_space<semaphore_mem>>) src(%dma_wait3A_583 : memref<10000x16xf32, #tpu.memory_space<hbm>>) dst(%dma_wait3A_579 : memref<80x16xf32, #tpu.memory_space<vmem>>)
      %dma_wait3A_584 = arith.constant 400 : i32
      %dma_wait3A_585 = arith.constant 0 : i32
      %dma_wait3A_586 = tpu.memref_slice %arg11[%dma_wait3A_584, %dma_wait3A_585] : memref<2000x16xf32, #tpu.memory_space<vmem>> -> memref<80x16xf32, #tpu.memory_space<vmem>>
      %dma_wait3A_587 = tpu.memref_slice %arg9[%mul3A_113] : memref<10000xi32, #tpu.memory_space<vmem>> -> memref<80xi32, #tpu.memory_space<vmem>>
      %dma_wait3A_588 = arith.constant 0 : i32
      %dma_wait3A_589 = arith.constant 0 : i32
      %dma_wait3A_590 = tpu.memref_slice %arg3[%dma_wait3A_588, %dma_wait3A_589] : memref<10000x16xf32, #tpu.memory_space<hbm>> -> memref<10000x16xf32, #tpu.memory_space<hbm>>
      tpu.wait_indirect_dma semaphore(%arg12 : memref<!tpu.dma_semaphore, #tpu.memory_space<semaphore_mem>>) src(%dma_wait3A_590 : memref<10000x16xf32, #tpu.memory_space<hbm>>) dst(%dma_wait3A_586 : memref<80x16xf32, #tpu.memory_space<vmem>>)
      %dma_wait3A_591 = arith.constant 480 : i32
      %dma_wait3A_592 = arith.constant 0 : i32
      %dma_wait3A_593 = tpu.memref_slice %arg10[%dma_wait3A_591, %dma_wait3A_592] : memref<2000x16xf32, #tpu.memory_space<vmem>> -> memref<80x16xf32, #tpu.memory_space<vmem>>
      %dma_wait3A_594 = tpu.memref_slice %arg8[%mul3A_133] : memref<10000xi32, #tpu.memory_space<vmem>> -> memref<80xi32, #tpu.memory_space<vmem>>
      %dma_wait3A_595 = arith.constant 0 : i32
      %dma_wait3A_596 = arith.constant 0 : i32
      %dma_wait3A_597 = tpu.memref_slice %arg2[%dma_wait3A_595, %dma_wait3A_596] : memref<10000x16xf32, #tpu.memory_space<hbm>> -> memref<10000x16xf32, #tpu.memory_space<hbm>>
      tpu.wait_indirect_dma semaphore(%arg12 : memref<!tpu.dma_semaphore, #tpu.memory_space<semaphore_mem>>) src(%dma_wait3A_597 : memref<10000x16xf32, #tpu.memory_space<hbm>>) dst(%dma_wait3A_593 : memref<80x16xf32, #tpu.memory_space<vmem>>)
      %dma_wait3A_598 = arith.constant 480 : i32
      %dma_wait3A_599 = arith.constant 0 : i32
      %dma_wait3A_600 = tpu.memref_slice %arg11[%dma_wait3A_598, %dma_wait3A_599] : memref<2000x16xf32, #tpu.memory_space<vmem>> -> memref<80x16xf32, #tpu.memory_space<vmem>>
      %dma_wait3A_601 = tpu.memref_slice %arg9[%mul3A_133] : memref<10000xi32, #tpu.memory_space<vmem>> -> memref<80xi32, #tpu.memory_space<vmem>>
      %dma_wait3A_602 = arith.constant 0 : i32
      %dma_wait3A_603 = arith.constant 0 : i32
      %dma_wait3A_604 = tpu.memref_slice %arg3[%dma_wait3A_602, %dma_wait3A_603] : memref<10000x16xf32, #tpu.memory_space<hbm>> -> memref<10000x16xf32, #tpu.memory_space<hbm>>
      tpu.wait_indirect_dma semaphore(%arg12 : memref<!tpu.dma_semaphore, #tpu.memory_space<semaphore_mem>>) src(%dma_wait3A_604 : memref<10000x16xf32, #tpu.memory_space<hbm>>) dst(%dma_wait3A_600 : memref<80x16xf32, #tpu.memory_space<vmem>>)
      %dma_wait3A_605 = arith.constant 560 : i32
      %dma_wait3A_606 = arith.constant 0 : i32
      %dma_wait3A_607 = tpu.memref_slice %arg10[%dma_wait3A_605, %dma_wait3A_606] : memref<2000x16xf32, #tpu.memory_space<vmem>> -> memref<80x16xf32, #tpu.memory_space<vmem>>
      %dma_wait3A_608 = tpu.memref_slice %arg8[%mul3A_153] : memref<10000xi32, #tpu.memory_space<vmem>> -> memref<80xi32, #tpu.memory_space<vmem>>
      %dma_wait3A_609 = arith.constant 0 : i32
      %dma_wait3A_610 = arith.constant 0 : i32
      %dma_wait3A_611 = tpu.memref_slice %arg2[%dma_wait3A_609, %dma_wait3A_610] : memref<10000x16xf32, #tpu.memory_space<hbm>> -> memref<10000x16xf32, #tpu.memory_space<hbm>>
      tpu.wait_indirect_dma semaphore(%arg12 : memref<!tpu.dma_semaphore, #tpu.memory_space<semaphore_mem>>) src(%dma_wait3A_611 : memref<10000x16xf32, #tpu.memory_space<hbm>>) dst(%dma_wait3A_607 : memref<80x16xf32, #tpu.memory_space<vmem>>)
      %dma_wait3A_612 = arith.constant 560 : i32
      %dma_wait3A_613 = arith.constant 0 : i32
      %dma_wait3A_614 = tpu.memref_slice %arg11[%dma_wait3A_612, %dma_wait3A_613] : memref<2000x16xf32, #tpu.memory_space<vmem>> -> memref<80x16xf32, #tpu.memory_space<vmem>>
      %dma_wait3A_615 = tpu.memref_slice %arg9[%mul3A_153] : memref<10000xi32, #tpu.memory_space<vmem>> -> memref<80xi32, #tpu.memory_space<vmem>>
      %dma_wait3A_616 = arith.constant 0 : i32
      %dma_wait3A_617 = arith.constant 0 : i32
      %dma_wait3A_618 = tpu.memref_slice %arg3[%dma_wait3A_616, %dma_wait3A_617] : memref<10000x16xf32, #tpu.memory_space<hbm>> -> memref<10000x16xf32, #tpu.memory_space<hbm>>
      tpu.wait_indirect_dma semaphore(%arg12 : memref<!tpu.dma_semaphore, #tpu.memory_space<semaphore_mem>>) src(%dma_wait3A_618 : memref<10000x16xf32, #tpu.memory_space<hbm>>) dst(%dma_wait3A_614 : memref<80x16xf32, #tpu.memory_space<vmem>>)
      %dma_wait3A_619 = arith.constant 640 : i32
      %dma_wait3A_620 = arith.constant 0 : i32
      %dma_wait3A_621 = tpu.memref_slice %arg10[%dma_wait3A_619, %dma_wait3A_620] : memref<2000x16xf32, #tpu.memory_space<vmem>> -> memref<80x16xf32, #tpu.memory_space<vmem>>
      %dma_wait3A_622 = tpu.memref_slice %arg8[%mul3A_173] : memref<10000xi32, #tpu.memory_space<vmem>> -> memref<80xi32, #tpu.memory_space<vmem>>
      %dma_wait3A_623 = arith.constant 0 : i32
      %dma_wait3A_624 = arith.constant 0 : i32
      %dma_wait3A_625 = tpu.memref_slice %arg2[%dma_wait3A_623, %dma_wait3A_624] : memref<10000x16xf32, #tpu.memory_space<hbm>> -> memref<10000x16xf32, #tpu.memory_space<hbm>>
      tpu.wait_indirect_dma semaphore(%arg12 : memref<!tpu.dma_semaphore, #tpu.memory_space<semaphore_mem>>) src(%dma_wait3A_625 : memref<10000x16xf32, #tpu.memory_space<hbm>>) dst(%dma_wait3A_621 : memref<80x16xf32, #tpu.memory_space<vmem>>)
      %dma_wait3A_626 = arith.constant 640 : i32
      %dma_wait3A_627 = arith.constant 0 : i32
      %dma_wait3A_628 = tpu.memref_slice %arg11[%dma_wait3A_626, %dma_wait3A_627] : memref<2000x16xf32, #tpu.memory_space<vmem>> -> memref<80x16xf32, #tpu.memory_space<vmem>>
      %dma_wait3A_629 = tpu.memref_slice %arg9[%mul3A_173] : memref<10000xi32, #tpu.memory_space<vmem>> -> memref<80xi32, #tpu.memory_space<vmem>>
      %dma_wait3A_630 = arith.constant 0 : i32
      %dma_wait3A_631 = arith.constant 0 : i32
      %dma_wait3A_632 = tpu.memref_slice %arg3[%dma_wait3A_630, %dma_wait3A_631] : memref<10000x16xf32, #tpu.memory_space<hbm>> -> memref<10000x16xf32, #tpu.memory_space<hbm>>
      tpu.wait_indirect_dma semaphore(%arg12 : memref<!tpu.dma_semaphore, #tpu.memory_space<semaphore_mem>>) src(%dma_wait3A_632 : memref<10000x16xf32, #tpu.memory_space<hbm>>) dst(%dma_wait3A_628 : memref<80x16xf32, #tpu.memory_space<vmem>>)
      %dma_wait3A_633 = arith.constant 720 : i32
      %dma_wait3A_634 = arith.constant 0 : i32
      %dma_wait3A_635 = tpu.memref_slice %arg10[%dma_wait3A_633, %dma_wait3A_634] : memref<2000x16xf32, #tpu.memory_space<vmem>> -> memref<80x16xf32, #tpu.memory_space<vmem>>
      %dma_wait3A_636 = tpu.memref_slice %arg8[%mul3A_193] : memref<10000xi32, #tpu.memory_space<vmem>> -> memref<80xi32, #tpu.memory_space<vmem>>
      %dma_wait3A_637 = arith.constant 0 : i32
      %dma_wait3A_638 = arith.constant 0 : i32
      %dma_wait3A_639 = tpu.memref_slice %arg2[%dma_wait3A_637, %dma_wait3A_638] : memref<10000x16xf32, #tpu.memory_space<hbm>> -> memref<10000x16xf32, #tpu.memory_space<hbm>>
      tpu.wait_indirect_dma semaphore(%arg12 : memref<!tpu.dma_semaphore, #tpu.memory_space<semaphore_mem>>) src(%dma_wait3A_639 : memref<10000x16xf32, #tpu.memory_space<hbm>>) dst(%dma_wait3A_635 : memref<80x16xf32, #tpu.memory_space<vmem>>)
      %dma_wait3A_640 = arith.constant 720 : i32
      %dma_wait3A_641 = arith.constant 0 : i32
      %dma_wait3A_642 = tpu.memref_slice %arg11[%dma_wait3A_640, %dma_wait3A_641] : memref<2000x16xf32, #tpu.memory_space<vmem>> -> memref<80x16xf32, #tpu.memory_space<vmem>>
      %dma_wait3A_643 = tpu.memref_slice %arg9[%mul3A_193] : memref<10000xi32, #tpu.memory_space<vmem>> -> memref<80xi32, #tpu.memory_space<vmem>>
      %dma_wait3A_644 = arith.constant 0 : i32
      %dma_wait3A_645 = arith.constant 0 : i32
      %dma_wait3A_646 = tpu.memref_slice %arg3[%dma_wait3A_644, %dma_wait3A_645] : memref<10000x16xf32, #tpu.memory_space<hbm>> -> memref<10000x16xf32, #tpu.memory_space<hbm>>
      tpu.wait_indirect_dma semaphore(%arg12 : memref<!tpu.dma_semaphore, #tpu.memory_space<semaphore_mem>>) src(%dma_wait3A_646 : memref<10000x16xf32, #tpu.memory_space<hbm>>) dst(%dma_wait3A_642 : memref<80x16xf32, #tpu.memory_space<vmem>>)
      %dma_wait3A_647 = arith.constant 800 : i32
      %dma_wait3A_648 = arith.constant 0 : i32
      %dma_wait3A_649 = tpu.memref_slice %arg10[%dma_wait3A_647, %dma_wait3A_648] : memref<2000x16xf32, #tpu.memory_space<vmem>> -> memref<80x16xf32, #tpu.memory_space<vmem>>
      %dma_wait3A_650 = tpu.memref_slice %arg8[%mul3A_213] : memref<10000xi32, #tpu.memory_space<vmem>> -> memref<80xi32, #tpu.memory_space<vmem>>
      %dma_wait3A_651 = arith.constant 0 : i32
      %dma_wait3A_652 = arith.constant 0 : i32
      %dma_wait3A_653 = tpu.memref_slice %arg2[%dma_wait3A_651, %dma_wait3A_652] : memref<10000x16xf32, #tpu.memory_space<hbm>> -> memref<10000x16xf32, #tpu.memory_space<hbm>>
      tpu.wait_indirect_dma semaphore(%arg12 : memref<!tpu.dma_semaphore, #tpu.memory_space<semaphore_mem>>) src(%dma_wait3A_653 : memref<10000x16xf32, #tpu.memory_space<hbm>>) dst(%dma_wait3A_649 : memref<80x16xf32, #tpu.memory_space<vmem>>)
      %dma_wait3A_654 = arith.constant 800 : i32
      %dma_wait3A_655 = arith.constant 0 : i32
      %dma_wait3A_656 = tpu.memref_slice %arg11[%dma_wait3A_654, %dma_wait3A_655] : memref<2000x16xf32, #tpu.memory_space<vmem>> -> memref<80x16xf32, #tpu.memory_space<vmem>>
      %dma_wait3A_657 = tpu.memref_slice %arg9[%mul3A_213] : memref<10000xi32, #tpu.memory_space<vmem>> -> memref<80xi32, #tpu.memory_space<vmem>>
      %dma_wait3A_658 = arith.constant 0 : i32
      %dma_wait3A_659 = arith.constant 0 : i32
      %dma_wait3A_660 = tpu.memref_slice %arg3[%dma_wait3A_658, %dma_wait3A_659] : memref<10000x16xf32, #tpu.memory_space<hbm>> -> memref<10000x16xf32, #tpu.memory_space<hbm>>
      tpu.wait_indirect_dma semaphore(%arg12 : memref<!tpu.dma_semaphore, #tpu.memory_space<semaphore_mem>>) src(%dma_wait3A_660 : memref<10000x16xf32, #tpu.memory_space<hbm>>) dst(%dma_wait3A_656 : memref<80x16xf32, #tpu.memory_space<vmem>>)
      %dma_wait3A_661 = arith.constant 880 : i32
      %dma_wait3A_662 = arith.constant 0 : i32
      %dma_wait3A_663 = tpu.memref_slice %arg10[%dma_wait3A_661, %dma_wait3A_662] : memref<2000x16xf32, #tpu.memory_space<vmem>> -> memref<80x16xf32, #tpu.memory_space<vmem>>
      %dma_wait3A_664 = tpu.memref_slice %arg8[%mul3A_233] : memref<10000xi32, #tpu.memory_space<vmem>> -> memref<80xi32, #tpu.memory_space<vmem>>
      %dma_wait3A_665 = arith.constant 0 : i32
      %dma_wait3A_666 = arith.constant 0 : i32
      %dma_wait3A_667 = tpu.memref_slice %arg2[%dma_wait3A_665, %dma_wait3A_666] : memref<10000x16xf32, #tpu.memory_space<hbm>> -> memref<10000x16xf32, #tpu.memory_space<hbm>>
      tpu.wait_indirect_dma semaphore(%arg12 : memref<!tpu.dma_semaphore, #tpu.memory_space<semaphore_mem>>) src(%dma_wait3A_667 : memref<10000x16xf32, #tpu.memory_space<hbm>>) dst(%dma_wait3A_663 : memref<80x16xf32, #tpu.memory_space<vmem>>)
      %dma_wait3A_668 = arith.constant 880 : i32
      %dma_wait3A_669 = arith.constant 0 : i32
      %dma_wait3A_670 = tpu.memref_slice %arg11[%dma_wait3A_668, %dma_wait3A_669] : memref<2000x16xf32, #tpu.memory_space<vmem>> -> memref<80x16xf32, #tpu.memory_space<vmem>>
      %dma_wait3A_671 = tpu.memref_slice %arg9[%mul3A_233] : memref<10000xi32, #tpu.memory_space<vmem>> -> memref<80xi32, #tpu.memory_space<vmem>>
      %dma_wait3A_672 = arith.constant 0 : i32
      %dma_wait3A_673 = arith.constant 0 : i32
      %dma_wait3A_674 = tpu.memref_slice %arg3[%dma_wait3A_672, %dma_wait3A_673] : memref<10000x16xf32, #tpu.memory_space<hbm>> -> memref<10000x16xf32, #tpu.memory_space<hbm>>
      tpu.wait_indirect_dma semaphore(%arg12 : memref<!tpu.dma_semaphore, #tpu.memory_space<semaphore_mem>>) src(%dma_wait3A_674 : memref<10000x16xf32, #tpu.memory_space<hbm>>) dst(%dma_wait3A_670 : memref<80x16xf32, #tpu.memory_space<vmem>>)
      %dma_wait3A_675 = arith.constant 960 : i32
      %dma_wait3A_676 = arith.constant 0 : i32
      %dma_wait3A_677 = tpu.memref_slice %arg10[%dma_wait3A_675, %dma_wait3A_676] : memref<2000x16xf32, #tpu.memory_space<vmem>> -> memref<80x16xf32, #tpu.memory_space<vmem>>
      %dma_wait3A_678 = tpu.memref_slice %arg8[%mul3A_253] : memref<10000xi32, #tpu.memory_space<vmem>> -> memref<80xi32, #tpu.memory_space<vmem>>
      %dma_wait3A_679 = arith.constant 0 : i32
      %dma_wait3A_680 = arith.constant 0 : i32
      %dma_wait3A_681 = tpu.memref_slice %arg2[%dma_wait3A_679, %dma_wait3A_680] : memref<10000x16xf32, #tpu.memory_space<hbm>> -> memref<10000x16xf32, #tpu.memory_space<hbm>>
      tpu.wait_indirect_dma semaphore(%arg12 : memref<!tpu.dma_semaphore, #tpu.memory_space<semaphore_mem>>) src(%dma_wait3A_681 : memref<10000x16xf32, #tpu.memory_space<hbm>>) dst(%dma_wait3A_677 : memref<80x16xf32, #tpu.memory_space<vmem>>)
      %dma_wait3A_682 = arith.constant 960 : i32
      %dma_wait3A_683 = arith.constant 0 : i32
      %dma_wait3A_684 = tpu.memref_slice %arg11[%dma_wait3A_682, %dma_wait3A_683] : memref<2000x16xf32, #tpu.memory_space<vmem>> -> memref<80x16xf32, #tpu.memory_space<vmem>>
      %dma_wait3A_685 = tpu.memref_slice %arg9[%mul3A_253] : memref<10000xi32, #tpu.memory_space<vmem>> -> memref<80xi32, #tpu.memory_space<vmem>>
      %dma_wait3A_686 = arith.constant 0 : i32
      %dma_wait3A_687 = arith.constant 0 : i32
      %dma_wait3A_688 = tpu.memref_slice %arg3[%dma_wait3A_686, %dma_wait3A_687] : memref<10000x16xf32, #tpu.memory_space<hbm>> -> memref<10000x16xf32, #tpu.memory_space<hbm>>
      tpu.wait_indirect_dma semaphore(%arg12 : memref<!tpu.dma_semaphore, #tpu.memory_space<semaphore_mem>>) src(%dma_wait3A_688 : memref<10000x16xf32, #tpu.memory_space<hbm>>) dst(%dma_wait3A_684 : memref<80x16xf32, #tpu.memory_space<vmem>>)
      %dma_wait3A_689 = arith.constant 1040 : i32
      %dma_wait3A_690 = arith.constant 0 : i32
      %dma_wait3A_691 = tpu.memref_slice %arg10[%dma_wait3A_689, %dma_wait3A_690] : memref<2000x16xf32, #tpu.memory_space<vmem>> -> memref<80x16xf32, #tpu.memory_space<vmem>>
      %dma_wait3A_692 = tpu.memref_slice %arg8[%mul3A_273] : memref<10000xi32, #tpu.memory_space<vmem>> -> memref<80xi32, #tpu.memory_space<vmem>>
      %dma_wait3A_693 = arith.constant 0 : i32
      %dma_wait3A_694 = arith.constant 0 : i32
      %dma_wait3A_695 = tpu.memref_slice %arg2[%dma_wait3A_693, %dma_wait3A_694] : memref<10000x16xf32, #tpu.memory_space<hbm>> -> memref<10000x16xf32, #tpu.memory_space<hbm>>
      tpu.wait_indirect_dma semaphore(%arg12 : memref<!tpu.dma_semaphore, #tpu.memory_space<semaphore_mem>>) src(%dma_wait3A_695 : memref<10000x16xf32, #tpu.memory_space<hbm>>) dst(%dma_wait3A_691 : memref<80x16xf32, #tpu.memory_space<vmem>>)
      %dma_wait3A_696 = arith.constant 1040 : i32
      %dma_wait3A_697 = arith.constant 0 : i32
      %dma_wait3A_698 = tpu.memref_slice %arg11[%dma_wait3A_696, %dma_wait3A_697] : memref<2000x16xf32, #tpu.memory_space<vmem>> -> memref<80x16xf32, #tpu.memory_space<vmem>>
      %dma_wait3A_699 = tpu.memref_slice %arg9[%mul3A_273] : memref<10000xi32, #tpu.memory_space<vmem>> -> memref<80xi32, #tpu.memory_space<vmem>>
      %dma_wait3A_700 = arith.constant 0 : i32
      %dma_wait3A_701 = arith.constant 0 : i32
      %dma_wait3A_702 = tpu.memref_slice %arg3[%dma_wait3A_700, %dma_wait3A_701] : memref<10000x16xf32, #tpu.memory_space<hbm>> -> memref<10000x16xf32, #tpu.memory_space<hbm>>
      tpu.wait_indirect_dma semaphore(%arg12 : memref<!tpu.dma_semaphore, #tpu.memory_space<semaphore_mem>>) src(%dma_wait3A_702 : memref<10000x16xf32, #tpu.memory_space<hbm>>) dst(%dma_wait3A_698 : memref<80x16xf32, #tpu.memory_space<vmem>>)
      %dma_wait3A_703 = arith.constant 1120 : i32
      %dma_wait3A_704 = arith.constant 0 : i32
      %dma_wait3A_705 = tpu.memref_slice %arg10[%dma_wait3A_703, %dma_wait3A_704] : memref<2000x16xf32, #tpu.memory_space<vmem>> -> memref<80x16xf32, #tpu.memory_space<vmem>>
      %dma_wait3A_706 = tpu.memref_slice %arg8[%mul3A_293] : memref<10000xi32, #tpu.memory_space<vmem>> -> memref<80xi32, #tpu.memory_space<vmem>>
      %dma_wait3A_707 = arith.constant 0 : i32
      %dma_wait3A_708 = arith.constant 0 : i32
      %dma_wait3A_709 = tpu.memref_slice %arg2[%dma_wait3A_707, %dma_wait3A_708] : memref<10000x16xf32, #tpu.memory_space<hbm>> -> memref<10000x16xf32, #tpu.memory_space<hbm>>
      tpu.wait_indirect_dma semaphore(%arg12 : memref<!tpu.dma_semaphore, #tpu.memory_space<semaphore_mem>>) src(%dma_wait3A_709 : memref<10000x16xf32, #tpu.memory_space<hbm>>) dst(%dma_wait3A_705 : memref<80x16xf32, #tpu.memory_space<vmem>>)
      %dma_wait3A_710 = arith.constant 1120 : i32
      %dma_wait3A_711 = arith.constant 0 : i32
      %dma_wait3A_712 = tpu.memref_slice %arg11[%dma_wait3A_710, %dma_wait3A_711] : memref<2000x16xf32, #tpu.memory_space<vmem>> -> memref<80x16xf32, #tpu.memory_space<vmem>>
      %dma_wait3A_713 = tpu.memref_slice %arg9[%mul3A_293] : memref<10000xi32, #tpu.memory_space<vmem>> -> memref<80xi32, #tpu.memory_space<vmem>>
      %dma_wait3A_714 = arith.constant 0 : i32
      %dma_wait3A_715 = arith.constant 0 : i32
      %dma_wait3A_716 = tpu.memref_slice %arg3[%dma_wait3A_714, %dma_wait3A_715] : memref<10000x16xf32, #tpu.memory_space<hbm>> -> memref<10000x16xf32, #tpu.memory_space<hbm>>
      tpu.wait_indirect_dma semaphore(%arg12 : memref<!tpu.dma_semaphore, #tpu.memory_space<semaphore_mem>>) src(%dma_wait3A_716 : memref<10000x16xf32, #tpu.memory_space<hbm>>) dst(%dma_wait3A_712 : memref<80x16xf32, #tpu.memory_space<vmem>>)
      %dma_wait3A_717 = arith.constant 1200 : i32
      %dma_wait3A_718 = arith.constant 0 : i32
      %dma_wait3A_719 = tpu.memref_slice %arg10[%dma_wait3A_717, %dma_wait3A_718] : memref<2000x16xf32, #tpu.memory_space<vmem>> -> memref<80x16xf32, #tpu.memory_space<vmem>>
      %dma_wait3A_720 = tpu.memref_slice %arg8[%mul3A_313] : memref<10000xi32, #tpu.memory_space<vmem>> -> memref<80xi32, #tpu.memory_space<vmem>>
      %dma_wait3A_721 = arith.constant 0 : i32
      %dma_wait3A_722 = arith.constant 0 : i32
      %dma_wait3A_723 = tpu.memref_slice %arg2[%dma_wait3A_721, %dma_wait3A_722] : memref<10000x16xf32, #tpu.memory_space<hbm>> -> memref<10000x16xf32, #tpu.memory_space<hbm>>
      tpu.wait_indirect_dma semaphore(%arg12 : memref<!tpu.dma_semaphore, #tpu.memory_space<semaphore_mem>>) src(%dma_wait3A_723 : memref<10000x16xf32, #tpu.memory_space<hbm>>) dst(%dma_wait3A_719 : memref<80x16xf32, #tpu.memory_space<vmem>>)
      %dma_wait3A_724 = arith.constant 1200 : i32
      %dma_wait3A_725 = arith.constant 0 : i32
      %dma_wait3A_726 = tpu.memref_slice %arg11[%dma_wait3A_724, %dma_wait3A_725] : memref<2000x16xf32, #tpu.memory_space<vmem>> -> memref<80x16xf32, #tpu.memory_space<vmem>>
      %dma_wait3A_727 = tpu.memref_slice %arg9[%mul3A_313] : memref<10000xi32, #tpu.memory_space<vmem>> -> memref<80xi32, #tpu.memory_space<vmem>>
      %dma_wait3A_728 = arith.constant 0 : i32
      %dma_wait3A_729 = arith.constant 0 : i32
      %dma_wait3A_730 = tpu.memref_slice %arg3[%dma_wait3A_728, %dma_wait3A_729] : memref<10000x16xf32, #tpu.memory_space<hbm>> -> memref<10000x16xf32, #tpu.memory_space<hbm>>
      tpu.wait_indirect_dma semaphore(%arg12 : memref<!tpu.dma_semaphore, #tpu.memory_space<semaphore_mem>>) src(%dma_wait3A_730 : memref<10000x16xf32, #tpu.memory_space<hbm>>) dst(%dma_wait3A_726 : memref<80x16xf32, #tpu.memory_space<vmem>>)
      %dma_wait3A_731 = arith.constant 1280 : i32
      %dma_wait3A_732 = arith.constant 0 : i32
      %dma_wait3A_733 = tpu.memref_slice %arg10[%dma_wait3A_731, %dma_wait3A_732] : memref<2000x16xf32, #tpu.memory_space<vmem>> -> memref<80x16xf32, #tpu.memory_space<vmem>>
      %dma_wait3A_734 = tpu.memref_slice %arg8[%mul3A_333] : memref<10000xi32, #tpu.memory_space<vmem>> -> memref<80xi32, #tpu.memory_space<vmem>>
      %dma_wait3A_735 = arith.constant 0 : i32
      %dma_wait3A_736 = arith.constant 0 : i32
      %dma_wait3A_737 = tpu.memref_slice %arg2[%dma_wait3A_735, %dma_wait3A_736] : memref<10000x16xf32, #tpu.memory_space<hbm>> -> memref<10000x16xf32, #tpu.memory_space<hbm>>
      tpu.wait_indirect_dma semaphore(%arg12 : memref<!tpu.dma_semaphore, #tpu.memory_space<semaphore_mem>>) src(%dma_wait3A_737 : memref<10000x16xf32, #tpu.memory_space<hbm>>) dst(%dma_wait3A_733 : memref<80x16xf32, #tpu.memory_space<vmem>>)
      %dma_wait3A_738 = arith.constant 1280 : i32
      %dma_wait3A_739 = arith.constant 0 : i32
      %dma_wait3A_740 = tpu.memref_slice %arg11[%dma_wait3A_738, %dma_wait3A_739] : memref<2000x16xf32, #tpu.memory_space<vmem>> -> memref<80x16xf32, #tpu.memory_space<vmem>>
      %dma_wait3A_741 = tpu.memref_slice %arg9[%mul3A_333] : memref<10000xi32, #tpu.memory_space<vmem>> -> memref<80xi32, #tpu.memory_space<vmem>>
      %dma_wait3A_742 = arith.constant 0 : i32
      %dma_wait3A_743 = arith.constant 0 : i32
      %dma_wait3A_744 = tpu.memref_slice %arg3[%dma_wait3A_742, %dma_wait3A_743] : memref<10000x16xf32, #tpu.memory_space<hbm>> -> memref<10000x16xf32, #tpu.memory_space<hbm>>
      tpu.wait_indirect_dma semaphore(%arg12 : memref<!tpu.dma_semaphore, #tpu.memory_space<semaphore_mem>>) src(%dma_wait3A_744 : memref<10000x16xf32, #tpu.memory_space<hbm>>) dst(%dma_wait3A_740 : memref<80x16xf32, #tpu.memory_space<vmem>>)
      %dma_wait3A_745 = arith.constant 1360 : i32
      %dma_wait3A_746 = arith.constant 0 : i32
      %dma_wait3A_747 = tpu.memref_slice %arg10[%dma_wait3A_745, %dma_wait3A_746] : memref<2000x16xf32, #tpu.memory_space<vmem>> -> memref<80x16xf32, #tpu.memory_space<vmem>>
      %dma_wait3A_748 = tpu.memref_slice %arg8[%mul3A_353] : memref<10000xi32, #tpu.memory_space<vmem>> -> memref<80xi32, #tpu.memory_space<vmem>>
      %dma_wait3A_749 = arith.constant 0 : i32
      %dma_wait3A_750 = arith.constant 0 : i32
      %dma_wait3A_751 = tpu.memref_slice %arg2[%dma_wait3A_749, %dma_wait3A_750] : memref<10000x16xf32, #tpu.memory_space<hbm>> -> memref<10000x16xf32, #tpu.memory_space<hbm>>
      tpu.wait_indirect_dma semaphore(%arg12 : memref<!tpu.dma_semaphore, #tpu.memory_space<semaphore_mem>>) src(%dma_wait3A_751 : memref<10000x16xf32, #tpu.memory_space<hbm>>) dst(%dma_wait3A_747 : memref<80x16xf32, #tpu.memory_space<vmem>>)
      %dma_wait3A_752 = arith.constant 1360 : i32
      %dma_wait3A_753 = arith.constant 0 : i32
      %dma_wait3A_754 = tpu.memref_slice %arg11[%dma_wait3A_752, %dma_wait3A_753] : memref<2000x16xf32, #tpu.memory_space<vmem>> -> memref<80x16xf32, #tpu.memory_space<vmem>>
      %dma_wait3A_755 = tpu.memref_slice %arg9[%mul3A_353] : memref<10000xi32, #tpu.memory_space<vmem>> -> memref<80xi32, #tpu.memory_space<vmem>>
      %dma_wait3A_756 = arith.constant 0 : i32
      %dma_wait3A_757 = arith.constant 0 : i32
      %dma_wait3A_758 = tpu.memref_slice %arg3[%dma_wait3A_756, %dma_wait3A_757] : memref<10000x16xf32, #tpu.memory_space<hbm>> -> memref<10000x16xf32, #tpu.memory_space<hbm>>
      tpu.wait_indirect_dma semaphore(%arg12 : memref<!tpu.dma_semaphore, #tpu.memory_space<semaphore_mem>>) src(%dma_wait3A_758 : memref<10000x16xf32, #tpu.memory_space<hbm>>) dst(%dma_wait3A_754 : memref<80x16xf32, #tpu.memory_space<vmem>>)
      %dma_wait3A_759 = arith.constant 1440 : i32
      %dma_wait3A_760 = arith.constant 0 : i32
      %dma_wait3A_761 = tpu.memref_slice %arg10[%dma_wait3A_759, %dma_wait3A_760] : memref<2000x16xf32, #tpu.memory_space<vmem>> -> memref<80x16xf32, #tpu.memory_space<vmem>>
      %dma_wait3A_762 = tpu.memref_slice %arg8[%mul3A_373] : memref<10000xi32, #tpu.memory_space<vmem>> -> memref<80xi32, #tpu.memory_space<vmem>>
      %dma_wait3A_763 = arith.constant 0 : i32
      %dma_wait3A_764 = arith.constant 0 : i32
      %dma_wait3A_765 = tpu.memref_slice %arg2[%dma_wait3A_763, %dma_wait3A_764] : memref<10000x16xf32, #tpu.memory_space<hbm>> -> memref<10000x16xf32, #tpu.memory_space<hbm>>
      tpu.wait_indirect_dma semaphore(%arg12 : memref<!tpu.dma_semaphore, #tpu.memory_space<semaphore_mem>>) src(%dma_wait3A_765 : memref<10000x16xf32, #tpu.memory_space<hbm>>) dst(%dma_wait3A_761 : memref<80x16xf32, #tpu.memory_space<vmem>>)
      %dma_wait3A_766 = arith.constant 1440 : i32
      %dma_wait3A_767 = arith.constant 0 : i32
      %dma_wait3A_768 = tpu.memref_slice %arg11[%dma_wait3A_766, %dma_wait3A_767] : memref<2000x16xf32, #tpu.memory_space<vmem>> -> memref<80x16xf32, #tpu.memory_space<vmem>>
      %dma_wait3A_769 = tpu.memref_slice %arg9[%mul3A_373] : memref<10000xi32, #tpu.memory_space<vmem>> -> memref<80xi32, #tpu.memory_space<vmem>>
      %dma_wait3A_770 = arith.constant 0 : i32
      %dma_wait3A_771 = arith.constant 0 : i32
      %dma_wait3A_772 = tpu.memref_slice %arg3[%dma_wait3A_770, %dma_wait3A_771] : memref<10000x16xf32, #tpu.memory_space<hbm>> -> memref<10000x16xf32, #tpu.memory_space<hbm>>
      tpu.wait_indirect_dma semaphore(%arg12 : memref<!tpu.dma_semaphore, #tpu.memory_space<semaphore_mem>>) src(%dma_wait3A_772 : memref<10000x16xf32, #tpu.memory_space<hbm>>) dst(%dma_wait3A_768 : memref<80x16xf32, #tpu.memory_space<vmem>>)
      %dma_wait3A_773 = arith.constant 1520 : i32
      %dma_wait3A_774 = arith.constant 0 : i32
      %dma_wait3A_775 = tpu.memref_slice %arg10[%dma_wait3A_773, %dma_wait3A_774] : memref<2000x16xf32, #tpu.memory_space<vmem>> -> memref<80x16xf32, #tpu.memory_space<vmem>>
      %dma_wait3A_776 = tpu.memref_slice %arg8[%mul3A_393] : memref<10000xi32, #tpu.memory_space<vmem>> -> memref<80xi32, #tpu.memory_space<vmem>>
      %dma_wait3A_777 = arith.constant 0 : i32
      %dma_wait3A_778 = arith.constant 0 : i32
      %dma_wait3A_779 = tpu.memref_slice %arg2[%dma_wait3A_777, %dma_wait3A_778] : memref<10000x16xf32, #tpu.memory_space<hbm>> -> memref<10000x16xf32, #tpu.memory_space<hbm>>
      tpu.wait_indirect_dma semaphore(%arg12 : memref<!tpu.dma_semaphore, #tpu.memory_space<semaphore_mem>>) src(%dma_wait3A_779 : memref<10000x16xf32, #tpu.memory_space<hbm>>) dst(%dma_wait3A_775 : memref<80x16xf32, #tpu.memory_space<vmem>>)
      %dma_wait3A_780 = arith.constant 1520 : i32
      %dma_wait3A_781 = arith.constant 0 : i32
      %dma_wait3A_782 = tpu.memref_slice %arg11[%dma_wait3A_780, %dma_wait3A_781] : memref<2000x16xf32, #tpu.memory_space<vmem>> -> memref<80x16xf32, #tpu.memory_space<vmem>>
      %dma_wait3A_783 = tpu.memref_slice %arg9[%mul3A_393] : memref<10000xi32, #tpu.memory_space<vmem>> -> memref<80xi32, #tpu.memory_space<vmem>>
      %dma_wait3A_784 = arith.constant 0 : i32
      %dma_wait3A_785 = arith.constant 0 : i32
      %dma_wait3A_786 = tpu.memref_slice %arg3[%dma_wait3A_784, %dma_wait3A_785] : memref<10000x16xf32, #tpu.memory_space<hbm>> -> memref<10000x16xf32, #tpu.memory_space<hbm>>
      tpu.wait_indirect_dma semaphore(%arg12 : memref<!tpu.dma_semaphore, #tpu.memory_space<semaphore_mem>>) src(%dma_wait3A_786 : memref<10000x16xf32, #tpu.memory_space<hbm>>) dst(%dma_wait3A_782 : memref<80x16xf32, #tpu.memory_space<vmem>>)
      %dma_wait3A_787 = arith.constant 1600 : i32
      %dma_wait3A_788 = arith.constant 0 : i32
      %dma_wait3A_789 = tpu.memref_slice %arg10[%dma_wait3A_787, %dma_wait3A_788] : memref<2000x16xf32, #tpu.memory_space<vmem>> -> memref<80x16xf32, #tpu.memory_space<vmem>>
      %dma_wait3A_790 = tpu.memref_slice %arg8[%mul3A_413] : memref<10000xi32, #tpu.memory_space<vmem>> -> memref<80xi32, #tpu.memory_space<vmem>>
      %dma_wait3A_791 = arith.constant 0 : i32
      %dma_wait3A_792 = arith.constant 0 : i32
      %dma_wait3A_793 = tpu.memref_slice %arg2[%dma_wait3A_791, %dma_wait3A_792] : memref<10000x16xf32, #tpu.memory_space<hbm>> -> memref<10000x16xf32, #tpu.memory_space<hbm>>
      tpu.wait_indirect_dma semaphore(%arg12 : memref<!tpu.dma_semaphore, #tpu.memory_space<semaphore_mem>>) src(%dma_wait3A_793 : memref<10000x16xf32, #tpu.memory_space<hbm>>) dst(%dma_wait3A_789 : memref<80x16xf32, #tpu.memory_space<vmem>>)
      %dma_wait3A_794 = arith.constant 1600 : i32
      %dma_wait3A_795 = arith.constant 0 : i32
      %dma_wait3A_796 = tpu.memref_slice %arg11[%dma_wait3A_794, %dma_wait3A_795] : memref<2000x16xf32, #tpu.memory_space<vmem>> -> memref<80x16xf32, #tpu.memory_space<vmem>>
      %dma_wait3A_797 = tpu.memref_slice %arg9[%mul3A_413] : memref<10000xi32, #tpu.memory_space<vmem>> -> memref<80xi32, #tpu.memory_space<vmem>>
      %dma_wait3A_798 = arith.constant 0 : i32
      %dma_wait3A_799 = arith.constant 0 : i32
      %dma_wait3A_800 = tpu.memref_slice %arg3[%dma_wait3A_798, %dma_wait3A_799] : memref<10000x16xf32, #tpu.memory_space<hbm>> -> memref<10000x16xf32, #tpu.memory_space<hbm>>
      tpu.wait_indirect_dma semaphore(%arg12 : memref<!tpu.dma_semaphore, #tpu.memory_space<semaphore_mem>>) src(%dma_wait3A_800 : memref<10000x16xf32, #tpu.memory_space<hbm>>) dst(%dma_wait3A_796 : memref<80x16xf32, #tpu.memory_space<vmem>>)
      %dma_wait3A_801 = arith.constant 1680 : i32
      %dma_wait3A_802 = arith.constant 0 : i32
      %dma_wait3A_803 = tpu.memref_slice %arg10[%dma_wait3A_801, %dma_wait3A_802] : memref<2000x16xf32, #tpu.memory_space<vmem>> -> memref<80x16xf32, #tpu.memory_space<vmem>>
      %dma_wait3A_804 = tpu.memref_slice %arg8[%mul3A_433] : memref<10000xi32, #tpu.memory_space<vmem>> -> memref<80xi32, #tpu.memory_space<vmem>>
      %dma_wait3A_805 = arith.constant 0 : i32
      %dma_wait3A_806 = arith.constant 0 : i32
      %dma_wait3A_807 = tpu.memref_slice %arg2[%dma_wait3A_805, %dma_wait3A_806] : memref<10000x16xf32, #tpu.memory_space<hbm>> -> memref<10000x16xf32, #tpu.memory_space<hbm>>
      tpu.wait_indirect_dma semaphore(%arg12 : memref<!tpu.dma_semaphore, #tpu.memory_space<semaphore_mem>>) src(%dma_wait3A_807 : memref<10000x16xf32, #tpu.memory_space<hbm>>) dst(%dma_wait3A_803 : memref<80x16xf32, #tpu.memory_space<vmem>>)
      %dma_wait3A_808 = arith.constant 1680 : i32
      %dma_wait3A_809 = arith.constant 0 : i32
      %dma_wait3A_810 = tpu.memref_slice %arg11[%dma_wait3A_808, %dma_wait3A_809] : memref<2000x16xf32, #tpu.memory_space<vmem>> -> memref<80x16xf32, #tpu.memory_space<vmem>>
      %dma_wait3A_811 = tpu.memref_slice %arg9[%mul3A_433] : memref<10000xi32, #tpu.memory_space<vmem>> -> memref<80xi32, #tpu.memory_space<vmem>>
      %dma_wait3A_812 = arith.constant 0 : i32
      %dma_wait3A_813 = arith.constant 0 : i32
      %dma_wait3A_814 = tpu.memref_slice %arg3[%dma_wait3A_812, %dma_wait3A_813] : memref<10000x16xf32, #tpu.memory_space<hbm>> -> memref<10000x16xf32, #tpu.memory_space<hbm>>
      tpu.wait_indirect_dma semaphore(%arg12 : memref<!tpu.dma_semaphore, #tpu.memory_space<semaphore_mem>>) src(%dma_wait3A_814 : memref<10000x16xf32, #tpu.memory_space<hbm>>) dst(%dma_wait3A_810 : memref<80x16xf32, #tpu.memory_space<vmem>>)
      %dma_wait3A_815 = arith.constant 1760 : i32
      %dma_wait3A_816 = arith.constant 0 : i32
      %dma_wait3A_817 = tpu.memref_slice %arg10[%dma_wait3A_815, %dma_wait3A_816] : memref<2000x16xf32, #tpu.memory_space<vmem>> -> memref<80x16xf32, #tpu.memory_space<vmem>>
      %dma_wait3A_818 = tpu.memref_slice %arg8[%mul3A_453] : memref<10000xi32, #tpu.memory_space<vmem>> -> memref<80xi32, #tpu.memory_space<vmem>>
      %dma_wait3A_819 = arith.constant 0 : i32
      %dma_wait3A_820 = arith.constant 0 : i32
      %dma_wait3A_821 = tpu.memref_slice %arg2[%dma_wait3A_819, %dma_wait3A_820] : memref<10000x16xf32, #tpu.memory_space<hbm>> -> memref<10000x16xf32, #tpu.memory_space<hbm>>
      tpu.wait_indirect_dma semaphore(%arg12 : memref<!tpu.dma_semaphore, #tpu.memory_space<semaphore_mem>>) src(%dma_wait3A_821 : memref<10000x16xf32, #tpu.memory_space<hbm>>) dst(%dma_wait3A_817 : memref<80x16xf32, #tpu.memory_space<vmem>>)
      %dma_wait3A_822 = arith.constant 1760 : i32
      %dma_wait3A_823 = arith.constant 0 : i32
      %dma_wait3A_824 = tpu.memref_slice %arg11[%dma_wait3A_822, %dma_wait3A_823] : memref<2000x16xf32, #tpu.memory_space<vmem>> -> memref<80x16xf32, #tpu.memory_space<vmem>>
      %dma_wait3A_825 = tpu.memref_slice %arg9[%mul3A_453] : memref<10000xi32, #tpu.memory_space<vmem>> -> memref<80xi32, #tpu.memory_space<vmem>>
      %dma_wait3A_826 = arith.constant 0 : i32
      %dma_wait3A_827 = arith.constant 0 : i32
      %dma_wait3A_828 = tpu.memref_slice %arg3[%dma_wait3A_826, %dma_wait3A_827] : memref<10000x16xf32, #tpu.memory_space<hbm>> -> memref<10000x16xf32, #tpu.memory_space<hbm>>
      tpu.wait_indirect_dma semaphore(%arg12 : memref<!tpu.dma_semaphore, #tpu.memory_space<semaphore_mem>>) src(%dma_wait3A_828 : memref<10000x16xf32, #tpu.memory_space<hbm>>) dst(%dma_wait3A_824 : memref<80x16xf32, #tpu.memory_space<vmem>>)
      %dma_wait3A_829 = arith.constant 1840 : i32
      %dma_wait3A_830 = arith.constant 0 : i32
      %dma_wait3A_831 = tpu.memref_slice %arg10[%dma_wait3A_829, %dma_wait3A_830] : memref<2000x16xf32, #tpu.memory_space<vmem>> -> memref<80x16xf32, #tpu.memory_space<vmem>>
      %dma_wait3A_832 = tpu.memref_slice %arg8[%mul3A_473] : memref<10000xi32, #tpu.memory_space<vmem>> -> memref<80xi32, #tpu.memory_space<vmem>>
      %dma_wait3A_833 = arith.constant 0 : i32
      %dma_wait3A_834 = arith.constant 0 : i32
      %dma_wait3A_835 = tpu.memref_slice %arg2[%dma_wait3A_833, %dma_wait3A_834] : memref<10000x16xf32, #tpu.memory_space<hbm>> -> memref<10000x16xf32, #tpu.memory_space<hbm>>
      tpu.wait_indirect_dma semaphore(%arg12 : memref<!tpu.dma_semaphore, #tpu.memory_space<semaphore_mem>>) src(%dma_wait3A_835 : memref<10000x16xf32, #tpu.memory_space<hbm>>) dst(%dma_wait3A_831 : memref<80x16xf32, #tpu.memory_space<vmem>>)
      %dma_wait3A_836 = arith.constant 1840 : i32
      %dma_wait3A_837 = arith.constant 0 : i32
      %dma_wait3A_838 = tpu.memref_slice %arg11[%dma_wait3A_836, %dma_wait3A_837] : memref<2000x16xf32, #tpu.memory_space<vmem>> -> memref<80x16xf32, #tpu.memory_space<vmem>>
      %dma_wait3A_839 = tpu.memref_slice %arg9[%mul3A_473] : memref<10000xi32, #tpu.memory_space<vmem>> -> memref<80xi32, #tpu.memory_space<vmem>>
      %dma_wait3A_840 = arith.constant 0 : i32
      %dma_wait3A_841 = arith.constant 0 : i32
      %dma_wait3A_842 = tpu.memref_slice %arg3[%dma_wait3A_840, %dma_wait3A_841] : memref<10000x16xf32, #tpu.memory_space<hbm>> -> memref<10000x16xf32, #tpu.memory_space<hbm>>
      tpu.wait_indirect_dma semaphore(%arg12 : memref<!tpu.dma_semaphore, #tpu.memory_space<semaphore_mem>>) src(%dma_wait3A_842 : memref<10000x16xf32, #tpu.memory_space<hbm>>) dst(%dma_wait3A_838 : memref<80x16xf32, #tpu.memory_space<vmem>>)
      %dma_wait3A_843 = arith.constant 1920 : i32
      %dma_wait3A_844 = arith.constant 0 : i32
      %dma_wait3A_845 = tpu.memref_slice %arg10[%dma_wait3A_843, %dma_wait3A_844] : memref<2000x16xf32, #tpu.memory_space<vmem>> -> memref<80x16xf32, #tpu.memory_space<vmem>>
      %dma_wait3A_846 = tpu.memref_slice %arg8[%mul3A_493] : memref<10000xi32, #tpu.memory_space<vmem>> -> memref<80xi32, #tpu.memory_space<vmem>>
      %dma_wait3A_847 = arith.constant 0 : i32
      %dma_wait3A_848 = arith.constant 0 : i32
      %dma_wait3A_849 = tpu.memref_slice %arg2[%dma_wait3A_847, %dma_wait3A_848] : memref<10000x16xf32, #tpu.memory_space<hbm>> -> memref<10000x16xf32, #tpu.memory_space<hbm>>
      tpu.wait_indirect_dma semaphore(%arg12 : memref<!tpu.dma_semaphore, #tpu.memory_space<semaphore_mem>>) src(%dma_wait3A_849 : memref<10000x16xf32, #tpu.memory_space<hbm>>) dst(%dma_wait3A_845 : memref<80x16xf32, #tpu.memory_space<vmem>>)
      %dma_wait3A_850 = arith.constant 1920 : i32
      %dma_wait3A_851 = arith.constant 0 : i32
      %dma_wait3A_852 = tpu.memref_slice %arg11[%dma_wait3A_850, %dma_wait3A_851] : memref<2000x16xf32, #tpu.memory_space<vmem>> -> memref<80x16xf32, #tpu.memory_space<vmem>>
      %dma_wait3A_853 = tpu.memref_slice %arg9[%mul3A_493] : memref<10000xi32, #tpu.memory_space<vmem>> -> memref<80xi32, #tpu.memory_space<vmem>>
      %dma_wait3A_854 = arith.constant 0 : i32
      %dma_wait3A_855 = arith.constant 0 : i32
      %dma_wait3A_856 = tpu.memref_slice %arg3[%dma_wait3A_854, %dma_wait3A_855] : memref<10000x16xf32, #tpu.memory_space<hbm>> -> memref<10000x16xf32, #tpu.memory_space<hbm>>
      tpu.wait_indirect_dma semaphore(%arg12 : memref<!tpu.dma_semaphore, #tpu.memory_space<semaphore_mem>>) src(%dma_wait3A_856 : memref<10000x16xf32, #tpu.memory_space<hbm>>) dst(%dma_wait3A_852 : memref<80x16xf32, #tpu.memory_space<vmem>>)
      %mul3A_857 = arith.constant 2000 : i32
      %mul3A_858 = arith.muli %scan3A_8, %mul3A_857 : i32
      %add3A_859 = arith.addi %mul3A_2, %mul3A_858 : i32
      "tpu.region"() ({
        %run_scoped3A = tpu.sem_alloc : memref<!tpu.dma_semaphore, #tpu.memory_space<semaphore_mem>>
        %dma_start3A_863 = arith.constant 0 : i32
        %dma_start3A_864 = tpu.memref_slice %arg6[%add3A_859, %dma_start3A_863] : memref<320000x16xf32, #tpu.memory_space<hbm>> -> memref<2000x16xf32, #tpu.memory_space<hbm>>
        %dma_start3A_865 = arith.constant 0 : i32
        %dma_start3A_866 = tpu.memref_slice %arg6[%add3A_859, %dma_start3A_865] : memref<320000x16xf32, #tpu.memory_space<hbm>> -> memref<2000x16xf32, #tpu.memory_space<hbm>>
        tpu.enqueue_dma source(%arg10 : memref<2000x16xf32, #tpu.memory_space<vmem>>) target(%dma_start3A_866 : memref<2000x16xf32, #tpu.memory_space<hbm>>) target_semaphore(%run_scoped3A : memref<!tpu.dma_semaphore, #tpu.memory_space<semaphore_mem>>)
        %dma_wait3A_867 = arith.constant 0 : i32
        %dma_wait3A_868 = tpu.memref_slice %arg6[%add3A_859, %dma_wait3A_867] : memref<320000x16xf32, #tpu.memory_space<hbm>> -> memref<2000x16xf32, #tpu.memory_space<hbm>>
        %dma_wait3A_869 = arith.constant 0 : i32
        %dma_wait3A_870 = tpu.memref_slice %arg6[%add3A_859, %dma_wait3A_869] : memref<320000x16xf32, #tpu.memory_space<hbm>> -> memref<2000x16xf32, #tpu.memory_space<hbm>>
        tpu.wait_dma2 semaphore(%run_scoped3A : memref<!tpu.dma_semaphore, #tpu.memory_space<semaphore_mem>>) src(%arg10 : memref<2000x16xf32, #tpu.memory_space<vmem>>) dst(%dma_wait3A_870 : memref<2000x16xf32, #tpu.memory_space<hbm>>)
        tpu.yield
      }) : () -> ()
      %mul3A_860 = arith.constant 2000 : i32
      %mul3A_861 = arith.muli %scan3A_8, %mul3A_860 : i32
      %add3A_862 = arith.addi %mul3A_2, %mul3A_861 : i32
      "tpu.region"() ({
        %run_scoped3A = tpu.sem_alloc : memref<!tpu.dma_semaphore, #tpu.memory_space<semaphore_mem>>
        %dma_start3A_863 = arith.constant 0 : i32
        %dma_start3A_864 = tpu.memref_slice %arg7[%add3A_862, %dma_start3A_863] : memref<320000x16xf32, #tpu.memory_space<hbm>> -> memref<2000x16xf32, #tpu.memory_space<hbm>>
        %dma_start3A_865 = arith.constant 0 : i32
        %dma_start3A_866 = tpu.memref_slice %arg7[%add3A_862, %dma_start3A_865] : memref<320000x16xf32, #tpu.memory_space<hbm>> -> memref<2000x16xf32, #tpu.memory_space<hbm>>
        tpu.enqueue_dma source(%arg11 : memref<2000x16xf32, #tpu.memory_space<vmem>>) target(%dma_start3A_866 : memref<2000x16xf32, #tpu.memory_space<hbm>>) target_semaphore(%run_scoped3A : memref<!tpu.dma_semaphore, #tpu.memory_space<semaphore_mem>>)
        %dma_wait3A_867 = arith.constant 0 : i32
        %dma_wait3A_868 = tpu.memref_slice %arg7[%add3A_862, %dma_wait3A_867] : memref<320000x16xf32, #tpu.memory_space<hbm>> -> memref<2000x16xf32, #tpu.memory_space<hbm>>
        %dma_wait3A_869 = arith.constant 0 : i32
        %dma_wait3A_870 = tpu.memref_slice %arg7[%add3A_862, %dma_wait3A_869] : memref<320000x16xf32, #tpu.memory_space<hbm>> -> memref<2000x16xf32, #tpu.memory_space<hbm>>
        tpu.wait_dma2 semaphore(%run_scoped3A : memref<!tpu.dma_semaphore, #tpu.memory_space<semaphore_mem>>) src(%arg11 : memref<2000x16xf32, #tpu.memory_space<vmem>>) dst(%dma_wait3A_870 : memref<2000x16xf32, #tpu.memory_space<hbm>>)
        tpu.yield
      }) : () -> ()
    }
    %scan3A_7 = arith.constant 5 : i32
    return
  }
}

#map = affine_map<(d0, d1) -> (0, 0)>
#map1 = affine_map<(d0, d1) -> (0)>
#map2 = affine_map<(d0, d1) -> (0, 0, 0, 0)>
module attributes {stable_mosaic.version = 14 : i64} {
  func.func @_sc_scatter_body(%arg0: i32, %arg1: i32, %arg2: memref<320000x16xf32, #tpu.memory_space<hbm>>, %arg3: memref<320000xi32, #tpu.memory_space<hbm>>, %arg4: memref<320000xi32, #tpu.memory_space<hbm>>, %arg5: memref<2x2x10000x16xf32, #tpu.memory_space<hbm>>, %arg6: memref<10000xi32, #tpu.memory_space<vmem>>, %arg7: memref<10000xi32, #tpu.memory_space<vmem>>, %arg8: memref<2000x16xf32, #tpu.memory_space<vmem>>, %arg9: memref<625x16xf32, #tpu.memory_space<vmem>>, %arg10: memref<10000x16xf32, #tpu.memory_space<vmem_shared>>, %arg11: memref<10000x16xf32, #tpu.memory_space<vmem_shared>>) attributes {dimension_semantics = [#tpu.dimension_semantics<core_parallel>, #tpu.dimension_semantics<subcore_parallel>], iteration_bounds = array<i64: 2, 16>, scalar_prefetch = 0 : i64, scratch_operands = 6 : i64, tpu.core_type = #tpu.core_type<sc_vector_subcore>, window_params = [{transform_indices = #map}, {transform_indices = #map1}, {transform_indices = #map1}, {transform_indices = #map2}]} {
    %mul3A = arith.constant 16 : i32
    %mul3A_0 = arith.muli %arg0, %mul3A : i32
    %add3A = arith.addi %mul3A_0, %arg1 : i32
    %mul3A_1 = arith.constant 625 : i32
    %mul3A_2 = arith.muli %arg1, %mul3A_1 : i32
    %scan3A = arith.constant 0 : i32
    %scan3A_3 = arith.constant 0 : i32
    %scan3A_4 = arith.constant 625 : i32
    %scan3A_5 = arith.addi %scan3A_3, %scan3A_4 : i32
    %scan3A_6 = arith.constant 1 : i32
    scf.for %scan3A_20 = %scan3A_3 to %scan3A_5 step %scan3A_6  : i32 {
      %broadcast_in_dim3A = arith.constant 0.000000e+00 : f32
      %broadcast_in_dim3A_21 = vector.broadcast %broadcast_in_dim3A : f32 to vector<16xf32>
      %swap3A = arith.index_cast %scan3A_20 : i32 to index
      %swap3A_22 = arith.constant 0 : index
      %swap3A_23 = tpu.vector_load %arg9[%swap3A, %swap3A_22] {strides = array<i32>} : memref<625x16xf32, #tpu.memory_space<vmem>>, vector<1x16xf32>,
      %swap3A_24 = vector.shape_cast %swap3A_23 : vector<1x16xf32> to vector<16xf32>
      %swap3A_25 = vector.shape_cast %broadcast_in_dim3A_21 : vector<16xf32> to vector<1x16xf32>
      tpu.vector_store %arg9[%swap3A, %swap3A_22], %swap3A_25 {strides = array<i32>} : memref<625x16xf32, #tpu.memory_space<vmem>>, vector<1x16xf32>,
    }
    %scan3A_7 = arith.constant 625 : i32
    "tpu.region"() ({
      %run_scoped3A_20 = tpu.sem_alloc : memref<!tpu.dma_semaphore, #tpu.memory_space<semaphore_mem>>
      %dma_start3A = arith.constant 0 : i32
      %dma_start3A_21 = tpu.memref_slice %arg10[%mul3A_2, %dma_start3A] : memref<10000x16xf32, #tpu.memory_space<vmem_shared>> -> memref<625x16xf32, #tpu.memory_space<vmem_shared>>
      %dma_start3A_22 = arith.constant 0 : i32
      %dma_start3A_23 = tpu.memref_slice %arg10[%mul3A_2, %dma_start3A_22] : memref<10000x16xf32, #tpu.memory_space<vmem_shared>> -> memref<625x16xf32, #tpu.memory_space<vmem_shared>>
      tpu.enqueue_dma source(%arg9 : memref<625x16xf32, #tpu.memory_space<vmem>>) target(%dma_start3A_23 : memref<625x16xf32, #tpu.memory_space<vmem_shared>>) target_semaphore(%run_scoped3A_20 : memref<!tpu.dma_semaphore, #tpu.memory_space<semaphore_mem>>)
      %dma_wait3A = arith.constant 0 : i32
      %dma_wait3A_24 = tpu.memref_slice %arg10[%mul3A_2, %dma_wait3A] : memref<10000x16xf32, #tpu.memory_space<vmem_shared>> -> memref<625x16xf32, #tpu.memory_space<vmem_shared>>
      %dma_wait3A_25 = arith.constant 0 : i32
      %dma_wait3A_26 = tpu.memref_slice %arg10[%mul3A_2, %dma_wait3A_25] : memref<10000x16xf32, #tpu.memory_space<vmem_shared>> -> memref<625x16xf32, #tpu.memory_space<vmem_shared>>
      tpu.wait_dma2 semaphore(%run_scoped3A_20 : memref<!tpu.dma_semaphore, #tpu.memory_space<semaphore_mem>>) src(%arg9 : memref<625x16xf32, #tpu.memory_space<vmem>>) dst(%dma_wait3A_26 : memref<625x16xf32, #tpu.memory_space<vmem_shared>>)
      tpu.yield
    }) : () -> ()
    "tpu.region"() ({
      %run_scoped3A_20 = tpu.sem_alloc : memref<!tpu.dma_semaphore, #tpu.memory_space<semaphore_mem>>
      %dma_start3A = arith.constant 0 : i32
      %dma_start3A_21 = tpu.memref_slice %arg11[%mul3A_2, %dma_start3A] : memref<10000x16xf32, #tpu.memory_space<vmem_shared>> -> memref<625x16xf32, #tpu.memory_space<vmem_shared>>
      %dma_start3A_22 = arith.constant 0 : i32
      %dma_start3A_23 = tpu.memref_slice %arg11[%mul3A_2, %dma_start3A_22] : memref<10000x16xf32, #tpu.memory_space<vmem_shared>> -> memref<625x16xf32, #tpu.memory_space<vmem_shared>>
      tpu.enqueue_dma source(%arg9 : memref<625x16xf32, #tpu.memory_space<vmem>>) target(%dma_start3A_23 : memref<625x16xf32, #tpu.memory_space<vmem_shared>>) target_semaphore(%run_scoped3A_20 : memref<!tpu.dma_semaphore, #tpu.memory_space<semaphore_mem>>)
      %dma_wait3A = arith.constant 0 : i32
      %dma_wait3A_24 = tpu.memref_slice %arg11[%mul3A_2, %dma_wait3A] : memref<10000x16xf32, #tpu.memory_space<vmem_shared>> -> memref<625x16xf32, #tpu.memory_space<vmem_shared>>
      %dma_wait3A_25 = arith.constant 0 : i32
      %dma_wait3A_26 = tpu.memref_slice %arg11[%mul3A_2, %dma_wait3A_25] : memref<10000x16xf32, #tpu.memory_space<vmem_shared>> -> memref<625x16xf32, #tpu.memory_space<vmem_shared>>
      tpu.wait_dma2 semaphore(%run_scoped3A_20 : memref<!tpu.dma_semaphore, #tpu.memory_space<semaphore_mem>>) src(%arg9 : memref<625x16xf32, #tpu.memory_space<vmem>>) dst(%dma_wait3A_26 : memref<625x16xf32, #tpu.memory_space<vmem_shared>>)
      tpu.yield
    }) : () -> ()
    %mul3A_8 = arith.constant 10000 : i32
    %mul3A_9 = arith.muli %add3A, %mul3A_8 : i32
    "tpu.region"() ({
      %run_scoped3A_20 = tpu.sem_alloc : memref<!tpu.dma_semaphore, #tpu.memory_space<semaphore_mem>>
      %dma_start3A = tpu.memref_slice %arg3[%mul3A_9] : memref<320000xi32, #tpu.memory_space<hbm>> -> memref<10000xi32, #tpu.memory_space<hbm>>
      %dma_start3A_21 = tpu.memref_slice %arg3[%mul3A_9] : memref<320000xi32, #tpu.memory_space<hbm>> -> memref<10000xi32, #tpu.memory_space<hbm>>
      tpu.enqueue_dma source(%dma_start3A_21 : memref<10000xi32, #tpu.memory_space<hbm>>) target(%arg6 : memref<10000xi32, #tpu.memory_space<vmem>>) target_semaphore(%run_scoped3A_20 : memref<!tpu.dma_semaphore, #tpu.memory_space<semaphore_mem>>)
      %dma_wait3A = tpu.memref_slice %arg3[%mul3A_9] : memref<320000xi32, #tpu.memory_space<hbm>> -> memref<10000xi32, #tpu.memory_space<hbm>>
      %dma_wait3A_22 = tpu.memref_slice %arg3[%mul3A_9] : memref<320000xi32, #tpu.memory_space<hbm>> -> memref<10000xi32, #tpu.memory_space<hbm>>
      tpu.wait_dma2 semaphore(%run_scoped3A_20 : memref<!tpu.dma_semaphore, #tpu.memory_space<semaphore_mem>>) src(%dma_wait3A_22 : memref<10000xi32, #tpu.memory_space<hbm>>) dst(%arg6 : memref<10000xi32, #tpu.memory_space<vmem>>)
      tpu.yield
    }) : () -> ()
    %mul3A_10 = arith.constant 10000 : i32
    %mul3A_11 = arith.muli %add3A, %mul3A_10 : i32
    "tpu.region"() ({
      %run_scoped3A_20 = tpu.sem_alloc : memref<!tpu.dma_semaphore, #tpu.memory_space<semaphore_mem>>
      %dma_start3A = tpu.memref_slice %arg4[%mul3A_11] : memref<320000xi32, #tpu.memory_space<hbm>> -> memref<10000xi32, #tpu.memory_space<hbm>>
      %dma_start3A_21 = tpu.memref_slice %arg4[%mul3A_11] : memref<320000xi32, #tpu.memory_space<hbm>> -> memref<10000xi32, #tpu.memory_space<hbm>>
      tpu.enqueue_dma source(%dma_start3A_21 : memref<10000xi32, #tpu.memory_space<hbm>>) target(%arg7 : memref<10000xi32, #tpu.memory_space<vmem>>) target_semaphore(%run_scoped3A_20 : memref<!tpu.dma_semaphore, #tpu.memory_space<semaphore_mem>>)
      %dma_wait3A = tpu.memref_slice %arg4[%mul3A_11] : memref<320000xi32, #tpu.memory_space<hbm>> -> memref<10000xi32, #tpu.memory_space<hbm>>
      %dma_wait3A_22 = tpu.memref_slice %arg4[%mul3A_11] : memref<320000xi32, #tpu.memory_space<hbm>> -> memref<10000xi32, #tpu.memory_space<hbm>>
      tpu.wait_dma2 semaphore(%run_scoped3A_20 : memref<!tpu.dma_semaphore, #tpu.memory_space<semaphore_mem>>) src(%dma_wait3A_22 : memref<10000xi32, #tpu.memory_space<hbm>>) dst(%arg7 : memref<10000xi32, #tpu.memory_space<vmem>>)
      tpu.yield
    }) : () -> ()
    %barrier3A = arith.constant 0 : index
    tpu.barrier barrier_id(%barrier3A)
    %scan3A_12 = arith.constant 0 : i32
    %scan3A_13 = arith.constant 0 : i32
    %scan3A_14 = arith.constant 5 : i32
    %scan3A_15 = arith.addi %scan3A_13, %scan3A_14 : i32
    %scan3A_16 = arith.constant 1 : i32
    scf.for %scan3A_20 = %scan3A_13 to %scan3A_15 step %scan3A_16  : i32 {
      %mul3A_21 = arith.constant 10000 : i32
      %mul3A_22 = arith.muli %add3A, %mul3A_21 : i32
      %mul3A_23 = arith.constant 2000 : i32
      %mul3A_24 = arith.muli %scan3A_20, %mul3A_23 : i32
      %add3A_25 = arith.addi %mul3A_22, %mul3A_24 : i32
      "tpu.region"() ({
        %run_scoped3A_176 = tpu.sem_alloc : memref<!tpu.dma_semaphore, #tpu.memory_space<semaphore_mem>>
        %dma_start3A = arith.constant 0 : i32
        %dma_start3A_177 = tpu.memref_slice %arg2[%add3A_25, %dma_start3A] : memref<320000x16xf32, #tpu.memory_space<hbm>> -> memref<2000x16xf32, #tpu.memory_space<hbm>>
        %dma_start3A_178 = arith.constant 0 : i32
        %dma_start3A_179 = tpu.memref_slice %arg2[%add3A_25, %dma_start3A_178] : memref<320000x16xf32, #tpu.memory_space<hbm>> -> memref<2000x16xf32, #tpu.memory_space<hbm>>
        tpu.enqueue_dma source(%dma_start3A_179 : memref<2000x16xf32, #tpu.memory_space<hbm>>) target(%arg8 : memref<2000x16xf32, #tpu.memory_space<vmem>>) target_semaphore(%run_scoped3A_176 : memref<!tpu.dma_semaphore, #tpu.memory_space<semaphore_mem>>)
        %dma_wait3A = arith.constant 0 : i32
        %dma_wait3A_180 = tpu.memref_slice %arg2[%add3A_25, %dma_wait3A] : memref<320000x16xf32, #tpu.memory_space<hbm>> -> memref<2000x16xf32, #tpu.memory_space<hbm>>
        %dma_wait3A_181 = arith.constant 0 : i32
        %dma_wait3A_182 = tpu.memref_slice %arg2[%add3A_25, %dma_wait3A_181] : memref<320000x16xf32, #tpu.memory_space<hbm>> -> memref<2000x16xf32, #tpu.memory_space<hbm>>
        tpu.wait_dma2 semaphore(%run_scoped3A_176 : memref<!tpu.dma_semaphore, #tpu.memory_space<semaphore_mem>>) src(%dma_wait3A_182 : memref<2000x16xf32, #tpu.memory_space<hbm>>) dst(%arg8 : memref<2000x16xf32, #tpu.memory_space<vmem>>)
        tpu.yield
      }) : () -> ()
      %mul3A_26 = arith.constant 25 : i32
      %mul3A_27 = arith.muli %scan3A_20, %mul3A_26 : i32
      %add3A_28 = arith.constant 0 : i32
      %add3A_29 = arith.addi %mul3A_27, %add3A_28 : i32
      %mul3A_30 = arith.constant 80 : i32
      %mul3A_31 = arith.muli %add3A_29, %mul3A_30 : i32
      "tpu.region"() ({
        %run_scoped3A_176 = tpu.sem_alloc : memref<!tpu.dma_semaphore, #tpu.memory_space<semaphore_mem>>
        %dma_start3A = arith.constant 0 : i32
        %dma_start3A_177 = arith.constant 0 : i32
        %dma_start3A_178 = tpu.memref_slice %arg8[%dma_start3A, %dma_start3A_177] : memref<2000x16xf32, #tpu.memory_space<vmem>> -> memref<80x16xf32, #tpu.memory_space<vmem>>
        %dma_start3A_179 = tpu.memref_slice %arg6[%mul3A_31] : memref<10000xi32, #tpu.memory_space<vmem>> -> memref<80xi32, #tpu.memory_space<vmem>>
        %dma_start3A_180 = arith.constant 0 : i32
        %dma_start3A_181 = arith.constant 0 : i32
        %dma_start3A_182 = tpu.memref_slice %arg10[%dma_start3A_180, %dma_start3A_181] : memref<10000x16xf32, #tpu.memory_space<vmem_shared>> -> memref<10000x16xf32, #tpu.memory_space<vmem_shared>>
        tpu.enqueue_indirect_dma source(%dma_start3A_178 : memref<80x16xf32, #tpu.memory_space<vmem>>) target(%dma_start3A_182 : memref<10000x16xf32, #tpu.memory_space<vmem_shared>>) offsets(%dma_start3A_179 : memref<80xi32, #tpu.memory_space<vmem>>) semaphore(%run_scoped3A_176 : memref<!tpu.dma_semaphore, #tpu.memory_space<semaphore_mem>>) {add = true}
        %dma_wait3A = arith.constant 0 : i32
        %dma_wait3A_183 = arith.constant 0 : i32
        %dma_wait3A_184 = tpu.memref_slice %arg8[%dma_wait3A, %dma_wait3A_183] : memref<2000x16xf32, #tpu.memory_space<vmem>> -> memref<80x16xf32, #tpu.memory_space<vmem>>
        %dma_wait3A_185 = tpu.memref_slice %arg6[%mul3A_31] : memref<10000xi32, #tpu.memory_space<vmem>> -> memref<80xi32, #tpu.memory_space<vmem>>
        %dma_wait3A_186 = arith.constant 0 : i32
        %dma_wait3A_187 = arith.constant 0 : i32
        %dma_wait3A_188 = tpu.memref_slice %arg10[%dma_wait3A_186, %dma_wait3A_187] : memref<10000x16xf32, #tpu.memory_space<vmem_shared>> -> memref<10000x16xf32, #tpu.memory_space<vmem_shared>>
        tpu.wait_indirect_dma semaphore(%run_scoped3A_176 : memref<!tpu.dma_semaphore, #tpu.memory_space<semaphore_mem>>) src(%dma_wait3A_184 : memref<80x16xf32, #tpu.memory_space<vmem>>) dst(%dma_wait3A_188 : memref<10000x16xf32, #tpu.memory_space<vmem_shared>>)
        tpu.yield
      }) : () -> ()
      "tpu.region"() ({
        %run_scoped3A_176 = tpu.sem_alloc : memref<!tpu.dma_semaphore, #tpu.memory_space<semaphore_mem>>
        %dma_start3A = arith.constant 0 : i32
        %dma_start3A_177 = arith.constant 0 : i32
        %dma_start3A_178 = tpu.memref_slice %arg8[%dma_start3A, %dma_start3A_177] : memref<2000x16xf32, #tpu.memory_space<vmem>> -> memref<80x16xf32, #tpu.memory_space<vmem>>
        %dma_start3A_179 = tpu.memref_slice %arg7[%mul3A_31] : memref<10000xi32, #tpu.memory_space<vmem>> -> memref<80xi32, #tpu.memory_space<vmem>>
        %dma_start3A_180 = arith.constant 0 : i32
        %dma_start3A_181 = arith.constant 0 : i32
        %dma_start3A_182 = tpu.memref_slice %arg11[%dma_start3A_180, %dma_start3A_181] : memref<10000x16xf32, #tpu.memory_space<vmem_shared>> -> memref<10000x16xf32, #tpu.memory_space<vmem_shared>>
        tpu.enqueue_indirect_dma source(%dma_start3A_178 : memref<80x16xf32, #tpu.memory_space<vmem>>) target(%dma_start3A_182 : memref<10000x16xf32, #tpu.memory_space<vmem_shared>>) offsets(%dma_start3A_179 : memref<80xi32, #tpu.memory_space<vmem>>) semaphore(%run_scoped3A_176 : memref<!tpu.dma_semaphore, #tpu.memory_space<semaphore_mem>>) {add = true}
        %dma_wait3A = arith.constant 0 : i32
        %dma_wait3A_183 = arith.constant 0 : i32
        %dma_wait3A_184 = tpu.memref_slice %arg8[%dma_wait3A, %dma_wait3A_183] : memref<2000x16xf32, #tpu.memory_space<vmem>> -> memref<80x16xf32, #tpu.memory_space<vmem>>
        %dma_wait3A_185 = tpu.memref_slice %arg7[%mul3A_31] : memref<10000xi32, #tpu.memory_space<vmem>> -> memref<80xi32, #tpu.memory_space<vmem>>
        %dma_wait3A_186 = arith.constant 0 : i32
        %dma_wait3A_187 = arith.constant 0 : i32
        %dma_wait3A_188 = tpu.memref_slice %arg11[%dma_wait3A_186, %dma_wait3A_187] : memref<10000x16xf32, #tpu.memory_space<vmem_shared>> -> memref<10000x16xf32, #tpu.memory_space<vmem_shared>>
        tpu.wait_indirect_dma semaphore(%run_scoped3A_176 : memref<!tpu.dma_semaphore, #tpu.memory_space<semaphore_mem>>) src(%dma_wait3A_184 : memref<80x16xf32, #tpu.memory_space<vmem>>) dst(%dma_wait3A_188 : memref<10000x16xf32, #tpu.memory_space<vmem_shared>>)
        tpu.yield
      }) : () -> ()
      %mul3A_32 = arith.constant 25 : i32
      %mul3A_33 = arith.muli %scan3A_20, %mul3A_32 : i32
      %add3A_34 = arith.constant 1 : i32
      %add3A_35 = arith.addi %mul3A_33, %add3A_34 : i32
      %mul3A_36 = arith.constant 80 : i32
      %mul3A_37 = arith.muli %add3A_35, %mul3A_36 : i32
      "tpu.region"() ({
        %run_scoped3A_176 = tpu.sem_alloc : memref<!tpu.dma_semaphore, #tpu.memory_space<semaphore_mem>>
        %dma_start3A = arith.constant 80 : i32
        %dma_start3A_177 = arith.constant 0 : i32
        %dma_start3A_178 = tpu.memref_slice %arg8[%dma_start3A, %dma_start3A_177] : memref<2000x16xf32, #tpu.memory_space<vmem>> -> memref<80x16xf32, #tpu.memory_space<vmem>>
        %dma_start3A_179 = tpu.memref_slice %arg6[%mul3A_37] : memref<10000xi32, #tpu.memory_space<vmem>> -> memref<80xi32, #tpu.memory_space<vmem>>
        %dma_start3A_180 = arith.constant 0 : i32
        %dma_start3A_181 = arith.constant 0 : i32
        %dma_start3A_182 = tpu.memref_slice %arg10[%dma_start3A_180, %dma_start3A_181] : memref<10000x16xf32, #tpu.memory_space<vmem_shared>> -> memref<10000x16xf32, #tpu.memory_space<vmem_shared>>
        tpu.enqueue_indirect_dma source(%dma_start3A_178 : memref<80x16xf32, #tpu.memory_space<vmem>>) target(%dma_start3A_182 : memref<10000x16xf32, #tpu.memory_space<vmem_shared>>) offsets(%dma_start3A_179 : memref<80xi32, #tpu.memory_space<vmem>>) semaphore(%run_scoped3A_176 : memref<!tpu.dma_semaphore, #tpu.memory_space<semaphore_mem>>) {add = true}
        %dma_wait3A = arith.constant 80 : i32
        %dma_wait3A_183 = arith.constant 0 : i32
        %dma_wait3A_184 = tpu.memref_slice %arg8[%dma_wait3A, %dma_wait3A_183] : memref<2000x16xf32, #tpu.memory_space<vmem>> -> memref<80x16xf32, #tpu.memory_space<vmem>>
        %dma_wait3A_185 = tpu.memref_slice %arg6[%mul3A_37] : memref<10000xi32, #tpu.memory_space<vmem>> -> memref<80xi32, #tpu.memory_space<vmem>>
        %dma_wait3A_186 = arith.constant 0 : i32
        %dma_wait3A_187 = arith.constant 0 : i32
        %dma_wait3A_188 = tpu.memref_slice %arg10[%dma_wait3A_186, %dma_wait3A_187] : memref<10000x16xf32, #tpu.memory_space<vmem_shared>> -> memref<10000x16xf32, #tpu.memory_space<vmem_shared>>
        tpu.wait_indirect_dma semaphore(%run_scoped3A_176 : memref<!tpu.dma_semaphore, #tpu.memory_space<semaphore_mem>>) src(%dma_wait3A_184 : memref<80x16xf32, #tpu.memory_space<vmem>>) dst(%dma_wait3A_188 : memref<10000x16xf32, #tpu.memory_space<vmem_shared>>)
        tpu.yield
      }) : () -> ()
      "tpu.region"() ({
        %run_scoped3A_176 = tpu.sem_alloc : memref<!tpu.dma_semaphore, #tpu.memory_space<semaphore_mem>>
        %dma_start3A = arith.constant 80 : i32
        %dma_start3A_177 = arith.constant 0 : i32
        %dma_start3A_178 = tpu.memref_slice %arg8[%dma_start3A, %dma_start3A_177] : memref<2000x16xf32, #tpu.memory_space<vmem>> -> memref<80x16xf32, #tpu.memory_space<vmem>>
        %dma_start3A_179 = tpu.memref_slice %arg7[%mul3A_37] : memref<10000xi32, #tpu.memory_space<vmem>> -> memref<80xi32, #tpu.memory_space<vmem>>
        %dma_start3A_180 = arith.constant 0 : i32
        %dma_start3A_181 = arith.constant 0 : i32
        %dma_start3A_182 = tpu.memref_slice %arg11[%dma_start3A_180, %dma_start3A_181] : memref<10000x16xf32, #tpu.memory_space<vmem_shared>> -> memref<10000x16xf32, #tpu.memory_space<vmem_shared>>
        tpu.enqueue_indirect_dma source(%dma_start3A_178 : memref<80x16xf32, #tpu.memory_space<vmem>>) target(%dma_start3A_182 : memref<10000x16xf32, #tpu.memory_space<vmem_shared>>) offsets(%dma_start3A_179 : memref<80xi32, #tpu.memory_space<vmem>>) semaphore(%run_scoped3A_176 : memref<!tpu.dma_semaphore, #tpu.memory_space<semaphore_mem>>) {add = true}
        %dma_wait3A = arith.constant 80 : i32
        %dma_wait3A_183 = arith.constant 0 : i32
        %dma_wait3A_184 = tpu.memref_slice %arg8[%dma_wait3A, %dma_wait3A_183] : memref<2000x16xf32, #tpu.memory_space<vmem>> -> memref<80x16xf32, #tpu.memory_space<vmem>>
        %dma_wait3A_185 = tpu.memref_slice %arg7[%mul3A_37] : memref<10000xi32, #tpu.memory_space<vmem>> -> memref<80xi32, #tpu.memory_space<vmem>>
        %dma_wait3A_186 = arith.constant 0 : i32
        %dma_wait3A_187 = arith.constant 0 : i32
        %dma_wait3A_188 = tpu.memref_slice %arg11[%dma_wait3A_186, %dma_wait3A_187] : memref<10000x16xf32, #tpu.memory_space<vmem_shared>> -> memref<10000x16xf32, #tpu.memory_space<vmem_shared>>
        tpu.wait_indirect_dma semaphore(%run_scoped3A_176 : memref<!tpu.dma_semaphore, #tpu.memory_space<semaphore_mem>>) src(%dma_wait3A_184 : memref<80x16xf32, #tpu.memory_space<vmem>>) dst(%dma_wait3A_188 : memref<10000x16xf32, #tpu.memory_space<vmem_shared>>)
        tpu.yield
      }) : () -> ()
      %mul3A_38 = arith.constant 25 : i32
      %mul3A_39 = arith.muli %scan3A_20, %mul3A_38 : i32
      %add3A_40 = arith.constant 2 : i32
      %add3A_41 = arith.addi %mul3A_39, %add3A_40 : i32
      %mul3A_42 = arith.constant 80 : i32
      %mul3A_43 = arith.muli %add3A_41, %mul3A_42 : i32
      "tpu.region"() ({
        %run_scoped3A_176 = tpu.sem_alloc : memref<!tpu.dma_semaphore, #tpu.memory_space<semaphore_mem>>
        %dma_start3A = arith.constant 160 : i32
        %dma_start3A_177 = arith.constant 0 : i32
        %dma_start3A_178 = tpu.memref_slice %arg8[%dma_start3A, %dma_start3A_177] : memref<2000x16xf32, #tpu.memory_space<vmem>> -> memref<80x16xf32, #tpu.memory_space<vmem>>
        %dma_start3A_179 = tpu.memref_slice %arg6[%mul3A_43] : memref<10000xi32, #tpu.memory_space<vmem>> -> memref<80xi32, #tpu.memory_space<vmem>>
        %dma_start3A_180 = arith.constant 0 : i32
        %dma_start3A_181 = arith.constant 0 : i32
        %dma_start3A_182 = tpu.memref_slice %arg10[%dma_start3A_180, %dma_start3A_181] : memref<10000x16xf32, #tpu.memory_space<vmem_shared>> -> memref<10000x16xf32, #tpu.memory_space<vmem_shared>>
        tpu.enqueue_indirect_dma source(%dma_start3A_178 : memref<80x16xf32, #tpu.memory_space<vmem>>) target(%dma_start3A_182 : memref<10000x16xf32, #tpu.memory_space<vmem_shared>>) offsets(%dma_start3A_179 : memref<80xi32, #tpu.memory_space<vmem>>) semaphore(%run_scoped3A_176 : memref<!tpu.dma_semaphore, #tpu.memory_space<semaphore_mem>>) {add = true}
        %dma_wait3A = arith.constant 160 : i32
        %dma_wait3A_183 = arith.constant 0 : i32
        %dma_wait3A_184 = tpu.memref_slice %arg8[%dma_wait3A, %dma_wait3A_183] : memref<2000x16xf32, #tpu.memory_space<vmem>> -> memref<80x16xf32, #tpu.memory_space<vmem>>
        %dma_wait3A_185 = tpu.memref_slice %arg6[%mul3A_43] : memref<10000xi32, #tpu.memory_space<vmem>> -> memref<80xi32, #tpu.memory_space<vmem>>
        %dma_wait3A_186 = arith.constant 0 : i32
        %dma_wait3A_187 = arith.constant 0 : i32
        %dma_wait3A_188 = tpu.memref_slice %arg10[%dma_wait3A_186, %dma_wait3A_187] : memref<10000x16xf32, #tpu.memory_space<vmem_shared>> -> memref<10000x16xf32, #tpu.memory_space<vmem_shared>>
        tpu.wait_indirect_dma semaphore(%run_scoped3A_176 : memref<!tpu.dma_semaphore, #tpu.memory_space<semaphore_mem>>) src(%dma_wait3A_184 : memref<80x16xf32, #tpu.memory_space<vmem>>) dst(%dma_wait3A_188 : memref<10000x16xf32, #tpu.memory_space<vmem_shared>>)
        tpu.yield
      }) : () -> ()
      "tpu.region"() ({
        %run_scoped3A_176 = tpu.sem_alloc : memref<!tpu.dma_semaphore, #tpu.memory_space<semaphore_mem>>
        %dma_start3A = arith.constant 160 : i32
        %dma_start3A_177 = arith.constant 0 : i32
        %dma_start3A_178 = tpu.memref_slice %arg8[%dma_start3A, %dma_start3A_177] : memref<2000x16xf32, #tpu.memory_space<vmem>> -> memref<80x16xf32, #tpu.memory_space<vmem>>
        %dma_start3A_179 = tpu.memref_slice %arg7[%mul3A_43] : memref<10000xi32, #tpu.memory_space<vmem>> -> memref<80xi32, #tpu.memory_space<vmem>>
        %dma_start3A_180 = arith.constant 0 : i32
        %dma_start3A_181 = arith.constant 0 : i32
        %dma_start3A_182 = tpu.memref_slice %arg11[%dma_start3A_180, %dma_start3A_181] : memref<10000x16xf32, #tpu.memory_space<vmem_shared>> -> memref<10000x16xf32, #tpu.memory_space<vmem_shared>>
        tpu.enqueue_indirect_dma source(%dma_start3A_178 : memref<80x16xf32, #tpu.memory_space<vmem>>) target(%dma_start3A_182 : memref<10000x16xf32, #tpu.memory_space<vmem_shared>>) offsets(%dma_start3A_179 : memref<80xi32, #tpu.memory_space<vmem>>) semaphore(%run_scoped3A_176 : memref<!tpu.dma_semaphore, #tpu.memory_space<semaphore_mem>>) {add = true}
        %dma_wait3A = arith.constant 160 : i32
        %dma_wait3A_183 = arith.constant 0 : i32
        %dma_wait3A_184 = tpu.memref_slice %arg8[%dma_wait3A, %dma_wait3A_183] : memref<2000x16xf32, #tpu.memory_space<vmem>> -> memref<80x16xf32, #tpu.memory_space<vmem>>
        %dma_wait3A_185 = tpu.memref_slice %arg7[%mul3A_43] : memref<10000xi32, #tpu.memory_space<vmem>> -> memref<80xi32, #tpu.memory_space<vmem>>
        %dma_wait3A_186 = arith.constant 0 : i32
        %dma_wait3A_187 = arith.constant 0 : i32
        %dma_wait3A_188 = tpu.memref_slice %arg11[%dma_wait3A_186, %dma_wait3A_187] : memref<10000x16xf32, #tpu.memory_space<vmem_shared>> -> memref<10000x16xf32, #tpu.memory_space<vmem_shared>>
        tpu.wait_indirect_dma semaphore(%run_scoped3A_176 : memref<!tpu.dma_semaphore, #tpu.memory_space<semaphore_mem>>) src(%dma_wait3A_184 : memref<80x16xf32, #tpu.memory_space<vmem>>) dst(%dma_wait3A_188 : memref<10000x16xf32, #tpu.memory_space<vmem_shared>>)
        tpu.yield
      }) : () -> ()
      %mul3A_44 = arith.constant 25 : i32
      %mul3A_45 = arith.muli %scan3A_20, %mul3A_44 : i32
      %add3A_46 = arith.constant 3 : i32
      %add3A_47 = arith.addi %mul3A_45, %add3A_46 : i32
      %mul3A_48 = arith.constant 80 : i32
      %mul3A_49 = arith.muli %add3A_47, %mul3A_48 : i32
      "tpu.region"() ({
        %run_scoped3A_176 = tpu.sem_alloc : memref<!tpu.dma_semaphore, #tpu.memory_space<semaphore_mem>>
        %dma_start3A = arith.constant 240 : i32
        %dma_start3A_177 = arith.constant 0 : i32
        %dma_start3A_178 = tpu.memref_slice %arg8[%dma_start3A, %dma_start3A_177] : memref<2000x16xf32, #tpu.memory_space<vmem>> -> memref<80x16xf32, #tpu.memory_space<vmem>>
        %dma_start3A_179 = tpu.memref_slice %arg6[%mul3A_49] : memref<10000xi32, #tpu.memory_space<vmem>> -> memref<80xi32, #tpu.memory_space<vmem>>
        %dma_start3A_180 = arith.constant 0 : i32
        %dma_start3A_181 = arith.constant 0 : i32
        %dma_start3A_182 = tpu.memref_slice %arg10[%dma_start3A_180, %dma_start3A_181] : memref<10000x16xf32, #tpu.memory_space<vmem_shared>> -> memref<10000x16xf32, #tpu.memory_space<vmem_shared>>
        tpu.enqueue_indirect_dma source(%dma_start3A_178 : memref<80x16xf32, #tpu.memory_space<vmem>>) target(%dma_start3A_182 : memref<10000x16xf32, #tpu.memory_space<vmem_shared>>) offsets(%dma_start3A_179 : memref<80xi32, #tpu.memory_space<vmem>>) semaphore(%run_scoped3A_176 : memref<!tpu.dma_semaphore, #tpu.memory_space<semaphore_mem>>) {add = true}
        %dma_wait3A = arith.constant 240 : i32
        %dma_wait3A_183 = arith.constant 0 : i32
        %dma_wait3A_184 = tpu.memref_slice %arg8[%dma_wait3A, %dma_wait3A_183] : memref<2000x16xf32, #tpu.memory_space<vmem>> -> memref<80x16xf32, #tpu.memory_space<vmem>>
        %dma_wait3A_185 = tpu.memref_slice %arg6[%mul3A_49] : memref<10000xi32, #tpu.memory_space<vmem>> -> memref<80xi32, #tpu.memory_space<vmem>>
        %dma_wait3A_186 = arith.constant 0 : i32
        %dma_wait3A_187 = arith.constant 0 : i32
        %dma_wait3A_188 = tpu.memref_slice %arg10[%dma_wait3A_186, %dma_wait3A_187] : memref<10000x16xf32, #tpu.memory_space<vmem_shared>> -> memref<10000x16xf32, #tpu.memory_space<vmem_shared>>
        tpu.wait_indirect_dma semaphore(%run_scoped3A_176 : memref<!tpu.dma_semaphore, #tpu.memory_space<semaphore_mem>>) src(%dma_wait3A_184 : memref<80x16xf32, #tpu.memory_space<vmem>>) dst(%dma_wait3A_188 : memref<10000x16xf32, #tpu.memory_space<vmem_shared>>)
        tpu.yield
      }) : () -> ()
      "tpu.region"() ({
        %run_scoped3A_176 = tpu.sem_alloc : memref<!tpu.dma_semaphore, #tpu.memory_space<semaphore_mem>>
        %dma_start3A = arith.constant 240 : i32
        %dma_start3A_177 = arith.constant 0 : i32
        %dma_start3A_178 = tpu.memref_slice %arg8[%dma_start3A, %dma_start3A_177] : memref<2000x16xf32, #tpu.memory_space<vmem>> -> memref<80x16xf32, #tpu.memory_space<vmem>>
        %dma_start3A_179 = tpu.memref_slice %arg7[%mul3A_49] : memref<10000xi32, #tpu.memory_space<vmem>> -> memref<80xi32, #tpu.memory_space<vmem>>
        %dma_start3A_180 = arith.constant 0 : i32
        %dma_start3A_181 = arith.constant 0 : i32
        %dma_start3A_182 = tpu.memref_slice %arg11[%dma_start3A_180, %dma_start3A_181] : memref<10000x16xf32, #tpu.memory_space<vmem_shared>> -> memref<10000x16xf32, #tpu.memory_space<vmem_shared>>
        tpu.enqueue_indirect_dma source(%dma_start3A_178 : memref<80x16xf32, #tpu.memory_space<vmem>>) target(%dma_start3A_182 : memref<10000x16xf32, #tpu.memory_space<vmem_shared>>) offsets(%dma_start3A_179 : memref<80xi32, #tpu.memory_space<vmem>>) semaphore(%run_scoped3A_176 : memref<!tpu.dma_semaphore, #tpu.memory_space<semaphore_mem>>) {add = true}
        %dma_wait3A = arith.constant 240 : i32
        %dma_wait3A_183 = arith.constant 0 : i32
        %dma_wait3A_184 = tpu.memref_slice %arg8[%dma_wait3A, %dma_wait3A_183] : memref<2000x16xf32, #tpu.memory_space<vmem>> -> memref<80x16xf32, #tpu.memory_space<vmem>>
        %dma_wait3A_185 = tpu.memref_slice %arg7[%mul3A_49] : memref<10000xi32, #tpu.memory_space<vmem>> -> memref<80xi32, #tpu.memory_space<vmem>>
        %dma_wait3A_186 = arith.constant 0 : i32
        %dma_wait3A_187 = arith.constant 0 : i32
        %dma_wait3A_188 = tpu.memref_slice %arg11[%dma_wait3A_186, %dma_wait3A_187] : memref<10000x16xf32, #tpu.memory_space<vmem_shared>> -> memref<10000x16xf32, #tpu.memory_space<vmem_shared>>
        tpu.wait_indirect_dma semaphore(%run_scoped3A_176 : memref<!tpu.dma_semaphore, #tpu.memory_space<semaphore_mem>>) src(%dma_wait3A_184 : memref<80x16xf32, #tpu.memory_space<vmem>>) dst(%dma_wait3A_188 : memref<10000x16xf32, #tpu.memory_space<vmem_shared>>)
        tpu.yield
      }) : () -> ()
      %mul3A_50 = arith.constant 25 : i32
      %mul3A_51 = arith.muli %scan3A_20, %mul3A_50 : i32
      %add3A_52 = arith.constant 4 : i32
      %add3A_53 = arith.addi %mul3A_51, %add3A_52 : i32
      %mul3A_54 = arith.constant 80 : i32
      %mul3A_55 = arith.muli %add3A_53, %mul3A_54 : i32
      "tpu.region"() ({
        %run_scoped3A_176 = tpu.sem_alloc : memref<!tpu.dma_semaphore, #tpu.memory_space<semaphore_mem>>
        %dma_start3A = arith.constant 320 : i32
        %dma_start3A_177 = arith.constant 0 : i32
        %dma_start3A_178 = tpu.memref_slice %arg8[%dma_start3A, %dma_start3A_177] : memref<2000x16xf32, #tpu.memory_space<vmem>> -> memref<80x16xf32, #tpu.memory_space<vmem>>
        %dma_start3A_179 = tpu.memref_slice %arg6[%mul3A_55] : memref<10000xi32, #tpu.memory_space<vmem>> -> memref<80xi32, #tpu.memory_space<vmem>>
        %dma_start3A_180 = arith.constant 0 : i32
        %dma_start3A_181 = arith.constant 0 : i32
        %dma_start3A_182 = tpu.memref_slice %arg10[%dma_start3A_180, %dma_start3A_181] : memref<10000x16xf32, #tpu.memory_space<vmem_shared>> -> memref<10000x16xf32, #tpu.memory_space<vmem_shared>>
        tpu.enqueue_indirect_dma source(%dma_start3A_178 : memref<80x16xf32, #tpu.memory_space<vmem>>) target(%dma_start3A_182 : memref<10000x16xf32, #tpu.memory_space<vmem_shared>>) offsets(%dma_start3A_179 : memref<80xi32, #tpu.memory_space<vmem>>) semaphore(%run_scoped3A_176 : memref<!tpu.dma_semaphore, #tpu.memory_space<semaphore_mem>>) {add = true}
        %dma_wait3A = arith.constant 320 : i32
        %dma_wait3A_183 = arith.constant 0 : i32
        %dma_wait3A_184 = tpu.memref_slice %arg8[%dma_wait3A, %dma_wait3A_183] : memref<2000x16xf32, #tpu.memory_space<vmem>> -> memref<80x16xf32, #tpu.memory_space<vmem>>
        %dma_wait3A_185 = tpu.memref_slice %arg6[%mul3A_55] : memref<10000xi32, #tpu.memory_space<vmem>> -> memref<80xi32, #tpu.memory_space<vmem>>
        %dma_wait3A_186 = arith.constant 0 : i32
        %dma_wait3A_187 = arith.constant 0 : i32
        %dma_wait3A_188 = tpu.memref_slice %arg10[%dma_wait3A_186, %dma_wait3A_187] : memref<10000x16xf32, #tpu.memory_space<vmem_shared>> -> memref<10000x16xf32, #tpu.memory_space<vmem_shared>>
        tpu.wait_indirect_dma semaphore(%run_scoped3A_176 : memref<!tpu.dma_semaphore, #tpu.memory_space<semaphore_mem>>) src(%dma_wait3A_184 : memref<80x16xf32, #tpu.memory_space<vmem>>) dst(%dma_wait3A_188 : memref<10000x16xf32, #tpu.memory_space<vmem_shared>>)
        tpu.yield
      }) : () -> ()
      "tpu.region"() ({
        %run_scoped3A_176 = tpu.sem_alloc : memref<!tpu.dma_semaphore, #tpu.memory_space<semaphore_mem>>
        %dma_start3A = arith.constant 320 : i32
        %dma_start3A_177 = arith.constant 0 : i32
        %dma_start3A_178 = tpu.memref_slice %arg8[%dma_start3A, %dma_start3A_177] : memref<2000x16xf32, #tpu.memory_space<vmem>> -> memref<80x16xf32, #tpu.memory_space<vmem>>
        %dma_start3A_179 = tpu.memref_slice %arg7[%mul3A_55] : memref<10000xi32, #tpu.memory_space<vmem>> -> memref<80xi32, #tpu.memory_space<vmem>>
        %dma_start3A_180 = arith.constant 0 : i32
        %dma_start3A_181 = arith.constant 0 : i32
        %dma_start3A_182 = tpu.memref_slice %arg11[%dma_start3A_180, %dma_start3A_181] : memref<10000x16xf32, #tpu.memory_space<vmem_shared>> -> memref<10000x16xf32, #tpu.memory_space<vmem_shared>>
        tpu.enqueue_indirect_dma source(%dma_start3A_178 : memref<80x16xf32, #tpu.memory_space<vmem>>) target(%dma_start3A_182 : memref<10000x16xf32, #tpu.memory_space<vmem_shared>>) offsets(%dma_start3A_179 : memref<80xi32, #tpu.memory_space<vmem>>) semaphore(%run_scoped3A_176 : memref<!tpu.dma_semaphore, #tpu.memory_space<semaphore_mem>>) {add = true}
        %dma_wait3A = arith.constant 320 : i32
        %dma_wait3A_183 = arith.constant 0 : i32
        %dma_wait3A_184 = tpu.memref_slice %arg8[%dma_wait3A, %dma_wait3A_183] : memref<2000x16xf32, #tpu.memory_space<vmem>> -> memref<80x16xf32, #tpu.memory_space<vmem>>
        %dma_wait3A_185 = tpu.memref_slice %arg7[%mul3A_55] : memref<10000xi32, #tpu.memory_space<vmem>> -> memref<80xi32, #tpu.memory_space<vmem>>
        %dma_wait3A_186 = arith.constant 0 : i32
        %dma_wait3A_187 = arith.constant 0 : i32
        %dma_wait3A_188 = tpu.memref_slice %arg11[%dma_wait3A_186, %dma_wait3A_187] : memref<10000x16xf32, #tpu.memory_space<vmem_shared>> -> memref<10000x16xf32, #tpu.memory_space<vmem_shared>>
        tpu.wait_indirect_dma semaphore(%run_scoped3A_176 : memref<!tpu.dma_semaphore, #tpu.memory_space<semaphore_mem>>) src(%dma_wait3A_184 : memref<80x16xf32, #tpu.memory_space<vmem>>) dst(%dma_wait3A_188 : memref<10000x16xf32, #tpu.memory_space<vmem_shared>>)
        tpu.yield
      }) : () -> ()
      %mul3A_56 = arith.constant 25 : i32
      %mul3A_57 = arith.muli %scan3A_20, %mul3A_56 : i32
      %add3A_58 = arith.constant 5 : i32
      %add3A_59 = arith.addi %mul3A_57, %add3A_58 : i32
      %mul3A_60 = arith.constant 80 : i32
      %mul3A_61 = arith.muli %add3A_59, %mul3A_60 : i32
      "tpu.region"() ({
        %run_scoped3A_176 = tpu.sem_alloc : memref<!tpu.dma_semaphore, #tpu.memory_space<semaphore_mem>>
        %dma_start3A = arith.constant 400 : i32
        %dma_start3A_177 = arith.constant 0 : i32
        %dma_start3A_178 = tpu.memref_slice %arg8[%dma_start3A, %dma_start3A_177] : memref<2000x16xf32, #tpu.memory_space<vmem>> -> memref<80x16xf32, #tpu.memory_space<vmem>>
        %dma_start3A_179 = tpu.memref_slice %arg6[%mul3A_61] : memref<10000xi32, #tpu.memory_space<vmem>> -> memref<80xi32, #tpu.memory_space<vmem>>
        %dma_start3A_180 = arith.constant 0 : i32
        %dma_start3A_181 = arith.constant 0 : i32
        %dma_start3A_182 = tpu.memref_slice %arg10[%dma_start3A_180, %dma_start3A_181] : memref<10000x16xf32, #tpu.memory_space<vmem_shared>> -> memref<10000x16xf32, #tpu.memory_space<vmem_shared>>
        tpu.enqueue_indirect_dma source(%dma_start3A_178 : memref<80x16xf32, #tpu.memory_space<vmem>>) target(%dma_start3A_182 : memref<10000x16xf32, #tpu.memory_space<vmem_shared>>) offsets(%dma_start3A_179 : memref<80xi32, #tpu.memory_space<vmem>>) semaphore(%run_scoped3A_176 : memref<!tpu.dma_semaphore, #tpu.memory_space<semaphore_mem>>) {add = true}
        %dma_wait3A = arith.constant 400 : i32
        %dma_wait3A_183 = arith.constant 0 : i32
        %dma_wait3A_184 = tpu.memref_slice %arg8[%dma_wait3A, %dma_wait3A_183] : memref<2000x16xf32, #tpu.memory_space<vmem>> -> memref<80x16xf32, #tpu.memory_space<vmem>>
        %dma_wait3A_185 = tpu.memref_slice %arg6[%mul3A_61] : memref<10000xi32, #tpu.memory_space<vmem>> -> memref<80xi32, #tpu.memory_space<vmem>>
        %dma_wait3A_186 = arith.constant 0 : i32
        %dma_wait3A_187 = arith.constant 0 : i32
        %dma_wait3A_188 = tpu.memref_slice %arg10[%dma_wait3A_186, %dma_wait3A_187] : memref<10000x16xf32, #tpu.memory_space<vmem_shared>> -> memref<10000x16xf32, #tpu.memory_space<vmem_shared>>
        tpu.wait_indirect_dma semaphore(%run_scoped3A_176 : memref<!tpu.dma_semaphore, #tpu.memory_space<semaphore_mem>>) src(%dma_wait3A_184 : memref<80x16xf32, #tpu.memory_space<vmem>>) dst(%dma_wait3A_188 : memref<10000x16xf32, #tpu.memory_space<vmem_shared>>)
        tpu.yield
      }) : () -> ()
      "tpu.region"() ({
        %run_scoped3A_176 = tpu.sem_alloc : memref<!tpu.dma_semaphore, #tpu.memory_space<semaphore_mem>>
        %dma_start3A = arith.constant 400 : i32
        %dma_start3A_177 = arith.constant 0 : i32
        %dma_start3A_178 = tpu.memref_slice %arg8[%dma_start3A, %dma_start3A_177] : memref<2000x16xf32, #tpu.memory_space<vmem>> -> memref<80x16xf32, #tpu.memory_space<vmem>>
        %dma_start3A_179 = tpu.memref_slice %arg7[%mul3A_61] : memref<10000xi32, #tpu.memory_space<vmem>> -> memref<80xi32, #tpu.memory_space<vmem>>
        %dma_start3A_180 = arith.constant 0 : i32
        %dma_start3A_181 = arith.constant 0 : i32
        %dma_start3A_182 = tpu.memref_slice %arg11[%dma_start3A_180, %dma_start3A_181] : memref<10000x16xf32, #tpu.memory_space<vmem_shared>> -> memref<10000x16xf32, #tpu.memory_space<vmem_shared>>
        tpu.enqueue_indirect_dma source(%dma_start3A_178 : memref<80x16xf32, #tpu.memory_space<vmem>>) target(%dma_start3A_182 : memref<10000x16xf32, #tpu.memory_space<vmem_shared>>) offsets(%dma_start3A_179 : memref<80xi32, #tpu.memory_space<vmem>>) semaphore(%run_scoped3A_176 : memref<!tpu.dma_semaphore, #tpu.memory_space<semaphore_mem>>) {add = true}
        %dma_wait3A = arith.constant 400 : i32
        %dma_wait3A_183 = arith.constant 0 : i32
        %dma_wait3A_184 = tpu.memref_slice %arg8[%dma_wait3A, %dma_wait3A_183] : memref<2000x16xf32, #tpu.memory_space<vmem>> -> memref<80x16xf32, #tpu.memory_space<vmem>>
        %dma_wait3A_185 = tpu.memref_slice %arg7[%mul3A_61] : memref<10000xi32, #tpu.memory_space<vmem>> -> memref<80xi32, #tpu.memory_space<vmem>>
        %dma_wait3A_186 = arith.constant 0 : i32
        %dma_wait3A_187 = arith.constant 0 : i32
        %dma_wait3A_188 = tpu.memref_slice %arg11[%dma_wait3A_186, %dma_wait3A_187] : memref<10000x16xf32, #tpu.memory_space<vmem_shared>> -> memref<10000x16xf32, #tpu.memory_space<vmem_shared>>
        tpu.wait_indirect_dma semaphore(%run_scoped3A_176 : memref<!tpu.dma_semaphore, #tpu.memory_space<semaphore_mem>>) src(%dma_wait3A_184 : memref<80x16xf32, #tpu.memory_space<vmem>>) dst(%dma_wait3A_188 : memref<10000x16xf32, #tpu.memory_space<vmem_shared>>)
        tpu.yield
      }) : () -> ()
      %mul3A_62 = arith.constant 25 : i32
      %mul3A_63 = arith.muli %scan3A_20, %mul3A_62 : i32
      %add3A_64 = arith.constant 6 : i32
      %add3A_65 = arith.addi %mul3A_63, %add3A_64 : i32
      %mul3A_66 = arith.constant 80 : i32
      %mul3A_67 = arith.muli %add3A_65, %mul3A_66 : i32
      "tpu.region"() ({
        %run_scoped3A_176 = tpu.sem_alloc : memref<!tpu.dma_semaphore, #tpu.memory_space<semaphore_mem>>
        %dma_start3A = arith.constant 480 : i32
        %dma_start3A_177 = arith.constant 0 : i32
        %dma_start3A_178 = tpu.memref_slice %arg8[%dma_start3A, %dma_start3A_177] : memref<2000x16xf32, #tpu.memory_space<vmem>> -> memref<80x16xf32, #tpu.memory_space<vmem>>
        %dma_start3A_179 = tpu.memref_slice %arg6[%mul3A_67] : memref<10000xi32, #tpu.memory_space<vmem>> -> memref<80xi32, #tpu.memory_space<vmem>>
        %dma_start3A_180 = arith.constant 0 : i32
        %dma_start3A_181 = arith.constant 0 : i32
        %dma_start3A_182 = tpu.memref_slice %arg10[%dma_start3A_180, %dma_start3A_181] : memref<10000x16xf32, #tpu.memory_space<vmem_shared>> -> memref<10000x16xf32, #tpu.memory_space<vmem_shared>>
        tpu.enqueue_indirect_dma source(%dma_start3A_178 : memref<80x16xf32, #tpu.memory_space<vmem>>) target(%dma_start3A_182 : memref<10000x16xf32, #tpu.memory_space<vmem_shared>>) offsets(%dma_start3A_179 : memref<80xi32, #tpu.memory_space<vmem>>) semaphore(%run_scoped3A_176 : memref<!tpu.dma_semaphore, #tpu.memory_space<semaphore_mem>>) {add = true}
        %dma_wait3A = arith.constant 480 : i32
        %dma_wait3A_183 = arith.constant 0 : i32
        %dma_wait3A_184 = tpu.memref_slice %arg8[%dma_wait3A, %dma_wait3A_183] : memref<2000x16xf32, #tpu.memory_space<vmem>> -> memref<80x16xf32, #tpu.memory_space<vmem>>
        %dma_wait3A_185 = tpu.memref_slice %arg6[%mul3A_67] : memref<10000xi32, #tpu.memory_space<vmem>> -> memref<80xi32, #tpu.memory_space<vmem>>
        %dma_wait3A_186 = arith.constant 0 : i32
        %dma_wait3A_187 = arith.constant 0 : i32
        %dma_wait3A_188 = tpu.memref_slice %arg10[%dma_wait3A_186, %dma_wait3A_187] : memref<10000x16xf32, #tpu.memory_space<vmem_shared>> -> memref<10000x16xf32, #tpu.memory_space<vmem_shared>>
        tpu.wait_indirect_dma semaphore(%run_scoped3A_176 : memref<!tpu.dma_semaphore, #tpu.memory_space<semaphore_mem>>) src(%dma_wait3A_184 : memref<80x16xf32, #tpu.memory_space<vmem>>) dst(%dma_wait3A_188 : memref<10000x16xf32, #tpu.memory_space<vmem_shared>>)
        tpu.yield
      }) : () -> ()
      "tpu.region"() ({
        %run_scoped3A_176 = tpu.sem_alloc : memref<!tpu.dma_semaphore, #tpu.memory_space<semaphore_mem>>
        %dma_start3A = arith.constant 480 : i32
        %dma_start3A_177 = arith.constant 0 : i32
        %dma_start3A_178 = tpu.memref_slice %arg8[%dma_start3A, %dma_start3A_177] : memref<2000x16xf32, #tpu.memory_space<vmem>> -> memref<80x16xf32, #tpu.memory_space<vmem>>
        %dma_start3A_179 = tpu.memref_slice %arg7[%mul3A_67] : memref<10000xi32, #tpu.memory_space<vmem>> -> memref<80xi32, #tpu.memory_space<vmem>>
        %dma_start3A_180 = arith.constant 0 : i32
        %dma_start3A_181 = arith.constant 0 : i32
        %dma_start3A_182 = tpu.memref_slice %arg11[%dma_start3A_180, %dma_start3A_181] : memref<10000x16xf32, #tpu.memory_space<vmem_shared>> -> memref<10000x16xf32, #tpu.memory_space<vmem_shared>>
        tpu.enqueue_indirect_dma source(%dma_start3A_178 : memref<80x16xf32, #tpu.memory_space<vmem>>) target(%dma_start3A_182 : memref<10000x16xf32, #tpu.memory_space<vmem_shared>>) offsets(%dma_start3A_179 : memref<80xi32, #tpu.memory_space<vmem>>) semaphore(%run_scoped3A_176 : memref<!tpu.dma_semaphore, #tpu.memory_space<semaphore_mem>>) {add = true}
        %dma_wait3A = arith.constant 480 : i32
        %dma_wait3A_183 = arith.constant 0 : i32
        %dma_wait3A_184 = tpu.memref_slice %arg8[%dma_wait3A, %dma_wait3A_183] : memref<2000x16xf32, #tpu.memory_space<vmem>> -> memref<80x16xf32, #tpu.memory_space<vmem>>
        %dma_wait3A_185 = tpu.memref_slice %arg7[%mul3A_67] : memref<10000xi32, #tpu.memory_space<vmem>> -> memref<80xi32, #tpu.memory_space<vmem>>
        %dma_wait3A_186 = arith.constant 0 : i32
        %dma_wait3A_187 = arith.constant 0 : i32
        %dma_wait3A_188 = tpu.memref_slice %arg11[%dma_wait3A_186, %dma_wait3A_187] : memref<10000x16xf32, #tpu.memory_space<vmem_shared>> -> memref<10000x16xf32, #tpu.memory_space<vmem_shared>>
        tpu.wait_indirect_dma semaphore(%run_scoped3A_176 : memref<!tpu.dma_semaphore, #tpu.memory_space<semaphore_mem>>) src(%dma_wait3A_184 : memref<80x16xf32, #tpu.memory_space<vmem>>) dst(%dma_wait3A_188 : memref<10000x16xf32, #tpu.memory_space<vmem_shared>>)
        tpu.yield
      }) : () -> ()
      %mul3A_68 = arith.constant 25 : i32
      %mul3A_69 = arith.muli %scan3A_20, %mul3A_68 : i32
      %add3A_70 = arith.constant 7 : i32
      %add3A_71 = arith.addi %mul3A_69, %add3A_70 : i32
      %mul3A_72 = arith.constant 80 : i32
      %mul3A_73 = arith.muli %add3A_71, %mul3A_72 : i32
      "tpu.region"() ({
        %run_scoped3A_176 = tpu.sem_alloc : memref<!tpu.dma_semaphore, #tpu.memory_space<semaphore_mem>>
        %dma_start3A = arith.constant 560 : i32
        %dma_start3A_177 = arith.constant 0 : i32
        %dma_start3A_178 = tpu.memref_slice %arg8[%dma_start3A, %dma_start3A_177] : memref<2000x16xf32, #tpu.memory_space<vmem>> -> memref<80x16xf32, #tpu.memory_space<vmem>>
        %dma_start3A_179 = tpu.memref_slice %arg6[%mul3A_73] : memref<10000xi32, #tpu.memory_space<vmem>> -> memref<80xi32, #tpu.memory_space<vmem>>
        %dma_start3A_180 = arith.constant 0 : i32
        %dma_start3A_181 = arith.constant 0 : i32
        %dma_start3A_182 = tpu.memref_slice %arg10[%dma_start3A_180, %dma_start3A_181] : memref<10000x16xf32, #tpu.memory_space<vmem_shared>> -> memref<10000x16xf32, #tpu.memory_space<vmem_shared>>
        tpu.enqueue_indirect_dma source(%dma_start3A_178 : memref<80x16xf32, #tpu.memory_space<vmem>>) target(%dma_start3A_182 : memref<10000x16xf32, #tpu.memory_space<vmem_shared>>) offsets(%dma_start3A_179 : memref<80xi32, #tpu.memory_space<vmem>>) semaphore(%run_scoped3A_176 : memref<!tpu.dma_semaphore, #tpu.memory_space<semaphore_mem>>) {add = true}
        %dma_wait3A = arith.constant 560 : i32
        %dma_wait3A_183 = arith.constant 0 : i32
        %dma_wait3A_184 = tpu.memref_slice %arg8[%dma_wait3A, %dma_wait3A_183] : memref<2000x16xf32, #tpu.memory_space<vmem>> -> memref<80x16xf32, #tpu.memory_space<vmem>>
        %dma_wait3A_185 = tpu.memref_slice %arg6[%mul3A_73] : memref<10000xi32, #tpu.memory_space<vmem>> -> memref<80xi32, #tpu.memory_space<vmem>>
        %dma_wait3A_186 = arith.constant 0 : i32
        %dma_wait3A_187 = arith.constant 0 : i32
        %dma_wait3A_188 = tpu.memref_slice %arg10[%dma_wait3A_186, %dma_wait3A_187] : memref<10000x16xf32, #tpu.memory_space<vmem_shared>> -> memref<10000x16xf32, #tpu.memory_space<vmem_shared>>
        tpu.wait_indirect_dma semaphore(%run_scoped3A_176 : memref<!tpu.dma_semaphore, #tpu.memory_space<semaphore_mem>>) src(%dma_wait3A_184 : memref<80x16xf32, #tpu.memory_space<vmem>>) dst(%dma_wait3A_188 : memref<10000x16xf32, #tpu.memory_space<vmem_shared>>)
        tpu.yield
      }) : () -> ()
      "tpu.region"() ({
        %run_scoped3A_176 = tpu.sem_alloc : memref<!tpu.dma_semaphore, #tpu.memory_space<semaphore_mem>>
        %dma_start3A = arith.constant 560 : i32
        %dma_start3A_177 = arith.constant 0 : i32
        %dma_start3A_178 = tpu.memref_slice %arg8[%dma_start3A, %dma_start3A_177] : memref<2000x16xf32, #tpu.memory_space<vmem>> -> memref<80x16xf32, #tpu.memory_space<vmem>>
        %dma_start3A_179 = tpu.memref_slice %arg7[%mul3A_73] : memref<10000xi32, #tpu.memory_space<vmem>> -> memref<80xi32, #tpu.memory_space<vmem>>
        %dma_start3A_180 = arith.constant 0 : i32
        %dma_start3A_181 = arith.constant 0 : i32
        %dma_start3A_182 = tpu.memref_slice %arg11[%dma_start3A_180, %dma_start3A_181] : memref<10000x16xf32, #tpu.memory_space<vmem_shared>> -> memref<10000x16xf32, #tpu.memory_space<vmem_shared>>
        tpu.enqueue_indirect_dma source(%dma_start3A_178 : memref<80x16xf32, #tpu.memory_space<vmem>>) target(%dma_start3A_182 : memref<10000x16xf32, #tpu.memory_space<vmem_shared>>) offsets(%dma_start3A_179 : memref<80xi32, #tpu.memory_space<vmem>>) semaphore(%run_scoped3A_176 : memref<!tpu.dma_semaphore, #tpu.memory_space<semaphore_mem>>) {add = true}
        %dma_wait3A = arith.constant 560 : i32
        %dma_wait3A_183 = arith.constant 0 : i32
        %dma_wait3A_184 = tpu.memref_slice %arg8[%dma_wait3A, %dma_wait3A_183] : memref<2000x16xf32, #tpu.memory_space<vmem>> -> memref<80x16xf32, #tpu.memory_space<vmem>>
        %dma_wait3A_185 = tpu.memref_slice %arg7[%mul3A_73] : memref<10000xi32, #tpu.memory_space<vmem>> -> memref<80xi32, #tpu.memory_space<vmem>>
        %dma_wait3A_186 = arith.constant 0 : i32
        %dma_wait3A_187 = arith.constant 0 : i32
        %dma_wait3A_188 = tpu.memref_slice %arg11[%dma_wait3A_186, %dma_wait3A_187] : memref<10000x16xf32, #tpu.memory_space<vmem_shared>> -> memref<10000x16xf32, #tpu.memory_space<vmem_shared>>
        tpu.wait_indirect_dma semaphore(%run_scoped3A_176 : memref<!tpu.dma_semaphore, #tpu.memory_space<semaphore_mem>>) src(%dma_wait3A_184 : memref<80x16xf32, #tpu.memory_space<vmem>>) dst(%dma_wait3A_188 : memref<10000x16xf32, #tpu.memory_space<vmem_shared>>)
        tpu.yield
      }) : () -> ()
      %mul3A_74 = arith.constant 25 : i32
      %mul3A_75 = arith.muli %scan3A_20, %mul3A_74 : i32
      %add3A_76 = arith.constant 8 : i32
      %add3A_77 = arith.addi %mul3A_75, %add3A_76 : i32
      %mul3A_78 = arith.constant 80 : i32
      %mul3A_79 = arith.muli %add3A_77, %mul3A_78 : i32
      "tpu.region"() ({
        %run_scoped3A_176 = tpu.sem_alloc : memref<!tpu.dma_semaphore, #tpu.memory_space<semaphore_mem>>
        %dma_start3A = arith.constant 640 : i32
        %dma_start3A_177 = arith.constant 0 : i32
        %dma_start3A_178 = tpu.memref_slice %arg8[%dma_start3A, %dma_start3A_177] : memref<2000x16xf32, #tpu.memory_space<vmem>> -> memref<80x16xf32, #tpu.memory_space<vmem>>
        %dma_start3A_179 = tpu.memref_slice %arg6[%mul3A_79] : memref<10000xi32, #tpu.memory_space<vmem>> -> memref<80xi32, #tpu.memory_space<vmem>>
        %dma_start3A_180 = arith.constant 0 : i32
        %dma_start3A_181 = arith.constant 0 : i32
        %dma_start3A_182 = tpu.memref_slice %arg10[%dma_start3A_180, %dma_start3A_181] : memref<10000x16xf32, #tpu.memory_space<vmem_shared>> -> memref<10000x16xf32, #tpu.memory_space<vmem_shared>>
        tpu.enqueue_indirect_dma source(%dma_start3A_178 : memref<80x16xf32, #tpu.memory_space<vmem>>) target(%dma_start3A_182 : memref<10000x16xf32, #tpu.memory_space<vmem_shared>>) offsets(%dma_start3A_179 : memref<80xi32, #tpu.memory_space<vmem>>) semaphore(%run_scoped3A_176 : memref<!tpu.dma_semaphore, #tpu.memory_space<semaphore_mem>>) {add = true}
        %dma_wait3A = arith.constant 640 : i32
        %dma_wait3A_183 = arith.constant 0 : i32
        %dma_wait3A_184 = tpu.memref_slice %arg8[%dma_wait3A, %dma_wait3A_183] : memref<2000x16xf32, #tpu.memory_space<vmem>> -> memref<80x16xf32, #tpu.memory_space<vmem>>
        %dma_wait3A_185 = tpu.memref_slice %arg6[%mul3A_79] : memref<10000xi32, #tpu.memory_space<vmem>> -> memref<80xi32, #tpu.memory_space<vmem>>
        %dma_wait3A_186 = arith.constant 0 : i32
        %dma_wait3A_187 = arith.constant 0 : i32
        %dma_wait3A_188 = tpu.memref_slice %arg10[%dma_wait3A_186, %dma_wait3A_187] : memref<10000x16xf32, #tpu.memory_space<vmem_shared>> -> memref<10000x16xf32, #tpu.memory_space<vmem_shared>>
        tpu.wait_indirect_dma semaphore(%run_scoped3A_176 : memref<!tpu.dma_semaphore, #tpu.memory_space<semaphore_mem>>) src(%dma_wait3A_184 : memref<80x16xf32, #tpu.memory_space<vmem>>) dst(%dma_wait3A_188 : memref<10000x16xf32, #tpu.memory_space<vmem_shared>>)
        tpu.yield
      }) : () -> ()
      "tpu.region"() ({
        %run_scoped3A_176 = tpu.sem_alloc : memref<!tpu.dma_semaphore, #tpu.memory_space<semaphore_mem>>
        %dma_start3A = arith.constant 640 : i32
        %dma_start3A_177 = arith.constant 0 : i32
        %dma_start3A_178 = tpu.memref_slice %arg8[%dma_start3A, %dma_start3A_177] : memref<2000x16xf32, #tpu.memory_space<vmem>> -> memref<80x16xf32, #tpu.memory_space<vmem>>
        %dma_start3A_179 = tpu.memref_slice %arg7[%mul3A_79] : memref<10000xi32, #tpu.memory_space<vmem>> -> memref<80xi32, #tpu.memory_space<vmem>>
        %dma_start3A_180 = arith.constant 0 : i32
        %dma_start3A_181 = arith.constant 0 : i32
        %dma_start3A_182 = tpu.memref_slice %arg11[%dma_start3A_180, %dma_start3A_181] : memref<10000x16xf32, #tpu.memory_space<vmem_shared>> -> memref<10000x16xf32, #tpu.memory_space<vmem_shared>>
        tpu.enqueue_indirect_dma source(%dma_start3A_178 : memref<80x16xf32, #tpu.memory_space<vmem>>) target(%dma_start3A_182 : memref<10000x16xf32, #tpu.memory_space<vmem_shared>>) offsets(%dma_start3A_179 : memref<80xi32, #tpu.memory_space<vmem>>) semaphore(%run_scoped3A_176 : memref<!tpu.dma_semaphore, #tpu.memory_space<semaphore_mem>>) {add = true}
        %dma_wait3A = arith.constant 640 : i32
        %dma_wait3A_183 = arith.constant 0 : i32
        %dma_wait3A_184 = tpu.memref_slice %arg8[%dma_wait3A, %dma_wait3A_183] : memref<2000x16xf32, #tpu.memory_space<vmem>> -> memref<80x16xf32, #tpu.memory_space<vmem>>
        %dma_wait3A_185 = tpu.memref_slice %arg7[%mul3A_79] : memref<10000xi32, #tpu.memory_space<vmem>> -> memref<80xi32, #tpu.memory_space<vmem>>
        %dma_wait3A_186 = arith.constant 0 : i32
        %dma_wait3A_187 = arith.constant 0 : i32
        %dma_wait3A_188 = tpu.memref_slice %arg11[%dma_wait3A_186, %dma_wait3A_187] : memref<10000x16xf32, #tpu.memory_space<vmem_shared>> -> memref<10000x16xf32, #tpu.memory_space<vmem_shared>>
        tpu.wait_indirect_dma semaphore(%run_scoped3A_176 : memref<!tpu.dma_semaphore, #tpu.memory_space<semaphore_mem>>) src(%dma_wait3A_184 : memref<80x16xf32, #tpu.memory_space<vmem>>) dst(%dma_wait3A_188 : memref<10000x16xf32, #tpu.memory_space<vmem_shared>>)
        tpu.yield
      }) : () -> ()
      %mul3A_80 = arith.constant 25 : i32
      %mul3A_81 = arith.muli %scan3A_20, %mul3A_80 : i32
      %add3A_82 = arith.constant 9 : i32
      %add3A_83 = arith.addi %mul3A_81, %add3A_82 : i32
      %mul3A_84 = arith.constant 80 : i32
      %mul3A_85 = arith.muli %add3A_83, %mul3A_84 : i32
      "tpu.region"() ({
        %run_scoped3A_176 = tpu.sem_alloc : memref<!tpu.dma_semaphore, #tpu.memory_space<semaphore_mem>>
        %dma_start3A = arith.constant 720 : i32
        %dma_start3A_177 = arith.constant 0 : i32
        %dma_start3A_178 = tpu.memref_slice %arg8[%dma_start3A, %dma_start3A_177] : memref<2000x16xf32, #tpu.memory_space<vmem>> -> memref<80x16xf32, #tpu.memory_space<vmem>>
        %dma_start3A_179 = tpu.memref_slice %arg6[%mul3A_85] : memref<10000xi32, #tpu.memory_space<vmem>> -> memref<80xi32, #tpu.memory_space<vmem>>
        %dma_start3A_180 = arith.constant 0 : i32
        %dma_start3A_181 = arith.constant 0 : i32
        %dma_start3A_182 = tpu.memref_slice %arg10[%dma_start3A_180, %dma_start3A_181] : memref<10000x16xf32, #tpu.memory_space<vmem_shared>> -> memref<10000x16xf32, #tpu.memory_space<vmem_shared>>
        tpu.enqueue_indirect_dma source(%dma_start3A_178 : memref<80x16xf32, #tpu.memory_space<vmem>>) target(%dma_start3A_182 : memref<10000x16xf32, #tpu.memory_space<vmem_shared>>) offsets(%dma_start3A_179 : memref<80xi32, #tpu.memory_space<vmem>>) semaphore(%run_scoped3A_176 : memref<!tpu.dma_semaphore, #tpu.memory_space<semaphore_mem>>) {add = true}
        %dma_wait3A = arith.constant 720 : i32
        %dma_wait3A_183 = arith.constant 0 : i32
        %dma_wait3A_184 = tpu.memref_slice %arg8[%dma_wait3A, %dma_wait3A_183] : memref<2000x16xf32, #tpu.memory_space<vmem>> -> memref<80x16xf32, #tpu.memory_space<vmem>>
        %dma_wait3A_185 = tpu.memref_slice %arg6[%mul3A_85] : memref<10000xi32, #tpu.memory_space<vmem>> -> memref<80xi32, #tpu.memory_space<vmem>>
        %dma_wait3A_186 = arith.constant 0 : i32
        %dma_wait3A_187 = arith.constant 0 : i32
        %dma_wait3A_188 = tpu.memref_slice %arg10[%dma_wait3A_186, %dma_wait3A_187] : memref<10000x16xf32, #tpu.memory_space<vmem_shared>> -> memref<10000x16xf32, #tpu.memory_space<vmem_shared>>
        tpu.wait_indirect_dma semaphore(%run_scoped3A_176 : memref<!tpu.dma_semaphore, #tpu.memory_space<semaphore_mem>>) src(%dma_wait3A_184 : memref<80x16xf32, #tpu.memory_space<vmem>>) dst(%dma_wait3A_188 : memref<10000x16xf32, #tpu.memory_space<vmem_shared>>)
        tpu.yield
      }) : () -> ()
      "tpu.region"() ({
        %run_scoped3A_176 = tpu.sem_alloc : memref<!tpu.dma_semaphore, #tpu.memory_space<semaphore_mem>>
        %dma_start3A = arith.constant 720 : i32
        %dma_start3A_177 = arith.constant 0 : i32
        %dma_start3A_178 = tpu.memref_slice %arg8[%dma_start3A, %dma_start3A_177] : memref<2000x16xf32, #tpu.memory_space<vmem>> -> memref<80x16xf32, #tpu.memory_space<vmem>>
        %dma_start3A_179 = tpu.memref_slice %arg7[%mul3A_85] : memref<10000xi32, #tpu.memory_space<vmem>> -> memref<80xi32, #tpu.memory_space<vmem>>
        %dma_start3A_180 = arith.constant 0 : i32
        %dma_start3A_181 = arith.constant 0 : i32
        %dma_start3A_182 = tpu.memref_slice %arg11[%dma_start3A_180, %dma_start3A_181] : memref<10000x16xf32, #tpu.memory_space<vmem_shared>> -> memref<10000x16xf32, #tpu.memory_space<vmem_shared>>
        tpu.enqueue_indirect_dma source(%dma_start3A_178 : memref<80x16xf32, #tpu.memory_space<vmem>>) target(%dma_start3A_182 : memref<10000x16xf32, #tpu.memory_space<vmem_shared>>) offsets(%dma_start3A_179 : memref<80xi32, #tpu.memory_space<vmem>>) semaphore(%run_scoped3A_176 : memref<!tpu.dma_semaphore, #tpu.memory_space<semaphore_mem>>) {add = true}
        %dma_wait3A = arith.constant 720 : i32
        %dma_wait3A_183 = arith.constant 0 : i32
        %dma_wait3A_184 = tpu.memref_slice %arg8[%dma_wait3A, %dma_wait3A_183] : memref<2000x16xf32, #tpu.memory_space<vmem>> -> memref<80x16xf32, #tpu.memory_space<vmem>>
        %dma_wait3A_185 = tpu.memref_slice %arg7[%mul3A_85] : memref<10000xi32, #tpu.memory_space<vmem>> -> memref<80xi32, #tpu.memory_space<vmem>>
        %dma_wait3A_186 = arith.constant 0 : i32
        %dma_wait3A_187 = arith.constant 0 : i32
        %dma_wait3A_188 = tpu.memref_slice %arg11[%dma_wait3A_186, %dma_wait3A_187] : memref<10000x16xf32, #tpu.memory_space<vmem_shared>> -> memref<10000x16xf32, #tpu.memory_space<vmem_shared>>
        tpu.wait_indirect_dma semaphore(%run_scoped3A_176 : memref<!tpu.dma_semaphore, #tpu.memory_space<semaphore_mem>>) src(%dma_wait3A_184 : memref<80x16xf32, #tpu.memory_space<vmem>>) dst(%dma_wait3A_188 : memref<10000x16xf32, #tpu.memory_space<vmem_shared>>)
        tpu.yield
      }) : () -> ()
      %mul3A_86 = arith.constant 25 : i32
      %mul3A_87 = arith.muli %scan3A_20, %mul3A_86 : i32
      %add3A_88 = arith.constant 10 : i32
      %add3A_89 = arith.addi %mul3A_87, %add3A_88 : i32
      %mul3A_90 = arith.constant 80 : i32
      %mul3A_91 = arith.muli %add3A_89, %mul3A_90 : i32
      "tpu.region"() ({
        %run_scoped3A_176 = tpu.sem_alloc : memref<!tpu.dma_semaphore, #tpu.memory_space<semaphore_mem>>
        %dma_start3A = arith.constant 800 : i32
        %dma_start3A_177 = arith.constant 0 : i32
        %dma_start3A_178 = tpu.memref_slice %arg8[%dma_start3A, %dma_start3A_177] : memref<2000x16xf32, #tpu.memory_space<vmem>> -> memref<80x16xf32, #tpu.memory_space<vmem>>
        %dma_start3A_179 = tpu.memref_slice %arg6[%mul3A_91] : memref<10000xi32, #tpu.memory_space<vmem>> -> memref<80xi32, #tpu.memory_space<vmem>>
        %dma_start3A_180 = arith.constant 0 : i32
        %dma_start3A_181 = arith.constant 0 : i32
        %dma_start3A_182 = tpu.memref_slice %arg10[%dma_start3A_180, %dma_start3A_181] : memref<10000x16xf32, #tpu.memory_space<vmem_shared>> -> memref<10000x16xf32, #tpu.memory_space<vmem_shared>>
        tpu.enqueue_indirect_dma source(%dma_start3A_178 : memref<80x16xf32, #tpu.memory_space<vmem>>) target(%dma_start3A_182 : memref<10000x16xf32, #tpu.memory_space<vmem_shared>>) offsets(%dma_start3A_179 : memref<80xi32, #tpu.memory_space<vmem>>) semaphore(%run_scoped3A_176 : memref<!tpu.dma_semaphore, #tpu.memory_space<semaphore_mem>>) {add = true}
        %dma_wait3A = arith.constant 800 : i32
        %dma_wait3A_183 = arith.constant 0 : i32
        %dma_wait3A_184 = tpu.memref_slice %arg8[%dma_wait3A, %dma_wait3A_183] : memref<2000x16xf32, #tpu.memory_space<vmem>> -> memref<80x16xf32, #tpu.memory_space<vmem>>
        %dma_wait3A_185 = tpu.memref_slice %arg6[%mul3A_91] : memref<10000xi32, #tpu.memory_space<vmem>> -> memref<80xi32, #tpu.memory_space<vmem>>
        %dma_wait3A_186 = arith.constant 0 : i32
        %dma_wait3A_187 = arith.constant 0 : i32
        %dma_wait3A_188 = tpu.memref_slice %arg10[%dma_wait3A_186, %dma_wait3A_187] : memref<10000x16xf32, #tpu.memory_space<vmem_shared>> -> memref<10000x16xf32, #tpu.memory_space<vmem_shared>>
        tpu.wait_indirect_dma semaphore(%run_scoped3A_176 : memref<!tpu.dma_semaphore, #tpu.memory_space<semaphore_mem>>) src(%dma_wait3A_184 : memref<80x16xf32, #tpu.memory_space<vmem>>) dst(%dma_wait3A_188 : memref<10000x16xf32, #tpu.memory_space<vmem_shared>>)
        tpu.yield
      }) : () -> ()
      "tpu.region"() ({
        %run_scoped3A_176 = tpu.sem_alloc : memref<!tpu.dma_semaphore, #tpu.memory_space<semaphore_mem>>
        %dma_start3A = arith.constant 800 : i32
        %dma_start3A_177 = arith.constant 0 : i32
        %dma_start3A_178 = tpu.memref_slice %arg8[%dma_start3A, %dma_start3A_177] : memref<2000x16xf32, #tpu.memory_space<vmem>> -> memref<80x16xf32, #tpu.memory_space<vmem>>
        %dma_start3A_179 = tpu.memref_slice %arg7[%mul3A_91] : memref<10000xi32, #tpu.memory_space<vmem>> -> memref<80xi32, #tpu.memory_space<vmem>>
        %dma_start3A_180 = arith.constant 0 : i32
        %dma_start3A_181 = arith.constant 0 : i32
        %dma_start3A_182 = tpu.memref_slice %arg11[%dma_start3A_180, %dma_start3A_181] : memref<10000x16xf32, #tpu.memory_space<vmem_shared>> -> memref<10000x16xf32, #tpu.memory_space<vmem_shared>>
        tpu.enqueue_indirect_dma source(%dma_start3A_178 : memref<80x16xf32, #tpu.memory_space<vmem>>) target(%dma_start3A_182 : memref<10000x16xf32, #tpu.memory_space<vmem_shared>>) offsets(%dma_start3A_179 : memref<80xi32, #tpu.memory_space<vmem>>) semaphore(%run_scoped3A_176 : memref<!tpu.dma_semaphore, #tpu.memory_space<semaphore_mem>>) {add = true}
        %dma_wait3A = arith.constant 800 : i32
        %dma_wait3A_183 = arith.constant 0 : i32
        %dma_wait3A_184 = tpu.memref_slice %arg8[%dma_wait3A, %dma_wait3A_183] : memref<2000x16xf32, #tpu.memory_space<vmem>> -> memref<80x16xf32, #tpu.memory_space<vmem>>
        %dma_wait3A_185 = tpu.memref_slice %arg7[%mul3A_91] : memref<10000xi32, #tpu.memory_space<vmem>> -> memref<80xi32, #tpu.memory_space<vmem>>
        %dma_wait3A_186 = arith.constant 0 : i32
        %dma_wait3A_187 = arith.constant 0 : i32
        %dma_wait3A_188 = tpu.memref_slice %arg11[%dma_wait3A_186, %dma_wait3A_187] : memref<10000x16xf32, #tpu.memory_space<vmem_shared>> -> memref<10000x16xf32, #tpu.memory_space<vmem_shared>>
        tpu.wait_indirect_dma semaphore(%run_scoped3A_176 : memref<!tpu.dma_semaphore, #tpu.memory_space<semaphore_mem>>) src(%dma_wait3A_184 : memref<80x16xf32, #tpu.memory_space<vmem>>) dst(%dma_wait3A_188 : memref<10000x16xf32, #tpu.memory_space<vmem_shared>>)
        tpu.yield
      }) : () -> ()
      %mul3A_92 = arith.constant 25 : i32
      %mul3A_93 = arith.muli %scan3A_20, %mul3A_92 : i32
      %add3A_94 = arith.constant 11 : i32
      %add3A_95 = arith.addi %mul3A_93, %add3A_94 : i32
      %mul3A_96 = arith.constant 80 : i32
      %mul3A_97 = arith.muli %add3A_95, %mul3A_96 : i32
      "tpu.region"() ({
        %run_scoped3A_176 = tpu.sem_alloc : memref<!tpu.dma_semaphore, #tpu.memory_space<semaphore_mem>>
        %dma_start3A = arith.constant 880 : i32
        %dma_start3A_177 = arith.constant 0 : i32
        %dma_start3A_178 = tpu.memref_slice %arg8[%dma_start3A, %dma_start3A_177] : memref<2000x16xf32, #tpu.memory_space<vmem>> -> memref<80x16xf32, #tpu.memory_space<vmem>>
        %dma_start3A_179 = tpu.memref_slice %arg6[%mul3A_97] : memref<10000xi32, #tpu.memory_space<vmem>> -> memref<80xi32, #tpu.memory_space<vmem>>
        %dma_start3A_180 = arith.constant 0 : i32
        %dma_start3A_181 = arith.constant 0 : i32
        %dma_start3A_182 = tpu.memref_slice %arg10[%dma_start3A_180, %dma_start3A_181] : memref<10000x16xf32, #tpu.memory_space<vmem_shared>> -> memref<10000x16xf32, #tpu.memory_space<vmem_shared>>
        tpu.enqueue_indirect_dma source(%dma_start3A_178 : memref<80x16xf32, #tpu.memory_space<vmem>>) target(%dma_start3A_182 : memref<10000x16xf32, #tpu.memory_space<vmem_shared>>) offsets(%dma_start3A_179 : memref<80xi32, #tpu.memory_space<vmem>>) semaphore(%run_scoped3A_176 : memref<!tpu.dma_semaphore, #tpu.memory_space<semaphore_mem>>) {add = true}
        %dma_wait3A = arith.constant 880 : i32
        %dma_wait3A_183 = arith.constant 0 : i32
        %dma_wait3A_184 = tpu.memref_slice %arg8[%dma_wait3A, %dma_wait3A_183] : memref<2000x16xf32, #tpu.memory_space<vmem>> -> memref<80x16xf32, #tpu.memory_space<vmem>>
        %dma_wait3A_185 = tpu.memref_slice %arg6[%mul3A_97] : memref<10000xi32, #tpu.memory_space<vmem>> -> memref<80xi32, #tpu.memory_space<vmem>>
        %dma_wait3A_186 = arith.constant 0 : i32
        %dma_wait3A_187 = arith.constant 0 : i32
        %dma_wait3A_188 = tpu.memref_slice %arg10[%dma_wait3A_186, %dma_wait3A_187] : memref<10000x16xf32, #tpu.memory_space<vmem_shared>> -> memref<10000x16xf32, #tpu.memory_space<vmem_shared>>
        tpu.wait_indirect_dma semaphore(%run_scoped3A_176 : memref<!tpu.dma_semaphore, #tpu.memory_space<semaphore_mem>>) src(%dma_wait3A_184 : memref<80x16xf32, #tpu.memory_space<vmem>>) dst(%dma_wait3A_188 : memref<10000x16xf32, #tpu.memory_space<vmem_shared>>)
        tpu.yield
      }) : () -> ()
      "tpu.region"() ({
        %run_scoped3A_176 = tpu.sem_alloc : memref<!tpu.dma_semaphore, #tpu.memory_space<semaphore_mem>>
        %dma_start3A = arith.constant 880 : i32
        %dma_start3A_177 = arith.constant 0 : i32
        %dma_start3A_178 = tpu.memref_slice %arg8[%dma_start3A, %dma_start3A_177] : memref<2000x16xf32, #tpu.memory_space<vmem>> -> memref<80x16xf32, #tpu.memory_space<vmem>>
        %dma_start3A_179 = tpu.memref_slice %arg7[%mul3A_97] : memref<10000xi32, #tpu.memory_space<vmem>> -> memref<80xi32, #tpu.memory_space<vmem>>
        %dma_start3A_180 = arith.constant 0 : i32
        %dma_start3A_181 = arith.constant 0 : i32
        %dma_start3A_182 = tpu.memref_slice %arg11[%dma_start3A_180, %dma_start3A_181] : memref<10000x16xf32, #tpu.memory_space<vmem_shared>> -> memref<10000x16xf32, #tpu.memory_space<vmem_shared>>
        tpu.enqueue_indirect_dma source(%dma_start3A_178 : memref<80x16xf32, #tpu.memory_space<vmem>>) target(%dma_start3A_182 : memref<10000x16xf32, #tpu.memory_space<vmem_shared>>) offsets(%dma_start3A_179 : memref<80xi32, #tpu.memory_space<vmem>>) semaphore(%run_scoped3A_176 : memref<!tpu.dma_semaphore, #tpu.memory_space<semaphore_mem>>) {add = true}
        %dma_wait3A = arith.constant 880 : i32
        %dma_wait3A_183 = arith.constant 0 : i32
        %dma_wait3A_184 = tpu.memref_slice %arg8[%dma_wait3A, %dma_wait3A_183] : memref<2000x16xf32, #tpu.memory_space<vmem>> -> memref<80x16xf32, #tpu.memory_space<vmem>>
        %dma_wait3A_185 = tpu.memref_slice %arg7[%mul3A_97] : memref<10000xi32, #tpu.memory_space<vmem>> -> memref<80xi32, #tpu.memory_space<vmem>>
        %dma_wait3A_186 = arith.constant 0 : i32
        %dma_wait3A_187 = arith.constant 0 : i32
        %dma_wait3A_188 = tpu.memref_slice %arg11[%dma_wait3A_186, %dma_wait3A_187] : memref<10000x16xf32, #tpu.memory_space<vmem_shared>> -> memref<10000x16xf32, #tpu.memory_space<vmem_shared>>
        tpu.wait_indirect_dma semaphore(%run_scoped3A_176 : memref<!tpu.dma_semaphore, #tpu.memory_space<semaphore_mem>>) src(%dma_wait3A_184 : memref<80x16xf32, #tpu.memory_space<vmem>>) dst(%dma_wait3A_188 : memref<10000x16xf32, #tpu.memory_space<vmem_shared>>)
        tpu.yield
      }) : () -> ()
      %mul3A_98 = arith.constant 25 : i32
      %mul3A_99 = arith.muli %scan3A_20, %mul3A_98 : i32
      %add3A_100 = arith.constant 12 : i32
      %add3A_101 = arith.addi %mul3A_99, %add3A_100 : i32
      %mul3A_102 = arith.constant 80 : i32
      %mul3A_103 = arith.muli %add3A_101, %mul3A_102 : i32
      "tpu.region"() ({
        %run_scoped3A_176 = tpu.sem_alloc : memref<!tpu.dma_semaphore, #tpu.memory_space<semaphore_mem>>
        %dma_start3A = arith.constant 960 : i32
        %dma_start3A_177 = arith.constant 0 : i32
        %dma_start3A_178 = tpu.memref_slice %arg8[%dma_start3A, %dma_start3A_177] : memref<2000x16xf32, #tpu.memory_space<vmem>> -> memref<80x16xf32, #tpu.memory_space<vmem>>
        %dma_start3A_179 = tpu.memref_slice %arg6[%mul3A_103] : memref<10000xi32, #tpu.memory_space<vmem>> -> memref<80xi32, #tpu.memory_space<vmem>>
        %dma_start3A_180 = arith.constant 0 : i32
        %dma_start3A_181 = arith.constant 0 : i32
        %dma_start3A_182 = tpu.memref_slice %arg10[%dma_start3A_180, %dma_start3A_181] : memref<10000x16xf32, #tpu.memory_space<vmem_shared>> -> memref<10000x16xf32, #tpu.memory_space<vmem_shared>>
        tpu.enqueue_indirect_dma source(%dma_start3A_178 : memref<80x16xf32, #tpu.memory_space<vmem>>) target(%dma_start3A_182 : memref<10000x16xf32, #tpu.memory_space<vmem_shared>>) offsets(%dma_start3A_179 : memref<80xi32, #tpu.memory_space<vmem>>) semaphore(%run_scoped3A_176 : memref<!tpu.dma_semaphore, #tpu.memory_space<semaphore_mem>>) {add = true}
        %dma_wait3A = arith.constant 960 : i32
        %dma_wait3A_183 = arith.constant 0 : i32
        %dma_wait3A_184 = tpu.memref_slice %arg8[%dma_wait3A, %dma_wait3A_183] : memref<2000x16xf32, #tpu.memory_space<vmem>> -> memref<80x16xf32, #tpu.memory_space<vmem>>
        %dma_wait3A_185 = tpu.memref_slice %arg6[%mul3A_103] : memref<10000xi32, #tpu.memory_space<vmem>> -> memref<80xi32, #tpu.memory_space<vmem>>
        %dma_wait3A_186 = arith.constant 0 : i32
        %dma_wait3A_187 = arith.constant 0 : i32
        %dma_wait3A_188 = tpu.memref_slice %arg10[%dma_wait3A_186, %dma_wait3A_187] : memref<10000x16xf32, #tpu.memory_space<vmem_shared>> -> memref<10000x16xf32, #tpu.memory_space<vmem_shared>>
        tpu.wait_indirect_dma semaphore(%run_scoped3A_176 : memref<!tpu.dma_semaphore, #tpu.memory_space<semaphore_mem>>) src(%dma_wait3A_184 : memref<80x16xf32, #tpu.memory_space<vmem>>) dst(%dma_wait3A_188 : memref<10000x16xf32, #tpu.memory_space<vmem_shared>>)
        tpu.yield
      }) : () -> ()
      "tpu.region"() ({
        %run_scoped3A_176 = tpu.sem_alloc : memref<!tpu.dma_semaphore, #tpu.memory_space<semaphore_mem>>
        %dma_start3A = arith.constant 960 : i32
        %dma_start3A_177 = arith.constant 0 : i32
        %dma_start3A_178 = tpu.memref_slice %arg8[%dma_start3A, %dma_start3A_177] : memref<2000x16xf32, #tpu.memory_space<vmem>> -> memref<80x16xf32, #tpu.memory_space<vmem>>
        %dma_start3A_179 = tpu.memref_slice %arg7[%mul3A_103] : memref<10000xi32, #tpu.memory_space<vmem>> -> memref<80xi32, #tpu.memory_space<vmem>>
        %dma_start3A_180 = arith.constant 0 : i32
        %dma_start3A_181 = arith.constant 0 : i32
        %dma_start3A_182 = tpu.memref_slice %arg11[%dma_start3A_180, %dma_start3A_181] : memref<10000x16xf32, #tpu.memory_space<vmem_shared>> -> memref<10000x16xf32, #tpu.memory_space<vmem_shared>>
        tpu.enqueue_indirect_dma source(%dma_start3A_178 : memref<80x16xf32, #tpu.memory_space<vmem>>) target(%dma_start3A_182 : memref<10000x16xf32, #tpu.memory_space<vmem_shared>>) offsets(%dma_start3A_179 : memref<80xi32, #tpu.memory_space<vmem>>) semaphore(%run_scoped3A_176 : memref<!tpu.dma_semaphore, #tpu.memory_space<semaphore_mem>>) {add = true}
        %dma_wait3A = arith.constant 960 : i32
        %dma_wait3A_183 = arith.constant 0 : i32
        %dma_wait3A_184 = tpu.memref_slice %arg8[%dma_wait3A, %dma_wait3A_183] : memref<2000x16xf32, #tpu.memory_space<vmem>> -> memref<80x16xf32, #tpu.memory_space<vmem>>
        %dma_wait3A_185 = tpu.memref_slice %arg7[%mul3A_103] : memref<10000xi32, #tpu.memory_space<vmem>> -> memref<80xi32, #tpu.memory_space<vmem>>
        %dma_wait3A_186 = arith.constant 0 : i32
        %dma_wait3A_187 = arith.constant 0 : i32
        %dma_wait3A_188 = tpu.memref_slice %arg11[%dma_wait3A_186, %dma_wait3A_187] : memref<10000x16xf32, #tpu.memory_space<vmem_shared>> -> memref<10000x16xf32, #tpu.memory_space<vmem_shared>>
        tpu.wait_indirect_dma semaphore(%run_scoped3A_176 : memref<!tpu.dma_semaphore, #tpu.memory_space<semaphore_mem>>) src(%dma_wait3A_184 : memref<80x16xf32, #tpu.memory_space<vmem>>) dst(%dma_wait3A_188 : memref<10000x16xf32, #tpu.memory_space<vmem_shared>>)
        tpu.yield
      }) : () -> ()
      %mul3A_104 = arith.constant 25 : i32
      %mul3A_105 = arith.muli %scan3A_20, %mul3A_104 : i32
      %add3A_106 = arith.constant 13 : i32
      %add3A_107 = arith.addi %mul3A_105, %add3A_106 : i32
      %mul3A_108 = arith.constant 80 : i32
      %mul3A_109 = arith.muli %add3A_107, %mul3A_108 : i32
      "tpu.region"() ({
        %run_scoped3A_176 = tpu.sem_alloc : memref<!tpu.dma_semaphore, #tpu.memory_space<semaphore_mem>>
        %dma_start3A = arith.constant 1040 : i32
        %dma_start3A_177 = arith.constant 0 : i32
        %dma_start3A_178 = tpu.memref_slice %arg8[%dma_start3A, %dma_start3A_177] : memref<2000x16xf32, #tpu.memory_space<vmem>> -> memref<80x16xf32, #tpu.memory_space<vmem>>
        %dma_start3A_179 = tpu.memref_slice %arg6[%mul3A_109] : memref<10000xi32, #tpu.memory_space<vmem>> -> memref<80xi32, #tpu.memory_space<vmem>>
        %dma_start3A_180 = arith.constant 0 : i32
        %dma_start3A_181 = arith.constant 0 : i32
        %dma_start3A_182 = tpu.memref_slice %arg10[%dma_start3A_180, %dma_start3A_181] : memref<10000x16xf32, #tpu.memory_space<vmem_shared>> -> memref<10000x16xf32, #tpu.memory_space<vmem_shared>>
        tpu.enqueue_indirect_dma source(%dma_start3A_178 : memref<80x16xf32, #tpu.memory_space<vmem>>) target(%dma_start3A_182 : memref<10000x16xf32, #tpu.memory_space<vmem_shared>>) offsets(%dma_start3A_179 : memref<80xi32, #tpu.memory_space<vmem>>) semaphore(%run_scoped3A_176 : memref<!tpu.dma_semaphore, #tpu.memory_space<semaphore_mem>>) {add = true}
        %dma_wait3A = arith.constant 1040 : i32
        %dma_wait3A_183 = arith.constant 0 : i32
        %dma_wait3A_184 = tpu.memref_slice %arg8[%dma_wait3A, %dma_wait3A_183] : memref<2000x16xf32, #tpu.memory_space<vmem>> -> memref<80x16xf32, #tpu.memory_space<vmem>>
        %dma_wait3A_185 = tpu.memref_slice %arg6[%mul3A_109] : memref<10000xi32, #tpu.memory_space<vmem>> -> memref<80xi32, #tpu.memory_space<vmem>>
        %dma_wait3A_186 = arith.constant 0 : i32
        %dma_wait3A_187 = arith.constant 0 : i32
        %dma_wait3A_188 = tpu.memref_slice %arg10[%dma_wait3A_186, %dma_wait3A_187] : memref<10000x16xf32, #tpu.memory_space<vmem_shared>> -> memref<10000x16xf32, #tpu.memory_space<vmem_shared>>
        tpu.wait_indirect_dma semaphore(%run_scoped3A_176 : memref<!tpu.dma_semaphore, #tpu.memory_space<semaphore_mem>>) src(%dma_wait3A_184 : memref<80x16xf32, #tpu.memory_space<vmem>>) dst(%dma_wait3A_188 : memref<10000x16xf32, #tpu.memory_space<vmem_shared>>)
        tpu.yield
      }) : () -> ()
      "tpu.region"() ({
        %run_scoped3A_176 = tpu.sem_alloc : memref<!tpu.dma_semaphore, #tpu.memory_space<semaphore_mem>>
        %dma_start3A = arith.constant 1040 : i32
        %dma_start3A_177 = arith.constant 0 : i32
        %dma_start3A_178 = tpu.memref_slice %arg8[%dma_start3A, %dma_start3A_177] : memref<2000x16xf32, #tpu.memory_space<vmem>> -> memref<80x16xf32, #tpu.memory_space<vmem>>
        %dma_start3A_179 = tpu.memref_slice %arg7[%mul3A_109] : memref<10000xi32, #tpu.memory_space<vmem>> -> memref<80xi32, #tpu.memory_space<vmem>>
        %dma_start3A_180 = arith.constant 0 : i32
        %dma_start3A_181 = arith.constant 0 : i32
        %dma_start3A_182 = tpu.memref_slice %arg11[%dma_start3A_180, %dma_start3A_181] : memref<10000x16xf32, #tpu.memory_space<vmem_shared>> -> memref<10000x16xf32, #tpu.memory_space<vmem_shared>>
        tpu.enqueue_indirect_dma source(%dma_start3A_178 : memref<80x16xf32, #tpu.memory_space<vmem>>) target(%dma_start3A_182 : memref<10000x16xf32, #tpu.memory_space<vmem_shared>>) offsets(%dma_start3A_179 : memref<80xi32, #tpu.memory_space<vmem>>) semaphore(%run_scoped3A_176 : memref<!tpu.dma_semaphore, #tpu.memory_space<semaphore_mem>>) {add = true}
        %dma_wait3A = arith.constant 1040 : i32
        %dma_wait3A_183 = arith.constant 0 : i32
        %dma_wait3A_184 = tpu.memref_slice %arg8[%dma_wait3A, %dma_wait3A_183] : memref<2000x16xf32, #tpu.memory_space<vmem>> -> memref<80x16xf32, #tpu.memory_space<vmem>>
        %dma_wait3A_185 = tpu.memref_slice %arg7[%mul3A_109] : memref<10000xi32, #tpu.memory_space<vmem>> -> memref<80xi32, #tpu.memory_space<vmem>>
        %dma_wait3A_186 = arith.constant 0 : i32
        %dma_wait3A_187 = arith.constant 0 : i32
        %dma_wait3A_188 = tpu.memref_slice %arg11[%dma_wait3A_186, %dma_wait3A_187] : memref<10000x16xf32, #tpu.memory_space<vmem_shared>> -> memref<10000x16xf32, #tpu.memory_space<vmem_shared>>
        tpu.wait_indirect_dma semaphore(%run_scoped3A_176 : memref<!tpu.dma_semaphore, #tpu.memory_space<semaphore_mem>>) src(%dma_wait3A_184 : memref<80x16xf32, #tpu.memory_space<vmem>>) dst(%dma_wait3A_188 : memref<10000x16xf32, #tpu.memory_space<vmem_shared>>)
        tpu.yield
      }) : () -> ()
      %mul3A_110 = arith.constant 25 : i32
      %mul3A_111 = arith.muli %scan3A_20, %mul3A_110 : i32
      %add3A_112 = arith.constant 14 : i32
      %add3A_113 = arith.addi %mul3A_111, %add3A_112 : i32
      %mul3A_114 = arith.constant 80 : i32
      %mul3A_115 = arith.muli %add3A_113, %mul3A_114 : i32
      "tpu.region"() ({
        %run_scoped3A_176 = tpu.sem_alloc : memref<!tpu.dma_semaphore, #tpu.memory_space<semaphore_mem>>
        %dma_start3A = arith.constant 1120 : i32
        %dma_start3A_177 = arith.constant 0 : i32
        %dma_start3A_178 = tpu.memref_slice %arg8[%dma_start3A, %dma_start3A_177] : memref<2000x16xf32, #tpu.memory_space<vmem>> -> memref<80x16xf32, #tpu.memory_space<vmem>>
        %dma_start3A_179 = tpu.memref_slice %arg6[%mul3A_115] : memref<10000xi32, #tpu.memory_space<vmem>> -> memref<80xi32, #tpu.memory_space<vmem>>
        %dma_start3A_180 = arith.constant 0 : i32
        %dma_start3A_181 = arith.constant 0 : i32
        %dma_start3A_182 = tpu.memref_slice %arg10[%dma_start3A_180, %dma_start3A_181] : memref<10000x16xf32, #tpu.memory_space<vmem_shared>> -> memref<10000x16xf32, #tpu.memory_space<vmem_shared>>
        tpu.enqueue_indirect_dma source(%dma_start3A_178 : memref<80x16xf32, #tpu.memory_space<vmem>>) target(%dma_start3A_182 : memref<10000x16xf32, #tpu.memory_space<vmem_shared>>) offsets(%dma_start3A_179 : memref<80xi32, #tpu.memory_space<vmem>>) semaphore(%run_scoped3A_176 : memref<!tpu.dma_semaphore, #tpu.memory_space<semaphore_mem>>) {add = true}
        %dma_wait3A = arith.constant 1120 : i32
        %dma_wait3A_183 = arith.constant 0 : i32
        %dma_wait3A_184 = tpu.memref_slice %arg8[%dma_wait3A, %dma_wait3A_183] : memref<2000x16xf32, #tpu.memory_space<vmem>> -> memref<80x16xf32, #tpu.memory_space<vmem>>
        %dma_wait3A_185 = tpu.memref_slice %arg6[%mul3A_115] : memref<10000xi32, #tpu.memory_space<vmem>> -> memref<80xi32, #tpu.memory_space<vmem>>
        %dma_wait3A_186 = arith.constant 0 : i32
        %dma_wait3A_187 = arith.constant 0 : i32
        %dma_wait3A_188 = tpu.memref_slice %arg10[%dma_wait3A_186, %dma_wait3A_187] : memref<10000x16xf32, #tpu.memory_space<vmem_shared>> -> memref<10000x16xf32, #tpu.memory_space<vmem_shared>>
        tpu.wait_indirect_dma semaphore(%run_scoped3A_176 : memref<!tpu.dma_semaphore, #tpu.memory_space<semaphore_mem>>) src(%dma_wait3A_184 : memref<80x16xf32, #tpu.memory_space<vmem>>) dst(%dma_wait3A_188 : memref<10000x16xf32, #tpu.memory_space<vmem_shared>>)
        tpu.yield
      }) : () -> ()
      "tpu.region"() ({
        %run_scoped3A_176 = tpu.sem_alloc : memref<!tpu.dma_semaphore, #tpu.memory_space<semaphore_mem>>
        %dma_start3A = arith.constant 1120 : i32
        %dma_start3A_177 = arith.constant 0 : i32
        %dma_start3A_178 = tpu.memref_slice %arg8[%dma_start3A, %dma_start3A_177] : memref<2000x16xf32, #tpu.memory_space<vmem>> -> memref<80x16xf32, #tpu.memory_space<vmem>>
        %dma_start3A_179 = tpu.memref_slice %arg7[%mul3A_115] : memref<10000xi32, #tpu.memory_space<vmem>> -> memref<80xi32, #tpu.memory_space<vmem>>
        %dma_start3A_180 = arith.constant 0 : i32
        %dma_start3A_181 = arith.constant 0 : i32
        %dma_start3A_182 = tpu.memref_slice %arg11[%dma_start3A_180, %dma_start3A_181] : memref<10000x16xf32, #tpu.memory_space<vmem_shared>> -> memref<10000x16xf32, #tpu.memory_space<vmem_shared>>
        tpu.enqueue_indirect_dma source(%dma_start3A_178 : memref<80x16xf32, #tpu.memory_space<vmem>>) target(%dma_start3A_182 : memref<10000x16xf32, #tpu.memory_space<vmem_shared>>) offsets(%dma_start3A_179 : memref<80xi32, #tpu.memory_space<vmem>>) semaphore(%run_scoped3A_176 : memref<!tpu.dma_semaphore, #tpu.memory_space<semaphore_mem>>) {add = true}
        %dma_wait3A = arith.constant 1120 : i32
        %dma_wait3A_183 = arith.constant 0 : i32
        %dma_wait3A_184 = tpu.memref_slice %arg8[%dma_wait3A, %dma_wait3A_183] : memref<2000x16xf32, #tpu.memory_space<vmem>> -> memref<80x16xf32, #tpu.memory_space<vmem>>
        %dma_wait3A_185 = tpu.memref_slice %arg7[%mul3A_115] : memref<10000xi32, #tpu.memory_space<vmem>> -> memref<80xi32, #tpu.memory_space<vmem>>
        %dma_wait3A_186 = arith.constant 0 : i32
        %dma_wait3A_187 = arith.constant 0 : i32
        %dma_wait3A_188 = tpu.memref_slice %arg11[%dma_wait3A_186, %dma_wait3A_187] : memref<10000x16xf32, #tpu.memory_space<vmem_shared>> -> memref<10000x16xf32, #tpu.memory_space<vmem_shared>>
        tpu.wait_indirect_dma semaphore(%run_scoped3A_176 : memref<!tpu.dma_semaphore, #tpu.memory_space<semaphore_mem>>) src(%dma_wait3A_184 : memref<80x16xf32, #tpu.memory_space<vmem>>) dst(%dma_wait3A_188 : memref<10000x16xf32, #tpu.memory_space<vmem_shared>>)
        tpu.yield
      }) : () -> ()
      %mul3A_116 = arith.constant 25 : i32
      %mul3A_117 = arith.muli %scan3A_20, %mul3A_116 : i32
      %add3A_118 = arith.constant 15 : i32
      %add3A_119 = arith.addi %mul3A_117, %add3A_118 : i32
      %mul3A_120 = arith.constant 80 : i32
      %mul3A_121 = arith.muli %add3A_119, %mul3A_120 : i32
      "tpu.region"() ({
        %run_scoped3A_176 = tpu.sem_alloc : memref<!tpu.dma_semaphore, #tpu.memory_space<semaphore_mem>>
        %dma_start3A = arith.constant 1200 : i32
        %dma_start3A_177 = arith.constant 0 : i32
        %dma_start3A_178 = tpu.memref_slice %arg8[%dma_start3A, %dma_start3A_177] : memref<2000x16xf32, #tpu.memory_space<vmem>> -> memref<80x16xf32, #tpu.memory_space<vmem>>
        %dma_start3A_179 = tpu.memref_slice %arg6[%mul3A_121] : memref<10000xi32, #tpu.memory_space<vmem>> -> memref<80xi32, #tpu.memory_space<vmem>>
        %dma_start3A_180 = arith.constant 0 : i32
        %dma_start3A_181 = arith.constant 0 : i32
        %dma_start3A_182 = tpu.memref_slice %arg10[%dma_start3A_180, %dma_start3A_181] : memref<10000x16xf32, #tpu.memory_space<vmem_shared>> -> memref<10000x16xf32, #tpu.memory_space<vmem_shared>>
        tpu.enqueue_indirect_dma source(%dma_start3A_178 : memref<80x16xf32, #tpu.memory_space<vmem>>) target(%dma_start3A_182 : memref<10000x16xf32, #tpu.memory_space<vmem_shared>>) offsets(%dma_start3A_179 : memref<80xi32, #tpu.memory_space<vmem>>) semaphore(%run_scoped3A_176 : memref<!tpu.dma_semaphore, #tpu.memory_space<semaphore_mem>>) {add = true}
        %dma_wait3A = arith.constant 1200 : i32
        %dma_wait3A_183 = arith.constant 0 : i32
        %dma_wait3A_184 = tpu.memref_slice %arg8[%dma_wait3A, %dma_wait3A_183] : memref<2000x16xf32, #tpu.memory_space<vmem>> -> memref<80x16xf32, #tpu.memory_space<vmem>>
        %dma_wait3A_185 = tpu.memref_slice %arg6[%mul3A_121] : memref<10000xi32, #tpu.memory_space<vmem>> -> memref<80xi32, #tpu.memory_space<vmem>>
        %dma_wait3A_186 = arith.constant 0 : i32
        %dma_wait3A_187 = arith.constant 0 : i32
        %dma_wait3A_188 = tpu.memref_slice %arg10[%dma_wait3A_186, %dma_wait3A_187] : memref<10000x16xf32, #tpu.memory_space<vmem_shared>> -> memref<10000x16xf32, #tpu.memory_space<vmem_shared>>
        tpu.wait_indirect_dma semaphore(%run_scoped3A_176 : memref<!tpu.dma_semaphore, #tpu.memory_space<semaphore_mem>>) src(%dma_wait3A_184 : memref<80x16xf32, #tpu.memory_space<vmem>>) dst(%dma_wait3A_188 : memref<10000x16xf32, #tpu.memory_space<vmem_shared>>)
        tpu.yield
      }) : () -> ()
      "tpu.region"() ({
        %run_scoped3A_176 = tpu.sem_alloc : memref<!tpu.dma_semaphore, #tpu.memory_space<semaphore_mem>>
        %dma_start3A = arith.constant 1200 : i32
        %dma_start3A_177 = arith.constant 0 : i32
        %dma_start3A_178 = tpu.memref_slice %arg8[%dma_start3A, %dma_start3A_177] : memref<2000x16xf32, #tpu.memory_space<vmem>> -> memref<80x16xf32, #tpu.memory_space<vmem>>
        %dma_start3A_179 = tpu.memref_slice %arg7[%mul3A_121] : memref<10000xi32, #tpu.memory_space<vmem>> -> memref<80xi32, #tpu.memory_space<vmem>>
        %dma_start3A_180 = arith.constant 0 : i32
        %dma_start3A_181 = arith.constant 0 : i32
        %dma_start3A_182 = tpu.memref_slice %arg11[%dma_start3A_180, %dma_start3A_181] : memref<10000x16xf32, #tpu.memory_space<vmem_shared>> -> memref<10000x16xf32, #tpu.memory_space<vmem_shared>>
        tpu.enqueue_indirect_dma source(%dma_start3A_178 : memref<80x16xf32, #tpu.memory_space<vmem>>) target(%dma_start3A_182 : memref<10000x16xf32, #tpu.memory_space<vmem_shared>>) offsets(%dma_start3A_179 : memref<80xi32, #tpu.memory_space<vmem>>) semaphore(%run_scoped3A_176 : memref<!tpu.dma_semaphore, #tpu.memory_space<semaphore_mem>>) {add = true}
        %dma_wait3A = arith.constant 1200 : i32
        %dma_wait3A_183 = arith.constant 0 : i32
        %dma_wait3A_184 = tpu.memref_slice %arg8[%dma_wait3A, %dma_wait3A_183] : memref<2000x16xf32, #tpu.memory_space<vmem>> -> memref<80x16xf32, #tpu.memory_space<vmem>>
        %dma_wait3A_185 = tpu.memref_slice %arg7[%mul3A_121] : memref<10000xi32, #tpu.memory_space<vmem>> -> memref<80xi32, #tpu.memory_space<vmem>>
        %dma_wait3A_186 = arith.constant 0 : i32
        %dma_wait3A_187 = arith.constant 0 : i32
        %dma_wait3A_188 = tpu.memref_slice %arg11[%dma_wait3A_186, %dma_wait3A_187] : memref<10000x16xf32, #tpu.memory_space<vmem_shared>> -> memref<10000x16xf32, #tpu.memory_space<vmem_shared>>
        tpu.wait_indirect_dma semaphore(%run_scoped3A_176 : memref<!tpu.dma_semaphore, #tpu.memory_space<semaphore_mem>>) src(%dma_wait3A_184 : memref<80x16xf32, #tpu.memory_space<vmem>>) dst(%dma_wait3A_188 : memref<10000x16xf32, #tpu.memory_space<vmem_shared>>)
        tpu.yield
      }) : () -> ()
      %mul3A_122 = arith.constant 25 : i32
      %mul3A_123 = arith.muli %scan3A_20, %mul3A_122 : i32
      %add3A_124 = arith.constant 16 : i32
      %add3A_125 = arith.addi %mul3A_123, %add3A_124 : i32
      %mul3A_126 = arith.constant 80 : i32
      %mul3A_127 = arith.muli %add3A_125, %mul3A_126 : i32
      "tpu.region"() ({
        %run_scoped3A_176 = tpu.sem_alloc : memref<!tpu.dma_semaphore, #tpu.memory_space<semaphore_mem>>
        %dma_start3A = arith.constant 1280 : i32
        %dma_start3A_177 = arith.constant 0 : i32
        %dma_start3A_178 = tpu.memref_slice %arg8[%dma_start3A, %dma_start3A_177] : memref<2000x16xf32, #tpu.memory_space<vmem>> -> memref<80x16xf32, #tpu.memory_space<vmem>>
        %dma_start3A_179 = tpu.memref_slice %arg6[%mul3A_127] : memref<10000xi32, #tpu.memory_space<vmem>> -> memref<80xi32, #tpu.memory_space<vmem>>
        %dma_start3A_180 = arith.constant 0 : i32
        %dma_start3A_181 = arith.constant 0 : i32
        %dma_start3A_182 = tpu.memref_slice %arg10[%dma_start3A_180, %dma_start3A_181] : memref<10000x16xf32, #tpu.memory_space<vmem_shared>> -> memref<10000x16xf32, #tpu.memory_space<vmem_shared>>
        tpu.enqueue_indirect_dma source(%dma_start3A_178 : memref<80x16xf32, #tpu.memory_space<vmem>>) target(%dma_start3A_182 : memref<10000x16xf32, #tpu.memory_space<vmem_shared>>) offsets(%dma_start3A_179 : memref<80xi32, #tpu.memory_space<vmem>>) semaphore(%run_scoped3A_176 : memref<!tpu.dma_semaphore, #tpu.memory_space<semaphore_mem>>) {add = true}
        %dma_wait3A = arith.constant 1280 : i32
        %dma_wait3A_183 = arith.constant 0 : i32
        %dma_wait3A_184 = tpu.memref_slice %arg8[%dma_wait3A, %dma_wait3A_183] : memref<2000x16xf32, #tpu.memory_space<vmem>> -> memref<80x16xf32, #tpu.memory_space<vmem>>
        %dma_wait3A_185 = tpu.memref_slice %arg6[%mul3A_127] : memref<10000xi32, #tpu.memory_space<vmem>> -> memref<80xi32, #tpu.memory_space<vmem>>
        %dma_wait3A_186 = arith.constant 0 : i32
        %dma_wait3A_187 = arith.constant 0 : i32
        %dma_wait3A_188 = tpu.memref_slice %arg10[%dma_wait3A_186, %dma_wait3A_187] : memref<10000x16xf32, #tpu.memory_space<vmem_shared>> -> memref<10000x16xf32, #tpu.memory_space<vmem_shared>>
        tpu.wait_indirect_dma semaphore(%run_scoped3A_176 : memref<!tpu.dma_semaphore, #tpu.memory_space<semaphore_mem>>) src(%dma_wait3A_184 : memref<80x16xf32, #tpu.memory_space<vmem>>) dst(%dma_wait3A_188 : memref<10000x16xf32, #tpu.memory_space<vmem_shared>>)
        tpu.yield
      }) : () -> ()
      "tpu.region"() ({
        %run_scoped3A_176 = tpu.sem_alloc : memref<!tpu.dma_semaphore, #tpu.memory_space<semaphore_mem>>
        %dma_start3A = arith.constant 1280 : i32
        %dma_start3A_177 = arith.constant 0 : i32
        %dma_start3A_178 = tpu.memref_slice %arg8[%dma_start3A, %dma_start3A_177] : memref<2000x16xf32, #tpu.memory_space<vmem>> -> memref<80x16xf32, #tpu.memory_space<vmem>>
        %dma_start3A_179 = tpu.memref_slice %arg7[%mul3A_127] : memref<10000xi32, #tpu.memory_space<vmem>> -> memref<80xi32, #tpu.memory_space<vmem>>
        %dma_start3A_180 = arith.constant 0 : i32
        %dma_start3A_181 = arith.constant 0 : i32
        %dma_start3A_182 = tpu.memref_slice %arg11[%dma_start3A_180, %dma_start3A_181] : memref<10000x16xf32, #tpu.memory_space<vmem_shared>> -> memref<10000x16xf32, #tpu.memory_space<vmem_shared>>
        tpu.enqueue_indirect_dma source(%dma_start3A_178 : memref<80x16xf32, #tpu.memory_space<vmem>>) target(%dma_start3A_182 : memref<10000x16xf32, #tpu.memory_space<vmem_shared>>) offsets(%dma_start3A_179 : memref<80xi32, #tpu.memory_space<vmem>>) semaphore(%run_scoped3A_176 : memref<!tpu.dma_semaphore, #tpu.memory_space<semaphore_mem>>) {add = true}
        %dma_wait3A = arith.constant 1280 : i32
        %dma_wait3A_183 = arith.constant 0 : i32
        %dma_wait3A_184 = tpu.memref_slice %arg8[%dma_wait3A, %dma_wait3A_183] : memref<2000x16xf32, #tpu.memory_space<vmem>> -> memref<80x16xf32, #tpu.memory_space<vmem>>
        %dma_wait3A_185 = tpu.memref_slice %arg7[%mul3A_127] : memref<10000xi32, #tpu.memory_space<vmem>> -> memref<80xi32, #tpu.memory_space<vmem>>
        %dma_wait3A_186 = arith.constant 0 : i32
        %dma_wait3A_187 = arith.constant 0 : i32
        %dma_wait3A_188 = tpu.memref_slice %arg11[%dma_wait3A_186, %dma_wait3A_187] : memref<10000x16xf32, #tpu.memory_space<vmem_shared>> -> memref<10000x16xf32, #tpu.memory_space<vmem_shared>>
        tpu.wait_indirect_dma semaphore(%run_scoped3A_176 : memref<!tpu.dma_semaphore, #tpu.memory_space<semaphore_mem>>) src(%dma_wait3A_184 : memref<80x16xf32, #tpu.memory_space<vmem>>) dst(%dma_wait3A_188 : memref<10000x16xf32, #tpu.memory_space<vmem_shared>>)
        tpu.yield
      }) : () -> ()
      %mul3A_128 = arith.constant 25 : i32
      %mul3A_129 = arith.muli %scan3A_20, %mul3A_128 : i32
      %add3A_130 = arith.constant 17 : i32
      %add3A_131 = arith.addi %mul3A_129, %add3A_130 : i32
      %mul3A_132 = arith.constant 80 : i32
      %mul3A_133 = arith.muli %add3A_131, %mul3A_132 : i32
      "tpu.region"() ({
        %run_scoped3A_176 = tpu.sem_alloc : memref<!tpu.dma_semaphore, #tpu.memory_space<semaphore_mem>>
        %dma_start3A = arith.constant 1360 : i32
        %dma_start3A_177 = arith.constant 0 : i32
        %dma_start3A_178 = tpu.memref_slice %arg8[%dma_start3A, %dma_start3A_177] : memref<2000x16xf32, #tpu.memory_space<vmem>> -> memref<80x16xf32, #tpu.memory_space<vmem>>
        %dma_start3A_179 = tpu.memref_slice %arg6[%mul3A_133] : memref<10000xi32, #tpu.memory_space<vmem>> -> memref<80xi32, #tpu.memory_space<vmem>>
        %dma_start3A_180 = arith.constant 0 : i32
        %dma_start3A_181 = arith.constant 0 : i32
        %dma_start3A_182 = tpu.memref_slice %arg10[%dma_start3A_180, %dma_start3A_181] : memref<10000x16xf32, #tpu.memory_space<vmem_shared>> -> memref<10000x16xf32, #tpu.memory_space<vmem_shared>>
        tpu.enqueue_indirect_dma source(%dma_start3A_178 : memref<80x16xf32, #tpu.memory_space<vmem>>) target(%dma_start3A_182 : memref<10000x16xf32, #tpu.memory_space<vmem_shared>>) offsets(%dma_start3A_179 : memref<80xi32, #tpu.memory_space<vmem>>) semaphore(%run_scoped3A_176 : memref<!tpu.dma_semaphore, #tpu.memory_space<semaphore_mem>>) {add = true}
        %dma_wait3A = arith.constant 1360 : i32
        %dma_wait3A_183 = arith.constant 0 : i32
        %dma_wait3A_184 = tpu.memref_slice %arg8[%dma_wait3A, %dma_wait3A_183] : memref<2000x16xf32, #tpu.memory_space<vmem>> -> memref<80x16xf32, #tpu.memory_space<vmem>>
        %dma_wait3A_185 = tpu.memref_slice %arg6[%mul3A_133] : memref<10000xi32, #tpu.memory_space<vmem>> -> memref<80xi32, #tpu.memory_space<vmem>>
        %dma_wait3A_186 = arith.constant 0 : i32
        %dma_wait3A_187 = arith.constant 0 : i32
        %dma_wait3A_188 = tpu.memref_slice %arg10[%dma_wait3A_186, %dma_wait3A_187] : memref<10000x16xf32, #tpu.memory_space<vmem_shared>> -> memref<10000x16xf32, #tpu.memory_space<vmem_shared>>
        tpu.wait_indirect_dma semaphore(%run_scoped3A_176 : memref<!tpu.dma_semaphore, #tpu.memory_space<semaphore_mem>>) src(%dma_wait3A_184 : memref<80x16xf32, #tpu.memory_space<vmem>>) dst(%dma_wait3A_188 : memref<10000x16xf32, #tpu.memory_space<vmem_shared>>)
        tpu.yield
      }) : () -> ()
      "tpu.region"() ({
        %run_scoped3A_176 = tpu.sem_alloc : memref<!tpu.dma_semaphore, #tpu.memory_space<semaphore_mem>>
        %dma_start3A = arith.constant 1360 : i32
        %dma_start3A_177 = arith.constant 0 : i32
        %dma_start3A_178 = tpu.memref_slice %arg8[%dma_start3A, %dma_start3A_177] : memref<2000x16xf32, #tpu.memory_space<vmem>> -> memref<80x16xf32, #tpu.memory_space<vmem>>
        %dma_start3A_179 = tpu.memref_slice %arg7[%mul3A_133] : memref<10000xi32, #tpu.memory_space<vmem>> -> memref<80xi32, #tpu.memory_space<vmem>>
        %dma_start3A_180 = arith.constant 0 : i32
        %dma_start3A_181 = arith.constant 0 : i32
        %dma_start3A_182 = tpu.memref_slice %arg11[%dma_start3A_180, %dma_start3A_181] : memref<10000x16xf32, #tpu.memory_space<vmem_shared>> -> memref<10000x16xf32, #tpu.memory_space<vmem_shared>>
        tpu.enqueue_indirect_dma source(%dma_start3A_178 : memref<80x16xf32, #tpu.memory_space<vmem>>) target(%dma_start3A_182 : memref<10000x16xf32, #tpu.memory_space<vmem_shared>>) offsets(%dma_start3A_179 : memref<80xi32, #tpu.memory_space<vmem>>) semaphore(%run_scoped3A_176 : memref<!tpu.dma_semaphore, #tpu.memory_space<semaphore_mem>>) {add = true}
        %dma_wait3A = arith.constant 1360 : i32
        %dma_wait3A_183 = arith.constant 0 : i32
        %dma_wait3A_184 = tpu.memref_slice %arg8[%dma_wait3A, %dma_wait3A_183] : memref<2000x16xf32, #tpu.memory_space<vmem>> -> memref<80x16xf32, #tpu.memory_space<vmem>>
        %dma_wait3A_185 = tpu.memref_slice %arg7[%mul3A_133] : memref<10000xi32, #tpu.memory_space<vmem>> -> memref<80xi32, #tpu.memory_space<vmem>>
        %dma_wait3A_186 = arith.constant 0 : i32
        %dma_wait3A_187 = arith.constant 0 : i32
        %dma_wait3A_188 = tpu.memref_slice %arg11[%dma_wait3A_186, %dma_wait3A_187] : memref<10000x16xf32, #tpu.memory_space<vmem_shared>> -> memref<10000x16xf32, #tpu.memory_space<vmem_shared>>
        tpu.wait_indirect_dma semaphore(%run_scoped3A_176 : memref<!tpu.dma_semaphore, #tpu.memory_space<semaphore_mem>>) src(%dma_wait3A_184 : memref<80x16xf32, #tpu.memory_space<vmem>>) dst(%dma_wait3A_188 : memref<10000x16xf32, #tpu.memory_space<vmem_shared>>)
        tpu.yield
      }) : () -> ()
      %mul3A_134 = arith.constant 25 : i32
      %mul3A_135 = arith.muli %scan3A_20, %mul3A_134 : i32
      %add3A_136 = arith.constant 18 : i32
      %add3A_137 = arith.addi %mul3A_135, %add3A_136 : i32
      %mul3A_138 = arith.constant 80 : i32
      %mul3A_139 = arith.muli %add3A_137, %mul3A_138 : i32
      "tpu.region"() ({
        %run_scoped3A_176 = tpu.sem_alloc : memref<!tpu.dma_semaphore, #tpu.memory_space<semaphore_mem>>
        %dma_start3A = arith.constant 1440 : i32
        %dma_start3A_177 = arith.constant 0 : i32
        %dma_start3A_178 = tpu.memref_slice %arg8[%dma_start3A, %dma_start3A_177] : memref<2000x16xf32, #tpu.memory_space<vmem>> -> memref<80x16xf32, #tpu.memory_space<vmem>>
        %dma_start3A_179 = tpu.memref_slice %arg6[%mul3A_139] : memref<10000xi32, #tpu.memory_space<vmem>> -> memref<80xi32, #tpu.memory_space<vmem>>
        %dma_start3A_180 = arith.constant 0 : i32
        %dma_start3A_181 = arith.constant 0 : i32
        %dma_start3A_182 = tpu.memref_slice %arg10[%dma_start3A_180, %dma_start3A_181] : memref<10000x16xf32, #tpu.memory_space<vmem_shared>> -> memref<10000x16xf32, #tpu.memory_space<vmem_shared>>
        tpu.enqueue_indirect_dma source(%dma_start3A_178 : memref<80x16xf32, #tpu.memory_space<vmem>>) target(%dma_start3A_182 : memref<10000x16xf32, #tpu.memory_space<vmem_shared>>) offsets(%dma_start3A_179 : memref<80xi32, #tpu.memory_space<vmem>>) semaphore(%run_scoped3A_176 : memref<!tpu.dma_semaphore, #tpu.memory_space<semaphore_mem>>) {add = true}
        %dma_wait3A = arith.constant 1440 : i32
        %dma_wait3A_183 = arith.constant 0 : i32
        %dma_wait3A_184 = tpu.memref_slice %arg8[%dma_wait3A, %dma_wait3A_183] : memref<2000x16xf32, #tpu.memory_space<vmem>> -> memref<80x16xf32, #tpu.memory_space<vmem>>
        %dma_wait3A_185 = tpu.memref_slice %arg6[%mul3A_139] : memref<10000xi32, #tpu.memory_space<vmem>> -> memref<80xi32, #tpu.memory_space<vmem>>
        %dma_wait3A_186 = arith.constant 0 : i32
        %dma_wait3A_187 = arith.constant 0 : i32
        %dma_wait3A_188 = tpu.memref_slice %arg10[%dma_wait3A_186, %dma_wait3A_187] : memref<10000x16xf32, #tpu.memory_space<vmem_shared>> -> memref<10000x16xf32, #tpu.memory_space<vmem_shared>>
        tpu.wait_indirect_dma semaphore(%run_scoped3A_176 : memref<!tpu.dma_semaphore, #tpu.memory_space<semaphore_mem>>) src(%dma_wait3A_184 : memref<80x16xf32, #tpu.memory_space<vmem>>) dst(%dma_wait3A_188 : memref<10000x16xf32, #tpu.memory_space<vmem_shared>>)
        tpu.yield
      }) : () -> ()
      "tpu.region"() ({
        %run_scoped3A_176 = tpu.sem_alloc : memref<!tpu.dma_semaphore, #tpu.memory_space<semaphore_mem>>
        %dma_start3A = arith.constant 1440 : i32
        %dma_start3A_177 = arith.constant 0 : i32
        %dma_start3A_178 = tpu.memref_slice %arg8[%dma_start3A, %dma_start3A_177] : memref<2000x16xf32, #tpu.memory_space<vmem>> -> memref<80x16xf32, #tpu.memory_space<vmem>>
        %dma_start3A_179 = tpu.memref_slice %arg7[%mul3A_139] : memref<10000xi32, #tpu.memory_space<vmem>> -> memref<80xi32, #tpu.memory_space<vmem>>
        %dma_start3A_180 = arith.constant 0 : i32
        %dma_start3A_181 = arith.constant 0 : i32
        %dma_start3A_182 = tpu.memref_slice %arg11[%dma_start3A_180, %dma_start3A_181] : memref<10000x16xf32, #tpu.memory_space<vmem_shared>> -> memref<10000x16xf32, #tpu.memory_space<vmem_shared>>
        tpu.enqueue_indirect_dma source(%dma_start3A_178 : memref<80x16xf32, #tpu.memory_space<vmem>>) target(%dma_start3A_182 : memref<10000x16xf32, #tpu.memory_space<vmem_shared>>) offsets(%dma_start3A_179 : memref<80xi32, #tpu.memory_space<vmem>>) semaphore(%run_scoped3A_176 : memref<!tpu.dma_semaphore, #tpu.memory_space<semaphore_mem>>) {add = true}
        %dma_wait3A = arith.constant 1440 : i32
        %dma_wait3A_183 = arith.constant 0 : i32
        %dma_wait3A_184 = tpu.memref_slice %arg8[%dma_wait3A, %dma_wait3A_183] : memref<2000x16xf32, #tpu.memory_space<vmem>> -> memref<80x16xf32, #tpu.memory_space<vmem>>
        %dma_wait3A_185 = tpu.memref_slice %arg7[%mul3A_139] : memref<10000xi32, #tpu.memory_space<vmem>> -> memref<80xi32, #tpu.memory_space<vmem>>
        %dma_wait3A_186 = arith.constant 0 : i32
        %dma_wait3A_187 = arith.constant 0 : i32
        %dma_wait3A_188 = tpu.memref_slice %arg11[%dma_wait3A_186, %dma_wait3A_187] : memref<10000x16xf32, #tpu.memory_space<vmem_shared>> -> memref<10000x16xf32, #tpu.memory_space<vmem_shared>>
        tpu.wait_indirect_dma semaphore(%run_scoped3A_176 : memref<!tpu.dma_semaphore, #tpu.memory_space<semaphore_mem>>) src(%dma_wait3A_184 : memref<80x16xf32, #tpu.memory_space<vmem>>) dst(%dma_wait3A_188 : memref<10000x16xf32, #tpu.memory_space<vmem_shared>>)
        tpu.yield
      }) : () -> ()
      %mul3A_140 = arith.constant 25 : i32
      %mul3A_141 = arith.muli %scan3A_20, %mul3A_140 : i32
      %add3A_142 = arith.constant 19 : i32
      %add3A_143 = arith.addi %mul3A_141, %add3A_142 : i32
      %mul3A_144 = arith.constant 80 : i32
      %mul3A_145 = arith.muli %add3A_143, %mul3A_144 : i32
      "tpu.region"() ({
        %run_scoped3A_176 = tpu.sem_alloc : memref<!tpu.dma_semaphore, #tpu.memory_space<semaphore_mem>>
        %dma_start3A = arith.constant 1520 : i32
        %dma_start3A_177 = arith.constant 0 : i32
        %dma_start3A_178 = tpu.memref_slice %arg8[%dma_start3A, %dma_start3A_177] : memref<2000x16xf32, #tpu.memory_space<vmem>> -> memref<80x16xf32, #tpu.memory_space<vmem>>
        %dma_start3A_179 = tpu.memref_slice %arg6[%mul3A_145] : memref<10000xi32, #tpu.memory_space<vmem>> -> memref<80xi32, #tpu.memory_space<vmem>>
        %dma_start3A_180 = arith.constant 0 : i32
        %dma_start3A_181 = arith.constant 0 : i32
        %dma_start3A_182 = tpu.memref_slice %arg10[%dma_start3A_180, %dma_start3A_181] : memref<10000x16xf32, #tpu.memory_space<vmem_shared>> -> memref<10000x16xf32, #tpu.memory_space<vmem_shared>>
        tpu.enqueue_indirect_dma source(%dma_start3A_178 : memref<80x16xf32, #tpu.memory_space<vmem>>) target(%dma_start3A_182 : memref<10000x16xf32, #tpu.memory_space<vmem_shared>>) offsets(%dma_start3A_179 : memref<80xi32, #tpu.memory_space<vmem>>) semaphore(%run_scoped3A_176 : memref<!tpu.dma_semaphore, #tpu.memory_space<semaphore_mem>>) {add = true}
        %dma_wait3A = arith.constant 1520 : i32
        %dma_wait3A_183 = arith.constant 0 : i32
        %dma_wait3A_184 = tpu.memref_slice %arg8[%dma_wait3A, %dma_wait3A_183] : memref<2000x16xf32, #tpu.memory_space<vmem>> -> memref<80x16xf32, #tpu.memory_space<vmem>>
        %dma_wait3A_185 = tpu.memref_slice %arg6[%mul3A_145] : memref<10000xi32, #tpu.memory_space<vmem>> -> memref<80xi32, #tpu.memory_space<vmem>>
        %dma_wait3A_186 = arith.constant 0 : i32
        %dma_wait3A_187 = arith.constant 0 : i32
        %dma_wait3A_188 = tpu.memref_slice %arg10[%dma_wait3A_186, %dma_wait3A_187] : memref<10000x16xf32, #tpu.memory_space<vmem_shared>> -> memref<10000x16xf32, #tpu.memory_space<vmem_shared>>
        tpu.wait_indirect_dma semaphore(%run_scoped3A_176 : memref<!tpu.dma_semaphore, #tpu.memory_space<semaphore_mem>>) src(%dma_wait3A_184 : memref<80x16xf32, #tpu.memory_space<vmem>>) dst(%dma_wait3A_188 : memref<10000x16xf32, #tpu.memory_space<vmem_shared>>)
        tpu.yield
      }) : () -> ()
      "tpu.region"() ({
        %run_scoped3A_176 = tpu.sem_alloc : memref<!tpu.dma_semaphore, #tpu.memory_space<semaphore_mem>>
        %dma_start3A = arith.constant 1520 : i32
        %dma_start3A_177 = arith.constant 0 : i32
        %dma_start3A_178 = tpu.memref_slice %arg8[%dma_start3A, %dma_start3A_177] : memref<2000x16xf32, #tpu.memory_space<vmem>> -> memref<80x16xf32, #tpu.memory_space<vmem>>
        %dma_start3A_179 = tpu.memref_slice %arg7[%mul3A_145] : memref<10000xi32, #tpu.memory_space<vmem>> -> memref<80xi32, #tpu.memory_space<vmem>>
        %dma_start3A_180 = arith.constant 0 : i32
        %dma_start3A_181 = arith.constant 0 : i32
        %dma_start3A_182 = tpu.memref_slice %arg11[%dma_start3A_180, %dma_start3A_181] : memref<10000x16xf32, #tpu.memory_space<vmem_shared>> -> memref<10000x16xf32, #tpu.memory_space<vmem_shared>>
        tpu.enqueue_indirect_dma source(%dma_start3A_178 : memref<80x16xf32, #tpu.memory_space<vmem>>) target(%dma_start3A_182 : memref<10000x16xf32, #tpu.memory_space<vmem_shared>>) offsets(%dma_start3A_179 : memref<80xi32, #tpu.memory_space<vmem>>) semaphore(%run_scoped3A_176 : memref<!tpu.dma_semaphore, #tpu.memory_space<semaphore_mem>>) {add = true}
        %dma_wait3A = arith.constant 1520 : i32
        %dma_wait3A_183 = arith.constant 0 : i32
        %dma_wait3A_184 = tpu.memref_slice %arg8[%dma_wait3A, %dma_wait3A_183] : memref<2000x16xf32, #tpu.memory_space<vmem>> -> memref<80x16xf32, #tpu.memory_space<vmem>>
        %dma_wait3A_185 = tpu.memref_slice %arg7[%mul3A_145] : memref<10000xi32, #tpu.memory_space<vmem>> -> memref<80xi32, #tpu.memory_space<vmem>>
        %dma_wait3A_186 = arith.constant 0 : i32
        %dma_wait3A_187 = arith.constant 0 : i32
        %dma_wait3A_188 = tpu.memref_slice %arg11[%dma_wait3A_186, %dma_wait3A_187] : memref<10000x16xf32, #tpu.memory_space<vmem_shared>> -> memref<10000x16xf32, #tpu.memory_space<vmem_shared>>
        tpu.wait_indirect_dma semaphore(%run_scoped3A_176 : memref<!tpu.dma_semaphore, #tpu.memory_space<semaphore_mem>>) src(%dma_wait3A_184 : memref<80x16xf32, #tpu.memory_space<vmem>>) dst(%dma_wait3A_188 : memref<10000x16xf32, #tpu.memory_space<vmem_shared>>)
        tpu.yield
      }) : () -> ()
      %mul3A_146 = arith.constant 25 : i32
      %mul3A_147 = arith.muli %scan3A_20, %mul3A_146 : i32
      %add3A_148 = arith.constant 20 : i32
      %add3A_149 = arith.addi %mul3A_147, %add3A_148 : i32
      %mul3A_150 = arith.constant 80 : i32
      %mul3A_151 = arith.muli %add3A_149, %mul3A_150 : i32
      "tpu.region"() ({
        %run_scoped3A_176 = tpu.sem_alloc : memref<!tpu.dma_semaphore, #tpu.memory_space<semaphore_mem>>
        %dma_start3A = arith.constant 1600 : i32
        %dma_start3A_177 = arith.constant 0 : i32
        %dma_start3A_178 = tpu.memref_slice %arg8[%dma_start3A, %dma_start3A_177] : memref<2000x16xf32, #tpu.memory_space<vmem>> -> memref<80x16xf32, #tpu.memory_space<vmem>>
        %dma_start3A_179 = tpu.memref_slice %arg6[%mul3A_151] : memref<10000xi32, #tpu.memory_space<vmem>> -> memref<80xi32, #tpu.memory_space<vmem>>
        %dma_start3A_180 = arith.constant 0 : i32
        %dma_start3A_181 = arith.constant 0 : i32
        %dma_start3A_182 = tpu.memref_slice %arg10[%dma_start3A_180, %dma_start3A_181] : memref<10000x16xf32, #tpu.memory_space<vmem_shared>> -> memref<10000x16xf32, #tpu.memory_space<vmem_shared>>
        tpu.enqueue_indirect_dma source(%dma_start3A_178 : memref<80x16xf32, #tpu.memory_space<vmem>>) target(%dma_start3A_182 : memref<10000x16xf32, #tpu.memory_space<vmem_shared>>) offsets(%dma_start3A_179 : memref<80xi32, #tpu.memory_space<vmem>>) semaphore(%run_scoped3A_176 : memref<!tpu.dma_semaphore, #tpu.memory_space<semaphore_mem>>) {add = true}
        %dma_wait3A = arith.constant 1600 : i32
        %dma_wait3A_183 = arith.constant 0 : i32
        %dma_wait3A_184 = tpu.memref_slice %arg8[%dma_wait3A, %dma_wait3A_183] : memref<2000x16xf32, #tpu.memory_space<vmem>> -> memref<80x16xf32, #tpu.memory_space<vmem>>
        %dma_wait3A_185 = tpu.memref_slice %arg6[%mul3A_151] : memref<10000xi32, #tpu.memory_space<vmem>> -> memref<80xi32, #tpu.memory_space<vmem>>
        %dma_wait3A_186 = arith.constant 0 : i32
        %dma_wait3A_187 = arith.constant 0 : i32
        %dma_wait3A_188 = tpu.memref_slice %arg10[%dma_wait3A_186, %dma_wait3A_187] : memref<10000x16xf32, #tpu.memory_space<vmem_shared>> -> memref<10000x16xf32, #tpu.memory_space<vmem_shared>>
        tpu.wait_indirect_dma semaphore(%run_scoped3A_176 : memref<!tpu.dma_semaphore, #tpu.memory_space<semaphore_mem>>) src(%dma_wait3A_184 : memref<80x16xf32, #tpu.memory_space<vmem>>) dst(%dma_wait3A_188 : memref<10000x16xf32, #tpu.memory_space<vmem_shared>>)
        tpu.yield
      }) : () -> ()
      "tpu.region"() ({
        %run_scoped3A_176 = tpu.sem_alloc : memref<!tpu.dma_semaphore, #tpu.memory_space<semaphore_mem>>
        %dma_start3A = arith.constant 1600 : i32
        %dma_start3A_177 = arith.constant 0 : i32
        %dma_start3A_178 = tpu.memref_slice %arg8[%dma_start3A, %dma_start3A_177] : memref<2000x16xf32, #tpu.memory_space<vmem>> -> memref<80x16xf32, #tpu.memory_space<vmem>>
        %dma_start3A_179 = tpu.memref_slice %arg7[%mul3A_151] : memref<10000xi32, #tpu.memory_space<vmem>> -> memref<80xi32, #tpu.memory_space<vmem>>
        %dma_start3A_180 = arith.constant 0 : i32
        %dma_start3A_181 = arith.constant 0 : i32
        %dma_start3A_182 = tpu.memref_slice %arg11[%dma_start3A_180, %dma_start3A_181] : memref<10000x16xf32, #tpu.memory_space<vmem_shared>> -> memref<10000x16xf32, #tpu.memory_space<vmem_shared>>
        tpu.enqueue_indirect_dma source(%dma_start3A_178 : memref<80x16xf32, #tpu.memory_space<vmem>>) target(%dma_start3A_182 : memref<10000x16xf32, #tpu.memory_space<vmem_shared>>) offsets(%dma_start3A_179 : memref<80xi32, #tpu.memory_space<vmem>>) semaphore(%run_scoped3A_176 : memref<!tpu.dma_semaphore, #tpu.memory_space<semaphore_mem>>) {add = true}
        %dma_wait3A = arith.constant 1600 : i32
        %dma_wait3A_183 = arith.constant 0 : i32
        %dma_wait3A_184 = tpu.memref_slice %arg8[%dma_wait3A, %dma_wait3A_183] : memref<2000x16xf32, #tpu.memory_space<vmem>> -> memref<80x16xf32, #tpu.memory_space<vmem>>
        %dma_wait3A_185 = tpu.memref_slice %arg7[%mul3A_151] : memref<10000xi32, #tpu.memory_space<vmem>> -> memref<80xi32, #tpu.memory_space<vmem>>
        %dma_wait3A_186 = arith.constant 0 : i32
        %dma_wait3A_187 = arith.constant 0 : i32
        %dma_wait3A_188 = tpu.memref_slice %arg11[%dma_wait3A_186, %dma_wait3A_187] : memref<10000x16xf32, #tpu.memory_space<vmem_shared>> -> memref<10000x16xf32, #tpu.memory_space<vmem_shared>>
        tpu.wait_indirect_dma semaphore(%run_scoped3A_176 : memref<!tpu.dma_semaphore, #tpu.memory_space<semaphore_mem>>) src(%dma_wait3A_184 : memref<80x16xf32, #tpu.memory_space<vmem>>) dst(%dma_wait3A_188 : memref<10000x16xf32, #tpu.memory_space<vmem_shared>>)
        tpu.yield
      }) : () -> ()
      %mul3A_152 = arith.constant 25 : i32
      %mul3A_153 = arith.muli %scan3A_20, %mul3A_152 : i32
      %add3A_154 = arith.constant 21 : i32
      %add3A_155 = arith.addi %mul3A_153, %add3A_154 : i32
      %mul3A_156 = arith.constant 80 : i32
      %mul3A_157 = arith.muli %add3A_155, %mul3A_156 : i32
      "tpu.region"() ({
        %run_scoped3A_176 = tpu.sem_alloc : memref<!tpu.dma_semaphore, #tpu.memory_space<semaphore_mem>>
        %dma_start3A = arith.constant 1680 : i32
        %dma_start3A_177 = arith.constant 0 : i32
        %dma_start3A_178 = tpu.memref_slice %arg8[%dma_start3A, %dma_start3A_177] : memref<2000x16xf32, #tpu.memory_space<vmem>> -> memref<80x16xf32, #tpu.memory_space<vmem>>
        %dma_start3A_179 = tpu.memref_slice %arg6[%mul3A_157] : memref<10000xi32, #tpu.memory_space<vmem>> -> memref<80xi32, #tpu.memory_space<vmem>>
        %dma_start3A_180 = arith.constant 0 : i32
        %dma_start3A_181 = arith.constant 0 : i32
        %dma_start3A_182 = tpu.memref_slice %arg10[%dma_start3A_180, %dma_start3A_181] : memref<10000x16xf32, #tpu.memory_space<vmem_shared>> -> memref<10000x16xf32, #tpu.memory_space<vmem_shared>>
        tpu.enqueue_indirect_dma source(%dma_start3A_178 : memref<80x16xf32, #tpu.memory_space<vmem>>) target(%dma_start3A_182 : memref<10000x16xf32, #tpu.memory_space<vmem_shared>>) offsets(%dma_start3A_179 : memref<80xi32, #tpu.memory_space<vmem>>) semaphore(%run_scoped3A_176 : memref<!tpu.dma_semaphore, #tpu.memory_space<semaphore_mem>>) {add = true}
        %dma_wait3A = arith.constant 1680 : i32
        %dma_wait3A_183 = arith.constant 0 : i32
        %dma_wait3A_184 = tpu.memref_slice %arg8[%dma_wait3A, %dma_wait3A_183] : memref<2000x16xf32, #tpu.memory_space<vmem>> -> memref<80x16xf32, #tpu.memory_space<vmem>>
        %dma_wait3A_185 = tpu.memref_slice %arg6[%mul3A_157] : memref<10000xi32, #tpu.memory_space<vmem>> -> memref<80xi32, #tpu.memory_space<vmem>>
        %dma_wait3A_186 = arith.constant 0 : i32
        %dma_wait3A_187 = arith.constant 0 : i32
        %dma_wait3A_188 = tpu.memref_slice %arg10[%dma_wait3A_186, %dma_wait3A_187] : memref<10000x16xf32, #tpu.memory_space<vmem_shared>> -> memref<10000x16xf32, #tpu.memory_space<vmem_shared>>
        tpu.wait_indirect_dma semaphore(%run_scoped3A_176 : memref<!tpu.dma_semaphore, #tpu.memory_space<semaphore_mem>>) src(%dma_wait3A_184 : memref<80x16xf32, #tpu.memory_space<vmem>>) dst(%dma_wait3A_188 : memref<10000x16xf32, #tpu.memory_space<vmem_shared>>)
        tpu.yield
      }) : () -> ()
      "tpu.region"() ({
        %run_scoped3A_176 = tpu.sem_alloc : memref<!tpu.dma_semaphore, #tpu.memory_space<semaphore_mem>>
        %dma_start3A = arith.constant 1680 : i32
        %dma_start3A_177 = arith.constant 0 : i32
        %dma_start3A_178 = tpu.memref_slice %arg8[%dma_start3A, %dma_start3A_177] : memref<2000x16xf32, #tpu.memory_space<vmem>> -> memref<80x16xf32, #tpu.memory_space<vmem>>
        %dma_start3A_179 = tpu.memref_slice %arg7[%mul3A_157] : memref<10000xi32, #tpu.memory_space<vmem>> -> memref<80xi32, #tpu.memory_space<vmem>>
        %dma_start3A_180 = arith.constant 0 : i32
        %dma_start3A_181 = arith.constant 0 : i32
        %dma_start3A_182 = tpu.memref_slice %arg11[%dma_start3A_180, %dma_start3A_181] : memref<10000x16xf32, #tpu.memory_space<vmem_shared>> -> memref<10000x16xf32, #tpu.memory_space<vmem_shared>>
        tpu.enqueue_indirect_dma source(%dma_start3A_178 : memref<80x16xf32, #tpu.memory_space<vmem>>) target(%dma_start3A_182 : memref<10000x16xf32, #tpu.memory_space<vmem_shared>>) offsets(%dma_start3A_179 : memref<80xi32, #tpu.memory_space<vmem>>) semaphore(%run_scoped3A_176 : memref<!tpu.dma_semaphore, #tpu.memory_space<semaphore_mem>>) {add = true}
        %dma_wait3A = arith.constant 1680 : i32
        %dma_wait3A_183 = arith.constant 0 : i32
        %dma_wait3A_184 = tpu.memref_slice %arg8[%dma_wait3A, %dma_wait3A_183] : memref<2000x16xf32, #tpu.memory_space<vmem>> -> memref<80x16xf32, #tpu.memory_space<vmem>>
        %dma_wait3A_185 = tpu.memref_slice %arg7[%mul3A_157] : memref<10000xi32, #tpu.memory_space<vmem>> -> memref<80xi32, #tpu.memory_space<vmem>>
        %dma_wait3A_186 = arith.constant 0 : i32
        %dma_wait3A_187 = arith.constant 0 : i32
        %dma_wait3A_188 = tpu.memref_slice %arg11[%dma_wait3A_186, %dma_wait3A_187] : memref<10000x16xf32, #tpu.memory_space<vmem_shared>> -> memref<10000x16xf32, #tpu.memory_space<vmem_shared>>
        tpu.wait_indirect_dma semaphore(%run_scoped3A_176 : memref<!tpu.dma_semaphore, #tpu.memory_space<semaphore_mem>>) src(%dma_wait3A_184 : memref<80x16xf32, #tpu.memory_space<vmem>>) dst(%dma_wait3A_188 : memref<10000x16xf32, #tpu.memory_space<vmem_shared>>)
        tpu.yield
      }) : () -> ()
      %mul3A_158 = arith.constant 25 : i32
      %mul3A_159 = arith.muli %scan3A_20, %mul3A_158 : i32
      %add3A_160 = arith.constant 22 : i32
      %add3A_161 = arith.addi %mul3A_159, %add3A_160 : i32
      %mul3A_162 = arith.constant 80 : i32
      %mul3A_163 = arith.muli %add3A_161, %mul3A_162 : i32
      "tpu.region"() ({
        %run_scoped3A_176 = tpu.sem_alloc : memref<!tpu.dma_semaphore, #tpu.memory_space<semaphore_mem>>
        %dma_start3A = arith.constant 1760 : i32
        %dma_start3A_177 = arith.constant 0 : i32
        %dma_start3A_178 = tpu.memref_slice %arg8[%dma_start3A, %dma_start3A_177] : memref<2000x16xf32, #tpu.memory_space<vmem>> -> memref<80x16xf32, #tpu.memory_space<vmem>>
        %dma_start3A_179 = tpu.memref_slice %arg6[%mul3A_163] : memref<10000xi32, #tpu.memory_space<vmem>> -> memref<80xi32, #tpu.memory_space<vmem>>
        %dma_start3A_180 = arith.constant 0 : i32
        %dma_start3A_181 = arith.constant 0 : i32
        %dma_start3A_182 = tpu.memref_slice %arg10[%dma_start3A_180, %dma_start3A_181] : memref<10000x16xf32, #tpu.memory_space<vmem_shared>> -> memref<10000x16xf32, #tpu.memory_space<vmem_shared>>
        tpu.enqueue_indirect_dma source(%dma_start3A_178 : memref<80x16xf32, #tpu.memory_space<vmem>>) target(%dma_start3A_182 : memref<10000x16xf32, #tpu.memory_space<vmem_shared>>) offsets(%dma_start3A_179 : memref<80xi32, #tpu.memory_space<vmem>>) semaphore(%run_scoped3A_176 : memref<!tpu.dma_semaphore, #tpu.memory_space<semaphore_mem>>) {add = true}
        %dma_wait3A = arith.constant 1760 : i32
        %dma_wait3A_183 = arith.constant 0 : i32
        %dma_wait3A_184 = tpu.memref_slice %arg8[%dma_wait3A, %dma_wait3A_183] : memref<2000x16xf32, #tpu.memory_space<vmem>> -> memref<80x16xf32, #tpu.memory_space<vmem>>
        %dma_wait3A_185 = tpu.memref_slice %arg6[%mul3A_163] : memref<10000xi32, #tpu.memory_space<vmem>> -> memref<80xi32, #tpu.memory_space<vmem>>
        %dma_wait3A_186 = arith.constant 0 : i32
        %dma_wait3A_187 = arith.constant 0 : i32
        %dma_wait3A_188 = tpu.memref_slice %arg10[%dma_wait3A_186, %dma_wait3A_187] : memref<10000x16xf32, #tpu.memory_space<vmem_shared>> -> memref<10000x16xf32, #tpu.memory_space<vmem_shared>>
        tpu.wait_indirect_dma semaphore(%run_scoped3A_176 : memref<!tpu.dma_semaphore, #tpu.memory_space<semaphore_mem>>) src(%dma_wait3A_184 : memref<80x16xf32, #tpu.memory_space<vmem>>) dst(%dma_wait3A_188 : memref<10000x16xf32, #tpu.memory_space<vmem_shared>>)
        tpu.yield
      }) : () -> ()
      "tpu.region"() ({
        %run_scoped3A_176 = tpu.sem_alloc : memref<!tpu.dma_semaphore, #tpu.memory_space<semaphore_mem>>
        %dma_start3A = arith.constant 1760 : i32
        %dma_start3A_177 = arith.constant 0 : i32
        %dma_start3A_178 = tpu.memref_slice %arg8[%dma_start3A, %dma_start3A_177] : memref<2000x16xf32, #tpu.memory_space<vmem>> -> memref<80x16xf32, #tpu.memory_space<vmem>>
        %dma_start3A_179 = tpu.memref_slice %arg7[%mul3A_163] : memref<10000xi32, #tpu.memory_space<vmem>> -> memref<80xi32, #tpu.memory_space<vmem>>
        %dma_start3A_180 = arith.constant 0 : i32
        %dma_start3A_181 = arith.constant 0 : i32
        %dma_start3A_182 = tpu.memref_slice %arg11[%dma_start3A_180, %dma_start3A_181] : memref<10000x16xf32, #tpu.memory_space<vmem_shared>> -> memref<10000x16xf32, #tpu.memory_space<vmem_shared>>
        tpu.enqueue_indirect_dma source(%dma_start3A_178 : memref<80x16xf32, #tpu.memory_space<vmem>>) target(%dma_start3A_182 : memref<10000x16xf32, #tpu.memory_space<vmem_shared>>) offsets(%dma_start3A_179 : memref<80xi32, #tpu.memory_space<vmem>>) semaphore(%run_scoped3A_176 : memref<!tpu.dma_semaphore, #tpu.memory_space<semaphore_mem>>) {add = true}
        %dma_wait3A = arith.constant 1760 : i32
        %dma_wait3A_183 = arith.constant 0 : i32
        %dma_wait3A_184 = tpu.memref_slice %arg8[%dma_wait3A, %dma_wait3A_183] : memref<2000x16xf32, #tpu.memory_space<vmem>> -> memref<80x16xf32, #tpu.memory_space<vmem>>
        %dma_wait3A_185 = tpu.memref_slice %arg7[%mul3A_163] : memref<10000xi32, #tpu.memory_space<vmem>> -> memref<80xi32, #tpu.memory_space<vmem>>
        %dma_wait3A_186 = arith.constant 0 : i32
        %dma_wait3A_187 = arith.constant 0 : i32
        %dma_wait3A_188 = tpu.memref_slice %arg11[%dma_wait3A_186, %dma_wait3A_187] : memref<10000x16xf32, #tpu.memory_space<vmem_shared>> -> memref<10000x16xf32, #tpu.memory_space<vmem_shared>>
        tpu.wait_indirect_dma semaphore(%run_scoped3A_176 : memref<!tpu.dma_semaphore, #tpu.memory_space<semaphore_mem>>) src(%dma_wait3A_184 : memref<80x16xf32, #tpu.memory_space<vmem>>) dst(%dma_wait3A_188 : memref<10000x16xf32, #tpu.memory_space<vmem_shared>>)
        tpu.yield
      }) : () -> ()
      %mul3A_164 = arith.constant 25 : i32
      %mul3A_165 = arith.muli %scan3A_20, %mul3A_164 : i32
      %add3A_166 = arith.constant 23 : i32
      %add3A_167 = arith.addi %mul3A_165, %add3A_166 : i32
      %mul3A_168 = arith.constant 80 : i32
      %mul3A_169 = arith.muli %add3A_167, %mul3A_168 : i32
      "tpu.region"() ({
        %run_scoped3A_176 = tpu.sem_alloc : memref<!tpu.dma_semaphore, #tpu.memory_space<semaphore_mem>>
        %dma_start3A = arith.constant 1840 : i32
        %dma_start3A_177 = arith.constant 0 : i32
        %dma_start3A_178 = tpu.memref_slice %arg8[%dma_start3A, %dma_start3A_177] : memref<2000x16xf32, #tpu.memory_space<vmem>> -> memref<80x16xf32, #tpu.memory_space<vmem>>
        %dma_start3A_179 = tpu.memref_slice %arg6[%mul3A_169] : memref<10000xi32, #tpu.memory_space<vmem>> -> memref<80xi32, #tpu.memory_space<vmem>>
        %dma_start3A_180 = arith.constant 0 : i32
        %dma_start3A_181 = arith.constant 0 : i32
        %dma_start3A_182 = tpu.memref_slice %arg10[%dma_start3A_180, %dma_start3A_181] : memref<10000x16xf32, #tpu.memory_space<vmem_shared>> -> memref<10000x16xf32, #tpu.memory_space<vmem_shared>>
        tpu.enqueue_indirect_dma source(%dma_start3A_178 : memref<80x16xf32, #tpu.memory_space<vmem>>) target(%dma_start3A_182 : memref<10000x16xf32, #tpu.memory_space<vmem_shared>>) offsets(%dma_start3A_179 : memref<80xi32, #tpu.memory_space<vmem>>) semaphore(%run_scoped3A_176 : memref<!tpu.dma_semaphore, #tpu.memory_space<semaphore_mem>>) {add = true}
        %dma_wait3A = arith.constant 1840 : i32
        %dma_wait3A_183 = arith.constant 0 : i32
        %dma_wait3A_184 = tpu.memref_slice %arg8[%dma_wait3A, %dma_wait3A_183] : memref<2000x16xf32, #tpu.memory_space<vmem>> -> memref<80x16xf32, #tpu.memory_space<vmem>>
        %dma_wait3A_185 = tpu.memref_slice %arg6[%mul3A_169] : memref<10000xi32, #tpu.memory_space<vmem>> -> memref<80xi32, #tpu.memory_space<vmem>>
        %dma_wait3A_186 = arith.constant 0 : i32
        %dma_wait3A_187 = arith.constant 0 : i32
        %dma_wait3A_188 = tpu.memref_slice %arg10[%dma_wait3A_186, %dma_wait3A_187] : memref<10000x16xf32, #tpu.memory_space<vmem_shared>> -> memref<10000x16xf32, #tpu.memory_space<vmem_shared>>
        tpu.wait_indirect_dma semaphore(%run_scoped3A_176 : memref<!tpu.dma_semaphore, #tpu.memory_space<semaphore_mem>>) src(%dma_wait3A_184 : memref<80x16xf32, #tpu.memory_space<vmem>>) dst(%dma_wait3A_188 : memref<10000x16xf32, #tpu.memory_space<vmem_shared>>)
        tpu.yield
      }) : () -> ()
      "tpu.region"() ({
        %run_scoped3A_176 = tpu.sem_alloc : memref<!tpu.dma_semaphore, #tpu.memory_space<semaphore_mem>>
        %dma_start3A = arith.constant 1840 : i32
        %dma_start3A_177 = arith.constant 0 : i32
        %dma_start3A_178 = tpu.memref_slice %arg8[%dma_start3A, %dma_start3A_177] : memref<2000x16xf32, #tpu.memory_space<vmem>> -> memref<80x16xf32, #tpu.memory_space<vmem>>
        %dma_start3A_179 = tpu.memref_slice %arg7[%mul3A_169] : memref<10000xi32, #tpu.memory_space<vmem>> -> memref<80xi32, #tpu.memory_space<vmem>>
        %dma_start3A_180 = arith.constant 0 : i32
        %dma_start3A_181 = arith.constant 0 : i32
        %dma_start3A_182 = tpu.memref_slice %arg11[%dma_start3A_180, %dma_start3A_181] : memref<10000x16xf32, #tpu.memory_space<vmem_shared>> -> memref<10000x16xf32, #tpu.memory_space<vmem_shared>>
        tpu.enqueue_indirect_dma source(%dma_start3A_178 : memref<80x16xf32, #tpu.memory_space<vmem>>) target(%dma_start3A_182 : memref<10000x16xf32, #tpu.memory_space<vmem_shared>>) offsets(%dma_start3A_179 : memref<80xi32, #tpu.memory_space<vmem>>) semaphore(%run_scoped3A_176 : memref<!tpu.dma_semaphore, #tpu.memory_space<semaphore_mem>>) {add = true}
        %dma_wait3A = arith.constant 1840 : i32
        %dma_wait3A_183 = arith.constant 0 : i32
        %dma_wait3A_184 = tpu.memref_slice %arg8[%dma_wait3A, %dma_wait3A_183] : memref<2000x16xf32, #tpu.memory_space<vmem>> -> memref<80x16xf32, #tpu.memory_space<vmem>>
        %dma_wait3A_185 = tpu.memref_slice %arg7[%mul3A_169] : memref<10000xi32, #tpu.memory_space<vmem>> -> memref<80xi32, #tpu.memory_space<vmem>>
        %dma_wait3A_186 = arith.constant 0 : i32
        %dma_wait3A_187 = arith.constant 0 : i32
        %dma_wait3A_188 = tpu.memref_slice %arg11[%dma_wait3A_186, %dma_wait3A_187] : memref<10000x16xf32, #tpu.memory_space<vmem_shared>> -> memref<10000x16xf32, #tpu.memory_space<vmem_shared>>
        tpu.wait_indirect_dma semaphore(%run_scoped3A_176 : memref<!tpu.dma_semaphore, #tpu.memory_space<semaphore_mem>>) src(%dma_wait3A_184 : memref<80x16xf32, #tpu.memory_space<vmem>>) dst(%dma_wait3A_188 : memref<10000x16xf32, #tpu.memory_space<vmem_shared>>)
        tpu.yield
      }) : () -> ()
      %mul3A_170 = arith.constant 25 : i32
      %mul3A_171 = arith.muli %scan3A_20, %mul3A_170 : i32
      %add3A_172 = arith.constant 24 : i32
      %add3A_173 = arith.addi %mul3A_171, %add3A_172 : i32
      %mul3A_174 = arith.constant 80 : i32
      %mul3A_175 = arith.muli %add3A_173, %mul3A_174 : i32
      "tpu.region"() ({
        %run_scoped3A_176 = tpu.sem_alloc : memref<!tpu.dma_semaphore, #tpu.memory_space<semaphore_mem>>
        %dma_start3A = arith.constant 1920 : i32
        %dma_start3A_177 = arith.constant 0 : i32
        %dma_start3A_178 = tpu.memref_slice %arg8[%dma_start3A, %dma_start3A_177] : memref<2000x16xf32, #tpu.memory_space<vmem>> -> memref<80x16xf32, #tpu.memory_space<vmem>>
        %dma_start3A_179 = tpu.memref_slice %arg6[%mul3A_175] : memref<10000xi32, #tpu.memory_space<vmem>> -> memref<80xi32, #tpu.memory_space<vmem>>
        %dma_start3A_180 = arith.constant 0 : i32
        %dma_start3A_181 = arith.constant 0 : i32
        %dma_start3A_182 = tpu.memref_slice %arg10[%dma_start3A_180, %dma_start3A_181] : memref<10000x16xf32, #tpu.memory_space<vmem_shared>> -> memref<10000x16xf32, #tpu.memory_space<vmem_shared>>
        tpu.enqueue_indirect_dma source(%dma_start3A_178 : memref<80x16xf32, #tpu.memory_space<vmem>>) target(%dma_start3A_182 : memref<10000x16xf32, #tpu.memory_space<vmem_shared>>) offsets(%dma_start3A_179 : memref<80xi32, #tpu.memory_space<vmem>>) semaphore(%run_scoped3A_176 : memref<!tpu.dma_semaphore, #tpu.memory_space<semaphore_mem>>) {add = true}
        %dma_wait3A = arith.constant 1920 : i32
        %dma_wait3A_183 = arith.constant 0 : i32
        %dma_wait3A_184 = tpu.memref_slice %arg8[%dma_wait3A, %dma_wait3A_183] : memref<2000x16xf32, #tpu.memory_space<vmem>> -> memref<80x16xf32, #tpu.memory_space<vmem>>
        %dma_wait3A_185 = tpu.memref_slice %arg6[%mul3A_175] : memref<10000xi32, #tpu.memory_space<vmem>> -> memref<80xi32, #tpu.memory_space<vmem>>
        %dma_wait3A_186 = arith.constant 0 : i32
        %dma_wait3A_187 = arith.constant 0 : i32
        %dma_wait3A_188 = tpu.memref_slice %arg10[%dma_wait3A_186, %dma_wait3A_187] : memref<10000x16xf32, #tpu.memory_space<vmem_shared>> -> memref<10000x16xf32, #tpu.memory_space<vmem_shared>>
        tpu.wait_indirect_dma semaphore(%run_scoped3A_176 : memref<!tpu.dma_semaphore, #tpu.memory_space<semaphore_mem>>) src(%dma_wait3A_184 : memref<80x16xf32, #tpu.memory_space<vmem>>) dst(%dma_wait3A_188 : memref<10000x16xf32, #tpu.memory_space<vmem_shared>>)
        tpu.yield
      }) : () -> ()
      "tpu.region"() ({
        %run_scoped3A_176 = tpu.sem_alloc : memref<!tpu.dma_semaphore, #tpu.memory_space<semaphore_mem>>
        %dma_start3A = arith.constant 1920 : i32
        %dma_start3A_177 = arith.constant 0 : i32
        %dma_start3A_178 = tpu.memref_slice %arg8[%dma_start3A, %dma_start3A_177] : memref<2000x16xf32, #tpu.memory_space<vmem>> -> memref<80x16xf32, #tpu.memory_space<vmem>>
        %dma_start3A_179 = tpu.memref_slice %arg7[%mul3A_175] : memref<10000xi32, #tpu.memory_space<vmem>> -> memref<80xi32, #tpu.memory_space<vmem>>
        %dma_start3A_180 = arith.constant 0 : i32
        %dma_start3A_181 = arith.constant 0 : i32
        %dma_start3A_182 = tpu.memref_slice %arg11[%dma_start3A_180, %dma_start3A_181] : memref<10000x16xf32, #tpu.memory_space<vmem_shared>> -> memref<10000x16xf32, #tpu.memory_space<vmem_shared>>
        tpu.enqueue_indirect_dma source(%dma_start3A_178 : memref<80x16xf32, #tpu.memory_space<vmem>>) target(%dma_start3A_182 : memref<10000x16xf32, #tpu.memory_space<vmem_shared>>) offsets(%dma_start3A_179 : memref<80xi32, #tpu.memory_space<vmem>>) semaphore(%run_scoped3A_176 : memref<!tpu.dma_semaphore, #tpu.memory_space<semaphore_mem>>) {add = true}
        %dma_wait3A = arith.constant 1920 : i32
        %dma_wait3A_183 = arith.constant 0 : i32
        %dma_wait3A_184 = tpu.memref_slice %arg8[%dma_wait3A, %dma_wait3A_183] : memref<2000x16xf32, #tpu.memory_space<vmem>> -> memref<80x16xf32, #tpu.memory_space<vmem>>
        %dma_wait3A_185 = tpu.memref_slice %arg7[%mul3A_175] : memref<10000xi32, #tpu.memory_space<vmem>> -> memref<80xi32, #tpu.memory_space<vmem>>
        %dma_wait3A_186 = arith.constant 0 : i32
        %dma_wait3A_187 = arith.constant 0 : i32
        %dma_wait3A_188 = tpu.memref_slice %arg11[%dma_wait3A_186, %dma_wait3A_187] : memref<10000x16xf32, #tpu.memory_space<vmem_shared>> -> memref<10000x16xf32, #tpu.memory_space<vmem_shared>>
        tpu.wait_indirect_dma semaphore(%run_scoped3A_176 : memref<!tpu.dma_semaphore, #tpu.memory_space<semaphore_mem>>) src(%dma_wait3A_184 : memref<80x16xf32, #tpu.memory_space<vmem>>) dst(%dma_wait3A_188 : memref<10000x16xf32, #tpu.memory_space<vmem_shared>>)
        tpu.yield
      }) : () -> ()
    }
    %scan3A_17 = arith.constant 5 : i32
    %barrier3A_18 = arith.constant 0 : index
    tpu.barrier barrier_id(%barrier3A_18)
    %run_scoped3A = arith.constant 0 : i32
    "tpu.region"() ({
      %run_scoped3A_20 = tpu.sem_alloc : memref<!tpu.dma_semaphore, #tpu.memory_space<semaphore_mem>>
      %dma_start3A = arith.constant 0 : i32
      %dma_start3A_21 = tpu.memref_slice %arg5[%arg0, %run_scoped3A, %mul3A_2, %dma_start3A] : memref<2x2x10000x16xf32, #tpu.memory_space<hbm>> -> memref<1x1x625x16xf32, #tpu.memory_space<hbm>>
      %dma_start3A_22 = tpu.memref_squeeze %dma_start3A_21 : memref<1x1x625x16xf32, #tpu.memory_space<hbm>> -> memref<625x16xf32, #tpu.memory_space<hbm>>
      %dma_start3A_23 = arith.constant 0 : i32
      %dma_start3A_24 = tpu.memref_slice %arg10[%mul3A_2, %dma_start3A_23] : memref<10000x16xf32, #tpu.memory_space<vmem_shared>> -> memref<625x16xf32, #tpu.memory_space<vmem_shared>>
      tpu.enqueue_dma source(%dma_start3A_24 : memref<625x16xf32, #tpu.memory_space<vmem_shared>>) target(%dma_start3A_22 : memref<625x16xf32, #tpu.memory_space<hbm>>) target_semaphore(%run_scoped3A_20 : memref<!tpu.dma_semaphore, #tpu.memory_space<semaphore_mem>>)
      %dma_wait3A = arith.constant 0 : i32
      %dma_wait3A_25 = tpu.memref_slice %arg5[%arg0, %run_scoped3A, %mul3A_2, %dma_wait3A] : memref<2x2x10000x16xf32, #tpu.memory_space<hbm>> -> memref<1x1x625x16xf32, #tpu.memory_space<hbm>>
      %dma_wait3A_26 = tpu.memref_squeeze %dma_wait3A_25 : memref<1x1x625x16xf32, #tpu.memory_space<hbm>> -> memref<625x16xf32, #tpu.memory_space<hbm>>
      %dma_wait3A_27 = arith.constant 0 : i32
      %dma_wait3A_28 = tpu.memref_slice %arg10[%mul3A_2, %dma_wait3A_27] : memref<10000x16xf32, #tpu.memory_space<vmem_shared>> -> memref<625x16xf32, #tpu.memory_space<vmem_shared>>
      tpu.wait_dma2 semaphore(%run_scoped3A_20 : memref<!tpu.dma_semaphore, #tpu.memory_space<semaphore_mem>>) src(%dma_wait3A_28 : memref<625x16xf32, #tpu.memory_space<vmem_shared>>) dst(%dma_wait3A_26 : memref<625x16xf32, #tpu.memory_space<hbm>>)
      tpu.yield
    }) : () -> ()
    %run_scoped3A_19 = arith.constant 1 : i32
    "tpu.region"() ({
      %run_scoped3A_20 = tpu.sem_alloc : memref<!tpu.dma_semaphore, #tpu.memory_space<semaphore_mem>>
      %dma_start3A = arith.constant 0 : i32
      %dma_start3A_21 = tpu.memref_slice %arg5[%arg0, %run_scoped3A_19, %mul3A_2, %dma_start3A] : memref<2x2x10000x16xf32, #tpu.memory_space<hbm>> -> memref<1x1x625x16xf32, #tpu.memory_space<hbm>>
      %dma_start3A_22 = tpu.memref_squeeze %dma_start3A_21 : memref<1x1x625x16xf32, #tpu.memory_space<hbm>> -> memref<625x16xf32, #tpu.memory_space<hbm>>
      %dma_start3A_23 = arith.constant 0 : i32
      %dma_start3A_24 = tpu.memref_slice %arg11[%mul3A_2, %dma_start3A_23] : memref<10000x16xf32, #tpu.memory_space<vmem_shared>> -> memref<625x16xf32, #tpu.memory_space<vmem_shared>>
      tpu.enqueue_dma source(%dma_start3A_24 : memref<625x16xf32, #tpu.memory_space<vmem_shared>>) target(%dma_start3A_22 : memref<625x16xf32, #tpu.memory_space<hbm>>) target_semaphore(%run_scoped3A_20 : memref<!tpu.dma_semaphore, #tpu.memory_space<semaphore_mem>>)
      %dma_wait3A = arith.constant 0 : i32
      %dma_wait3A_25 = tpu.memref_slice %arg5[%arg0, %run_scoped3A_19, %mul3A_2, %dma_wait3A] : memref<2x2x10000x16xf32, #tpu.memory_space<hbm>> -> memref<1x1x625x16xf32, #tpu.memory_space<hbm>>
      %dma_wait3A_26 = tpu.memref_squeeze %dma_wait3A_25 : memref<1x1x625x16xf32, #tpu.memory_space<hbm>> -> memref<625x16xf32, #tpu.memory_space<hbm>>
      %dma_wait3A_27 = arith.constant 0 : i32
      %dma_wait3A_28 = tpu.memref_slice %arg11[%mul3A_2, %dma_wait3A_27] : memref<10000x16xf32, #tpu.memory_space<vmem_shared>> -> memref<625x16xf32, #tpu.memory_space<vmem_shared>>
      tpu.wait_dma2 semaphore(%run_scoped3A_20 : memref<!tpu.dma_semaphore, #tpu.memory_space<semaphore_mem>>) src(%dma_wait3A_28 : memref<625x16xf32, #tpu.memory_space<vmem_shared>>) dst(%dma_wait3A_26 : memref<625x16xf32, #tpu.memory_space<hbm>>)
      tpu.yield
    }) : () -> ()
    return
  }
}

module attributes {stable_mosaic.version = 14 : i64} {
  func.func @_tc_project_body(%arg0: i32, %arg1: memref<1250x1024xf32, #tpu.memory_space<vmem>>, %arg2: memref<1024x128xf32, #tpu.memory_space<vmem>>, %arg3: memref<1024x128xf32, #tpu.memory_space<vmem>>, %arg4: memref<1250x128xf32, #tpu.memory_space<vmem>>, %arg5: memref<1250x128xf32, #tpu.memory_space<vmem>>) attributes {dimension_semantics = [#tpu.dimension_semantics<arbitrary>], iteration_bounds = array<i64: 1>, scalar_prefetch = 0 : i64, scratch_operands = 0 : i64, tpu.core_type = #tpu.core_type<tc>, window_params = [{transform_indices = @transform_0, window_bounds = array<i64: 1250, 1024>}, {pipeline_mode = #tpu.pipeline_mode<synchronous>, transform_indices = @transform_1, window_bounds = array<i64: 1024, 128>}, {pipeline_mode = #tpu.pipeline_mode<synchronous>, transform_indices = @transform_2, window_bounds = array<i64: 1024, 128>}, {transform_indices = @transform_3, window_bounds = array<i64: 1250, 128>}, {transform_indices = @transform_4, window_bounds = array<i64: 1250, 128>}]} {
    %get3A = arith.constant 0 : index
    %get3A_0 = arith.constant 0 : index
    %get3A_1 = vector.load %arg1[%get3A, %get3A_0] : memref<1250x1024xf32, #tpu.memory_space<vmem>>, vector<1250x1024xf32>
    %slice3A = vector.extract_strided_slice %get3A_1 {offsets = [0, 0], sizes = [1250, 128], strides = [1, 1]} : vector<1250x1024xf32> to vector<1250x128xf32>
    %get3A_2 = arith.constant 0 : index
    %get3A_3 = arith.constant 0 : index
    %get3A_4 = vector.load %arg2[%get3A_2, %get3A_3] : memref<1024x128xf32, #tpu.memory_space<vmem>>, vector<128x128xf32>
    %dot_general3A = arith.constant dense<0.000000e+00> : vector<1250x128xf32>
    %dot_general3A_5 = tpu.matmul %slice3A, %get3A_4, %dot_general3A {dimension_numbers = #tpu.dot_dimension_numbers<[1], [0], [0], [1], [0, 0, 1, 1], [], []>, transpose_lhs_hint = false} : vector<1250x128xf32>, vector<128x128xf32>, vector<1250x128xf32> -> vector<1250x128xf32>
    %slice3A_6 = vector.extract_strided_slice %get3A_1 {offsets = [0, 128], sizes = [1250, 128], strides = [1, 1]} : vector<1250x1024xf32> to vector<1250x128xf32>
    %get3A_7 = arith.constant 128 : index
    %get3A_8 = arith.constant 0 : index
    %get3A_9 = vector.load %arg2[%get3A_7, %get3A_8] : memref<1024x128xf32, #tpu.memory_space<vmem>>, vector<128x128xf32>
    %dot_general3A_10 = arith.constant dense<0.000000e+00> : vector<1250x128xf32>
    %dot_general3A_11 = tpu.matmul %slice3A_6, %get3A_9, %dot_general3A_10 {dimension_numbers = #tpu.dot_dimension_numbers<[1], [0], [0], [1], [0, 0, 1, 1], [], []>, transpose_lhs_hint = false} : vector<1250x128xf32>, vector<128x128xf32>, vector<1250x128xf32> -> vector<1250x128xf32>
    %add3A = arith.addf %dot_general3A_5, %dot_general3A_11 : vector<1250x128xf32>
    %slice3A_12 = vector.extract_strided_slice %get3A_1 {offsets = [0, 256], sizes = [1250, 128], strides = [1, 1]} : vector<1250x1024xf32> to vector<1250x128xf32>
    %get3A_13 = arith.constant 256 : index
    %get3A_14 = arith.constant 0 : index
    %get3A_15 = vector.load %arg2[%get3A_13, %get3A_14] : memref<1024x128xf32, #tpu.memory_space<vmem>>, vector<128x128xf32>
    %dot_general3A_16 = arith.constant dense<0.000000e+00> : vector<1250x128xf32>
    %dot_general3A_17 = tpu.matmul %slice3A_12, %get3A_15, %dot_general3A_16 {dimension_numbers = #tpu.dot_dimension_numbers<[1], [0], [0], [1], [0, 0, 1, 1], [], []>, transpose_lhs_hint = false} : vector<1250x128xf32>, vector<128x128xf32>, vector<1250x128xf32> -> vector<1250x128xf32>
    %add3A_18 = arith.addf %add3A, %dot_general3A_17 : vector<1250x128xf32>
    %slice3A_19 = vector.extract_strided_slice %get3A_1 {offsets = [0, 384], sizes = [1250, 128], strides = [1, 1]} : vector<1250x1024xf32> to vector<1250x128xf32>
    %get3A_20 = arith.constant 384 : index
    %get3A_21 = arith.constant 0 : index
    %get3A_22 = vector.load %arg2[%get3A_20, %get3A_21] : memref<1024x128xf32, #tpu.memory_space<vmem>>, vector<128x128xf32>
    %dot_general3A_23 = arith.constant dense<0.000000e+00> : vector<1250x128xf32>
    %dot_general3A_24 = tpu.matmul %slice3A_19, %get3A_22, %dot_general3A_23 {dimension_numbers = #tpu.dot_dimension_numbers<[1], [0], [0], [1], [0, 0, 1, 1], [], []>, transpose_lhs_hint = false} : vector<1250x128xf32>, vector<128x128xf32>, vector<1250x128xf32> -> vector<1250x128xf32>
    %add3A_25 = arith.addf %add3A_18, %dot_general3A_24 : vector<1250x128xf32>
    %slice3A_26 = vector.extract_strided_slice %get3A_1 {offsets = [0, 512], sizes = [1250, 128], strides = [1, 1]} : vector<1250x1024xf32> to vector<1250x128xf32>
    %get3A_27 = arith.constant 512 : index
    %get3A_28 = arith.constant 0 : index
    %get3A_29 = vector.load %arg2[%get3A_27, %get3A_28] : memref<1024x128xf32, #tpu.memory_space<vmem>>, vector<128x128xf32>
    %dot_general3A_30 = arith.constant dense<0.000000e+00> : vector<1250x128xf32>
    %dot_general3A_31 = tpu.matmul %slice3A_26, %get3A_29, %dot_general3A_30 {dimension_numbers = #tpu.dot_dimension_numbers<[1], [0], [0], [1], [0, 0, 1, 1], [], []>, transpose_lhs_hint = false} : vector<1250x128xf32>, vector<128x128xf32>, vector<1250x128xf32> -> vector<1250x128xf32>
    %add3A_32 = arith.addf %add3A_25, %dot_general3A_31 : vector<1250x128xf32>
    %slice3A_33 = vector.extract_strided_slice %get3A_1 {offsets = [0, 640], sizes = [1250, 128], strides = [1, 1]} : vector<1250x1024xf32> to vector<1250x128xf32>
    %get3A_34 = arith.constant 640 : index
    %get3A_35 = arith.constant 0 : index
    %get3A_36 = vector.load %arg2[%get3A_34, %get3A_35] : memref<1024x128xf32, #tpu.memory_space<vmem>>, vector<128x128xf32>
    %dot_general3A_37 = arith.constant dense<0.000000e+00> : vector<1250x128xf32>
    %dot_general3A_38 = tpu.matmul %slice3A_33, %get3A_36, %dot_general3A_37 {dimension_numbers = #tpu.dot_dimension_numbers<[1], [0], [0], [1], [0, 0, 1, 1], [], []>, transpose_lhs_hint = false} : vector<1250x128xf32>, vector<128x128xf32>, vector<1250x128xf32> -> vector<1250x128xf32>
    %add3A_39 = arith.addf %add3A_32, %dot_general3A_38 : vector<1250x128xf32>
    %slice3A_40 = vector.extract_strided_slice %get3A_1 {offsets = [0, 768], sizes = [1250, 128], strides = [1, 1]} : vector<1250x1024xf32> to vector<1250x128xf32>
    %get3A_41 = arith.constant 768 : index
    %get3A_42 = arith.constant 0 : index
    %get3A_43 = vector.load %arg2[%get3A_41, %get3A_42] : memref<1024x128xf32, #tpu.memory_space<vmem>>, vector<128x128xf32>
    %dot_general3A_44 = arith.constant dense<0.000000e+00> : vector<1250x128xf32>
    %dot_general3A_45 = tpu.matmul %slice3A_40, %get3A_43, %dot_general3A_44 {dimension_numbers = #tpu.dot_dimension_numbers<[1], [0], [0], [1], [0, 0, 1, 1], [], []>, transpose_lhs_hint = false} : vector<1250x128xf32>, vector<128x128xf32>, vector<1250x128xf32> -> vector<1250x128xf32>
    %add3A_46 = arith.addf %add3A_39, %dot_general3A_45 : vector<1250x128xf32>
    %slice3A_47 = vector.extract_strided_slice %get3A_1 {offsets = [0, 896], sizes = [1250, 128], strides = [1, 1]} : vector<1250x1024xf32> to vector<1250x128xf32>
    %get3A_48 = arith.constant 896 : index
    %get3A_49 = arith.constant 0 : index
    %get3A_50 = vector.load %arg2[%get3A_48, %get3A_49] : memref<1024x128xf32, #tpu.memory_space<vmem>>, vector<128x128xf32>
    %dot_general3A_51 = arith.constant dense<0.000000e+00> : vector<1250x128xf32>
    %dot_general3A_52 = tpu.matmul %slice3A_47, %get3A_50, %dot_general3A_51 {dimension_numbers = #tpu.dot_dimension_numbers<[1], [0], [0], [1], [0, 0, 1, 1], [], []>, transpose_lhs_hint = false} : vector<1250x128xf32>, vector<128x128xf32>, vector<1250x128xf32> -> vector<1250x128xf32>
    %add3A_53 = arith.addf %add3A_46, %dot_general3A_52 : vector<1250x128xf32>
    %swap3A = arith.constant 0 : index
    %swap3A_54 = arith.constant 0 : index
    %swap3A_55 = vector.load %arg4[%swap3A, %swap3A_54] : memref<1250x128xf32, #tpu.memory_space<vmem>>, vector<1250x128xf32>
    tpu.vector_store %arg4[%swap3A, %swap3A_54], %add3A_53 {strides = array<i32>} : memref<1250x128xf32, #tpu.memory_space<vmem>>, vector<1250x128xf32>,
    %slice3A_56 = vector.extract_strided_slice %get3A_1 {offsets = [0, 0], sizes = [1250, 128], strides = [1, 1]} : vector<1250x1024xf32> to vector<1250x128xf32>
    %get3A_57 = arith.constant 0 : index
    %get3A_58 = arith.constant 0 : index
    %get3A_59 = vector.load %arg3[%get3A_57, %get3A_58] : memref<1024x128xf32, #tpu.memory_space<vmem>>, vector<128x128xf32>
    %dot_general3A_60 = arith.constant dense<0.000000e+00> : vector<1250x128xf32>
    %dot_general3A_61 = tpu.matmul %slice3A_56, %get3A_59, %dot_general3A_60 {dimension_numbers = #tpu.dot_dimension_numbers<[1], [0], [0], [1], [0, 0, 1, 1], [], []>, transpose_lhs_hint = false} : vector<1250x128xf32>, vector<128x128xf32>, vector<1250x128xf32> -> vector<1250x128xf32>
    %slice3A_62 = vector.extract_strided_slice %get3A_1 {offsets = [0, 128], sizes = [1250, 128], strides = [1, 1]} : vector<1250x1024xf32> to vector<1250x128xf32>
    %get3A_63 = arith.constant 128 : index
    %get3A_64 = arith.constant 0 : index
    %get3A_65 = vector.load %arg3[%get3A_63, %get3A_64] : memref<1024x128xf32, #tpu.memory_space<vmem>>, vector<128x128xf32>
    %dot_general3A_66 = arith.constant dense<0.000000e+00> : vector<1250x128xf32>
    %dot_general3A_67 = tpu.matmul %slice3A_62, %get3A_65, %dot_general3A_66 {dimension_numbers = #tpu.dot_dimension_numbers<[1], [0], [0], [1], [0, 0, 1, 1], [], []>, transpose_lhs_hint = false} : vector<1250x128xf32>, vector<128x128xf32>, vector<1250x128xf32> -> vector<1250x128xf32>
    %add3A_68 = arith.addf %dot_general3A_61, %dot_general3A_67 : vector<1250x128xf32>
    %slice3A_69 = vector.extract_strided_slice %get3A_1 {offsets = [0, 256], sizes = [1250, 128], strides = [1, 1]} : vector<1250x1024xf32> to vector<1250x128xf32>
    %get3A_70 = arith.constant 256 : index
    %get3A_71 = arith.constant 0 : index
    %get3A_72 = vector.load %arg3[%get3A_70, %get3A_71] : memref<1024x128xf32, #tpu.memory_space<vmem>>, vector<128x128xf32>
    %dot_general3A_73 = arith.constant dense<0.000000e+00> : vector<1250x128xf32>
    %dot_general3A_74 = tpu.matmul %slice3A_69, %get3A_72, %dot_general3A_73 {dimension_numbers = #tpu.dot_dimension_numbers<[1], [0], [0], [1], [0, 0, 1, 1], [], []>, transpose_lhs_hint = false} : vector<1250x128xf32>, vector<128x128xf32>, vector<1250x128xf32> -> vector<1250x128xf32>
    %add3A_75 = arith.addf %add3A_68, %dot_general3A_74 : vector<1250x128xf32>
    %slice3A_76 = vector.extract_strided_slice %get3A_1 {offsets = [0, 384], sizes = [1250, 128], strides = [1, 1]} : vector<1250x1024xf32> to vector<1250x128xf32>
    %get3A_77 = arith.constant 384 : index
    %get3A_78 = arith.constant 0 : index
    %get3A_79 = vector.load %arg3[%get3A_77, %get3A_78] : memref<1024x128xf32, #tpu.memory_space<vmem>>, vector<128x128xf32>
    %dot_general3A_80 = arith.constant dense<0.000000e+00> : vector<1250x128xf32>
    %dot_general3A_81 = tpu.matmul %slice3A_76, %get3A_79, %dot_general3A_80 {dimension_numbers = #tpu.dot_dimension_numbers<[1], [0], [0], [1], [0, 0, 1, 1], [], []>, transpose_lhs_hint = false} : vector<1250x128xf32>, vector<128x128xf32>, vector<1250x128xf32> -> vector<1250x128xf32>
    %add3A_82 = arith.addf %add3A_75, %dot_general3A_81 : vector<1250x128xf32>
    %slice3A_83 = vector.extract_strided_slice %get3A_1 {offsets = [0, 512], sizes = [1250, 128], strides = [1, 1]} : vector<1250x1024xf32> to vector<1250x128xf32>
    %get3A_84 = arith.constant 512 : index
    %get3A_85 = arith.constant 0 : index
    %get3A_86 = vector.load %arg3[%get3A_84, %get3A_85] : memref<1024x128xf32, #tpu.memory_space<vmem>>, vector<128x128xf32>
    %dot_general3A_87 = arith.constant dense<0.000000e+00> : vector<1250x128xf32>
    %dot_general3A_88 = tpu.matmul %slice3A_83, %get3A_86, %dot_general3A_87 {dimension_numbers = #tpu.dot_dimension_numbers<[1], [0], [0], [1], [0, 0, 1, 1], [], []>, transpose_lhs_hint = false} : vector<1250x128xf32>, vector<128x128xf32>, vector<1250x128xf32> -> vector<1250x128xf32>
    %add3A_89 = arith.addf %add3A_82, %dot_general3A_88 : vector<1250x128xf32>
    %slice3A_90 = vector.extract_strided_slice %get3A_1 {offsets = [0, 640], sizes = [1250, 128], strides = [1, 1]} : vector<1250x1024xf32> to vector<1250x128xf32>
    %get3A_91 = arith.constant 640 : index
    %get3A_92 = arith.constant 0 : index
    %get3A_93 = vector.load %arg3[%get3A_91, %get3A_92] : memref<1024x128xf32, #tpu.memory_space<vmem>>, vector<128x128xf32>
    %dot_general3A_94 = arith.constant dense<0.000000e+00> : vector<1250x128xf32>
    %dot_general3A_95 = tpu.matmul %slice3A_90, %get3A_93, %dot_general3A_94 {dimension_numbers = #tpu.dot_dimension_numbers<[1], [0], [0], [1], [0, 0, 1, 1], [], []>, transpose_lhs_hint = false} : vector<1250x128xf32>, vector<128x128xf32>, vector<1250x128xf32> -> vector<1250x128xf32>
    %add3A_96 = arith.addf %add3A_89, %dot_general3A_95 : vector<1250x128xf32>
    %slice3A_97 = vector.extract_strided_slice %get3A_1 {offsets = [0, 768], sizes = [1250, 128], strides = [1, 1]} : vector<1250x1024xf32> to vector<1250x128xf32>
    %get3A_98 = arith.constant 768 : index
    %get3A_99 = arith.constant 0 : index
    %get3A_100 = vector.load %arg3[%get3A_98, %get3A_99] : memref<1024x128xf32, #tpu.memory_space<vmem>>, vector<128x128xf32>
    %dot_general3A_101 = arith.constant dense<0.000000e+00> : vector<1250x128xf32>
    %dot_general3A_102 = tpu.matmul %slice3A_97, %get3A_100, %dot_general3A_101 {dimension_numbers = #tpu.dot_dimension_numbers<[1], [0], [0], [1], [0, 0, 1, 1], [], []>, transpose_lhs_hint = false} : vector<1250x128xf32>, vector<128x128xf32>, vector<1250x128xf32> -> vector<1250x128xf32>
    %add3A_103 = arith.addf %add3A_96, %dot_general3A_102 : vector<1250x128xf32>
    %slice3A_104 = vector.extract_strided_slice %get3A_1 {offsets = [0, 896], sizes = [1250, 128], strides = [1, 1]} : vector<1250x1024xf32> to vector<1250x128xf32>
    %get3A_105 = arith.constant 896 : index
    %get3A_106 = arith.constant 0 : index
    %get3A_107 = vector.load %arg3[%get3A_105, %get3A_106] : memref<1024x128xf32, #tpu.memory_space<vmem>>, vector<128x128xf32>
    %dot_general3A_108 = arith.constant dense<0.000000e+00> : vector<1250x128xf32>
    %dot_general3A_109 = tpu.matmul %slice3A_104, %get3A_107, %dot_general3A_108 {dimension_numbers = #tpu.dot_dimension_numbers<[1], [0], [0], [1], [0, 0, 1, 1], [], []>, transpose_lhs_hint = false} : vector<1250x128xf32>, vector<128x128xf32>, vector<1250x128xf32> -> vector<1250x128xf32>
    %add3A_110 = arith.addf %add3A_103, %dot_general3A_109 : vector<1250x128xf32>
    %swap3A_111 = arith.constant 0 : index
    %swap3A_112 = arith.constant 0 : index
    %swap3A_113 = vector.load %arg5[%swap3A_111, %swap3A_112] : memref<1250x128xf32, #tpu.memory_space<vmem>>, vector<1250x128xf32>
    tpu.vector_store %arg5[%swap3A_111, %swap3A_112], %add3A_110 {strides = array<i32>} : memref<1250x128xf32, #tpu.memory_space<vmem>>, vector<1250x128xf32>,
    return
  }
  func.func @transform_0(%arg0: i32) -> (i32, i32) {
    %c0_i32 = arith.constant 0 : i32
    %c0_i32_0 = arith.constant 0 : i32
    return %arg0, %c0_i32 : i32, i32
  }
  func.func @transform_1(%arg0: i32) -> (i32, i32) {
    %c0_i32 = arith.constant 0 : i32
    %c0_i32_0 = arith.constant 0 : i32
    %c0_i32_1 = arith.constant 0 : i32
    return %c0_i32, %c0_i32_0 : i32, i32
  }
  func.func @transform_2(%arg0: i32) -> (i32, i32) {
    %c0_i32 = arith.constant 0 : i32
    %c0_i32_0 = arith.constant 0 : i32
    %c0_i32_1 = arith.constant 0 : i32
    return %c0_i32, %c0_i32_0 : i32, i32
  }
  func.func @transform_3(%arg0: i32) -> (i32, i32) {
    %c0_i32 = arith.constant 0 : i32
    %c0_i32_0 = arith.constant 0 : i32
    return %arg0, %c0_i32 : i32, i32
  }
  func.func @transform_4(%arg0: i32) -> (i32, i32) {
    %c0_i32 = arith.constant 0 : i32
    %c0_i32_0 = arith.constant 0 : i32
    return %arg0, %c0_i32 : i32, i32
  }
}

module attributes {stable_mosaic.version = 14 : i64} {
  func.func @_tc_edge_body(%arg0: i32, %arg1: memref<4000x128xf32, #tpu.memory_space<vmem>>, %arg2: memref<4000x128xf32, #tpu.memory_space<vmem>>, %arg3: memref<4000x128xf32, #tpu.memory_space<vmem>>, %arg4: memref<128x128xf32, #tpu.memory_space<vmem>>, %arg5: memref<16x128xf32, #tpu.memory_space<vmem>>, %arg6: memref<1x128xf32, #tpu.memory_space<vmem>>, %arg7: memref<128x128xf32, #tpu.memory_space<vmem>>, %arg8: memref<1x128xf32, #tpu.memory_space<vmem>>, %arg9: memref<1x16xf32, #tpu.memory_space<vmem>>, %arg10: memref<4000x128xf32, #tpu.memory_space<vmem>>, %arg11: memref<1x1x128xf32, #tpu.memory_space<vmem>>) attributes {dimension_semantics = [#tpu.dimension_semantics<arbitrary>], iteration_bounds = array<i64: 10>, scalar_prefetch = 0 : i64, scratch_operands = 0 : i64, tpu.core_type = #tpu.core_type<tc>, window_params = [{transform_indices = @transform_0, window_bounds = array<i64: 4000, 128>}, {transform_indices = @transform_1, window_bounds = array<i64: 4000, 128>}, {transform_indices = @transform_2, window_bounds = array<i64: 4000, 128>}, {pipeline_mode = #tpu.pipeline_mode<synchronous>, transform_indices = @transform_3, window_bounds = array<i64: 128, 128>}, {pipeline_mode = #tpu.pipeline_mode<synchronous>, transform_indices = @transform_4, window_bounds = array<i64: 16, 128>}, {pipeline_mode = #tpu.pipeline_mode<synchronous>, transform_indices = @transform_5, window_bounds = array<i64: 1, 128>}, {pipeline_mode = #tpu.pipeline_mode<synchronous>, transform_indices = @transform_6, window_bounds = array<i64: 128, 128>}, {pipeline_mode = #tpu.pipeline_mode<synchronous>, transform_indices = @transform_7, window_bounds = array<i64: 1, 128>}, {pipeline_mode = #tpu.pipeline_mode<synchronous>, transform_indices = @transform_8, window_bounds = array<i64: 1, 16>}, {transform_indices = @transform_9, window_bounds = array<i64: 4000, 128>}, {transform_indices = @transform_10, window_bounds = array<i64: 1, 1, 128>}]} {
    %get3A = arith.constant 0 : index
    %get3A_0 = arith.constant 0 : index
    %get3A_1 = vector.load %arg9[%get3A, %get3A_0] : memref<1x16xf32, #tpu.memory_space<vmem>>, vector<1x16xf32>
    %get3A_2 = arith.constant 0 : index
    %get3A_3 = arith.constant 0 : index
    %get3A_4 = vector.load %arg5[%get3A_2, %get3A_3] : memref<16x128xf32, #tpu.memory_space<vmem>>, vector<16x128xf32>
    %dot_general3A = arith.constant dense<0.000000e+00> : vector<1x128xf32>
    %dot_general3A_5 = tpu.matmul %get3A_1, %get3A_4, %dot_general3A {dimension_numbers = #tpu.dot_dimension_numbers<[1], [0], [0], [1], [0, 0, 1, 1], [], []>, transpose_lhs_hint = false} : vector<1x16xf32>, vector<16x128xf32>, vector<1x128xf32> -> vector<1x128xf32>
    %get3A_6 = arith.constant 0 : index
    %get3A_7 = arith.constant 0 : index
    %get3A_8 = vector.load %arg6[%get3A_6, %get3A_7] : memref<1x128xf32, #tpu.memory_space<vmem>>, vector<1x128xf32>
    %add3A = arith.addf %dot_general3A_5, %get3A_8 : vector<1x128xf32>
    %get3A_9 = arith.constant 0 : index
    %get3A_10 = arith.constant 0 : index
    %get3A_11 = vector.load %arg1[%get3A_9, %get3A_10] : memref<4000x128xf32, #tpu.memory_space<vmem>>, vector<4000x128xf32>
    %get3A_12 = arith.constant 0 : index
    %get3A_13 = arith.constant 0 : index
    %get3A_14 = vector.load %arg4[%get3A_12, %get3A_13] : memref<128x128xf32, #tpu.memory_space<vmem>>, vector<128x128xf32>
    %dot_general3A_15 = arith.constant dense<0.000000e+00> : vector<4000x128xf32>
    %dot_general3A_16 = tpu.matmul %get3A_11, %get3A_14, %dot_general3A_15 {dimension_numbers = #tpu.dot_dimension_numbers<[1], [0], [0], [1], [0, 0, 1, 1], [], []>, transpose_lhs_hint = false} : vector<4000x128xf32>, vector<128x128xf32>, vector<4000x128xf32> -> vector<4000x128xf32>
    %get3A_17 = arith.constant 0 : index
    %get3A_18 = arith.constant 0 : index
    %get3A_19 = vector.load %arg2[%get3A_17, %get3A_18] : memref<4000x128xf32, #tpu.memory_space<vmem>>, vector<4000x128xf32>
    %add3A_20 = arith.addf %dot_general3A_16, %get3A_19 : vector<4000x128xf32>
    %get3A_21 = arith.constant 0 : index
    %get3A_22 = arith.constant 0 : index
    %get3A_23 = vector.load %arg3[%get3A_21, %get3A_22] : memref<4000x128xf32, #tpu.memory_space<vmem>>, vector<4000x128xf32>
    %add3A_24 = arith.addf %add3A_20, %get3A_23 : vector<4000x128xf32>
    %add3A_25 = vector.broadcast %add3A : vector<1x128xf32> to vector<4000x128xf32>
    %add3A_26 = arith.addf %add3A_24, %add3A_25 : vector<4000x128xf32>
    %max3A = arith.constant 0.000000e+00 : f32
    %max3A_27 = vector.broadcast %max3A : f32 to vector<4000x128xf32>
    %max3A_28 = arith.maximumf %add3A_26, %max3A_27 : vector<4000x128xf32>
    %get3A_29 = arith.constant 0 : index
    %get3A_30 = arith.constant 0 : index
    %get3A_31 = vector.load %arg7[%get3A_29, %get3A_30] : memref<128x128xf32, #tpu.memory_space<vmem>>, vector<128x128xf32>
    %dot_general3A_32 = arith.constant dense<0.000000e+00> : vector<4000x128xf32>
    %dot_general3A_33 = tpu.matmul %max3A_28, %get3A_31, %dot_general3A_32 {dimension_numbers = #tpu.dot_dimension_numbers<[1], [0], [0], [1], [0, 0, 1, 1], [], []>, transpose_lhs_hint = false} : vector<4000x128xf32>, vector<128x128xf32>, vector<4000x128xf32> -> vector<4000x128xf32>
    %get3A_34 = arith.constant 0 : index
    %get3A_35 = arith.constant 0 : index
    %get3A_36 = vector.load %arg8[%get3A_34, %get3A_35] : memref<1x128xf32, #tpu.memory_space<vmem>>, vector<1x128xf32>
    %add3A_37 = vector.broadcast %get3A_36 : vector<1x128xf32> to vector<4000x128xf32>
    %add3A_38 = arith.addf %dot_general3A_33, %add3A_37 : vector<4000x128xf32>
    %swap3A = arith.constant 0 : index
    %swap3A_39 = arith.constant 0 : index
    %swap3A_40 = vector.load %arg10[%swap3A, %swap3A_39] : memref<4000x128xf32, #tpu.memory_space<vmem>>, vector<4000x128xf32>
    tpu.vector_store %arg10[%swap3A, %swap3A_39], %add3A_38 {strides = array<i32>} : memref<4000x128xf32, #tpu.memory_space<vmem>>, vector<4000x128xf32>,
    %reduce_sum3A = arith.constant dense<0.000000e+00> : vector<128xf32>
    %reduce_sum3A_41 = vector.multi_reduction <add>, %add3A_38, %reduce_sum3A [0] : vector<4000x128xf32> to vector<128xf32>
    %swap3A_42 = arith.constant 0 : index
    %swap3A_43 = arith.constant 0 : index
    %swap3A_44 = arith.constant 0 : index
    %swap3A_45 = vector.load %arg11[%swap3A_42, %swap3A_43, %swap3A_44] : memref<1x1x128xf32, #tpu.memory_space<vmem>>, vector<1x1x128xf32>
    %swap3A_46 = vector.shape_cast %swap3A_45 : vector<1x1x128xf32> to vector<128xf32>
    %swap3A_47 = vector.shape_cast %reduce_sum3A_41 : vector<128xf32> to vector<1x1x128xf32>
    tpu.vector_store %arg11[%swap3A_42, %swap3A_43, %swap3A_44], %swap3A_47 {strides = array<i32>} : memref<1x1x128xf32, #tpu.memory_space<vmem>>, vector<1x1x128xf32>,
    return
  }
  func.func @transform_0(%arg0: i32) -> (i32, i32) {
    %c0_i32 = arith.constant 0 : i32
    %c0_i32_0 = arith.constant 0 : i32
    return %arg0, %c0_i32 : i32, i32
  }
  func.func @transform_1(%arg0: i32) -> (i32, i32) {
    %c0_i32 = arith.constant 0 : i32
    %c0_i32_0 = arith.constant 0 : i32
    return %arg0, %c0_i32 : i32, i32
  }
  func.func @transform_2(%arg0: i32) -> (i32, i32) {
    %c0_i32 = arith.constant 0 : i32
    %c0_i32_0 = arith.constant 0 : i32
    return %arg0, %c0_i32 : i32, i32
  }
  func.func @transform_3(%arg0: i32) -> (i32, i32) {
    %c0_i32 = arith.constant 0 : i32
    %c0_i32_0 = arith.constant 0 : i32
    %c0_i32_1 = arith.constant 0 : i32
    return %c0_i32, %c0_i32_0 : i32, i32
  }
  func.func @transform_4(%arg0: i32) -> (i32, i32) {
    %c0_i32 = arith.constant 0 : i32
    %c0_i32_0 = arith.constant 0 : i32
    %c0_i32_1 = arith.constant 0 : i32
    return %c0_i32, %c0_i32_0 : i32, i32
  }
  func.func @transform_5(%arg0: i32) -> (i32, i32) {
    %c0_i32 = arith.constant 0 : i32
    %c0_i32_0 = arith.constant 0 : i32
    %c0_i32_1 = arith.constant 0 : i32
    return %c0_i32, %c0_i32_0 : i32, i32
  }
  func.func @transform_6(%arg0: i32) -> (i32, i32) {
    %c0_i32 = arith.constant 0 : i32
    %c0_i32_0 = arith.constant 0 : i32
    %c0_i32_1 = arith.constant 0 : i32
    return %c0_i32, %c0_i32_0 : i32, i32
  }
  func.func @transform_7(%arg0: i32) -> (i32, i32) {
    %c0_i32 = arith.constant 0 : i32
    %c0_i32_0 = arith.constant 0 : i32
    %c0_i32_1 = arith.constant 0 : i32
    return %c0_i32, %c0_i32_0 : i32, i32
  }
  func.func @transform_8(%arg0: i32) -> (i32, i32) {
    %c0_i32 = arith.constant 0 : i32
    %c0_i32_0 = arith.constant 0 : i32
    %c0_i32_1 = arith.constant 0 : i32
    return %c0_i32, %c0_i32_0 : i32, i32
  }
  func.func @transform_9(%arg0: i32) -> (i32, i32) {
    %c0_i32 = arith.constant 0 : i32
    %c0_i32_0 = arith.constant 0 : i32
    return %arg0, %c0_i32 : i32, i32
  }
  func.func @transform_10(%arg0: i32) -> (i32, i32, i32) {
    %c0_i32 = arith.constant 0 : i32
    %c0_i32_0 = arith.constant 0 : i32
    %c0_i32_1 = arith.constant 0 : i32
    return %arg0, %c0_i32, %c0_i32_0 : i32, i32, i32
  }
}

module attributes {stable_mosaic.version = 14 : i64} {
  func.func @_tc_node_body(%arg0: i32, %arg1: memref<1250x1024xf32, #tpu.memory_space<vmem>>, %arg2: memref<1x1x1250x128xf32, #tpu.memory_space<vmem>>, %arg3: memref<1x1x1250x128xf32, #tpu.memory_space<vmem>>, %arg4: memref<1x1x1250x128xf32, #tpu.memory_space<vmem>>, %arg5: memref<1x1x1250x128xf32, #tpu.memory_space<vmem>>, %arg6: memref<10x1x128xf32, #tpu.memory_space<vmem>>, %arg7: memref<1024x128xf32, #tpu.memory_space<vmem>>, %arg8: memref<128x128xf32, #tpu.memory_space<vmem>>, %arg9: memref<128x128xf32, #tpu.memory_space<vmem>>, %arg10: memref<16x128xf32, #tpu.memory_space<vmem>>, %arg11: memref<1x128xf32, #tpu.memory_space<vmem>>, %arg12: memref<128x128xf32, #tpu.memory_space<vmem>>, %arg13: memref<1x128xf32, #tpu.memory_space<vmem>>, %arg14: memref<1x16xf32, #tpu.memory_space<vmem>>, %arg15: memref<128x16xf32, #tpu.memory_space<vmem>>, %arg16: memref<16x16xf32, #tpu.memory_space<vmem>>, %arg17: memref<16x16xf32, #tpu.memory_space<vmem>>, %arg18: memref<16x16xf32, #tpu.memory_space<vmem>>, %arg19: memref<1x16xf32, #tpu.memory_space<vmem>>, %arg20: memref<16x16xf32, #tpu.memory_space<vmem>>, %arg21: memref<1x16xf32, #tpu.memory_space<vmem>>, %arg22: memref<1250x128xf32, #tpu.memory_space<vmem>>, %arg23: memref<1x16xf32, #tpu.memory_space<vmem>>, %arg24: memref<1x128xf32, #tpu.memory_space<vmem>>) attributes {dimension_semantics = [#tpu.dimension_semantics<arbitrary>], iteration_bounds = array<i64: 1>, scalar_prefetch = 0 : i64, scratch_operands = 1 : i64, tpu.core_type = #tpu.core_type<tc>, window_params = [{transform_indices = @transform_0, window_bounds = array<i64: 1250, 1024>}, {transform_indices = @transform_1, window_bounds = array<i64: 1, 1, 1250, 128>}, {transform_indices = @transform_2, window_bounds = array<i64: 1, 1, 1250, 128>}, {transform_indices = @transform_3, window_bounds = array<i64: 1, 1, 1250, 128>}, {transform_indices = @transform_4, window_bounds = array<i64: 1, 1, 1250, 128>}, {pipeline_mode = #tpu.pipeline_mode<synchronous>, transform_indices = @transform_5, window_bounds = array<i64: 10, 1, 128>}, {pipeline_mode = #tpu.pipeline_mode<synchronous>, transform_indices = @transform_6, window_bounds = array<i64: 1024, 128>}, {pipeline_mode = #tpu.pipeline_mode<synchronous>, transform_indices = @transform_7, window_bounds = array<i64: 128, 128>}, {pipeline_mode = #tpu.pipeline_mode<synchronous>, transform_indices = @transform_8, window_bounds = array<i64: 128, 128>}, {pipeline_mode = #tpu.pipeline_mode<synchronous>, transform_indices = @transform_9, window_bounds = array<i64: 16, 128>}, {pipeline_mode = #tpu.pipeline_mode<synchronous>, transform_indices = @transform_10, window_bounds = array<i64: 1, 128>}, {pipeline_mode = #tpu.pipeline_mode<synchronous>, transform_indices = @transform_11, window_bounds = array<i64: 128, 128>}, {pipeline_mode = #tpu.pipeline_mode<synchronous>, transform_indices = @transform_12, window_bounds = array<i64: 1, 128>}, {pipeline_mode = #tpu.pipeline_mode<synchronous>, transform_indices = @transform_13, window_bounds = array<i64: 1, 16>}, {pipeline_mode = #tpu.pipeline_mode<synchronous>, transform_indices = @transform_14, window_bounds = array<i64: 128, 16>}, {pipeline_mode = #tpu.pipeline_mode<synchronous>, transform_indices = @transform_15, window_bounds = array<i64: 16, 16>}, {pipeline_mode = #tpu.pipeline_mode<synchronous>, transform_indices = @transform_16, window_bounds = array<i64: 16, 16>}, {pipeline_mode = #tpu.pipeline_mode<synchronous>, transform_indices = @transform_17, window_bounds = array<i64: 16, 16>}, {pipeline_mode = #tpu.pipeline_mode<synchronous>, transform_indices = @transform_18, window_bounds = array<i64: 1, 16>}, {pipeline_mode = #tpu.pipeline_mode<synchronous>, transform_indices = @transform_19, window_bounds = array<i64: 16, 16>}, {pipeline_mode = #tpu.pipeline_mode<synchronous>, transform_indices = @transform_20, window_bounds = array<i64: 1, 16>}, {transform_indices = @transform_21, window_bounds = array<i64: 1250, 128>}, {pipeline_mode = #tpu.pipeline_mode<synchronous>, transform_indices = @transform_22, window_bounds = array<i64: 1, 16>}]} {
    %get3A = arith.constant 0 : index
    %get3A_0 = arith.constant 0 : index
    %get3A_1 = arith.constant 0 : index
    %get3A_2 = arith.constant 0 : index
    %get3A_3 = vector.load %arg2[%get3A, %get3A_0, %get3A_1, %get3A_2] : memref<1x1x1250x128xf32, #tpu.memory_space<vmem>>, vector<1x1x1250x128xf32>
    %get3A_4 = vector.shape_cast %get3A_3 : vector<1x1x1250x128xf32> to vector<1250x128xf32>
    %get3A_5 = arith.constant 0 : index
    %get3A_6 = arith.constant 0 : index
    %get3A_7 = arith.constant 0 : index
    %get3A_8 = arith.constant 0 : index
    %get3A_9 = vector.load %arg4[%get3A_5, %get3A_6, %get3A_7, %get3A_8] : memref<1x1x1250x128xf32, #tpu.memory_space<vmem>>, vector<1x1x1250x128xf32>
    %get3A_10 = vector.shape_cast %get3A_9 : vector<1x1x1250x128xf32> to vector<1250x128xf32>
    %add3A = arith.addf %get3A_4, %get3A_10 : vector<1250x128xf32>
    %get3A_11 = arith.constant 0 : index
    %get3A_12 = arith.constant 0 : index
    %get3A_13 = arith.constant 0 : index
    %get3A_14 = arith.constant 0 : index
    %get3A_15 = vector.load %arg3[%get3A_11, %get3A_12, %get3A_13, %get3A_14] : memref<1x1x1250x128xf32, #tpu.memory_space<vmem>>, vector<1x1x1250x128xf32>
    %get3A_16 = vector.shape_cast %get3A_15 : vector<1x1x1250x128xf32> to vector<1250x128xf32>
    %get3A_17 = arith.constant 0 : index
    %get3A_18 = arith.constant 0 : index
    %get3A_19 = arith.constant 0 : index
    %get3A_20 = arith.constant 0 : index
    %get3A_21 = vector.load %arg5[%get3A_17, %get3A_18, %get3A_19, %get3A_20] : memref<1x1x1250x128xf32, #tpu.memory_space<vmem>>, vector<1x1x1250x128xf32>
    %get3A_22 = vector.shape_cast %get3A_21 : vector<1x1x1250x128xf32> to vector<1250x128xf32>
    %add3A_23 = arith.addf %get3A_16, %get3A_22 : vector<1250x128xf32>
    %get3A_24 = arith.constant 0 : index
    %get3A_25 = arith.constant 0 : index
    %get3A_26 = vector.load %arg14[%get3A_24, %get3A_25] : memref<1x16xf32, #tpu.memory_space<vmem>>, vector<1x16xf32>
    %get3A_27 = arith.constant 0 : index
    %get3A_28 = arith.constant 0 : index
    %get3A_29 = vector.load %arg10[%get3A_27, %get3A_28] : memref<16x128xf32, #tpu.memory_space<vmem>>, vector<16x128xf32>
    %dot_general3A = arith.constant dense<0.000000e+00> : vector<1x128xf32>
    %dot_general3A_30 = tpu.matmul %get3A_26, %get3A_29, %dot_general3A {dimension_numbers = #tpu.dot_dimension_numbers<[1], [0], [0], [1], [0, 0, 1, 1], [], []>, transpose_lhs_hint = false} : vector<1x16xf32>, vector<16x128xf32>, vector<1x128xf32> -> vector<1x128xf32>
    %get3A_31 = arith.constant 0 : index
    %get3A_32 = arith.constant 0 : index
    %get3A_33 = vector.load %arg11[%get3A_31, %get3A_32] : memref<1x128xf32, #tpu.memory_space<vmem>>, vector<1x128xf32>
    %add3A_34 = arith.addf %dot_general3A_30, %get3A_33 : vector<1x128xf32>
    %get3A_35 = arith.constant 0 : index
    %get3A_36 = arith.constant 0 : index
    %get3A_37 = vector.load %arg1[%get3A_35, %get3A_36] : memref<1250x1024xf32, #tpu.memory_space<vmem>>, vector<1250x1024xf32>
    %slice3A = vector.extract_strided_slice %get3A_37 {offsets = [0, 0], sizes = [1250, 128], strides = [1, 1]} : vector<1250x1024xf32> to vector<1250x128xf32>
    %get3A_38 = arith.constant 0 : index
    %get3A_39 = arith.constant 0 : index
    %get3A_40 = vector.load %arg7[%get3A_38, %get3A_39] : memref<1024x128xf32, #tpu.memory_space<vmem>>, vector<128x128xf32>
    %dot_general3A_41 = arith.constant dense<0.000000e+00> : vector<1250x128xf32>
    %dot_general3A_42 = tpu.matmul %slice3A, %get3A_40, %dot_general3A_41 {dimension_numbers = #tpu.dot_dimension_numbers<[1], [0], [0], [1], [0, 0, 1, 1], [], []>, transpose_lhs_hint = false} : vector<1250x128xf32>, vector<128x128xf32>, vector<1250x128xf32> -> vector<1250x128xf32>
    %slice3A_43 = vector.extract_strided_slice %get3A_37 {offsets = [0, 128], sizes = [1250, 128], strides = [1, 1]} : vector<1250x1024xf32> to vector<1250x128xf32>
    %get3A_44 = arith.constant 128 : index
    %get3A_45 = arith.constant 0 : index
    %get3A_46 = vector.load %arg7[%get3A_44, %get3A_45] : memref<1024x128xf32, #tpu.memory_space<vmem>>, vector<128x128xf32>
    %dot_general3A_47 = arith.constant dense<0.000000e+00> : vector<1250x128xf32>
    %dot_general3A_48 = tpu.matmul %slice3A_43, %get3A_46, %dot_general3A_47 {dimension_numbers = #tpu.dot_dimension_numbers<[1], [0], [0], [1], [0, 0, 1, 1], [], []>, transpose_lhs_hint = false} : vector<1250x128xf32>, vector<128x128xf32>, vector<1250x128xf32> -> vector<1250x128xf32>
    %add3A_49 = arith.addf %dot_general3A_42, %dot_general3A_48 : vector<1250x128xf32>
    %slice3A_50 = vector.extract_strided_slice %get3A_37 {offsets = [0, 256], sizes = [1250, 128], strides = [1, 1]} : vector<1250x1024xf32> to vector<1250x128xf32>
    %get3A_51 = arith.constant 256 : index
    %get3A_52 = arith.constant 0 : index
    %get3A_53 = vector.load %arg7[%get3A_51, %get3A_52] : memref<1024x128xf32, #tpu.memory_space<vmem>>, vector<128x128xf32>
    %dot_general3A_54 = arith.constant dense<0.000000e+00> : vector<1250x128xf32>
    %dot_general3A_55 = tpu.matmul %slice3A_50, %get3A_53, %dot_general3A_54 {dimension_numbers = #tpu.dot_dimension_numbers<[1], [0], [0], [1], [0, 0, 1, 1], [], []>, transpose_lhs_hint = false} : vector<1250x128xf32>, vector<128x128xf32>, vector<1250x128xf32> -> vector<1250x128xf32>
    %add3A_56 = arith.addf %add3A_49, %dot_general3A_55 : vector<1250x128xf32>
    %slice3A_57 = vector.extract_strided_slice %get3A_37 {offsets = [0, 384], sizes = [1250, 128], strides = [1, 1]} : vector<1250x1024xf32> to vector<1250x128xf32>
    %get3A_58 = arith.constant 384 : index
    %get3A_59 = arith.constant 0 : index
    %get3A_60 = vector.load %arg7[%get3A_58, %get3A_59] : memref<1024x128xf32, #tpu.memory_space<vmem>>, vector<128x128xf32>
    %dot_general3A_61 = arith.constant dense<0.000000e+00> : vector<1250x128xf32>
    %dot_general3A_62 = tpu.matmul %slice3A_57, %get3A_60, %dot_general3A_61 {dimension_numbers = #tpu.dot_dimension_numbers<[1], [0], [0], [1], [0, 0, 1, 1], [], []>, transpose_lhs_hint = false} : vector<1250x128xf32>, vector<128x128xf32>, vector<1250x128xf32> -> vector<1250x128xf32>
    %add3A_63 = arith.addf %add3A_56, %dot_general3A_62 : vector<1250x128xf32>
    %slice3A_64 = vector.extract_strided_slice %get3A_37 {offsets = [0, 512], sizes = [1250, 128], strides = [1, 1]} : vector<1250x1024xf32> to vector<1250x128xf32>
    %get3A_65 = arith.constant 512 : index
    %get3A_66 = arith.constant 0 : index
    %get3A_67 = vector.load %arg7[%get3A_65, %get3A_66] : memref<1024x128xf32, #tpu.memory_space<vmem>>, vector<128x128xf32>
    %dot_general3A_68 = arith.constant dense<0.000000e+00> : vector<1250x128xf32>
    %dot_general3A_69 = tpu.matmul %slice3A_64, %get3A_67, %dot_general3A_68 {dimension_numbers = #tpu.dot_dimension_numbers<[1], [0], [0], [1], [0, 0, 1, 1], [], []>, transpose_lhs_hint = false} : vector<1250x128xf32>, vector<128x128xf32>, vector<1250x128xf32> -> vector<1250x128xf32>
    %add3A_70 = arith.addf %add3A_63, %dot_general3A_69 : vector<1250x128xf32>
    %slice3A_71 = vector.extract_strided_slice %get3A_37 {offsets = [0, 640], sizes = [1250, 128], strides = [1, 1]} : vector<1250x1024xf32> to vector<1250x128xf32>
    %get3A_72 = arith.constant 640 : index
    %get3A_73 = arith.constant 0 : index
    %get3A_74 = vector.load %arg7[%get3A_72, %get3A_73] : memref<1024x128xf32, #tpu.memory_space<vmem>>, vector<128x128xf32>
    %dot_general3A_75 = arith.constant dense<0.000000e+00> : vector<1250x128xf32>
    %dot_general3A_76 = tpu.matmul %slice3A_71, %get3A_74, %dot_general3A_75 {dimension_numbers = #tpu.dot_dimension_numbers<[1], [0], [0], [1], [0, 0, 1, 1], [], []>, transpose_lhs_hint = false} : vector<1250x128xf32>, vector<128x128xf32>, vector<1250x128xf32> -> vector<1250x128xf32>
    %add3A_77 = arith.addf %add3A_70, %dot_general3A_76 : vector<1250x128xf32>
    %slice3A_78 = vector.extract_strided_slice %get3A_37 {offsets = [0, 768], sizes = [1250, 128], strides = [1, 1]} : vector<1250x1024xf32> to vector<1250x128xf32>
    %get3A_79 = arith.constant 768 : index
    %get3A_80 = arith.constant 0 : index
    %get3A_81 = vector.load %arg7[%get3A_79, %get3A_80] : memref<1024x128xf32, #tpu.memory_space<vmem>>, vector<128x128xf32>
    %dot_general3A_82 = arith.constant dense<0.000000e+00> : vector<1250x128xf32>
    %dot_general3A_83 = tpu.matmul %slice3A_78, %get3A_81, %dot_general3A_82 {dimension_numbers = #tpu.dot_dimension_numbers<[1], [0], [0], [1], [0, 0, 1, 1], [], []>, transpose_lhs_hint = false} : vector<1250x128xf32>, vector<128x128xf32>, vector<1250x128xf32> -> vector<1250x128xf32>
    %add3A_84 = arith.addf %add3A_77, %dot_general3A_83 : vector<1250x128xf32>
    %slice3A_85 = vector.extract_strided_slice %get3A_37 {offsets = [0, 896], sizes = [1250, 128], strides = [1, 1]} : vector<1250x1024xf32> to vector<1250x128xf32>
    %get3A_86 = arith.constant 896 : index
    %get3A_87 = arith.constant 0 : index
    %get3A_88 = vector.load %arg7[%get3A_86, %get3A_87] : memref<1024x128xf32, #tpu.memory_space<vmem>>, vector<128x128xf32>
    %dot_general3A_89 = arith.constant dense<0.000000e+00> : vector<1250x128xf32>
    %dot_general3A_90 = tpu.matmul %slice3A_85, %get3A_88, %dot_general3A_89 {dimension_numbers = #tpu.dot_dimension_numbers<[1], [0], [0], [1], [0, 0, 1, 1], [], []>, transpose_lhs_hint = false} : vector<1250x128xf32>, vector<128x128xf32>, vector<1250x128xf32> -> vector<1250x128xf32>
    %add3A_91 = arith.addf %add3A_84, %dot_general3A_90 : vector<1250x128xf32>
    %get3A_92 = arith.constant 0 : index
    %get3A_93 = arith.constant 0 : index
    %get3A_94 = vector.load %arg8[%get3A_92, %get3A_93] : memref<128x128xf32, #tpu.memory_space<vmem>>, vector<128x128xf32>
    %dot_general3A_95 = arith.constant dense<0.000000e+00> : vector<1250x128xf32>
    %dot_general3A_96 = tpu.matmul %add3A, %get3A_94, %dot_general3A_95 {dimension_numbers = #tpu.dot_dimension_numbers<[1], [0], [0], [1], [0, 0, 1, 1], [], []>, transpose_lhs_hint = false} : vector<1250x128xf32>, vector<128x128xf32>, vector<1250x128xf32> -> vector<1250x128xf32>
    %add3A_97 = arith.addf %add3A_91, %dot_general3A_96 : vector<1250x128xf32>
    %get3A_98 = arith.constant 0 : index
    %get3A_99 = arith.constant 0 : index
    %get3A_100 = vector.load %arg9[%get3A_98, %get3A_99] : memref<128x128xf32, #tpu.memory_space<vmem>>, vector<128x128xf32>
    %dot_general3A_101 = arith.constant dense<0.000000e+00> : vector<1250x128xf32>
    %dot_general3A_102 = tpu.matmul %add3A_23, %get3A_100, %dot_general3A_101 {dimension_numbers = #tpu.dot_dimension_numbers<[1], [0], [0], [1], [0, 0, 1, 1], [], []>, transpose_lhs_hint = false} : vector<1250x128xf32>, vector<128x128xf32>, vector<1250x128xf32> -> vector<1250x128xf32>
    %add3A_103 = arith.addf %add3A_97, %dot_general3A_102 : vector<1250x128xf32>
    %add3A_104 = vector.broadcast %add3A_34 : vector<1x128xf32> to vector<1250x128xf32>
    %add3A_105 = arith.addf %add3A_103, %add3A_104 : vector<1250x128xf32>
    %max3A = arith.constant 0.000000e+00 : f32
    %max3A_106 = vector.broadcast %max3A : f32 to vector<1250x128xf32>
    %max3A_107 = arith.maximumf %add3A_105, %max3A_106 : vector<1250x128xf32>
    %get3A_108 = arith.constant 0 : index
    %get3A_109 = arith.constant 0 : index
    %get3A_110 = vector.load %arg12[%get3A_108, %get3A_109] : memref<128x128xf32, #tpu.memory_space<vmem>>, vector<128x128xf32>
    %dot_general3A_111 = arith.constant dense<0.000000e+00> : vector<1250x128xf32>
    %dot_general3A_112 = tpu.matmul %max3A_107, %get3A_110, %dot_general3A_111 {dimension_numbers = #tpu.dot_dimension_numbers<[1], [0], [0], [1], [0, 0, 1, 1], [], []>, transpose_lhs_hint = false} : vector<1250x128xf32>, vector<128x128xf32>, vector<1250x128xf32> -> vector<1250x128xf32>
    %get3A_113 = arith.constant 0 : index
    %get3A_114 = arith.constant 0 : index
    %get3A_115 = vector.load %arg13[%get3A_113, %get3A_114] : memref<1x128xf32, #tpu.memory_space<vmem>>, vector<1x128xf32>
    %add3A_116 = vector.broadcast %get3A_115 : vector<1x128xf32> to vector<1250x128xf32>
    %add3A_117 = arith.addf %dot_general3A_112, %add3A_116 : vector<1250x128xf32>
    %swap3A = arith.constant 0 : index
    %swap3A_118 = arith.constant 0 : index
    %swap3A_119 = vector.load %arg22[%swap3A, %swap3A_118] : memref<1250x128xf32, #tpu.memory_space<vmem>>, vector<1250x128xf32>
    tpu.vector_store %arg22[%swap3A, %swap3A_118], %add3A_117 {strides = array<i32>} : memref<1250x128xf32, #tpu.memory_space<vmem>>, vector<1250x128xf32>,
    %reduce_sum3A = arith.constant dense<0.000000e+00> : vector<128xf32>
    %reduce_sum3A_120 = vector.multi_reduction <add>, %add3A_117, %reduce_sum3A [0] : vector<1250x128xf32> to vector<128xf32>
    %broadcast_in_dim3A = vector.shape_cast %reduce_sum3A_120 : vector<128xf32> to vector<1x128xf32>
    %eq3A = arith.constant 0 : i32
    %eq3A_121 = arith.cmpi eq, %arg0, %eq3A : i32
    %convert_element_type3A = arith.extui %eq3A_121 : i1 to i32
    %cond3A = arith.constant 0 : i32
    %cond3A_122 = arith.cmpi ne, %convert_element_type3A, %cond3A : i32
    scf.if %cond3A_122 {
      %swap3A_132 = arith.constant 0 : index
      %swap3A_133 = arith.constant 0 : index
      %swap3A_134 = vector.load %arg24[%swap3A_132, %swap3A_133] : memref<1x128xf32, #tpu.memory_space<vmem>>, vector<1x128xf32>
      tpu.vector_store %arg24[%swap3A_132, %swap3A_133], %broadcast_in_dim3A {strides = array<i32>} : memref<1x128xf32, #tpu.memory_space<vmem>>, vector<1x128xf32>,
    } else {
    }
    %gt3A = arith.constant 0 : i32
    %gt3A_123 = arith.cmpi sgt, %arg0, %gt3A : i32
    %convert_element_type3A_124 = arith.extui %gt3A_123 : i1 to i32
    %cond3A_125 = arith.constant 0 : i32
    %cond3A_126 = arith.cmpi ne, %convert_element_type3A_124, %cond3A_125 : i32
    scf.if %cond3A_126 {
      %get3A_132 = arith.constant 0 : index
      %get3A_133 = arith.constant 0 : index
      %get3A_134 = vector.load %arg24[%get3A_132, %get3A_133] : memref<1x128xf32, #tpu.memory_space<vmem>>, vector<1x128xf32>
      %add3A_135 = arith.addf %get3A_134, %broadcast_in_dim3A : vector<1x128xf32>
      %swap3A_136 = arith.constant 0 : index
      %swap3A_137 = arith.constant 0 : index
      %swap3A_138 = vector.load %arg24[%swap3A_136, %swap3A_137] : memref<1x128xf32, #tpu.memory_space<vmem>>, vector<1x128xf32>
      tpu.vector_store %arg24[%swap3A_136, %swap3A_137], %add3A_135 {strides = array<i32>} : memref<1x128xf32, #tpu.memory_space<vmem>>, vector<1x128xf32>,
    } else {
    }
    %eq3A_127 = arith.constant 0 : i32
    %eq3A_128 = arith.cmpi eq, %arg0, %eq3A_127 : i32
    %convert_element_type3A_129 = arith.extui %eq3A_128 : i1 to i32
    %cond3A_130 = arith.constant 0 : i32
    %cond3A_131 = arith.cmpi ne, %convert_element_type3A_129, %cond3A_130 : i32
    scf.if %cond3A_131 {
      %get3A_132 = arith.constant 0 : index
      %get3A_133 = arith.constant 0 : index
      %get3A_134 = vector.load %arg24[%get3A_132, %get3A_133] : memref<1x128xf32, #tpu.memory_space<vmem>>, vector<1x128xf32>
      %get3A_135 = arith.constant 0 : index
      %get3A_136 = arith.constant 0 : index
      %get3A_137 = vector.load %arg15[%get3A_135, %get3A_136] : memref<128x16xf32, #tpu.memory_space<vmem>>, vector<128x16xf32>
      %dot_general3A_138 = arith.constant dense<0.000000e+00> : vector<1x16xf32>
      %dot_general3A_139 = tpu.matmul %get3A_134, %get3A_137, %dot_general3A_138 {dimension_numbers = #tpu.dot_dimension_numbers<[1], [0], [0], [1], [0, 0, 1, 1], [], []>, precision = #tpu.contract_precision<fp32>, transpose_lhs_hint = false} : vector<1x128xf32>, vector<128x16xf32>, vector<1x16xf32> -> vector<1x16xf32>
      %get3A_140 = arith.constant 0 : index
      %get3A_141 = arith.constant 0 : index
      %get3A_142 = arith.constant 0 : index
      %get3A_143 = vector.load %arg6[%get3A_140, %get3A_141, %get3A_142] : memref<10x1x128xf32, #tpu.memory_space<vmem>>, vector<10x1x128xf32>
      %reduce_sum3A_144 = arith.constant dense<0.000000e+00> : vector<128xf32>
      %reduce_sum3A_145 = vector.multi_reduction <add>, %get3A_143, %reduce_sum3A_144 [0, 1] : vector<10x1x128xf32> to vector<128xf32>
      %reshape3A = vector.shape_cast %reduce_sum3A_145 : vector<128xf32> to vector<1x128xf32>
      %get3A_146 = arith.constant 0 : index
      %get3A_147 = arith.constant 0 : index
      %get3A_148 = vector.load %arg15[%get3A_146, %get3A_147] : memref<128x16xf32, #tpu.memory_space<vmem>>, vector<128x16xf32>
      %dot_general3A_149 = arith.constant dense<0.000000e+00> : vector<1x16xf32>
      %dot_general3A_150 = tpu.matmul %reshape3A, %get3A_148, %dot_general3A_149 {dimension_numbers = #tpu.dot_dimension_numbers<[1], [0], [0], [1], [0, 0, 1, 1], [], []>, precision = #tpu.contract_precision<fp32>, transpose_lhs_hint = false} : vector<1x128xf32>, vector<128x16xf32>, vector<1x16xf32> -> vector<1x16xf32>
      %mul3A = arith.constant 9.99999974E-5 : f32
      %mul3A_151 = vector.broadcast %mul3A : f32 to vector<1x16xf32>
      %mul3A_152 = arith.mulf %dot_general3A_139, %mul3A_151 : vector<1x16xf32>
      %get3A_153 = arith.constant 0 : index
      %get3A_154 = arith.constant 0 : index
      %get3A_155 = vector.load %arg16[%get3A_153, %get3A_154] : memref<16x16xf32, #tpu.memory_space<vmem>>, vector<16x16xf32>
      %dot_general3A_156 = arith.constant dense<0.000000e+00> : vector<1x16xf32>
      %dot_general3A_157 = tpu.matmul %mul3A_152, %get3A_155, %dot_general3A_156 {dimension_numbers = #tpu.dot_dimension_numbers<[1], [0], [0], [1], [0, 0, 1, 1], [], []>, transpose_lhs_hint = false} : vector<1x16xf32>, vector<16x16xf32>, vector<1x16xf32> -> vector<1x16xf32>
      %mul3A_158 = arith.constant 3.125000e-06 : f32
      %mul3A_159 = vector.broadcast %mul3A_158 : f32 to vector<1x16xf32>
      %mul3A_160 = arith.mulf %dot_general3A_150, %mul3A_159 : vector<1x16xf32>
      %get3A_161 = arith.constant 0 : index
      %get3A_162 = arith.constant 0 : index
      %get3A_163 = vector.load %arg17[%get3A_161, %get3A_162] : memref<16x16xf32, #tpu.memory_space<vmem>>, vector<16x16xf32>
      %dot_general3A_164 = arith.constant dense<0.000000e+00> : vector<1x16xf32>
      %dot_general3A_165 = tpu.matmul %mul3A_160, %get3A_163, %dot_general3A_164 {dimension_numbers = #tpu.dot_dimension_numbers<[1], [0], [0], [1], [0, 0, 1, 1], [], []>, transpose_lhs_hint = false} : vector<1x16xf32>, vector<16x16xf32>, vector<1x16xf32> -> vector<1x16xf32>
      %add3A_166 = arith.addf %dot_general3A_157, %dot_general3A_165 : vector<1x16xf32>
      %get3A_167 = arith.constant 0 : index
      %get3A_168 = arith.constant 0 : index
      %get3A_169 = vector.load %arg14[%get3A_167, %get3A_168] : memref<1x16xf32, #tpu.memory_space<vmem>>, vector<1x16xf32>
      %get3A_170 = arith.constant 0 : index
      %get3A_171 = arith.constant 0 : index
      %get3A_172 = vector.load %arg18[%get3A_170, %get3A_171] : memref<16x16xf32, #tpu.memory_space<vmem>>, vector<16x16xf32>
      %dot_general3A_173 = arith.constant dense<0.000000e+00> : vector<1x16xf32>
      %dot_general3A_174 = tpu.matmul %get3A_169, %get3A_172, %dot_general3A_173 {dimension_numbers = #tpu.dot_dimension_numbers<[1], [0], [0], [1], [0, 0, 1, 1], [], []>, transpose_lhs_hint = false} : vector<1x16xf32>, vector<16x16xf32>, vector<1x16xf32> -> vector<1x16xf32>
      %add3A_175 = arith.addf %add3A_166, %dot_general3A_174 : vector<1x16xf32>
      %get3A_176 = arith.constant 0 : index
      %get3A_177 = arith.constant 0 : index
      %get3A_178 = vector.load %arg19[%get3A_176, %get3A_177] : memref<1x16xf32, #tpu.memory_space<vmem>>, vector<1x16xf32>
      %add3A_179 = arith.addf %add3A_175, %get3A_178 : vector<1x16xf32>
      %max3A_180 = arith.constant 0.000000e+00 : f32
      %max3A_181 = vector.broadcast %max3A_180 : f32 to vector<1x16xf32>
      %max3A_182 = arith.maximumf %add3A_179, %max3A_181 : vector<1x16xf32>
      %get3A_183 = arith.constant 0 : index
      %get3A_184 = arith.constant 0 : index
      %get3A_185 = vector.load %arg20[%get3A_183, %get3A_184] : memref<16x16xf32, #tpu.memory_space<vmem>>, vector<16x16xf32>
      %dot_general3A_186 = arith.constant dense<0.000000e+00> : vector<1x16xf32>
      %dot_general3A_187 = tpu.matmul %max3A_182, %get3A_185, %dot_general3A_186 {dimension_numbers = #tpu.dot_dimension_numbers<[1], [0], [0], [1], [0, 0, 1, 1], [], []>, transpose_lhs_hint = false} : vector<1x16xf32>, vector<16x16xf32>, vector<1x16xf32> -> vector<1x16xf32>
      %get3A_188 = arith.constant 0 : index
      %get3A_189 = arith.constant 0 : index
      %get3A_190 = vector.load %arg21[%get3A_188, %get3A_189] : memref<1x16xf32, #tpu.memory_space<vmem>>, vector<1x16xf32>
      %add3A_191 = arith.addf %dot_general3A_187, %get3A_190 : vector<1x16xf32>
      %swap3A_192 = arith.constant 0 : index
      %swap3A_193 = arith.constant 0 : index
      %swap3A_194 = vector.load %arg23[%swap3A_192, %swap3A_193] : memref<1x16xf32, #tpu.memory_space<vmem>>, vector<1x16xf32>
      tpu.vector_store %arg23[%swap3A_192, %swap3A_193], %add3A_191 {strides = array<i32>} : memref<1x16xf32, #tpu.memory_space<vmem>>, vector<1x16xf32>,
    } else {
    }
    return
  }
  func.func @transform_0(%arg0: i32) -> (i32, i32) {
    %c0_i32 = arith.constant 0 : i32
    %c0_i32_0 = arith.constant 0 : i32
    return %arg0, %c0_i32 : i32, i32
  }
  func.func @transform_1(%arg0: i32) -> (i32, i32, i32, i32) {
    %c0_i32 = arith.constant 0 : i32
    %c0_i32_0 = arith.constant 0 : i32
    %c0_i32_1 = arith.constant 0 : i32
    %c0_i32_2 = arith.constant 0 : i32
    return %c0_i32, %c0_i32_0, %arg0, %c0_i32_1 : i32, i32, i32, i32
  }
  func.func @transform_2(%arg0: i32) -> (i32, i32, i32, i32) {
    %c0_i32 = arith.constant 0 : i32
    %c1_i32 = arith.constant 1 : i32
    %c0_i32_0 = arith.constant 0 : i32
    %c0_i32_1 = arith.constant 0 : i32
    return %c0_i32, %c1_i32, %arg0, %c0_i32_0 : i32, i32, i32, i32
  }
  func.func @transform_3(%arg0: i32) -> (i32, i32, i32, i32) {
    %c1_i32 = arith.constant 1 : i32
    %c0_i32 = arith.constant 0 : i32
    %c0_i32_0 = arith.constant 0 : i32
    %c0_i32_1 = arith.constant 0 : i32
    return %c1_i32, %c0_i32, %arg0, %c0_i32_0 : i32, i32, i32, i32
  }
  func.func @transform_4(%arg0: i32) -> (i32, i32, i32, i32) {
    %c1_i32 = arith.constant 1 : i32
    %c1_i32_0 = arith.constant 1 : i32
    %c0_i32 = arith.constant 0 : i32
    %c0_i32_1 = arith.constant 0 : i32
    return %c1_i32, %c1_i32_0, %arg0, %c0_i32 : i32, i32, i32, i32
  }
  func.func @transform_5(%arg0: i32) -> (i32, i32, i32) {
    %c0_i32 = arith.constant 0 : i32
    %c0_i32_0 = arith.constant 0 : i32
    %c0_i32_1 = arith.constant 0 : i32
    %c0_i32_2 = arith.constant 0 : i32
    return %c0_i32, %c0_i32_0, %c0_i32_1 : i32, i32, i32
  }
  func.func @transform_6(%arg0: i32) -> (i32, i32) {
    %c0_i32 = arith.constant 0 : i32
    %c0_i32_0 = arith.constant 0 : i32
    %c0_i32_1 = arith.constant 0 : i32
    return %c0_i32, %c0_i32_0 : i32, i32
  }
  func.func @transform_7(%arg0: i32) -> (i32, i32) {
    %c0_i32 = arith.constant 0 : i32
    %c0_i32_0 = arith.constant 0 : i32
    %c0_i32_1 = arith.constant 0 : i32
    return %c0_i32, %c0_i32_0 : i32, i32
  }
  func.func @transform_8(%arg0: i32) -> (i32, i32) {
    %c0_i32 = arith.constant 0 : i32
    %c0_i32_0 = arith.constant 0 : i32
    %c0_i32_1 = arith.constant 0 : i32
    return %c0_i32, %c0_i32_0 : i32, i32
  }
  func.func @transform_9(%arg0: i32) -> (i32, i32) {
    %c0_i32 = arith.constant 0 : i32
    %c0_i32_0 = arith.constant 0 : i32
    %c0_i32_1 = arith.constant 0 : i32
    return %c0_i32, %c0_i32_0 : i32, i32
  }
  func.func @transform_10(%arg0: i32) -> (i32, i32) {
    %c0_i32 = arith.constant 0 : i32
    %c0_i32_0 = arith.constant 0 : i32
    %c0_i32_1 = arith.constant 0 : i32
    return %c0_i32, %c0_i32_0 : i32, i32
  }
  func.func @transform_11(%arg0: i32) -> (i32, i32) {
    %c0_i32 = arith.constant 0 : i32
    %c0_i32_0 = arith.constant 0 : i32
    %c0_i32_1 = arith.constant 0 : i32
    return %c0_i32, %c0_i32_0 : i32, i32
  }
  func.func @transform_12(%arg0: i32) -> (i32, i32) {
    %c0_i32 = arith.constant 0 : i32
    %c0_i32_0 = arith.constant 0 : i32
    %c0_i32_1 = arith.constant 0 : i32
    return %c0_i32, %c0_i32_0 : i32, i32
  }
  func.func @transform_13(%arg0: i32) -> (i32, i32) {
    %c0_i32 = arith.constant 0 : i32
    %c0_i32_0 = arith.constant 0 : i32
    %c0_i32_1 = arith.constant 0 : i32
    return %c0_i32, %c0_i32_0 : i32, i32
  }
  func.func @transform_14(%arg0: i32) -> (i32, i32) {
    %c0_i32 = arith.constant 0 : i32
    %c0_i32_0 = arith.constant 0 : i32
    %c0_i32_1 = arith.constant 0 : i32
    return %c0_i32, %c0_i32_0 : i32, i32
  }
  func.func @transform_15(%arg0: i32) -> (i32, i32) {
    %c0_i32 = arith.constant 0 : i32
    %c0_i32_0 = arith.constant 0 : i32
    %c0_i32_1 = arith.constant 0 : i32
    return %c0_i32, %c0_i32_0 : i32, i32
  }
  func.func @transform_16(%arg0: i32) -> (i32, i32) {
    %c0_i32 = arith.constant 0 : i32
    %c0_i32_0 = arith.constant 0 : i32
    %c0_i32_1 = arith.constant 0 : i32
    return %c0_i32, %c0_i32_0 : i32, i32
  }
  func.func @transform_17(%arg0: i32) -> (i32, i32) {
    %c0_i32 = arith.constant 0 : i32
    %c0_i32_0 = arith.constant 0 : i32
    %c0_i32_1 = arith.constant 0 : i32
    return %c0_i32, %c0_i32_0 : i32, i32
  }
  func.func @transform_18(%arg0: i32) -> (i32, i32) {
    %c0_i32 = arith.constant 0 : i32
    %c0_i32_0 = arith.constant 0 : i32
    %c0_i32_1 = arith.constant 0 : i32
    return %c0_i32, %c0_i32_0 : i32, i32
  }
  func.func @transform_19(%arg0: i32) -> (i32, i32) {
    %c0_i32 = arith.constant 0 : i32
    %c0_i32_0 = arith.constant 0 : i32
    %c0_i32_1 = arith.constant 0 : i32
    return %c0_i32, %c0_i32_0 : i32, i32
  }
  func.func @transform_20(%arg0: i32) -> (i32, i32) {
    %c0_i32 = arith.constant 0 : i32
    %c0_i32_0 = arith.constant 0 : i32
    %c0_i32_1 = arith.constant 0 : i32
    return %c0_i32, %c0_i32_0 : i32, i32
  }
  func.func @transform_21(%arg0: i32) -> (i32, i32) {
    %c0_i32 = arith.constant 0 : i32
    %c0_i32_0 = arith.constant 0 : i32
    return %arg0, %c0_i32 : i32, i32
  }
  func.func @transform_22(%arg0: i32) -> (i32, i32) {
    %c0_i32 = arith.constant 0 : i32
    %c0_i32_0 = arith.constant 0 : i32
    %c0_i32_1 = arith.constant 0 : i32
    return %c0_i32, %c0_i32_0 : i32, i32
  }
}

</mosaic_0001>

<sc_bundles>
// kernel: kernel.10.cloned.1.call-start
scs
__scs_entry_jumppad:
0x0: {  	(pc) =	sbr.rel $0x88, $3  }
0x1: {  	(tag) =	ssettag $0x0;
	lr =	simm.s32 $0x1  }
0x2: {  	[smem:$0x3F90] =	sst lr;
	_ =	strace $0xD0000000  }
0x3: {  	_ = 	snop  }
0x4: {  	_ = 	snop  }
0x5: {  	_ = 	snop  }
0x6: {  	_ = 	snop  }
0x7: {  	_ = 	snop  }
__scs_overlays_trampoline_lowered:
0x8: {  	[smem:$0x3F9F] =	sst s0  }
0x9: {  	[smem:$0x3FA0] =	sst s1  }
0xa: {  	[smem:$0x3FA1] =	sst s2  }
0xb: {  	[smem:$0x3FA2] =	sst s3  }
0xc: {  	[smem:$0x3FA3] =	sst s4  }
0xd: {  	[smem:$0x3FA4] =	sst s5  }
0xe: {  	[smem:$0x3FA5] =	sst s6  }
0xf: {  	[smem:$0x3FA6] =	sst s7  }
0x10: {  	[smem:$0x3FA7] =	sst s8  }
0x11: {  	[smem:$0x3FA8] =	sst s9;
	s0 =	simm.s32 @!p0 $0x0  }
0x12: {  	s1 =	sld [smem:$0x3F8E];
	s0 =	simm.s32 @p0 $0x1  }
0x13: {  	[smem:$0x3FA9] =	sst s0;
	s0 =	simm.s32 @!p1 $0x0  }
0x14: {  	s2 =	sld [smem:$0x3F8D];
	s0 =	simm.s32 @p1 $0x1  }
0x15: {  	[smem:$0x3FAA] =	sst s0;
	s0 =	simm.s32 @!p2 $0x0  }
0x16: {  	s3 =	sld [smem:$0x3FDB];
	s0 =	simm.s32 @p2 $0x1  }
0x17: {  	s4 =	simm.s32 $0x1BF5;
	[smem:$0x3FAC] =	sst s0  }
0x18: {  	s0 =	sld [smem:$0x3F8F];
	_ =	swait.ge [sflag:s4], $0x0  }
0x19: {  	s7 =	sld [smem:$0x3F90]  }
0x1a: {  	s8 =	sadd.s32 $0xFFFFE003, lr  }
0x1b: {  	s9 =	sadd.s32 $0xFFFFFEF7, lr;
	s5 =	simm.s32 $0xFFFFFFFF;
	p2 =	slt.u32 s8, $0xFFFFF086  }
0x1c: {  	p1 =	slt.u32 s9, $0xF7A;
	s5 =	simm.s32 @!p2 $0x0  }
0x1d: {  	s5 =	simm.s32 @p1 $0x1;
	p0 =	seq.s32 s7, s2  }
0x1e: {  	s7 =	smul.u32 @!p0 $0xF7A, s2;
	p2 =	seq.s32 @!p0 s5, $0x0  }
0x1f: {  	s9 =	smul.u32 $0xF7A, s1;
	s8 =	simm.s32 @!p0 $0x1BF5;
	p2 =	por !p2, p0  }
0x20: {  	[sflag:s8] =	ssyncset.s32 @!p0 $0xFFFFF086;
	s6 =	sadd.s32 @!p0 s3, s7;
	s7 =	simm.s32 @!p0 $0x108  }
0x21: {  	s3 =	sadd.s32 s3, s9;
	s6 =	sadd.s32 @!p0 $0x88, s6;
	s7 =	simm.s32 @p2 $0x1082  }
0x22: {  	[simem:s7], [sflag:s8] =	dma.local @!p0 [hbm:s6], $0xF7A  }
0x23: {  	s9 =	sor.u32 $0xD0000000, s2;
	s6 =	simm.s32 $0x108;
	_ =	swait.ge @!p0 [sflag:s8], $0x0  }
0x24: {  	s3 =	sadd.s32 $0x88, s3;
	s6 =	simm.s32 @!p1 $0x1082;
	[sflag:s4] =	ssyncset.s32 $0xFFFFF086  }
0x25: {  	[simem:s6], [sflag:s4] =	dma.local [hbm:s3], $0xF7A  }
0x26: {  	[smem:$0x3F90] =	sst s1;
	(tag) =	ssettag s2;
	_ =	strace s9  }
0x27: {  	s1 =	sld [smem:$0x3FA0]  }
0x28: {  	s2 =	sld [smem:$0x3FA1]  }
0x29: {  	s4 =	sld [smem:$0x3FA3]  }
0x2a: {  	p0 =	seq.s32 s5, $0x0;
	s5 =	sld [smem:$0x3FA4]  }
0x2b: {  	s6 =	sld [smem:$0x3FA5]  }
0x2c: {  	s7 =	sld [smem:$0x3FA6]  }
0x2d: {  	s3 =	simm.s32 $0x108;
	s8 =	sld [smem:$0x3FA7]  }
0x2e: {  	s3 =	simm.s32 @!p0 $0x1082;
	s9 =	sld [smem:$0x3FA8]  }
0x2f: {  	lr =	sadd.s32 s0, s3;
	s0 =	sld [smem:$0x3F9F]  }
0x30: {  	s3 =	sld [smem:$0x3FA2]  }
0x31: {  	[smem:$0x3FAB] =	sst s10  }
0x32: {  	s10 =	sld [smem:$0x3FA9];
	_ =	sdelay $0x3  }
0x33: {  	p0 =	seq.s32 s10, $0x1;
	s10 =	sld [smem:$0x3FAB];
	_ =	sdelay $0x3  }
0x34: {  	[smem:$0x3FAB] =	sst s10  }
0x35: {  	s10 =	sld [smem:$0x3FAA];
	_ =	sdelay $0x3  }
0x36: {  	p1 =	seq.s32 s10, $0x1;
	s10 =	sld [smem:$0x3FAB];
	_ =	sdelay $0x3  }
0x37: {  	[smem:$0x3FAB] =	sst s10  }
0x38: {  	s10 =	sld [smem:$0x3FAC]  }
0x39: {  	_ = 	snop;
	(pc) =	sbr.ind lr, $3  }
0x3a: {  	_ = 	snop  }
0x3b: {  	_ = 	snop  }
0x3c: {  	p2 =	seq.s32 s10, $0x1;
	s10 =	sld [smem:$0x3FAB]  }
0x3d: {  	_ =	shalt  }
0x3e: {  	_ =	shalt  }
0x3f: {  	_ =	shalt  }
0x40: {  	_ =	shalt  }
0x41: {  	_ =	shalt  }
0x42: {  	_ =	shalt  }
0x43: {  	_ =	shalt  }
0x44: {  	_ =	shalt  }
0x45: {  	_ =	shalt  }
0x46: {  	_ =	shalt  }
0x47: {  	_ =	shalt  }
0x48: {  	_ =	shalt  }
0x49: {  	_ =	shalt  }
0x4a: {  	_ =	shalt  }
0x4b: {  	_ =	shalt  }
0x4c: {  	_ =	shalt  }
0x4d: {  	_ =	shalt  }
0x4e: {  	_ =	shalt  }
0x4f: {  	_ =	shalt  }
0x50: {  	_ =	shalt  }
0x51: {  	_ =	shalt  }
0x52: {  	_ =	shalt  }
0x53: {  	_ =	shalt  }
0x54: {  	_ =	shalt  }
0x55: {  	_ =	shalt  }
0x56: {  	_ =	shalt  }
0x57: {  	_ =	shalt  }
0x58: {  	_ =	shalt  }
0x59: {  	_ =	shalt  }
0x5a: {  	_ =	shalt  }
0x5b: {  	_ =	shalt  }
0x5c: {  	_ =	shalt  }
0x5d: {  	_ =	shalt  }
0x5e: {  	_ =	shalt  }
0x5f: {  	_ =	shalt  }
0x60: {  	_ =	shalt  }
0x61: {  	_ =	shalt  }
0x62: {  	_ =	shalt  }
0x63: {  	_ =	shalt  }
0x64: {  	_ =	shalt  }
0x65: {  	_ =	shalt  }
0x66: {  	_ =	shalt  }
0x67: {  	_ =	shalt  }
0x68: {  	_ =	shalt  }
0x69: {  	_ =	shalt  }
0x6a: {  	_ =	shalt  }
0x6b: {  	_ =	shalt  }
0x6c: {  	_ =	shalt  }
0x6d: {  	_ =	shalt  }
0x6e: {  	_ =	shalt  }
0x6f: {  	_ =	shalt  }
0x70: {  	_ =	shalt  }
0x71: {  	_ =	shalt  }
0x72: {  	_ =	shalt  }
0x73: {  	_ =	shalt  }
0x74: {  	_ =	shalt  }
0x75: {  	_ =	shalt  }
0x76: {  	_ =	shalt  }
0x77: {  	_ =	shalt  }
0x78: {  	_ =	shalt  }
0x79: {  	_ =	shalt  }
0x7a: {  	_ =	shalt  }
0x7b: {  	_ =	shalt  }
0x7c: {  	_ =	shalt  }
0x7d: {  	_ =	shalt  }
0x7e: {  	_ =	shalt  }
0x7f: {  	_ =	shalt  }
0x80: {  	_ =	shalt  }
0x81: {  	_ =	shalt  }
0x82: {  	_ =	shalt  }
0x83: {  	_ =	shalt  }
0x84: {  	_ =	shalt  }
0x85: {  	_ =	shalt  }
0x86: {  	_ =	shalt  }
0x87: {  	_ =	shalt  }
.Lfunc_end0:
.L_simem_size_0:
called_computation.1_lowered:
.L_overlay_start_0:
0x88: {  	s2 =	sld [smem:$0x3FD9]  }
0x89: {  	s3 =	sld [smem:$0x3FFE];
	_ =	sdelay $0x1  }
0x8a: {  	s1 =	srdreg.scid  }
0x8b: {  	s0 =	sand.u32 $0x1, s1  }
0x8c: {  	s17 =	sshll.u32 s0, $0xA;
	s2 =	sadd.s32 s3, s2  }
0x8d: {  	s2 =	sadd.s32 s2, s17  }
0x8e: {  	[smem:$0x3FB7] =	sst s2  }
0x8f: {  	_ = 	snop  }
0x90: {  	s2 =	sld [smem:$0x3FC7]  }
0x91: {  	s18 =	sld [smem:$0x3FC6];
	(tm) =	ssettm $0x1  }
0x92: {  	s4 =	sld [smem:$0x3FFB];
	_ =	sdelay $0x3  }
0x93: {  	_ =	strace s4  }
0x94: {  	s4 =	sld [smem:$0x3FFC];
	_ =	sdelay $0x3  }
0x95: {  	_ =	strace s4  }
0x96: {  	s4 =	sld [smem:$0x3FFD];
	_ =	sdelay $0x3  }
0x97: {  	_ =	strace s4  }
0x98: {  	_ =	strace $0x8FFFFFFF  }
0x99: {  	s19 =	sld [smem:$0x3FDB];
	_ =	sdelay $0x1  }
0x9a: {  	s5 =	simm.s32 $_scs_section_size  }
0x9b: {  	s6 =	simm.s32 $_size__tile_overlayer_lowered;
	s7 =	simm.s32 $_tile_overlayer_lowered  }
0x9c: {  	s22 =	simm.s32 $0x1BFF;
	s21 =	sshll.u32 s7, $0x1;
	s4 =	sadd.s32 s5, s19  }
0x9d: {  	s8 =	simm.s32 $0x0;
	s20 =	sshll.u32 s6, $0x1;
	s6 =	sadd.s32 s21, s4  }
0x9e: {  	[timem:s8], [sflag:s22] =	dma.local [hbm:s6], s20  }
0x9f: {  	_ =	swait.ge [sflag:s22], s20  }
0xa0: {  	s5 =	ssub.s32 $0x0, s20;
	[sflag:s22] =	ssyncset.done $0x0  }
0xa1: {  	[sflag:s22] =	ssyncadd.s32 s5;
	_ =	sdelay $0x1  }
0xa2: {  	s23 =	simm.s32 $0x1B8B  }
0xa3: {  	_ =	swait.ge [sflag:s23], $0x1  }
0xa4: {  	[sflag:s23] =	ssyncset.done $0x0  }
0xa5: {  	s25 =	simm.s32 $0x1B8E;
	s24 =	sld [smem:$0x3FFE];
	[sflag:s23] =	ssyncadd.s32 $0xFFFFFFFF  }
0xa6: {  	s26 =	simm.s32 $execute0_lowered;
	[smem:$0x3FD2] =	sst s25  }
0xa7: {  	s6 =	sshll.u32 s26, $0x1;
	_ =	strace $0x80000049;
	[dreg:$0x1] =	wrdreg $0xFFFFFFFF  }
0xa8: {  	s28 =	simm.s32 $_size_execute0_lowered;
	s4 =	sadd.s32 s4, s6;
	[dreg:$0x0] =	wrdreg $0x0  }
0xa9: {  	s6 =	sshll.u32 s28, $0x1;
	[dreg:$0x2] =	wrdreg s4  }
0xaa: {  	[dreg:$0x3] =	wrdreg s6  }
0xab: {  	[dreg:$0x4] =	wrdreg $0xC0  }
0xac: {  	_ =	task [dreg:s8], $0x5FFFF  }
0xad: {  	[dreg:$0x1] =	wrdreg $0xFFFFFFFF  }
0xae: {  	[dreg:$0x0] =	wrdreg $0x60  }
0xaf: {  	[dreg:$0x2] =	wrdreg s24  }
0xb0: {  	[dreg:$0x3] =	wrdreg s2  }
0xb1: {  	[dreg:$0x4] =	wrdreg s18  }
0xb2: {  	[dreg:$0x5] =	wrdreg $0xF2300  }
0xb3: {  	[dreg:$0x6] =	wrdreg $0x119400  }
0xb4: {  	[dreg:$0x7] =	wrdreg $0x9  }
0xb5: {  	_ =	task.clear_ibuf [dreg:s8], $0x8FFFF;
	_ =	strace $0x90000049  }
0xb6: {  	s29 =	simm.s32 $0x9;
	_ =	strace $0x8000004B  }
0xb7: {  	_ =	swait.ge [sflag:s29], $0x1  }
0xb8: {  	[sflag:s29] =	ssyncadd.s32 $0xFFFFFFFF  }
0xb9: {  	_ =	strace $0x9000004B  }
0xba: {  	_ =	sfence  }
0xbb: {  	s30 =	sld [smem:$0x0];
	_ =	sdelay $0x2  }
0xbc: {  	s31 =	sshll.u32 s1, $0xD;
	s1 =	sshrl.u32 s1, $0x2  }
0xbd: {  	s3 =	sand.u32 $0x4000, s31;
	s1 =	sadd.s32 s1, s30  }
0xbe: {  	s0 =	sor.u32 s3, s0;
	s1 =	sshll.u32 s1, $0x11  }
0xbf: {  	s0 =	sor.u32 s1, s0  }
0xc0: {  	s0 =	sadd.s32 $0x8F2B, s0  }
0xc1: {  	[sflag:s0] =	ssyncadd.remote.s32 $0x1  }
0xc2: {  	_ =	sfence.sel $0xFFFF  }
0xc3: {  	[dreg:$0x0] =	wrdreg $0xFFFFFFFF;
	(pc) =	sbr.abs _section_cstart, $3  }
0xc4: {  	[dreg:$0x1] =	wrdreg $0xFFFFFFFF  }
0xc5: {  	_ =	task.clear_ibuf [dreg:s8], $0x2FFFF;
	_ =	strace $0x9FFFFFFF  }
0xc6: {  	(tm) =	ssettm $0x7FFFFFFF  }
0xc7: {  	_ =	shalt  }
tec
execute0_lowered:
.L_overlay_start_1:
0x0: {  	(tag) =	ssettag $0x1  }
0x1: {  	s0 =	rddreg [dreg:$0x0]  }
0x2: {  	s2 =	rddreg [dreg:$0x1]  }
0x3: {  	s4 =	rddreg [dreg:$0x2]  }
0x4: {  	s1 =	rddreg [dreg:$0x3];
	s5 =	srdreg.scid  }
0x5: {  	s3 =	rddreg [dreg:$0x4];
	s10 =	stileid.u32;
	s18 =	simm.s32 $0x0  }
0x6: {  	s14 =	simm.s32 $0x1;
	s16 =	simm.s32 $0x4E20;
	s17 =	simm.s32 $0x50  }
0x7: {  	s28 =	simm.s32 $0x7620;
	s29 =	simm.s32 $0x7B20;
	s30 =	simm.s32 $0x8020  }
0x8: {  	s31 =	simm.s32 $0x8520;
	s15 =	simm.s32 $0x8F20;
	s7 =	smul.u32 $0x2710, s10  }
0x9: {  	s13 =	simm.s32 $0x9920;
	s5 =	sand.u32 $0x1, s5;
	s21 =	smul.u32 $0x4E20, s10  }
0xa: {  	s11 =	simm.s32 $0xB220;
	[smem:$0x7FF] =	sst s18;
	s6 =	smul.u32 $0x4E200, s5  }
0xb: {  	s8 =	sshll.u32 s5, $0x4;
	_ =	strace $0x8000004A;
	s5 =	ssub.s32 $0x2, s5  }
0xc: {  	s8 =	sor.u32 s10, s8;
	s20 =	sshrl.u32 s5, $0x1;
	s10 =	sadd.s32 s7, s1  }
0xd: {  	s9 =	sadd.s32 s7, s6;
	s8 =	smul.u32 $0x2710, s8;
	s6 =	sadd.s32 s6, s0  }
0xe: {  	s5 =	ssub.s32 s5, s20;
	s7 =	sadd.s32 s7, s3;
	[dreg:$0x6] =	wrdreg s10  }
0xf: {  	s20 =	simm.s32 $0xC120;
	s9 =	sshrl.u32 s9, $0x3;
	[dreg:$0x7] =	wrdreg s7  }
0x10: {  	s24 =	sadd.s32 s21, s6;
	s25 =	smax.u32 s5, $0x1;
	s7 =	simm.s32 $0x9E20  }
0x11: {  	s5 =	simm.s32 $0xB720;
	s6 =	simm.s32 $0xBC20;
	s21 =	simm.s32 $0xC620  }
0x12: {  	s8 =	sshrl.u32 s8, $0x3;
	[dreg:$0xc] =	wrdreg s25;
	s26 =	sadd.s32 $0x2C000, s24  }
0x13: {  	s0 =	sadd.s32 s9, s0;
	s2 =	sadd.s32 s2, s8;
	[dreg:$0xd] =	wrdreg s26  }
0x14: {  	s24 =	simm.s32 $0x6720;
	s22 =	sadd.s32 s4, s8;
	[dreg:$0x8] =	wrdreg s2  }
0x15: {  	s25 =	simm.s32 $0x6C20;
	s23 =	sadd.s32 $0xC8400, s0;
	[dreg:$0x9] =	wrdreg s22  }
0x16: {  	s9 =	simm.s32 $0xA820;
	s0 =	sadd.s32 $0xCD220, s0;
	[dreg:$0xa] =	wrdreg s23  }
0x17: {  	s26 =	simm.s32 $0x7120;
	s8 =	simm.s32 $0xA320;
	[dreg:$0xb] =	wrdreg s0  }
0x18: {  	v0 =	vimm.f32 $0.0e+00;
	s0 =	simm.s32 $0x0;
	s23 =	simm.s32 $0x6220;
	s2 =	simm.s32 $0x9420  }
.LBB2_1:
0x19: {  	[dreg:$0xe] =	wrdreg s0;
	s4 =	simm.s32 $0x40;
	s12 =	simm.s32 $0x0  }
.LBB2_2:
0x1a: {  	p0 =	sne.s32 s4, $0x9C00;
	[tilespmem:s12+$0xCB20] =	vst v0;
	s12 =	smov.u32 s4;
	s4 =	sadd.s32 $0x40, s4  }
.Ltmp0:
0x1b: {  	(pc) =	sbr.rel @p0 .LBB2_2-.Ltmp0, $2  }
0x1c: {  	_ =	sdelay $0x2  }
0x1d: {  	s12 =	sshra.s32 s12, $0x2  }
0x1e: {  	[tilespmem:s12+$0xCB20] =	vst v0;
	s0 =	simm.s32 $0xCB20  }
0x1f: {  	[spmem:s10] =	stream.linear.scatter [tilespmem:s0], [sflag:$0x1], $0x2710, $0x38;
	[tilespmem:$0x14050] =	vst v63  }
0x20: {  	_ =	swait.ge [sflag:s14], $0x2710  }
0x21: {  	[sflag:s14] =	ssyncset.done $0x0  }
0x22: {  	s4 =	rddreg [dreg:$0x7];
	[sflag:s14] =	ssyncadd.s32 $0xFFFFD8F0  }
0x23: {  	[spmem:s4] =	stream.linear.scatter [tilespmem:s0], [sflag:$0x1], $0x2710, $0x38;
	[tilespmem:$0x14050] =	vst v63  }
0x24: {  	_ =	swait.ge [sflag:s14], $0x2710  }
0x25: {  	[sflag:s14] =	ssyncset.done $0x0  }
0x26: {  	s10 =	simm.s32 $0x0;
	s19 =	rddreg [dreg:$0x8];
	[sflag:s14] =	ssyncadd.s32 $0xFFFFD8F0  }
0x27: {  	[tilespmem:s10], [sflag:$0x1] =	stream.linear.gather [hbm4b:s19+s10], $0x2710, $0x38;
	[tilespmem:$0x14050] =	vst v63  }
0x28: {  	_ =	swait.ge [sflag:s14], $0x2710  }
0x29: {  	[sflag:s14] =	ssyncset.done $0x0  }
0x2a: {  	s19 =	simm.s32 $0x2710;
	s22 =	rddreg [dreg:$0x9];
	[sflag:s14] =	ssyncadd.s32 $0xFFFFD8F0  }
0x2b: {  	[tilespmem:s19], [sflag:$0x1] =	stream.linear.gather [hbm4b:s22+s10], $0x2710, $0x38;
	[tilespmem:$0x14050] =	vst v63  }
0x2c: {  	_ =	swait.ge [sflag:s14], $0x2710  }
0x2d: {  	[sflag:s14] =	ssyncset.done $0x0  }
0x2e: {  	[sflag:s14] =	ssyncadd.s32 $0xFFFFD8F0  }
0x2f: {  	[bflag:$0x0] =	sbarrier.arrive $0xFFFF  }
0x30: {  	s19 =	rddreg [dreg:$0xd]  }
0x31: {  	[tilespmem:s16], [sflag:$0x1] =	stream.linear.gather [hbm4b:s19+s18], $0x7D00, $0x38;
	[tilespmem:$0x14050] =	vst v63  }
0x32: {  	_ =	swait.ge [sflag:s14], $0x7D00  }
0x33: {  	[sflag:s14] =	ssyncset.done $0x0  }
0x34: {  	s0 =	simm.s32 $0x0;
	[sflag:s14] =	ssyncadd.s32 $0xFFFF8300  }
0x35: {  	[spmem:s1] =	stream.indirect.scatter.add.f32 [tilespmem:s16], [sflag:$0x1], $0x10, s0, s17, $0xb8;
	[tilespmem:$0x14050] =	vst v63  }
0x36: {  	_ =	swait.ge [sflag:s14], $0x500  }
0x37: {  	[sflag:s14] =	ssyncset.done $0x0  }
0x38: {  	s10 =	simm.s32 $0x2710;
	[sflag:s14] =	ssyncadd.s32 $0xFFFFFB00  }
0x39: {  	[spmem:s3] =	stream.indirect.scatter.add.f32 [tilespmem:s16], [sflag:$0x1], $0x10, s10, s17, $0xb8;
	[tilespmem:$0x14050] =	vst v63  }
0x3a: {  	_ =	swait.ge [sflag:s14], $0x500  }
0x3b: {  	[sflag:s14] =	ssyncset.done $0x0  }
0x3c: {  	s12 =	simm.s32 $0x50;
	s0 =	simm.s32 $0x5320;
	[sflag:s14] =	ssyncadd.s32 $0xFFFFFB00  }
0x3d: {  	[spmem:s1] =	stream.indirect.scatter.add.f32 [tilespmem:s0], [sflag:$0x1], $0x10, s12, s17, $0xb8;
	[tilespmem:$0x14050] =	vst v63  }
0x3e: {  	_ =	swait.ge [sflag:s14], $0x500  }
0x3f: {  	[sflag:s14] =	ssyncset.done $0x0  }
0x40: {  	s22 =	simm.s32 $0x2760;
	[sflag:s14] =	ssyncadd.s32 $0xFFFFFB00  }
0x41: {  	[spmem:s3] =	stream.indirect.scatter.add.f32 [tilespmem:s0], [sflag:$0x1], $0x10, s22, s17, $0xb8;
	[tilespmem:$0x14050] =	vst v63  }
0x42: {  	_ =	swait.ge [sflag:s14], $0x500  }
0x43: {  	[sflag:s14] =	ssyncset.done $0x0  }
0x44: {  	s10 =	simm.s32 $0xA0;
	s12 =	simm.s32 $0x5820;
	[sflag:s14] =	ssyncadd.s32 $0xFFFFFB00  }
0x45: {  	[spmem:s1] =	stream.indirect.scatter.add.f32 [tilespmem:s12], [sflag:$0x1], $0x10, s10, s17, $0xb8;
	[tilespmem:$0x14050] =	vst v63  }
0x46: {  	_ =	swait.ge [sflag:s14], $0x500  }
0x47: {  	[sflag:s14] =	ssyncset.done $0x0  }
0x48: {  	s22 =	simm.s32 $0x27B0;
	[sflag:s14] =	ssyncadd.s32 $0xFFFFFB00  }
0x49: {  	[spmem:s3] =	stream.indirect.scatter.add.f32 [tilespmem:s12], [sflag:$0x1], $0x10, s22, s17, $0xb8;
	[tilespmem:$0x14050] =	vst v63  }
0x4a: {  	_ =	swait.ge [sflag:s14], $0x500  }
0x4b: {  	[sflag:s14] =	ssyncset.done $0x0  }
0x4c: {  	s0 =	simm.s32 $0xF0;
	s10 =	simm.s32 $0x5D20;
	[sflag:s14] =	ssyncadd.s32 $0xFFFFFB00  }
0x4d: {  	[spmem:s1] =	stream.indirect.scatter.add.f32 [tilespmem:s10], [sflag:$0x1], $0x10, s0, s17, $0xb8;
	[tilespmem:$0x14050] =	vst v63  }
0x4e: {  	_ =	swait.ge [sflag:s14], $0x500  }
0x4f: {  	[sflag:s14] =	ssyncset.done $0x0  }
0x50: {  	s12 =	simm.s32 $0x2800;
	[sflag:s14] =	ssyncadd.s32 $0xFFFFFB00  }
0x51: {  	[spmem:s3] =	stream.indirect.scatter.add.f32 [tilespmem:s10], [sflag:$0x1], $0x10, s12, s17, $0xb8;
	[tilespmem:$0x14050] =	vst v63  }
0x52: {  	_ =	swait.ge [sflag:s14], $0x500  }
0x53: {  	[sflag:s14] =	ssyncset.done $0x0  }
0x54: {  	s22 =	simm.s32 $0x140;
	[sflag:s14] =	ssyncadd.s32 $0xFFFFFB00  }
0x55: {  	[spmem:s1] =	stream.indirect.scatter.add.f32 [tilespmem:s23], [sflag:$0x1], $0x10, s22, s17, $0xb8;
	[tilespmem:$0x14050] =	vst v63  }
0x56: {  	_ =	swait.ge [sflag:s14], $0x500  }
0x57: {  	[sflag:s14] =	ssyncset.done $0x0  }
0x58: {  	s0 =	simm.s32 $0x2850;
	[sflag:s14] =	ssyncadd.s32 $0xFFFFFB00  }
0x59: {  	[spmem:s3] =	stream.indirect.scatter.add.f32 [tilespmem:s23], [sflag:$0x1], $0x10, s0, s17, $0xb8;
	[tilespmem:$0x14050] =	vst v63  }
0x5a: {  	_ =	swait.ge [sflag:s14], $0x500  }
0x5b: {  	[sflag:s14] =	ssyncset.done $0x0  }
0x5c: {  	s10 =	simm.s32 $0x190;
	[sflag:s14] =	ssyncadd.s32 $0xFFFFFB00  }
0x5d: {  	[spmem:s1] =	stream.indirect.scatter.add.f32 [tilespmem:s24], [sflag:$0x1], $0x10, s10, s17, $0xb8;
	[tilespmem:$0x14050] =	vst v63  }
0x5e: {  	_ =	swait.ge [sflag:s14], $0x500  }
0x5f: {  	[sflag:s14] =	ssyncset.done $0x0  }
0x60: {  	s12 =	simm.s32 $0x28A0;
	[sflag:s14] =	ssyncadd.s32 $0xFFFFFB00  }
0x61: {  	[spmem:s3] =	stream.indirect.scatter.add.f32 [tilespmem:s24], [sflag:$0x1], $0x10, s12, s17, $0xb8;
	[tilespmem:$0x14050] =	vst v63  }
0x62: {  	_ =	swait.ge [sflag:s14], $0x500  }
0x63: {  	[sflag:s14] =	ssyncset.done $0x0  }
0x64: {  	s22 =	simm.s32 $0x1E0;
	[sflag:s14] =	ssyncadd.s32 $0xFFFFFB00  }
0x65: {  	[spmem:s1] =	stream.indirect.scatter.add.f32 [tilespmem:s25], [sflag:$0x1], $0x10, s22, s17, $0xb8;
	[tilespmem:$0x14050] =	vst v63  }
0x66: {  	_ =	swait.ge [sflag:s14], $0x500  }
0x67: {  	[sflag:s14] =	ssyncset.done $0x0  }
0x68: {  	s0 =	simm.s32 $0x28F0;
	[sflag:s14] =	ssyncadd.s32 $0xFFFFFB00  }
0x69: {  	[spmem:s3] =	stream.indirect.scatter.add.f32 [tilespmem:s25], [sflag:$0x1], $0x10, s0, s17, $0xb8;
	[tilespmem:$0x14050] =	vst v63  }
0x6a: {  	_ =	swait.ge [sflag:s14], $0x500  }
0x6b: {  	[sflag:s14] =	ssyncset.done $0x0  }
0x6c: {  	s10 =	simm.s32 $0x230;
	[sflag:s14] =	ssyncadd.s32 $0xFFFFFB00  }
0x6d: {  	[spmem:s1] =	stream.indirect.scatter.add.f32 [tilespmem:s26], [sflag:$0x1], $0x10, s10, s17, $0xb8;
	[tilespmem:$0x14050] =	vst v63  }
0x6e: {  	_ =	swait.ge [sflag:s14], $0x500  }
0x6f: {  	[sflag:s14] =	ssyncset.done $0x0  }
0x70: {  	s12 =	simm.s32 $0x2940;
	[sflag:s14] =	ssyncadd.s32 $0xFFFFFB00  }
0x71: {  	[spmem:s3] =	stream.indirect.scatter.add.f32 [tilespmem:s26], [sflag:$0x1], $0x10, s12, s17, $0xb8;
	[tilespmem:$0x14050] =	vst v63  }
0x72: {  	_ =	swait.ge [sflag:s14], $0x500  }
0x73: {  	[sflag:s14] =	ssyncset.done $0x0  }
0x74: {  	s22 =	simm.s32 $0x280;
	[sflag:s14] =	ssyncadd.s32 $0xFFFFFB00  }
0x75: {  	[spmem:s1] =	stream.indirect.scatter.add.f32 [tilespmem:s28], [sflag:$0x1], $0x10, s22, s17, $0xb8;
	[tilespmem:$0x14050] =	vst v63  }
0x76: {  	_ =	swait.ge [sflag:s14], $0x500  }
0x77: {  	[sflag:s14] =	ssyncset.done $0x0  }
0x78: {  	s0 =	simm.s32 $0x2990;
	[sflag:s14] =	ssyncadd.s32 $0xFFFFFB00  }
0x79: {  	[spmem:s3] =	stream.indirect.scatter.add.f32 [tilespmem:s28], [sflag:$0x1], $0x10, s0, s17, $0xb8;
	[tilespmem:$0x14050] =	vst v63  }
0x7a: {  	_ =	swait.ge [sflag:s14], $0x500  }
0x7b: {  	[sflag:s14] =	ssyncset.done $0x0  }
0x7c: {  	s10 =	simm.s32 $0x2D0;
	[sflag:s14] =	ssyncadd.s32 $0xFFFFFB00  }
0x7d: {  	[spmem:s1] =	stream.indirect.scatter.add.f32 [tilespmem:s29], [sflag:$0x1], $0x10, s10, s17, $0xb8;
	[tilespmem:$0x14050] =	vst v63  }
0x7e: {  	_ =	swait.ge [sflag:s14], $0x500  }
0x7f: {  	[sflag:s14] =	ssyncset.done $0x0  }
0x80: {  	s12 =	simm.s32 $0x29E0;
	[sflag:s14] =	ssyncadd.s32 $0xFFFFFB00  }
0x81: {  	[spmem:s3] =	stream.indirect.scatter.add.f32 [tilespmem:s29], [sflag:$0x1], $0x10, s12, s17, $0xb8;
	[tilespmem:$0x14050] =	vst v63  }
0x82: {  	_ =	swait.ge [sflag:s14], $0x500  }
0x83: {  	[sflag:s14] =	ssyncset.done $0x0  }
0x84: {  	s22 =	simm.s32 $0x320;
	[sflag:s14] =	ssyncadd.s32 $0xFFFFFB00  }
0x85: {  	[spmem:s1] =	stream.indirect.scatter.add.f32 [tilespmem:s30], [sflag:$0x1], $0x10, s22, s17, $0xb8;
	[tilespmem:$0x14050] =	vst v63  }
0x86: {  	_ =	swait.ge [sflag:s14], $0x500  }
0x87: {  	[sflag:s14] =	ssyncset.done $0x0  }
0x88: {  	s0 =	simm.s32 $0x2A30;
	[sflag:s14] =	ssyncadd.s32 $0xFFFFFB00  }
0x89: {  	[spmem:s3] =	stream.indirect.scatter.add.f32 [tilespmem:s30], [sflag:$0x1], $0x10, s0, s17, $0xb8;
	[tilespmem:$0x14050] =	vst v63  }
0x8a: {  	_ =	swait.ge [sflag:s14], $0x500  }
0x8b: {  	[sflag:s14] =	ssyncset.done $0x0  }
0x8c: {  	s10 =	simm.s32 $0x370;
	[sflag:s14] =	ssyncadd.s32 $0xFFFFFB00  }
0x8d: {  	[spmem:s1] =	stream.indirect.scatter.add.f32 [tilespmem:s31], [sflag:$0x1], $0x10, s10, s17, $0xb8;
	[tilespmem:$0x14050] =	vst v63  }
0x8e: {  	_ =	swait.ge [sflag:s14], $0x500  }
0x8f: {  	[sflag:s14] =	ssyncset.done $0x0  }
0x90: {  	s12 =	simm.s32 $0x2A80;
	[sflag:s14] =	ssyncadd.s32 $0xFFFFFB00  }
0x91: {  	[spmem:s3] =	stream.indirect.scatter.add.f32 [tilespmem:s31], [sflag:$0x1], $0x10, s12, s17, $0xb8;
	[tilespmem:$0x14050] =	vst v63  }
0x92: {  	_ =	swait.ge [sflag:s14], $0x500  }
0x93: {  	[sflag:s14] =	ssyncset.done $0x0  }
0x94: {  	s22 =	simm.s32 $0x3C0;
	s0 =	simm.s32 $0x8A20;
	[sflag:s14] =	ssyncadd.s32 $0xFFFFFB00  }
0x95: {  	[spmem:s1] =	stream.indirect.scatter.add.f32 [tilespmem:s0], [sflag:$0x1], $0x10, s22, s17, $0xb8;
	[tilespmem:$0x14050] =	vst v63  }
0x96: {  	_ =	swait.ge [sflag:s14], $0x500  }
0x97: {  	[sflag:s14] =	ssyncset.done $0x0  }
0x98: {  	s10 =	simm.s32 $0x2AD0;
	[sflag:s14] =	ssyncadd.s32 $0xFFFFFB00  }
0x99: {  	[spmem:s3] =	stream.indirect.scatter.add.f32 [tilespmem:s0], [sflag:$0x1], $0x10, s10, s17, $0xb8;
	[tilespmem:$0x14050] =	vst v63  }
0x9a: {  	_ =	swait.ge [sflag:s14], $0x500  }
0x9b: {  	[sflag:s14] =	ssyncset.done $0x0  }
0x9c: {  	s12 =	simm.s32 $0x410;
	[sflag:s14] =	ssyncadd.s32 $0xFFFFFB00  }
0x9d: {  	[spmem:s1] =	stream.indirect.scatter.add.f32 [tilespmem:s15], [sflag:$0x1], $0x10, s12, s17, $0xb8;
	[tilespmem:$0x14050] =	vst v63  }
0x9e: {  	_ =	swait.ge [sflag:s14], $0x500  }
0x9f: {  	[sflag:s14] =	ssyncset.done $0x0  }
0xa0: {  	s22 =	simm.s32 $0x2B20;
	[sflag:s14] =	ssyncadd.s32 $0xFFFFFB00  }
0xa1: {  	[spmem:s3] =	stream.indirect.scatter.add.f32 [tilespmem:s15], [sflag:$0x1], $0x10, s22, s17, $0xb8;
	[tilespmem:$0x14050] =	vst v63  }
0xa2: {  	_ =	swait.ge [sflag:s14], $0x500  }
0xa3: {  	[sflag:s14] =	ssyncset.done $0x0  }
0xa4: {  	s10 =	simm.s32 $0x460;
	[sflag:s14] =	ssyncadd.s32 $0xFFFFFB00  }
0xa5: {  	[spmem:s1] =	stream.indirect.scatter.add.f32 [tilespmem:s2], [sflag:$0x1], $0x10, s10, s17, $0xb8;
	[tilespmem:$0x14050] =	vst v63  }
0xa6: {  	_ =	swait.ge [sflag:s14], $0x500  }
0xa7: {  	[sflag:s14] =	ssyncset.done $0x0  }
0xa8: {  	s12 =	simm.s32 $0x2B70;
	[sflag:s14] =	ssyncadd.s32 $0xFFFFFB00  }
0xa9: {  	[spmem:s3] =	stream.indirect.scatter.add.f32 [tilespmem:s2], [sflag:$0x1], $0x10, s12, s17, $0xb8;
	[tilespmem:$0x14050] =	vst v63  }
0xaa: {  	_ =	swait.ge [sflag:s14], $0x500  }
0xab: {  	[sflag:s14] =	ssyncset.done $0x0  }
0xac: {  	s22 =	simm.s32 $0x4B0;
	[sflag:s14] =	ssyncadd.s32 $0xFFFFFB00  }
0xad: {  	[spmem:s1] =	stream.indirect.scatter.add.f32 [tilespmem:s13], [sflag:$0x1], $0x10, s22, s17, $0xb8;
	[tilespmem:$0x14050] =	vst v63  }
0xae: {  	_ =	swait.ge [sflag:s14], $0x500  }
0xaf: {  	[sflag:s14] =	ssyncset.done $0x0  }
0xb0: {  	s10 =	simm.s32 $0x2BC0;
	[sflag:s14] =	ssyncadd.s32 $0xFFFFFB00  }
0xb1: {  	[spmem:s3] =	stream.indirect.scatter.add.f32 [tilespmem:s13], [sflag:$0x1], $0x10, s10, s17, $0xb8;
	[tilespmem:$0x14050] =	vst v63  }
0xb2: {  	_ =	swait.ge [sflag:s14], $0x500  }
0xb3: {  	[sflag:s14] =	ssyncset.done $0x0  }
0xb4: {  	s12 =	simm.s32 $0x500;
	[sflag:s14] =	ssyncadd.s32 $0xFFFFFB00  }
0xb5: {  	[spmem:s1] =	stream.indirect.scatter.add.f32 [tilespmem:s7], [sflag:$0x1], $0x10, s12, s17, $0xb8;
	[tilespmem:$0x14050] =	vst v63  }
0xb6: {  	_ =	swait.ge [sflag:s14], $0x500  }
0xb7: {  	[sflag:s14] =	ssyncset.done $0x0  }
0xb8: {  	s22 =	simm.s32 $0x2C10;
	[sflag:s14] =	ssyncadd.s32 $0xFFFFFB00  }
0xb9: {  	[spmem:s3] =	stream.indirect.scatter.add.f32 [tilespmem:s7], [sflag:$0x1], $0x10, s22, s17, $0xb8;
	[tilespmem:$0x14050] =	vst v63  }
0xba: {  	_ =	swait.ge [sflag:s14], $0x500  }
0xbb: {  	[sflag:s14] =	ssyncset.done $0x0  }
0xbc: {  	s10 =	simm.s32 $0x550;
	[sflag:s14] =	ssyncadd.s32 $0xFFFFFB00  }
0xbd: {  	[spmem:s1] =	stream.indirect.scatter.add.f32 [tilespmem:s8], [sflag:$0x1], $0x10, s10, s17, $0xb8;
	[tilespmem:$0x14050] =	vst v63  }
0xbe: {  	_ =	swait.ge [sflag:s14], $0x500  }
0xbf: {  	[sflag:s14] =	ssyncset.done $0x0  }
0xc0: {  	s12 =	simm.s32 $0x2C60;
	[sflag:s14] =	ssyncadd.s32 $0xFFFFFB00  }
0xc1: {  	[spmem:s3] =	stream.indirect.scatter.add.f32 [tilespmem:s8], [sflag:$0x1], $0x10, s12, s17, $0xb8;
	[tilespmem:$0x14050] =	vst v63  }
0xc2: {  	_ =	swait.ge [sflag:s14], $0x500  }
0xc3: {  	[sflag:s14] =	ssyncset.done $0x0  }
0xc4: {  	s22 =	simm.s32 $0x5A0;
	[sflag:s14] =	ssyncadd.s32 $0xFFFFFB00  }
0xc5: {  	[spmem:s1] =	stream.indirect.scatter.add.f32 [tilespmem:s9], [sflag:$0x1], $0x10, s22, s17, $0xb8;
	[tilespmem:$0x14050] =	vst v63  }
0xc6: {  	_ =	swait.ge [sflag:s14], $0x500  }
0xc7: {  	[sflag:s14] =	ssyncset.done $0x0  }
0xc8: {  	s10 =	simm.s32 $0x2CB0;
	[sflag:s14] =	ssyncadd.s32 $0xFFFFFB00  }
0xc9: {  	[spmem:s3] =	stream.indirect.scatter.add.f32 [tilespmem:s9], [sflag:$0x1], $0x10, s10, s17, $0xb8;
	[tilespmem:$0x14050] =	vst v63  }
0xca: {  	_ =	swait.ge [sflag:s14], $0x500  }
0xcb: {  	[sflag:s14] =	ssyncset.done $0x0  }
0xcc: {  	s12 =	simm.s32 $0x5F0;
	s10 =	simm.s32 $0xAD20;
	[sflag:s14] =	ssyncadd.s32 $0xFFFFFB00  }
0xcd: {  	[spmem:s1] =	stream.indirect.scatter.add.f32 [tilespmem:s10], [sflag:$0x1], $0x10, s12, s17, $0xb8;
	[tilespmem:$0x14050] =	vst v63  }
0xce: {  	_ =	swait.ge [sflag:s14], $0x500  }
0xcf: {  	[sflag:s14] =	ssyncset.done $0x0  }
0xd0: {  	s22 =	simm.s32 $0x2D00;
	[sflag:s14] =	ssyncadd.s32 $0xFFFFFB00  }
0xd1: {  	[spmem:s3] =	stream.indirect.scatter.add.f32 [tilespmem:s10], [sflag:$0x1], $0x10, s22, s17, $0xb8;
	[tilespmem:$0x14050] =	vst v63  }
0xd2: {  	_ =	swait.ge [sflag:s14], $0x500  }
0xd3: {  	[sflag:s14] =	ssyncset.done $0x0  }
0xd4: {  	s12 =	simm.s32 $0x640;
	[sflag:s14] =	ssyncadd.s32 $0xFFFFFB00  }
0xd5: {  	[spmem:s1] =	stream.indirect.scatter.add.f32 [tilespmem:s11], [sflag:$0x1], $0x10, s12, s17, $0xb8;
	[tilespmem:$0x14050] =	vst v63  }
0xd6: {  	_ =	swait.ge [sflag:s14], $0x500  }
0xd7: {  	[sflag:s14] =	ssyncset.done $0x0  }
0xd8: {  	s22 =	simm.s32 $0x2D50;
	[sflag:s14] =	ssyncadd.s32 $0xFFFFFB00  }
0xd9: {  	[spmem:s3] =	stream.indirect.scatter.add.f32 [tilespmem:s11], [sflag:$0x1], $0x10, s22, s17, $0xb8;
	[tilespmem:$0x14050] =	vst v63  }
0xda: {  	_ =	swait.ge [sflag:s14], $0x500  }
0xdb: {  	[sflag:s14] =	ssyncset.done $0x0  }
0xdc: {  	s12 =	simm.s32 $0x690;
	[sflag:s14] =	ssyncadd.s32 $0xFFFFFB00  }
0xdd: {  	[spmem:s1] =	stream.indirect.scatter.add.f32 [tilespmem:s5], [sflag:$0x1], $0x10, s12, s17, $0xb8;
	[tilespmem:$0x14050] =	vst v63  }
0xde: {  	_ =	swait.ge [sflag:s14], $0x500  }
0xdf: {  	[sflag:s14] =	ssyncset.done $0x0  }
0xe0: {  	s22 =	simm.s32 $0x2DA0;
	[sflag:s14] =	ssyncadd.s32 $0xFFFFFB00  }
0xe1: {  	[spmem:s3] =	stream.indirect.scatter.add.f32 [tilespmem:s5], [sflag:$0x1], $0x10, s22, s17, $0xb8;
	[tilespmem:$0x14050] =	vst v63  }
0xe2: {  	_ =	swait.ge [sflag:s14], $0x500  }
0xe3: {  	[sflag:s14] =	ssyncset.done $0x0  }
0xe4: {  	s12 =	simm.s32 $0x6E0;
	[sflag:s14] =	ssyncadd.s32 $0xFFFFFB00  }
0xe5: {  	[spmem:s1] =	stream.indirect.scatter.add.f32 [tilespmem:s6], [sflag:$0x1], $0x10, s12, s17, $0xb8;
	[tilespmem:$0x14050] =	vst v63  }
0xe6: {  	_ =	swait.ge [sflag:s14], $0x500  }
0xe7: {  	[sflag:s14] =	ssyncset.done $0x0  }
0xe8: {  	s22 =	simm.s32 $0x2DF0;
	[sflag:s14] =	ssyncadd.s32 $0xFFFFFB00  }
0xe9: {  	[spmem:s3] =	stream.indirect.scatter.add.f32 [tilespmem:s6], [sflag:$0x1], $0x10, s22, s17, $0xb8;
	[tilespmem:$0x14050] =	vst v63  }
0xea: {  	_ =	swait.ge [sflag:s14], $0x500  }
0xeb: {  	[sflag:s14] =	ssyncset.done $0x0  }
0xec: {  	s12 =	simm.s32 $0x730;
	[sflag:s14] =	ssyncadd.s32 $0xFFFFFB00  }
0xed: {  	[spmem:s1] =	stream.indirect.scatter.add.f32 [tilespmem:s20], [sflag:$0x1], $0x10, s12, s17, $0xb8;
	[tilespmem:$0x14050] =	vst v63  }
0xee: {  	_ =	swait.ge [sflag:s14], $0x500  }
0xef: {  	[sflag:s14] =	ssyncset.done $0x0  }
0xf0: {  	s22 =	simm.s32 $0x2E40;
	[sflag:s14] =	ssyncadd.s32 $0xFFFFFB00  }
0xf1: {  	[spmem:s3] =	stream.indirect.scatter.add.f32 [tilespmem:s20], [sflag:$0x1], $0x10, s22, s17, $0xb8;
	[tilespmem:$0x14050] =	vst v63  }
0xf2: {  	_ =	swait.ge [sflag:s14], $0x500  }
0xf3: {  	[sflag:s14] =	ssyncset.done $0x0  }
0xf4: {  	s12 =	simm.s32 $0x780;
	[sflag:s14] =	ssyncadd.s32 $0xFFFFFB00  }
0xf5: {  	[spmem:s1] =	stream.indirect.scatter.add.f32 [tilespmem:s21], [sflag:$0x1], $0x10, s12, s17, $0xb8;
	[tilespmem:$0x14050] =	vst v63  }
0xf6: {  	_ =	swait.ge [sflag:s14], $0x500  }
0xf7: {  	[sflag:s14] =	ssyncset.done $0x0  }
0xf8: {  	s22 =	simm.s32 $0x2E90;
	[sflag:s14] =	ssyncadd.s32 $0xFFFFFB00  }
0xf9: {  	[spmem:s3] =	stream.indirect.scatter.add.f32 [tilespmem:s21], [sflag:$0x1], $0x10, s22, s17, $0xb8;
	[tilespmem:$0x14050] =	vst v63  }
0xfa: {  	_ =	swait.ge [sflag:s14], $0x500  }
0xfb: {  	s4 =	smov.u32 s19;
	s12 =	simm.s32 $0x1F40;
	[sflag:s14] =	ssyncset.done $0x0  }
.LBB2_4:
0xfc: {  	p0 =	sne.s32 s12, $0x7D00;
	[sflag:s14] =	ssyncadd.s32 $0xFFFFFB00;
	s4 =	sadd.s32 $0xFA0, s4  }
0xfd: {  	[tilespmem:s16], [sflag:$0x1] =	stream.linear.gather [hbm4b:s4+s18], $0x7D00, $0x38;
	[tilespmem:$0x14050] =	vst v63  }
0xfe: {  	s18 =	smov.u32 s12;
	s12 =	sadd.s32 $0x1F40, s12;
	_ =	swait.ge [sflag:s14], $0x7D00  }
0xff: {  	[sflag:s14] =	ssyncset.done $0x0  }
0x100: {  	s18 =	sshra.s32 s18, $0x2;
	[sflag:s14] =	ssyncadd.s32 $0xFFFF8300  }
0x101: {  	[spmem:s1] =	stream.indirect.scatter.add.f32 [tilespmem:s16], [sflag:$0x1], $0x10, s18, s17, $0xb8;
	[tilespmem:$0x14050] =	vst v63  }
0x102: {  	_ =	swait.ge [sflag:s14], $0x500  }
0x103: {  	[sflag:s14] =	ssyncset.done $0x0  }
0x104: {  	s19 =	sadd.s32 $0x2710, s18;
	[sflag:s14] =	ssyncadd.s32 $0xFFFFFB00  }
0x105: {  	[spmem:s3] =	stream.indirect.scatter.add.f32 [tilespmem:s16], [sflag:$0x1], $0x10, s19, s17, $0xb8;
	[tilespmem:$0x14050] =	vst v63  }
0x106: {  	_ =	swait.ge [sflag:s14], $0x500  }
0x107: {  	[sflag:s14] =	ssyncset.done $0x0  }
0x108: {  	s22 =	simm.s32 $0x5320;
	s19 =	sadd.s32 $0x50, s18;
	[sflag:s14] =	ssyncadd.s32 $0xFFFFFB00  }
0x109: {  	[spmem:s1] =	stream.indirect.scatter.add.f32 [tilespmem:s22], [sflag:$0x1], $0x10, s19, s17, $0xb8;
	[tilespmem:$0x14050] =	vst v63  }
0x10a: {  	_ =	swait.ge [sflag:s14], $0x500  }
0x10b: {  	[sflag:s14] =	ssyncset.done $0x0  }
0x10c: {  	s19 =	sadd.s32 $0x2760, s18;
	[sflag:s14] =	ssyncadd.s32 $0xFFFFFB00  }
0x10d: {  	[spmem:s3] =	stream.indirect.scatter.add.f32 [tilespmem:s22], [sflag:$0x1], $0x10, s19, s17, $0xb8;
	[tilespmem:$0x14050] =	vst v63  }
0x10e: {  	_ =	swait.ge [sflag:s14], $0x500  }
0x10f: {  	[sflag:s14] =	ssyncset.done $0x0  }
0x110: {  	s19 =	sadd.s32 $0xA0, s18;
	s22 =	simm.s32 $0x5820;
	[sflag:s14] =	ssyncadd.s32 $0xFFFFFB00  }
0x111: {  	[spmem:s1] =	stream.indirect.scatter.add.f32 [tilespmem:s22], [sflag:$0x1], $0x10, s19, s17, $0xb8;
	[tilespmem:$0x14050] =	vst v63  }
0x112: {  	_ =	swait.ge [sflag:s14], $0x500  }
0x113: {  	[sflag:s14] =	ssyncset.done $0x0  }
0x114: {  	s19 =	sadd.s32 $0x27B0, s18;
	[sflag:s14] =	ssyncadd.s32 $0xFFFFFB00  }
0x115: {  	[spmem:s3] =	stream.indirect.scatter.add.f32 [tilespmem:s22], [sflag:$0x1], $0x10, s19, s17, $0xb8;
	[tilespmem:$0x14050] =	vst v63  }
0x116: {  	_ =	swait.ge [sflag:s14], $0x500  }
0x117: {  	[sflag:s14] =	ssyncset.done $0x0  }
0x118: {  	s19 =	sadd.s32 $0xF0, s18;
	s22 =	simm.s32 $0x5D20;
	[sflag:s14] =	ssyncadd.s32 $0xFFFFFB00  }
0x119: {  	[spmem:s1] =	stream.indirect.scatter.add.f32 [tilespmem:s22], [sflag:$0x1], $0x10, s19, s17, $0xb8;
	[tilespmem:$0x14050] =	vst v63  }
0x11a: {  	_ =	swait.ge [sflag:s14], $0x500  }
0x11b: {  	[sflag:s14] =	ssyncset.done $0x0  }
0x11c: {  	s19 =	sadd.s32 $0x2800, s18;
	[sflag:s14] =	ssyncadd.s32 $0xFFFFFB00  }
0x11d: {  	[spmem:s3] =	stream.indirect.scatter.add.f32 [tilespmem:s22], [sflag:$0x1], $0x10, s19, s17, $0xb8;
	[tilespmem:$0x14050] =	vst v63  }
0x11e: {  	_ =	swait.ge [sflag:s14], $0x500  }
0x11f: {  	[sflag:s14] =	ssyncset.done $0x0  }
0x120: {  	s19 =	sadd.s32 $0x140, s18;
	[sflag:s14] =	ssyncadd.s32 $0xFFFFFB00  }
0x121: {  	[spmem:s1] =	stream.indirect.scatter.add.f32 [tilespmem:s23], [sflag:$0x1], $0x10, s19, s17, $0xb8;
	[tilespmem:$0x14050] =	vst v63  }
0x122: {  	_ =	swait.ge [sflag:s14], $0x500  }
0x123: {  	[sflag:s14] =	ssyncset.done $0x0  }
0x124: {  	s19 =	sadd.s32 $0x2850, s18;
	[sflag:s14] =	ssyncadd.s32 $0xFFFFFB00  }
0x125: {  	[spmem:s3] =	stream.indirect.scatter.add.f32 [tilespmem:s23], [sflag:$0x1], $0x10, s19, s17, $0xb8;
	[tilespmem:$0x14050] =	vst v63  }
0x126: {  	_ =	swait.ge [sflag:s14], $0x500  }
0x127: {  	[sflag:s14] =	ssyncset.done $0x0  }
0x128: {  	s19 =	sadd.s32 $0x190, s18;
	[sflag:s14] =	ssyncadd.s32 $0xFFFFFB00  }
0x129: {  	[spmem:s1] =	stream.indirect.scatter.add.f32 [tilespmem:s24], [sflag:$0x1], $0x10, s19, s17, $0xb8;
	[tilespmem:$0x14050] =	vst v63  }
0x12a: {  	_ =	swait.ge [sflag:s14], $0x500  }
0x12b: {  	[sflag:s14] =	ssyncset.done $0x0  }
0x12c: {  	s19 =	sadd.s32 $0x28A0, s18;
	[sflag:s14] =	ssyncadd.s32 $0xFFFFFB00  }
0x12d: {  	[spmem:s3] =	stream.indirect.scatter.add.f32 [tilespmem:s24], [sflag:$0x1], $0x10, s19, s17, $0xb8;
	[tilespmem:$0x14050] =	vst v63  }
0x12e: {  	_ =	swait.ge [sflag:s14], $0x500  }
0x12f: {  	[sflag:s14] =	ssyncset.done $0x0  }
0x130: {  	s19 =	sadd.s32 $0x1E0, s18;
	[sflag:s14] =	ssyncadd.s32 $0xFFFFFB00  }
0x131: {  	[spmem:s1] =	stream.indirect.scatter.add.f32 [tilespmem:s25], [sflag:$0x1], $0x10, s19, s17, $0xb8;
	[tilespmem:$0x14050] =	vst v63  }
0x132: {  	_ =	swait.ge [sflag:s14], $0x500  }
0x133: {  	[sflag:s14] =	ssyncset.done $0x0  }
0x134: {  	s19 =	sadd.s32 $0x28F0, s18;
	[sflag:s14] =	ssyncadd.s32 $0xFFFFFB00  }
0x135: {  	[spmem:s3] =	stream.indirect.scatter.add.f32 [tilespmem:s25], [sflag:$0x1], $0x10, s19, s17, $0xb8;
	[tilespmem:$0x14050] =	vst v63  }
0x136: {  	_ =	swait.ge [sflag:s14], $0x500  }
0x137: {  	[sflag:s14] =	ssyncset.done $0x0  }
0x138: {  	s19 =	sadd.s32 $0x230, s18;
	[sflag:s14] =	ssyncadd.s32 $0xFFFFFB00  }
0x139: {  	[spmem:s1] =	stream.indirect.scatter.add.f32 [tilespmem:s26], [sflag:$0x1], $0x10, s19, s17, $0xb8;
	[tilespmem:$0x14050] =	vst v63  }
0x13a: {  	_ =	swait.ge [sflag:s14], $0x500  }
0x13b: {  	[sflag:s14] =	ssyncset.done $0x0  }
0x13c: {  	s19 =	sadd.s32 $0x2940, s18;
	[sflag:s14] =	ssyncadd.s32 $0xFFFFFB00  }
0x13d: {  	[spmem:s3] =	stream.indirect.scatter.add.f32 [tilespmem:s26], [sflag:$0x1], $0x10, s19, s17, $0xb8;
	[tilespmem:$0x14050] =	vst v63  }
0x13e: {  	_ =	swait.ge [sflag:s14], $0x500  }
0x13f: {  	[sflag:s14] =	ssyncset.done $0x0  }
0x140: {  	s19 =	sadd.s32 $0x280, s18;
	[sflag:s14] =	ssyncadd.s32 $0xFFFFFB00  }
0x141: {  	[spmem:s1] =	stream.indirect.scatter.add.f32 [tilespmem:s28], [sflag:$0x1], $0x10, s19, s17, $0xb8;
	[tilespmem:$0x14050] =	vst v63  }
0x142: {  	_ =	swait.ge [sflag:s14], $0x500  }
0x143: {  	[sflag:s14] =	ssyncset.done $0x0  }
0x144: {  	s19 =	sadd.s32 $0x2990, s18;
	[sflag:s14] =	ssyncadd.s32 $0xFFFFFB00  }
0x145: {  	[spmem:s3] =	stream.indirect.scatter.add.f32 [tilespmem:s28], [sflag:$0x1], $0x10, s19, s17, $0xb8;
	[tilespmem:$0x14050] =	vst v63  }
0x146: {  	_ =	swait.ge [sflag:s14], $0x500  }
0x147: {  	[sflag:s14] =	ssyncset.done $0x0  }
0x148: {  	s19 =	sadd.s32 $0x2D0, s18;
	[sflag:s14] =	ssyncadd.s32 $0xFFFFFB00  }
0x149: {  	[spmem:s1] =	stream.indirect.scatter.add.f32 [tilespmem:s29], [sflag:$0x1], $0x10, s19, s17, $0xb8;
	[tilespmem:$0x14050] =	vst v63  }
0x14a: {  	_ =	swait.ge [sflag:s14], $0x500  }
0x14b: {  	[sflag:s14] =	ssyncset.done $0x0  }
0x14c: {  	s19 =	sadd.s32 $0x29E0, s18;
	[sflag:s14] =	ssyncadd.s32 $0xFFFFFB00  }
0x14d: {  	[spmem:s3] =	stream.indirect.scatter.add.f32 [tilespmem:s29], [sflag:$0x1], $0x10, s19, s17, $0xb8;
	[tilespmem:$0x14050] =	vst v63  }
0x14e: {  	_ =	swait.ge [sflag:s14], $0x500  }
0x14f: {  	[sflag:s14] =	ssyncset.done $0x0  }
0x150: {  	s19 =	sadd.s32 $0x320, s18;
	[sflag:s14] =	ssyncadd.s32 $0xFFFFFB00  }
0x151: {  	[spmem:s1] =	stream.indirect.scatter.add.f32 [tilespmem:s30], [sflag:$0x1], $0x10, s19, s17, $0xb8;
	[tilespmem:$0x14050] =	vst v63  }
0x152: {  	_ =	swait.ge [sflag:s14], $0x500  }
0x153: {  	[sflag:s14] =	ssyncset.done $0x0  }
0x154: {  	s19 =	sadd.s32 $0x2A30, s18;
	[sflag:s14] =	ssyncadd.s32 $0xFFFFFB00  }
0x155: {  	[spmem:s3] =	stream.indirect.scatter.add.f32 [tilespmem:s30], [sflag:$0x1], $0x10, s19, s17, $0xb8;
	[tilespmem:$0x14050] =	vst v63  }
0x156: {  	_ =	swait.ge [sflag:s14], $0x500  }
0x157: {  	[sflag:s14] =	ssyncset.done $0x0  }
0x158: {  	s19 =	sadd.s32 $0x370, s18;
	[sflag:s14] =	ssyncadd.s32 $0xFFFFFB00  }
0x159: {  	[spmem:s1] =	stream.indirect.scatter.add.f32 [tilespmem:s31], [sflag:$0x1], $0x10, s19, s17, $0xb8;
	[tilespmem:$0x14050] =	vst v63  }
0x15a: {  	_ =	swait.ge [sflag:s14], $0x500  }
0x15b: {  	[sflag:s14] =	ssyncset.done $0x0  }
0x15c: {  	s19 =	sadd.s32 $0x2A80, s18;
	[sflag:s14] =	ssyncadd.s32 $0xFFFFFB00  }
0x15d: {  	[spmem:s3] =	stream.indirect.scatter.add.f32 [tilespmem:s31], [sflag:$0x1], $0x10, s19, s17, $0xb8;
	[tilespmem:$0x14050] =	vst v63  }
0x15e: {  	_ =	swait.ge [sflag:s14], $0x500  }
0x15f: {  	[sflag:s14] =	ssyncset.done $0x0  }
0x160: {  	s19 =	sadd.s32 $0x3C0, s18;
	[sflag:s14] =	ssyncadd.s32 $0xFFFFFB00  }
0x161: {  	[spmem:s1] =	stream.indirect.scatter.add.f32 [tilespmem:s0], [sflag:$0x1], $0x10, s19, s17, $0xb8;
	[tilespmem:$0x14050] =	vst v63  }
0x162: {  	_ =	swait.ge [sflag:s14], $0x500  }
0x163: {  	[sflag:s14] =	ssyncset.done $0x0  }
0x164: {  	s19 =	sadd.s32 $0x2AD0, s18;
	[sflag:s14] =	ssyncadd.s32 $0xFFFFFB00  }
0x165: {  	[spmem:s3] =	stream.indirect.scatter.add.f32 [tilespmem:s0], [sflag:$0x1], $0x10, s19, s17, $0xb8;
	[tilespmem:$0x14050] =	vst v63  }
0x166: {  	_ =	swait.ge [sflag:s14], $0x500  }
0x167: {  	[sflag:s14] =	ssyncset.done $0x0  }
0x168: {  	s19 =	sadd.s32 $0x410, s18;
	[sflag:s14] =	ssyncadd.s32 $0xFFFFFB00  }
0x169: {  	[spmem:s1] =	stream.indirect.scatter.add.f32 [tilespmem:s15], [sflag:$0x1], $0x10, s19, s17, $0xb8;
	[tilespmem:$0x14050] =	vst v63  }
0x16a: {  	_ =	swait.ge [sflag:s14], $0x500  }
0x16b: {  	[sflag:s14] =	ssyncset.done $0x0  }
0x16c: {  	s19 =	sadd.s32 $0x2B20, s18;
	[sflag:s14] =	ssyncadd.s32 $0xFFFFFB00  }
0x16d: {  	[spmem:s3] =	stream.indirect.scatter.add.f32 [tilespmem:s15], [sflag:$0x1], $0x10, s19, s17, $0xb8;
	[tilespmem:$0x14050] =	vst v63  }
0x16e: {  	_ =	swait.ge [sflag:s14], $0x500  }
0x16f: {  	[sflag:s14] =	ssyncset.done $0x0  }
0x170: {  	s19 =	sadd.s32 $0x460, s18;
	[sflag:s14] =	ssyncadd.s32 $0xFFFFFB00  }
0x171: {  	[spmem:s1] =	stream.indirect.scatter.add.f32 [tilespmem:s2], [sflag:$0x1], $0x10, s19, s17, $0xb8;
	[tilespmem:$0x14050] =	vst v63  }
0x172: {  	_ =	swait.ge [sflag:s14], $0x500  }
0x173: {  	[sflag:s14] =	ssyncset.done $0x0  }
0x174: {  	s19 =	sadd.s32 $0x2B70, s18;
	[sflag:s14] =	ssyncadd.s32 $0xFFFFFB00  }
0x175: {  	[spmem:s3] =	stream.indirect.scatter.add.f32 [tilespmem:s2], [sflag:$0x1], $0x10, s19, s17, $0xb8;
	[tilespmem:$0x14050] =	vst v63  }
0x176: {  	_ =	swait.ge [sflag:s14], $0x500  }
0x177: {  	[sflag:s14] =	ssyncset.done $0x0  }
0x178: {  	s19 =	sadd.s32 $0x4B0, s18;
	[sflag:s14] =	ssyncadd.s32 $0xFFFFFB00  }
0x179: {  	[spmem:s1] =	stream.indirect.scatter.add.f32 [tilespmem:s13], [sflag:$0x1], $0x10, s19, s17, $0xb8;
	[tilespmem:$0x14050] =	vst v63  }
0x17a: {  	_ =	swait.ge [sflag:s14], $0x500  }
0x17b: {  	[sflag:s14] =	ssyncset.done $0x0  }
0x17c: {  	s19 =	sadd.s32 $0x2BC0, s18;
	[sflag:s14] =	ssyncadd.s32 $0xFFFFFB00  }
0x17d: {  	[spmem:s3] =	stream.indirect.scatter.add.f32 [tilespmem:s13], [sflag:$0x1], $0x10, s19, s17, $0xb8;
	[tilespmem:$0x14050] =	vst v63  }
0x17e: {  	_ =	swait.ge [sflag:s14], $0x500  }
0x17f: {  	[sflag:s14] =	ssyncset.done $0x0  }
0x180: {  	s19 =	sadd.s32 $0x500, s18;
	[sflag:s14] =	ssyncadd.s32 $0xFFFFFB00  }
0x181: {  	[spmem:s1] =	stream.indirect.scatter.add.f32 [tilespmem:s7], [sflag:$0x1], $0x10, s19, s17, $0xb8;
	[tilespmem:$0x14050] =	vst v63  }
0x182: {  	_ =	swait.ge [sflag:s14], $0x500  }
0x183: {  	[sflag:s14] =	ssyncset.done $0x0  }
0x184: {  	s19 =	sadd.s32 $0x2C10, s18;
	[sflag:s14] =	ssyncadd.s32 $0xFFFFFB00  }
0x185: {  	[spmem:s3] =	stream.indirect.scatter.add.f32 [tilespmem:s7], [sflag:$0x1], $0x10, s19, s17, $0xb8;
	[tilespmem:$0x14050] =	vst v63  }
0x186: {  	_ =	swait.ge [sflag:s14], $0x500  }
0x187: {  	[sflag:s14] =	ssyncset.done $0x0  }
0x188: {  	s19 =	sadd.s32 $0x550, s18;
	[sflag:s14] =	ssyncadd.s32 $0xFFFFFB00  }
0x189: {  	[spmem:s1] =	stream.indirect.scatter.add.f32 [tilespmem:s8], [sflag:$0x1], $0x10, s19, s17, $0xb8;
	[tilespmem:$0x14050] =	vst v63  }
0x18a: {  	_ =	swait.ge [sflag:s14], $0x500  }
0x18b: {  	[sflag:s14] =	ssyncset.done $0x0  }
0x18c: {  	s19 =	sadd.s32 $0x2C60, s18;
	[sflag:s14] =	ssyncadd.s32 $0xFFFFFB00  }
0x18d: {  	[spmem:s3] =	stream.indirect.scatter.add.f32 [tilespmem:s8], [sflag:$0x1], $0x10, s19, s17, $0xb8;
	[tilespmem:$0x14050] =	vst v63  }
0x18e: {  	_ =	swait.ge [sflag:s14], $0x500  }
0x18f: {  	[sflag:s14] =	ssyncset.done $0x0  }
0x190: {  	s19 =	sadd.s32 $0x5A0, s18;
	[sflag:s14] =	ssyncadd.s32 $0xFFFFFB00  }
0x191: {  	[spmem:s1] =	stream.indirect.scatter.add.f32 [tilespmem:s9], [sflag:$0x1], $0x10, s19, s17, $0xb8;
	[tilespmem:$0x14050] =	vst v63  }
0x192: {  	_ =	swait.ge [sflag:s14], $0x500  }
0x193: {  	[sflag:s14] =	ssyncset.done $0x0  }
0x194: {  	s19 =	sadd.s32 $0x2CB0, s18;
	[sflag:s14] =	ssyncadd.s32 $0xFFFFFB00  }
0x195: {  	[spmem:s3] =	stream.indirect.scatter.add.f32 [tilespmem:s9], [sflag:$0x1], $0x10, s19, s17, $0xb8;
	[tilespmem:$0x14050] =	vst v63  }
0x196: {  	_ =	swait.ge [sflag:s14], $0x500  }
0x197: {  	[sflag:s14] =	ssyncset.done $0x0  }
0x198: {  	s19 =	sadd.s32 $0x5F0, s18;
	[sflag:s14] =	ssyncadd.s32 $0xFFFFFB00  }
0x199: {  	[spmem:s1] =	stream.indirect.scatter.add.f32 [tilespmem:s10], [sflag:$0x1], $0x10, s19, s17, $0xb8;
	[tilespmem:$0x14050] =	vst v63  }
0x19a: {  	_ =	swait.ge [sflag:s14], $0x500  }
0x19b: {  	[sflag:s14] =	ssyncset.done $0x0  }
0x19c: {  	s19 =	sadd.s32 $0x2D00, s18;
	[sflag:s14] =	ssyncadd.s32 $0xFFFFFB00  }
0x19d: {  	[spmem:s3] =	stream.indirect.scatter.add.f32 [tilespmem:s10], [sflag:$0x1], $0x10, s19, s17, $0xb8;
	[tilespmem:$0x14050] =	vst v63  }
0x19e: {  	_ =	swait.ge [sflag:s14], $0x500  }
0x19f: {  	[sflag:s14] =	ssyncset.done $0x0  }
0x1a0: {  	s19 =	sadd.s32 $0x640, s18;
	[sflag:s14] =	ssyncadd.s32 $0xFFFFFB00  }
0x1a1: {  	[spmem:s1] =	stream.indirect.scatter.add.f32 [tilespmem:s11], [sflag:$0x1], $0x10, s19, s17, $0xb8;
	[tilespmem:$0x14050] =	vst v63  }
0x1a2: {  	_ =	swait.ge [sflag:s14], $0x500  }
0x1a3: {  	[sflag:s14] =	ssyncset.done $0x0  }
0x1a4: {  	s19 =	sadd.s32 $0x2D50, s18;
	[sflag:s14] =	ssyncadd.s32 $0xFFFFFB00  }
0x1a5: {  	[spmem:s3] =	stream.indirect.scatter.add.f32 [tilespmem:s11], [sflag:$0x1], $0x10, s19, s17, $0xb8;
	[tilespmem:$0x14050] =	vst v63  }
0x1a6: {  	_ =	swait.ge [sflag:s14], $0x500  }
0x1a7: {  	[sflag:s14] =	ssyncset.done $0x0  }
0x1a8: {  	s19 =	sadd.s32 $0x690, s18;
	[sflag:s14] =	ssyncadd.s32 $0xFFFFFB00  }
0x1a9: {  	[spmem:s1] =	stream.indirect.scatter.add.f32 [tilespmem:s5], [sflag:$0x1], $0x10, s19, s17, $0xb8;
	[tilespmem:$0x14050] =	vst v63  }
0x1aa: {  	_ =	swait.ge [sflag:s14], $0x500  }
0x1ab: {  	[sflag:s14] =	ssyncset.done $0x0  }
0x1ac: {  	s19 =	sadd.s32 $0x2DA0, s18;
	[sflag:s14] =	ssyncadd.s32 $0xFFFFFB00  }
0x1ad: {  	[spmem:s3] =	stream.indirect.scatter.add.f32 [tilespmem:s5], [sflag:$0x1], $0x10, s19, s17, $0xb8;
	[tilespmem:$0x14050] =	vst v63  }
0x1ae: {  	_ =	swait.ge [sflag:s14], $0x500  }
0x1af: {  	[sflag:s14] =	ssyncset.done $0x0  }
0x1b0: {  	s19 =	sadd.s32 $0x6E0, s18;
	[sflag:s14] =	ssyncadd.s32 $0xFFFFFB00  }
0x1b1: {  	[spmem:s1] =	stream.indirect.scatter.add.f32 [tilespmem:s6], [sflag:$0x1], $0x10, s19, s17, $0xb8;
	[tilespmem:$0x14050] =	vst v63  }
0x1b2: {  	_ =	swait.ge [sflag:s14], $0x500  }
0x1b3: {  	[sflag:s14] =	ssyncset.done $0x0  }
0x1b4: {  	s19 =	sadd.s32 $0x2DF0, s18;
	[sflag:s14] =	ssyncadd.s32 $0xFFFFFB00  }
0x1b5: {  	[spmem:s3] =	stream.indirect.scatter.add.f32 [tilespmem:s6], [sflag:$0x1], $0x10, s19, s17, $0xb8;
	[tilespmem:$0x14050] =	vst v63  }
0x1b6: {  	_ =	swait.ge [sflag:s14], $0x500  }
0x1b7: {  	[sflag:s14] =	ssyncset.done $0x0  }
0x1b8: {  	s19 =	sadd.s32 $0x730, s18;
	[sflag:s14] =	ssyncadd.s32 $0xFFFFFB00  }
0x1b9: {  	[spmem:s1] =	stream.indirect.scatter.add.f32 [tilespmem:s20], [sflag:$0x1], $0x10, s19, s17, $0xb8;
	[tilespmem:$0x14050] =	vst v63  }
0x1ba: {  	_ =	swait.ge [sflag:s14], $0x500  }
0x1bb: {  	[sflag:s14] =	ssyncset.done $0x0  }
0x1bc: {  	s19 =	sadd.s32 $0x2E40, s18;
	[sflag:s14] =	ssyncadd.s32 $0xFFFFFB00  }
0x1bd: {  	[spmem:s3] =	stream.indirect.scatter.add.f32 [tilespmem:s20], [sflag:$0x1], $0x10, s19, s17, $0xb8;
	[tilespmem:$0x14050] =	vst v63  }
0x1be: {  	_ =	swait.ge [sflag:s14], $0x500  }
0x1bf: {  	[sflag:s14] =	ssyncset.done $0x0  }
0x1c0: {  	s19 =	sadd.s32 $0x780, s18;
	[sflag:s14] =	ssyncadd.s32 $0xFFFFFB00  }
0x1c1: {  	[spmem:s1] =	stream.indirect.scatter.add.f32 [tilespmem:s21], [sflag:$0x1], $0x10, s19, s17, $0xb8;
	[tilespmem:$0x14050] =	vst v63  }
0x1c2: {  	_ =	swait.ge [sflag:s14], $0x500  }
0x1c3: {  	[sflag:s14] =	ssyncset.done $0x0  }
.Ltmp1:
0x1c4: {  	s18 =	sadd.s32 $0x2E90, s18;
	[sflag:s14] =	ssyncadd.s32 $0xFFFFFB00;
	(pc) =	sbr.rel @p0 .LBB2_4-.Ltmp1, $4  }
0x1c5: {  	[spmem:s3] =	stream.indirect.scatter.add.f32 [tilespmem:s21], [sflag:$0x1], $0x10, s18, s17, $0xb8;
	[tilespmem:$0x14050] =	vst v63  }
0x1c6: {  	s18 =	simm.s32 $0x0  }
0x1c7: {  	_ =	swait.ge [sflag:s14], $0x500  }
0x1c8: {  	[sflag:s14] =	ssyncset.done $0x0  }
0x1c9: {  	[sflag:s14] =	ssyncadd.s32 $0xFFFFFB00  }
0x1ca: {  	s4 =	stileid.u32;
	[bflag:$0x0] =	sbarrier.arrive $0xFFFF  }
0x1cb: {  	s4 =	sshll.u32 s4, $0x6;
	s10 =	rddreg [dreg:$0x6]  }
0x1cc: {  	s4 =	sor.u32 $0x1C01, s4;
	s19 =	rddreg [dreg:$0xa];
	s12 =	sshrl.u32 s10, $0x3  }
0x1cd: {  	[hbm:s19], [sflag:s4] =	dma.local [spmem:s12], $0x4E2  }
0x1ce: {  	_ =	swait.ge [sflag:s14], $0x4E2  }
0x1cf: {  	[sflag:s14] =	ssyncset.done $0x0;
	s22 =	rddreg [dreg:$0x7]  }
0x1d0: {  	s0 =	rddreg [dreg:$0xb];
	[sflag:s14] =	ssyncadd.s32 $0xFFFFFB1E;
	s12 =	sshrl.u32 s22, $0x3  }
0x1d1: {  	[hbm:s0], [sflag:s4] =	dma.local [spmem:s12], $0x4E2  }
0x1d2: {  	_ =	swait.ge [sflag:s14], $0x4E2  }
0x1d3: {  	s0 =	rddreg [dreg:$0xe]  }
0x1d4: {  	s22 =	rddreg [dreg:$0xc];
	s0 =	sadd.s32 $0x1, s0  }
0x1d5: {  	p0 =	sne.s32 s0, s22  }
.Ltmp2:
0x1d6: {  	_ = 	snop;
	(pc) =	sbr.rel @p0 .LBB2_1-.Ltmp2, $3  }
0x1d7: {  	_ =	sdelay $0x1  }
0x1d8: {  	[sflag:s14] =	ssyncset.done $0x0  }
0x1d9: {  	[sflag:s14] =	ssyncadd.s32 $0xFFFFFB1E  }
0x1da: {  	_ =	sfence.sel $0x180000  }
0x1db: {  	[bflag:$0x0] =	sbarrier.arrive $0xFFFF  }
0x1dc: {  	_ =	strace $0x9000004A  }
0x1dd: {  	s0 =	stileid.u32;
	[bflag:$0x2] =	sbarrier.arrive $0xFFFF  }
0x1de: {  	p0 =	sne.s32 s0, $0x0;
	s0 =	rddreg [dreg:$0x5]  }
0x1df: {  	s0 =	sadd.s32 @!p0 $0x100000, s0  }
0x1e0: {  	[sflag:s0] =	ssyncadd.tile.s32 @!p0 $0x1;
	_ =	shalt  }
.Lfunc_end2:
_tile_overlayer_lowered:
.L_overlay_start_2:
0x1e1: {  	(tag) =	ssettag $0x2  }
0x1e2: {  	s0 =	rddreg [dreg:$0x0];
	s2 =	stileid.u32  }
0x1e3: {  	s1 =	rddreg [dreg:$0x1];
	p0 =	sne.s32 s2, $0x0  }
0x1e4: {  	s3 =	rddreg [dreg:$0x2];
	[bflag:$0x3] =	sbarrier.arrive $0xFFFF;
	s2 =	simm.s32 @!p0 $0x1C01  }
0x1e5: {  	[timem:s3], [sflag:s2] =	dma.local @!p0 [hbm:s0], s1  }
0x1e6: {  	s0 =	simm.s32 @!p0 $0x1  }
0x1e7: {  	_ =	swait.ge @!p0 [sflag:s0], s1  }
0x1e8: {  	s1 =	ssub.s32 @!p0 $0x0, s1;
	[sflag:s0] =	ssyncset.done @!p0 $0x0  }
0x1e9: {  	[sflag:s0] =	ssyncadd.s32 @!p0 s1  }
0x1ea: {  	[bflag:$0x3] =	sbarrier.arrive $0xFFFF  }
0x1eb: {  	_ =	shalt  }

// kernel: kernel.7.cloned.1.call-start
scs
__scs_entry_jumppad:
0x0: {  	(pc) =	sbr.rel $0x88, $3  }
0x1: {  	(tag) =	ssettag $0x0;
	lr =	simm.s32 $0x1  }
0x2: {  	[smem:$0x3F90] =	sst lr;
	_ =	strace $0xD0000000  }
0x3: {  	_ = 	snop  }
0x4: {  	_ = 	snop  }
0x5: {  	_ = 	snop  }
0x6: {  	_ = 	snop  }
0x7: {  	_ = 	snop  }
__scs_overlays_trampoline_lowered:
0x8: {  	[smem:$0x3F9F] =	sst s0  }
0x9: {  	[smem:$0x3FA0] =	sst s1  }
0xa: {  	[smem:$0x3FA1] =	sst s2  }
0xb: {  	[smem:$0x3FA2] =	sst s3  }
0xc: {  	[smem:$0x3FA3] =	sst s4  }
0xd: {  	[smem:$0x3FA4] =	sst s5  }
0xe: {  	[smem:$0x3FA5] =	sst s6  }
0xf: {  	[smem:$0x3FA6] =	sst s7  }
0x10: {  	[smem:$0x3FA7] =	sst s8  }
0x11: {  	[smem:$0x3FA8] =	sst s9;
	s0 =	simm.s32 @!p0 $0x0  }
0x12: {  	s1 =	sld [smem:$0x3F8E];
	s0 =	simm.s32 @p0 $0x1  }
0x13: {  	[smem:$0x3FA9] =	sst s0;
	s0 =	simm.s32 @!p1 $0x0  }
0x14: {  	s2 =	sld [smem:$0x3F8D];
	s0 =	simm.s32 @p1 $0x1  }
0x15: {  	[smem:$0x3FAA] =	sst s0;
	s0 =	simm.s32 @!p2 $0x0  }
0x16: {  	s3 =	sld [smem:$0x3FDB];
	s0 =	simm.s32 @p2 $0x1  }
0x17: {  	s4 =	simm.s32 $0x1BF5;
	[smem:$0x3FAC] =	sst s0  }
0x18: {  	s0 =	sld [smem:$0x3F8F];
	_ =	swait.ge [sflag:s4], $0x0  }
0x19: {  	s7 =	sld [smem:$0x3F90]  }
0x1a: {  	s8 =	sadd.s32 $0xFFFFE003, lr  }
0x1b: {  	s9 =	sadd.s32 $0xFFFFFEF7, lr;
	s5 =	simm.s32 $0xFFFFFFFF;
	p2 =	slt.u32 s8, $0xFFFFF086  }
0x1c: {  	p1 =	slt.u32 s9, $0xF7A;
	s5 =	simm.s32 @!p2 $0x0  }
0x1d: {  	s5 =	simm.s32 @p1 $0x1;
	p0 =	seq.s32 s7, s2  }
0x1e: {  	s7 =	smul.u32 @!p0 $0xF7A, s2;
	p2 =	seq.s32 @!p0 s5, $0x0  }
0x1f: {  	s9 =	smul.u32 $0xF7A, s1;
	s8 =	simm.s32 @!p0 $0x1BF5;
	p2 =	por !p2, p0  }
0x20: {  	[sflag:s8] =	ssyncset.s32 @!p0 $0xFFFFF086;
	s6 =	sadd.s32 @!p0 s3, s7;
	s7 =	simm.s32 @!p0 $0x108  }
0x21: {  	s3 =	sadd.s32 s3, s9;
	s6 =	sadd.s32 @!p0 $0x88, s6;
	s7 =	simm.s32 @p2 $0x1082  }
0x22: {  	[simem:s7], [sflag:s8] =	dma.local @!p0 [hbm:s6], $0xF7A  }
0x23: {  	s9 =	sor.u32 $0xD0000000, s2;
	s6 =	simm.s32 $0x108;
	_ =	swait.ge @!p0 [sflag:s8], $0x0  }
0x24: {  	s3 =	sadd.s32 $0x88, s3;
	s6 =	simm.s32 @!p1 $0x1082;
	[sflag:s4] =	ssyncset.s32 $0xFFFFF086  }
0x25: {  	[simem:s6], [sflag:s4] =	dma.local [hbm:s3], $0xF7A  }
0x26: {  	[smem:$0x3F90] =	sst s1;
	(tag) =	ssettag s2;
	_ =	strace s9  }
0x27: {  	s1 =	sld [smem:$0x3FA0]  }
0x28: {  	s2 =	sld [smem:$0x3FA1]  }
0x29: {  	s4 =	sld [smem:$0x3FA3]  }
0x2a: {  	p0 =	seq.s32 s5, $0x0;
	s5 =	sld [smem:$0x3FA4]  }
0x2b: {  	s6 =	sld [smem:$0x3FA5]  }
0x2c: {  	s7 =	sld [smem:$0x3FA6]  }
0x2d: {  	s3 =	simm.s32 $0x108;
	s8 =	sld [smem:$0x3FA7]  }
0x2e: {  	s3 =	simm.s32 @!p0 $0x1082;
	s9 =	sld [smem:$0x3FA8]  }
0x2f: {  	lr =	sadd.s32 s0, s3;
	s0 =	sld [smem:$0x3F9F]  }
0x30: {  	s3 =	sld [smem:$0x3FA2]  }
0x31: {  	[smem:$0x3FAB] =	sst s10  }
0x32: {  	s10 =	sld [smem:$0x3FA9];
	_ =	sdelay $0x3  }
0x33: {  	p0 =	seq.s32 s10, $0x1;
	s10 =	sld [smem:$0x3FAB];
	_ =	sdelay $0x3  }
0x34: {  	[smem:$0x3FAB] =	sst s10  }
0x35: {  	s10 =	sld [smem:$0x3FAA];
	_ =	sdelay $0x3  }
0x36: {  	p1 =	seq.s32 s10, $0x1;
	s10 =	sld [smem:$0x3FAB];
	_ =	sdelay $0x3  }
0x37: {  	[smem:$0x3FAB] =	sst s10  }
0x38: {  	s10 =	sld [smem:$0x3FAC]  }
0x39: {  	_ = 	snop;
	(pc) =	sbr.ind lr, $3  }
0x3a: {  	_ = 	snop  }
0x3b: {  	_ = 	snop  }
0x3c: {  	p2 =	seq.s32 s10, $0x1;
	s10 =	sld [smem:$0x3FAB]  }
0x3d: {  	_ =	shalt  }
0x3e: {  	_ =	shalt  }
0x3f: {  	_ =	shalt  }
0x40: {  	_ =	shalt  }
0x41: {  	_ =	shalt  }
0x42: {  	_ =	shalt  }
0x43: {  	_ =	shalt  }
0x44: {  	_ =	shalt  }
0x45: {  	_ =	shalt  }
0x46: {  	_ =	shalt  }
0x47: {  	_ =	shalt  }
0x48: {  	_ =	shalt  }
0x49: {  	_ =	shalt  }
0x4a: {  	_ =	shalt  }
0x4b: {  	_ =	shalt  }
0x4c: {  	_ =	shalt  }
0x4d: {  	_ =	shalt  }
0x4e: {  	_ =	shalt  }
0x4f: {  	_ =	shalt  }
0x50: {  	_ =	shalt  }
0x51: {  	_ =	shalt  }
0x52: {  	_ =	shalt  }
0x53: {  	_ =	shalt  }
0x54: {  	_ =	shalt  }
0x55: {  	_ =	shalt  }
0x56: {  	_ =	shalt  }
0x57: {  	_ =	shalt  }
0x58: {  	_ =	shalt  }
0x59: {  	_ =	shalt  }
0x5a: {  	_ =	shalt  }
0x5b: {  	_ =	shalt  }
0x5c: {  	_ =	shalt  }
0x5d: {  	_ =	shalt  }
0x5e: {  	_ =	shalt  }
0x5f: {  	_ =	shalt  }
0x60: {  	_ =	shalt  }
0x61: {  	_ =	shalt  }
0x62: {  	_ =	shalt  }
0x63: {  	_ =	shalt  }
0x64: {  	_ =	shalt  }
0x65: {  	_ =	shalt  }
0x66: {  	_ =	shalt  }
0x67: {  	_ =	shalt  }
0x68: {  	_ =	shalt  }
0x69: {  	_ =	shalt  }
0x6a: {  	_ =	shalt  }
0x6b: {  	_ =	shalt  }
0x6c: {  	_ =	shalt  }
0x6d: {  	_ =	shalt  }
0x6e: {  	_ =	shalt  }
0x6f: {  	_ =	shalt  }
0x70: {  	_ =	shalt  }
0x71: {  	_ =	shalt  }
0x72: {  	_ =	shalt  }
0x73: {  	_ =	shalt  }
0x74: {  	_ =	shalt  }
0x75: {  	_ =	shalt  }
0x76: {  	_ =	shalt  }
0x77: {  	_ =	shalt  }
0x78: {  	_ =	shalt  }
0x79: {  	_ =	shalt  }
0x7a: {  	_ =	shalt  }
0x7b: {  	_ =	shalt  }
0x7c: {  	_ =	shalt  }
0x7d: {  	_ =	shalt  }
0x7e: {  	_ =	shalt  }
0x7f: {  	_ =	shalt  }
0x80: {  	_ =	shalt  }
0x81: {  	_ =	shalt  }
0x82: {  	_ =	shalt  }
0x83: {  	_ =	shalt  }
0x84: {  	_ =	shalt  }
0x85: {  	_ =	shalt  }
0x86: {  	_ =	shalt  }
0x87: {  	_ =	shalt  }
.Lfunc_end0:
.L_simem_size_0:
called_computation_lowered:
.L_overlay_start_0:
0x88: {  	s2 =	sld [smem:$0x3FD9]  }
0x89: {  	s3 =	sld [smem:$0x3FFE];
	_ =	sdelay $0x1  }
0x8a: {  	s1 =	srdreg.scid  }
0x8b: {  	s0 =	sand.u32 $0x1, s1  }
0x8c: {  	s14 =	sshll.u32 s0, $0xA;
	s2 =	sadd.s32 s3, s2  }
0x8d: {  	s2 =	sadd.s32 s2, s14  }
0x8e: {  	[smem:$0x3FB7] =	sst s2  }
0x8f: {  	_ = 	snop  }
0x90: {  	s2 =	sld [smem:$0x3FD0];
	_ =	sdelay $0x1  }
0x91: {  	s15 =	sld [smem:$0x3FC7]  }
0x92: {  	s5 =	simm.s32 $0xA;
	s6 =	simm.s32 $0x10;
	s4 =	sld [smem:$0x3FC6]  }
0x93: {  	[smem:s6], [sflag:s5] =	dma.local [hbm:s2], $0x1  }
0x94: {  	_ =	swait.eq [sflag:s5], $0x1  }
0x95: {  	[sflag:s5] =	ssyncset.done $0x0  }
0x96: {  	[sflag:s5] =	ssyncadd.s32 $0xFFFFFFFF  }
0x97: {  	s16 =	sld [smem:$0x10];
	(tm) =	ssettm $0x1  }
0x98: {  	s17 =	sld [smem:$0x3FFB];
	_ =	sdelay $0x3  }
0x99: {  	_ =	strace s17  }
0x9a: {  	s5 =	sld [smem:$0x3FFC];
	_ =	sdelay $0x3  }
0x9b: {  	_ =	strace s5  }
0x9c: {  	s5 =	sld [smem:$0x3FFD];
	_ =	sdelay $0x3  }
0x9d: {  	_ =	strace s5  }
0x9e: {  	_ =	strace $0x8FFFFFFF  }
0x9f: {  	s18 =	sld [smem:$0x3FDB];
	_ =	sdelay $0x1  }
0xa0: {  	s19 =	simm.s32 $_scs_section_size  }
0xa1: {  	s7 =	simm.s32 $_size__tile_overlayer_lowered;
	s8 =	simm.s32 $_tile_overlayer_lowered  }
0xa2: {  	s22 =	simm.s32 $0x1BFF;
	s21 =	sshll.u32 s8, $0x1;
	s5 =	sadd.s32 s19, s18  }
0xa3: {  	s9 =	simm.s32 $0x0;
	s20 =	sshll.u32 s7, $0x1;
	s7 =	sadd.s32 s21, s5  }
0xa4: {  	[timem:s9], [sflag:s22] =	dma.local [hbm:s7], s20  }
0xa5: {  	_ =	swait.ge [sflag:s22], s20  }
0xa6: {  	s6 =	ssub.s32 $0x0, s20;
	[sflag:s22] =	ssyncset.done $0x0  }
0xa7: {  	[sflag:s22] =	ssyncadd.s32 s6;
	_ =	sdelay $0x1  }
0xa8: {  	s23 =	simm.s32 $0x1B8B  }
0xa9: {  	_ =	swait.ge [sflag:s23], $0x1  }
0xaa: {  	[sflag:s23] =	ssyncset.done $0x0  }
0xab: {  	s25 =	simm.s32 $0x1B8E;
	s24 =	sld [smem:$0x3FFE];
	[sflag:s23] =	ssyncadd.s32 $0xFFFFFFFF  }
0xac: {  	s26 =	simm.s32 $execute0_lowered;
	[smem:$0x3FD2] =	sst s25  }
0xad: {  	s7 =	sshll.u32 s26, $0x1;
	_ =	strace $0x80000046;
	[dreg:$0x1] =	wrdreg $0xFFFFFFFF  }
0xae: {  	s28 =	simm.s32 $_size_execute0_lowered;
	s5 =	sadd.s32 s5, s7;
	[dreg:$0x0] =	wrdreg $0x0  }
0xaf: {  	s7 =	sshll.u32 s28, $0x1;
	[dreg:$0x2] =	wrdreg s5  }
0xb0: {  	[dreg:$0x3] =	wrdreg s7  }
0xb1: {  	[dreg:$0x4] =	wrdreg $0xC0  }
0xb2: {  	_ =	task [dreg:s9], $0x5FFFF  }
0xb3: {  	[dreg:$0x1] =	wrdreg $0xFFFFFFFF  }
0xb4: {  	[dreg:$0x0] =	wrdreg $0x60  }
0xb5: {  	[dreg:$0x2] =	wrdreg s16  }
0xb6: {  	[dreg:$0x3] =	wrdreg s24  }
0xb7: {  	[dreg:$0x4] =	wrdreg s15  }
0xb8: {  	[dreg:$0x5] =	wrdreg s4  }
0xb9: {  	[dreg:$0x6] =	wrdreg $0x9  }
0xba: {  	_ =	task.clear_ibuf [dreg:s9], $0x7FFFF;
	_ =	strace $0x90000046  }
0xbb: {  	s29 =	simm.s32 $0x9;
	_ =	strace $0x80000048  }
0xbc: {  	_ =	swait.ge [sflag:s29], $0x1  }
0xbd: {  	[sflag:s29] =	ssyncadd.s32 $0xFFFFFFFF  }
0xbe: {  	_ =	strace $0x90000048  }
0xbf: {  	_ =	sfence  }
0xc0: {  	s30 =	sld [smem:$0x0];
	_ =	sdelay $0x2  }
0xc1: {  	s31 =	sshll.u32 s1, $0xD;
	s1 =	sshrl.u32 s1, $0x2  }
0xc2: {  	s3 =	sand.u32 $0x4000, s31;
	s1 =	sadd.s32 s1, s30  }
0xc3: {  	s0 =	sor.u32 s3, s0;
	s1 =	sshll.u32 s1, $0x11  }
0xc4: {  	s0 =	sor.u32 s1, s0  }
0xc5: {  	s0 =	sadd.s32 $0x8F2B, s0  }
0xc6: {  	[sflag:s0] =	ssyncadd.remote.s32 $0x1  }
0xc7: {  	_ =	sfence.sel $0xFFFF  }
0xc8: {  	[dreg:$0x0] =	wrdreg $0xFFFFFFFF;
	(pc) =	sbr.abs _section_cstart, $3  }
0xc9: {  	[dreg:$0x1] =	wrdreg $0xFFFFFFFF  }
0xca: {  	_ =	task.clear_ibuf [dreg:s9], $0x2FFFF;
	_ =	strace $0x9FFFFFFF  }
0xcb: {  	(tm) =	ssettm $0x7FFFFFFF  }
tec
execute0_lowered:
.L_overlay_start_1:
0x0: {  	(tag) =	ssettag $0x1  }
0x1: {  	s1 =	rddreg [dreg:$0x0]  }
0x2: {  	s4 =	rddreg [dreg:$0x1]  }
0x3: {  	s5 =	rddreg [dreg:$0x2]  }
0x4: {  	s6 =	rddreg [dreg:$0x3]  }
0x5: {  	s0 =	rddreg [dreg:$0x4];
	s2 =	simm.s32 $0x0  }
0x6: {  	s3 =	simm.s32 $0x5320;
	[smem:$0x7FF] =	sst s2  }
0x7: {  	s12 =	simm.s32 $0xD020;
	_ =	strace $0x80000047;
	[dreg:$0x5] =	wrdreg s3  }
0x8: {  	s13 =	simm.s32 $0x5820;
	[dreg:$0x6] =	wrdreg s12  }
0x9: {  	s14 =	simm.s32 $0xD520;
	[dreg:$0x7] =	wrdreg s13  }
0xa: {  	s15 =	simm.s32 $0x5D20;
	[dreg:$0x8] =	wrdreg s14  }
0xb: {  	s16 =	simm.s32 $0xDA20;
	[dreg:$0x9] =	wrdreg s15  }
0xc: {  	s17 =	simm.s32 $0x6220;
	[dreg:$0xa] =	wrdreg s16  }
0xd: {  	s18 =	simm.s32 $0xDF20;
	[dreg:$0xb] =	wrdreg s17  }
0xe: {  	s19 =	simm.s32 $0x6720;
	[dreg:$0xc] =	wrdreg s18  }
0xf: {  	s20 =	simm.s32 $0xE420;
	[dreg:$0xd] =	wrdreg s19  }
0x10: {  	s21 =	simm.s32 $0x6C20;
	[dreg:$0xe] =	wrdreg s20  }
0x11: {  	s22 =	simm.s32 $0xE920;
	[dreg:$0xf] =	wrdreg s21  }
0x12: {  	s23 =	simm.s32 $0x7120;
	[dreg:$0x10] =	wrdreg s22  }
0x13: {  	s24 =	simm.s32 $0xEE20;
	[dreg:$0x11] =	wrdreg s23  }
0x14: {  	s25 =	simm.s32 $0x7620;
	[dreg:$0x12] =	wrdreg s24  }
0x15: {  	s26 =	simm.s32 $0xF320;
	[dreg:$0x13] =	wrdreg s25  }
0x16: {  	s28 =	simm.s32 $0x7B20;
	[dreg:$0x14] =	wrdreg s26  }
0x17: {  	s29 =	simm.s32 $0xF820;
	[dreg:$0x15] =	wrdreg s28  }
0x18: {  	s30 =	simm.s32 $0x8020;
	[dreg:$0x16] =	wrdreg s29  }
0x19: {  	s31 =	simm.s32 $0xFD20;
	[dreg:$0x17] =	wrdreg s30  }
0x1a: {  	s7 =	simm.s32 $0x8520;
	[dreg:$0x18] =	wrdreg s31  }
0x1b: {  	s8 =	simm.s32 $0x10220;
	[dreg:$0x19] =	wrdreg s7  }
0x1c: {  	s9 =	simm.s32 $0x8A20;
	[dreg:$0x1a] =	wrdreg s8  }
0x1d: {  	s10 =	simm.s32 $0x10720;
	[dreg:$0x1b] =	wrdreg s9  }
0x1e: {  	s11 =	simm.s32 $0x8F20;
	[dreg:$0x1c] =	wrdreg s10  }
0x1f: {  	[dreg:$0x1d] =	wrdreg s11;
	s9 =	simm.s32 $0x10C20  }
0x20: {  	s12 =	simm.s32 $0x9420;
	[dreg:$0x1e] =	wrdreg s9  }
0x21: {  	s13 =	simm.s32 $0x11120;
	[dreg:$0x1f] =	wrdreg s12  }
0x22: {  	s14 =	simm.s32 $0x9920;
	[smem:$0x7E9] =	sst s13  }
0x23: {  	s15 =	simm.s32 $0x11620;
	[smem:$0x7EA] =	sst s14  }
0x24: {  	s16 =	simm.s32 $0x9E20;
	[smem:$0x7EB] =	sst s15  }
0x25: {  	s17 =	simm.s32 $0x11B20;
	[smem:$0x7EC] =	sst s16  }
0x26: {  	s18 =	simm.s32 $0xA320;
	[smem:$0x7ED] =	sst s17  }
0x27: {  	s19 =	simm.s32 $0x12020;
	[smem:$0x7EE] =	sst s18  }
0x28: {  	s20 =	simm.s32 $0xA820;
	[smem:$0x7EF] =	sst s19  }
0x29: {  	s21 =	simm.s32 $0x12520;
	[smem:$0x7F0] =	sst s20  }
0x2a: {  	s22 =	simm.s32 $0xAD20;
	[smem:$0x7F1] =	sst s21  }
0x2b: {  	s23 =	simm.s32 $0x12A20;
	[smem:$0x7F2] =	sst s22  }
0x2c: {  	s25 =	simm.s32 $0xB220;
	[smem:$0x7F3] =	sst s23  }
0x2d: {  	s26 =	simm.s32 $0x12F20;
	[smem:$0x7F4] =	sst s25  }
0x2e: {  	s28 =	simm.s32 $0xB720;
	[smem:$0x7F5] =	sst s26  }
0x2f: {  	s7 =	srdreg.scid;
	s29 =	simm.s32 $0x13420;
	[smem:$0x7F6] =	sst s28  }
0x30: {  	s3 =	sadd.s32 $0x2C000, s4;
	s30 =	simm.s32 $0xBC20;
	[smem:$0x7F7] =	sst s29  }
0x31: {  	s31 =	simm.s32 $0x14320;
	s7 =	sand.u32 $0x1, s7;
	[smem:$0x7F8] =	sst s30  }
0x32: {  	s12 =	simm.s32 $0x13920;
	s13 =	simm.s32 $0xC120;
	s14 =	simm.s32 $0x13E20  }
0x33: {  	s15 =	simm.s32 $0xC620;
	[smem:$0x7FD] =	sst s31;
	s16 =	simm.s32 $0x0  }
0x34: {  	s8 =	smul.u32 $0x4E200, s7;
	s10 =	ssub.s32 $0x2, s7;
	[smem:$0x7F9] =	sst s12  }
0x35: {  	s7 =	sshll.u32 s7, $0x4;
	s12 =	simm.s32 $0x50;
	[smem:$0x7FA] =	sst s13  }
0x36: {  	s13 =	simm.s32 $0x4E20;
	s8 =	sadd.s32 s8, s4;
	s4 =	stileid.u32  }
0x37: {  	[smem:$0x7FB] =	sst s14;
	s7 =	sor.u32 s4, s7;
	s24 =	smul.u32 $0x4E20, s4  }
0x38: {  	s14 =	simm.s32 $0xCB20;
	s11 =	sshrl.u32 s10, $0x1;
	s7 =	smul.u32 $0x2710, s7  }
0x39: {  	[smem:$0x7FC] =	sst s15;
	s15 =	simm.s32 $0x1;
	s10 =	ssub.s32 s10, s11  }
0x3a: {  	s11 =	simm.s32 $0x2710;
	s9 =	sadd.s32 s24, s8;
	s7 =	sshrl.u32 s7, $0x3  }
0x3b: {  	s8 =	sadd.s32 $0xCD400, s9;
	s9 =	sadd.s32 $0x31000, s9;
	s5 =	sadd.s32 s5, s7  }
0x3c: {  	s6 =	sadd.s32 s6, s7;
	s7 =	smax.u32 s10, $0x1;
	s10 =	simm.s32 $0x2  }
.LBB2_1:
0x3d: {  	[tilespmem:s2], [sflag:$0x2] =	stream.linear.gather [hbm4b:s5+s2], $0x2710, $0x38;
	[tilespmem:$0x14820] =	vst v63  }
0x3e: {  	_ =	swait.ge [sflag:s10], $0x2710  }
0x3f: {  	[sflag:s10] =	ssyncset.done $0x0  }
0x40: {  	[sflag:s10] =	ssyncadd.s32 $0xFFFFD8F0  }
0x41: {  	[tilespmem:s11], [sflag:$0x2] =	stream.linear.gather [hbm4b:s6+s2], $0x2710, $0x38;
	[tilespmem:$0x14820] =	vst v63  }
0x42: {  	_ =	swait.ge [sflag:s10], $0x2710  }
0x43: {  	[sflag:s10] =	ssyncset.done $0x0  }
0x44: {  	s17 =	simm.s32 $0x0;
	[sflag:s10] =	ssyncadd.s32 $0xFFFFD8F0  }
0x45: {  	[tilespmem:s13], [sflag:$0x1] =	stream.indirect.gather [hbm4b:s1+s12], $0x10, s17, s12, $0xb8;
	[tilespmem:$0x14820] =	vst v63  }
0x46: {  	s19 =	simm.s32 $0x2710;
	s18 =	rddreg [dreg:$0x5]  }
0x47: {  	[tilespmem:s14], [sflag:$0x1] =	stream.indirect.gather [hbm4b:s3+s12], $0x10, s19, s12, $0xb8;
	[tilespmem:$0x14820] =	vst v63  }
0x48: {  	s20 =	simm.s32 $0x50;
	s22 =	rddreg [dreg:$0x7]  }
0x49: {  	[tilespmem:s18], [sflag:$0x1] =	stream.indirect.gather [hbm4b:s1+s12], $0x10, s20, s12, $0xb8;
	[tilespmem:$0x14820] =	vst v63  }
0x4a: {  	s21 =	simm.s32 $0x2760;
	s19 =	rddreg [dreg:$0x6]  }
0x4b: {  	[tilespmem:s19], [sflag:$0x1] =	stream.indirect.gather [hbm4b:s3+s12], $0x10, s21, s12, $0xb8;
	[tilespmem:$0x14820] =	vst v63  }
0x4c: {  	s23 =	simm.s32 $0xA0;
	s24 =	rddreg [dreg:$0x8]  }
0x4d: {  	[tilespmem:s22], [sflag:$0x1] =	stream.indirect.gather [hbm4b:s1+s12], $0x10, s23, s12, $0xb8;
	[tilespmem:$0x14820] =	vst v63  }
0x4e: {  	s25 =	simm.s32 $0x27B0;
	s26 =	rddreg [dreg:$0x9]  }
0x4f: {  	[tilespmem:s24], [sflag:$0x1] =	stream.indirect.gather [hbm4b:s3+s12], $0x10, s25, s12, $0xb8;
	[tilespmem:$0x14820] =	vst v63  }
0x50: {  	s28 =	simm.s32 $0xF0;
	s29 =	rddreg [dreg:$0xa]  }
0x51: {  	[tilespmem:s26], [sflag:$0x1] =	stream.indirect.gather [hbm4b:s1+s12], $0x10, s28, s12, $0xb8;
	[tilespmem:$0x14820] =	vst v63  }
0x52: {  	s30 =	simm.s32 $0x2800;
	s31 =	rddreg [dreg:$0xb]  }
0x53: {  	[tilespmem:s29], [sflag:$0x1] =	stream.indirect.gather [hbm4b:s3+s12], $0x10, s30, s12, $0xb8;
	[tilespmem:$0x14820] =	vst v63  }
0x54: {  	s20 =	rddreg [dreg:$0xc];
	s19 =	simm.s32 $0x140  }
0x55: {  	[tilespmem:s31], [sflag:$0x1] =	stream.indirect.gather [hbm4b:s1+s12], $0x10, s19, s12, $0xb8;
	[tilespmem:$0x14820] =	vst v63  }
0x56: {  	s21 =	simm.s32 $0x2850;
	s22 =	rddreg [dreg:$0xd]  }
0x57: {  	[tilespmem:s20], [sflag:$0x1] =	stream.indirect.gather [hbm4b:s3+s12], $0x10, s21, s12, $0xb8;
	[tilespmem:$0x14820] =	vst v63  }
0x58: {  	s23 =	simm.s32 $0x190;
	s24 =	rddreg [dreg:$0xe]  }
0x59: {  	[tilespmem:s22], [sflag:$0x1] =	stream.indirect.gather [hbm4b:s1+s12], $0x10, s23, s12, $0xb8;
	[tilespmem:$0x14820] =	vst v63  }
0x5a: {  	s25 =	simm.s32 $0x28A0;
	s26 =	rddreg [dreg:$0xf]  }
0x5b: {  	[tilespmem:s24], [sflag:$0x1] =	stream.indirect.gather [hbm4b:s3+s12], $0x10, s25, s12, $0xb8;
	[tilespmem:$0x14820] =	vst v63  }
0x5c: {  	s28 =	simm.s32 $0x1E0;
	s29 =	rddreg [dreg:$0x10]  }
0x5d: {  	[tilespmem:s26], [sflag:$0x1] =	stream.indirect.gather [hbm4b:s1+s12], $0x10, s28, s12, $0xb8;
	[tilespmem:$0x14820] =	vst v63  }
0x5e: {  	s30 =	simm.s32 $0x28F0;
	s31 =	rddreg [dreg:$0x11]  }
0x5f: {  	[tilespmem:s29], [sflag:$0x1] =	stream.indirect.gather [hbm4b:s3+s12], $0x10, s30, s12, $0xb8;
	[tilespmem:$0x14820] =	vst v63  }
0x60: {  	s19 =	simm.s32 $0x230;
	s20 =	rddreg [dreg:$0x12]  }
0x61: {  	[tilespmem:s31], [sflag:$0x1] =	stream.indirect.gather [hbm4b:s1+s12], $0x10, s19, s12, $0xb8;
	[tilespmem:$0x14820] =	vst v63  }
0x62: {  	s21 =	simm.s32 $0x2940;
	s22 =	rddreg [dreg:$0x13]  }
0x63: {  	[tilespmem:s20], [sflag:$0x1] =	stream.indirect.gather [hbm4b:s3+s12], $0x10, s21, s12, $0xb8;
	[tilespmem:$0x14820] =	vst v63  }
0x64: {  	s23 =	simm.s32 $0x280;
	s24 =	rddreg [dreg:$0x14]  }
0x65: {  	[tilespmem:s22], [sflag:$0x1] =	stream.indirect.gather [hbm4b:s1+s12], $0x10, s23, s12, $0xb8;
	[tilespmem:$0x14820] =	vst v63  }
0x66: {  	s25 =	simm.s32 $0x2990;
	s26 =	rddreg [dreg:$0x15]  }
0x67: {  	[tilespmem:s24], [sflag:$0x1] =	stream.indirect.gather [hbm4b:s3+s12], $0x10, s25, s12, $0xb8;
	[tilespmem:$0x14820] =	vst v63  }
0x68: {  	s28 =	simm.s32 $0x2D0;
	s29 =	rddreg [dreg:$0x16]  }
0x69: {  	[tilespmem:s26], [sflag:$0x1] =	stream.indirect.gather [hbm4b:s1+s12], $0x10, s28, s12, $0xb8;
	[tilespmem:$0x14820] =	vst v63  }
0x6a: {  	s30 =	simm.s32 $0x29E0;
	s31 =	rddreg [dreg:$0x17]  }
0x6b: {  	[tilespmem:s29], [sflag:$0x1] =	stream.indirect.gather [hbm4b:s3+s12], $0x10, s30, s12, $0xb8;
	[tilespmem:$0x14820] =	vst v63  }
0x6c: {  	s19 =	simm.s32 $0x320;
	s20 =	rddreg [dreg:$0x18]  }
0x6d: {  	[tilespmem:s31], [sflag:$0x1] =	stream.indirect.gather [hbm4b:s1+s12], $0x10, s19, s12, $0xb8;
	[tilespmem:$0x14820] =	vst v63  }
0x6e: {  	s21 =	simm.s32 $0x2A30;
	s22 =	rddreg [dreg:$0x19]  }
0x6f: {  	[tilespmem:s20], [sflag:$0x1] =	stream.indirect.gather [hbm4b:s3+s12], $0x10, s21, s12, $0xb8;
	[tilespmem:$0x14820] =	vst v63  }
0x70: {  	s23 =	simm.s32 $0x370;
	s24 =	rddreg [dreg:$0x1a]  }
0x71: {  	[tilespmem:s22], [sflag:$0x1] =	stream.indirect.gather [hbm4b:s1+s12], $0x10, s23, s12, $0xb8;
	[tilespmem:$0x14820] =	vst v63  }
0x72: {  	s25 =	simm.s32 $0x2A80;
	s26 =	rddreg [dreg:$0x1b]  }
0x73: {  	[tilespmem:s24], [sflag:$0x1] =	stream.indirect.gather [hbm4b:s3+s12], $0x10, s25, s12, $0xb8;
	[tilespmem:$0x14820] =	vst v63  }
0x74: {  	s28 =	simm.s32 $0x3C0;
	s29 =	rddreg [dreg:$0x1c]  }
0x75: {  	[tilespmem:s26], [sflag:$0x1] =	stream.indirect.gather [hbm4b:s1+s12], $0x10, s28, s12, $0xb8;
	[tilespmem:$0x14820] =	vst v63  }
0x76: {  	s30 =	simm.s32 $0x2AD0;
	s31 =	rddreg [dreg:$0x1d]  }
0x77: {  	[tilespmem:s29], [sflag:$0x1] =	stream.indirect.gather [hbm4b:s3+s12], $0x10, s30, s12, $0xb8;
	[tilespmem:$0x14820] =	vst v63  }
0x78: {  	s19 =	simm.s32 $0x410;
	s20 =	rddreg [dreg:$0x1e]  }
0x79: {  	[tilespmem:s31], [sflag:$0x1] =	stream.indirect.gather [hbm4b:s1+s12], $0x10, s19, s12, $0xb8;
	[tilespmem:$0x14820] =	vst v63  }
0x7a: {  	s21 =	simm.s32 $0x2B20;
	s22 =	rddreg [dreg:$0x1f]  }
0x7b: {  	[tilespmem:s20], [sflag:$0x1] =	stream.indirect.gather [hbm4b:s3+s12], $0x10, s21, s12, $0xb8;
	[tilespmem:$0x14820] =	vst v63  }
0x7c: {  	s23 =	simm.s32 $0x460;
	s24 =	sld [smem:$0x7E9]  }
0x7d: {  	[tilespmem:s22], [sflag:$0x1] =	stream.indirect.gather [hbm4b:s1+s12], $0x10, s23, s12, $0xb8;
	[tilespmem:$0x14820] =	vst v63  }
0x7e: {  	s25 =	simm.s32 $0x2B70;
	s26 =	sld [smem:$0x7EA]  }
0x7f: {  	[tilespmem:s24], [sflag:$0x1] =	stream.indirect.gather [hbm4b:s3+s12], $0x10, s25, s12, $0xb8;
	[tilespmem:$0x14820] =	vst v63  }
0x80: {  	s28 =	simm.s32 $0x4B0;
	s29 =	sld [smem:$0x7EB]  }
0x81: {  	[tilespmem:s26], [sflag:$0x1] =	stream.indirect.gather [hbm4b:s1+s12], $0x10, s28, s12, $0xb8;
	[tilespmem:$0x14820] =	vst v63  }
0x82: {  	s30 =	simm.s32 $0x2BC0;
	s31 =	sld [smem:$0x7EC]  }
0x83: {  	[tilespmem:s29], [sflag:$0x1] =	stream.indirect.gather [hbm4b:s3+s12], $0x10, s30, s12, $0xb8;
	[tilespmem:$0x14820] =	vst v63  }
0x84: {  	s19 =	simm.s32 $0x500;
	s20 =	sld [smem:$0x7ED]  }
0x85: {  	[tilespmem:s31], [sflag:$0x1] =	stream.indirect.gather [hbm4b:s1+s12], $0x10, s19, s12, $0xb8;
	[tilespmem:$0x14820] =	vst v63  }
0x86: {  	s21 =	simm.s32 $0x2C10;
	s22 =	sld [smem:$0x7EE]  }
0x87: {  	[tilespmem:s20], [sflag:$0x1] =	stream.indirect.gather [hbm4b:s3+s12], $0x10, s21, s12, $0xb8;
	[tilespmem:$0x14820] =	vst v63  }
0x88: {  	s23 =	simm.s32 $0x550;
	s24 =	sld [smem:$0x7EF]  }
0x89: {  	[tilespmem:s22], [sflag:$0x1] =	stream.indirect.gather [hbm4b:s1+s12], $0x10, s23, s12, $0xb8;
	[tilespmem:$0x14820] =	vst v63  }
0x8a: {  	s25 =	simm.s32 $0x2C60;
	s26 =	sld [smem:$0x7F0]  }
0x8b: {  	[tilespmem:s24], [sflag:$0x1] =	stream.indirect.gather [hbm4b:s3+s12], $0x10, s25, s12, $0xb8;
	[tilespmem:$0x14820] =	vst v63  }
0x8c: {  	s28 =	simm.s32 $0x5A0;
	s29 =	sld [smem:$0x7F1]  }
0x8d: {  	[tilespmem:s26], [sflag:$0x1] =	stream.indirect.gather [hbm4b:s1+s12], $0x10, s28, s12, $0xb8;
	[tilespmem:$0x14820] =	vst v63  }
0x8e: {  	s30 =	simm.s32 $0x2CB0;
	s31 =	sld [smem:$0x7F2]  }
0x8f: {  	[tilespmem:s29], [sflag:$0x1] =	stream.indirect.gather [hbm4b:s3+s12], $0x10, s30, s12, $0xb8;
	[tilespmem:$0x14820] =	vst v63  }
0x90: {  	s19 =	simm.s32 $0x5F0;
	s20 =	sld [smem:$0x7F3]  }
0x91: {  	[tilespmem:s31], [sflag:$0x1] =	stream.indirect.gather [hbm4b:s1+s12], $0x10, s19, s12, $0xb8;
	[tilespmem:$0x14820] =	vst v63  }
0x92: {  	s21 =	simm.s32 $0x2D00;
	s22 =	sld [smem:$0x7F4]  }
0x93: {  	[tilespmem:s20], [sflag:$0x1] =	stream.indirect.gather [hbm4b:s3+s12], $0x10, s21, s12, $0xb8;
	[tilespmem:$0x14820] =	vst v63  }
0x94: {  	s23 =	simm.s32 $0x640;
	s24 =	sld [smem:$0x7F5]  }
0x95: {  	[tilespmem:s22], [sflag:$0x1] =	stream.indirect.gather [hbm4b:s1+s12], $0x10, s23, s12, $0xb8;
	[tilespmem:$0x14820] =	vst v63  }
0x96: {  	s25 =	simm.s32 $0x2D50;
	s26 =	sld [smem:$0x7F6]  }
0x97: {  	[tilespmem:s24], [sflag:$0x1] =	stream.indirect.gather [hbm4b:s3+s12], $0x10, s25, s12, $0xb8;
	[tilespmem:$0x14820] =	vst v63  }
0x98: {  	s28 =	simm.s32 $0x690;
	s29 =	sld [smem:$0x7F7]  }
0x99: {  	[tilespmem:s26], [sflag:$0x1] =	stream.indirect.gather [hbm4b:s1+s12], $0x10, s28, s12, $0xb8;
	[tilespmem:$0x14820] =	vst v63  }
0x9a: {  	s30 =	simm.s32 $0x2DA0;
	s31 =	sld [smem:$0x7F8]  }
0x9b: {  	[tilespmem:s29], [sflag:$0x1] =	stream.indirect.gather [hbm4b:s3+s12], $0x10, s30, s12, $0xb8;
	[tilespmem:$0x14820] =	vst v63  }
0x9c: {  	s20 =	simm.s32 $0x6E0;
	s21 =	sld [smem:$0x7F9]  }
0x9d: {  	[tilespmem:s31], [sflag:$0x1] =	stream.indirect.gather [hbm4b:s1+s12], $0x10, s20, s12, $0xb8;
	[tilespmem:$0x14820] =	vst v63  }
0x9e: {  	s22 =	simm.s32 $0x2DF0;
	s23 =	sld [smem:$0x7FA]  }
0x9f: {  	[tilespmem:s21], [sflag:$0x1] =	stream.indirect.gather [hbm4b:s3+s12], $0x10, s22, s12, $0xb8;
	[tilespmem:$0x14820] =	vst v63  }
0xa0: {  	s24 =	simm.s32 $0x730;
	s25 =	sld [smem:$0x7FB]  }
0xa1: {  	[tilespmem:s23], [sflag:$0x1] =	stream.indirect.gather [hbm4b:s1+s12], $0x10, s24, s12, $0xb8;
	[tilespmem:$0x14820] =	vst v63  }
0xa2: {  	s26 =	simm.s32 $0x2E40;
	s28 =	sld [smem:$0x7FC]  }
0xa3: {  	[tilespmem:s25], [sflag:$0x1] =	stream.indirect.gather [hbm4b:s3+s12], $0x10, s26, s12, $0xb8;
	[tilespmem:$0x14820] =	vst v63  }
0xa4: {  	s29 =	simm.s32 $0x780;
	s30 =	sld [smem:$0x7FD]  }
0xa5: {  	[tilespmem:s28], [sflag:$0x1] =	stream.indirect.gather [hbm4b:s1+s12], $0x10, s29, s12, $0xb8;
	[tilespmem:$0x14820] =	vst v63  }
0xa6: {  	s31 =	simm.s32 $0x2E90  }
0xa7: {  	[tilespmem:s30], [sflag:$0x1] =	stream.indirect.gather [hbm4b:s3+s12], $0x10, s31, s12, $0xb8;
	[tilespmem:$0x14820] =	vst v63  }
0xa8: {  	_ =	swait.ge [sflag:s15], $0x500  }
0xa9: {  	[sflag:s15] =	ssyncset.done $0x0  }
0xaa: {  	[sflag:s15] =	ssyncadd.s32 $0xFFFFFB00  }
0xab: {  	_ =	swait.ge [sflag:s15], $0x500  }
0xac: {  	[sflag:s15] =	ssyncset.done $0x0  }
0xad: {  	[sflag:s15] =	ssyncadd.s32 $0xFFFFFB00  }
0xae: {  	_ =	swait.ge [sflag:s15], $0x500  }
0xaf: {  	[sflag:s15] =	ssyncset.done $0x0  }
0xb0: {  	[sflag:s15] =	ssyncadd.s32 $0xFFFFFB00  }
0xb1: {  	_ =	swait.ge [sflag:s15], $0x500  }
0xb2: {  	[sflag:s15] =	ssyncset.done $0x0  }
0xb3: {  	[sflag:s15] =	ssyncadd.s32 $0xFFFFFB00  }
0xb4: {  	_ =	swait.ge [sflag:s15], $0x500  }
0xb5: {  	[sflag:s15] =	ssyncset.done $0x0  }
0xb6: {  	[sflag:s15] =	ssyncadd.s32 $0xFFFFFB00  }
0xb7: {  	_ =	swait.ge [sflag:s15], $0x500  }
0xb8: {  	[sflag:s15] =	ssyncset.done $0x0  }
0xb9: {  	[sflag:s15] =	ssyncadd.s32 $0xFFFFFB00  }
0xba: {  	_ =	swait.ge [sflag:s15], $0x500  }
0xbb: {  	[sflag:s15] =	ssyncset.done $0x0  }
0xbc: {  	[sflag:s15] =	ssyncadd.s32 $0xFFFFFB00  }
0xbd: {  	_ =	swait.ge [sflag:s15], $0x500  }
0xbe: {  	[sflag:s15] =	ssyncset.done $0x0  }
0xbf: {  	[sflag:s15] =	ssyncadd.s32 $0xFFFFFB00  }
0xc0: {  	_ =	swait.ge [sflag:s15], $0x500  }
0xc1: {  	[sflag:s15] =	ssyncset.done $0x0  }
0xc2: {  	[sflag:s15] =	ssyncadd.s32 $0xFFFFFB00  }
0xc3: {  	_ =	swait.ge [sflag:s15], $0x500  }
0xc4: {  	[sflag:s15] =	ssyncset.done $0x0  }
0xc5: {  	[sflag:s15] =	ssyncadd.s32 $0xFFFFFB00  }
0xc6: {  	_ =	swait.ge [sflag:s15], $0x500  }
0xc7: {  	[sflag:s15] =	ssyncset.done $0x0  }
0xc8: {  	[sflag:s15] =	ssyncadd.s32 $0xFFFFFB00  }
0xc9: {  	_ =	swait.ge [sflag:s15], $0x500  }
0xca: {  	[sflag:s15] =	ssyncset.done $0x0  }
0xcb: {  	[sflag:s15] =	ssyncadd.s32 $0xFFFFFB00  }
0xcc: {  	_ =	swait.ge [sflag:s15], $0x500  }
0xcd: {  	[sflag:s15] =	ssyncset.done $0x0  }
0xce: {  	[sflag:s15] =	ssyncadd.s32 $0xFFFFFB00  }
0xcf: {  	_ =	swait.ge [sflag:s15], $0x500  }
0xd0: {  	[sflag:s15] =	ssyncset.done $0x0  }
0xd1: {  	[sflag:s15] =	ssyncadd.s32 $0xFFFFFB00  }
0xd2: {  	_ =	swait.ge [sflag:s15], $0x500  }
0xd3: {  	[sflag:s15] =	ssyncset.done $0x0  }
0xd4: {  	[sflag:s15] =	ssyncadd.s32 $0xFFFFFB00  }
0xd5: {  	_ =	swait.ge [sflag:s15], $0x500  }
0xd6: {  	[sflag:s15] =	ssyncset.done $0x0  }
0xd7: {  	[sflag:s15] =	ssyncadd.s32 $0xFFFFFB00  }
0xd8: {  	_ =	swait.ge [sflag:s15], $0x500  }
0xd9: {  	[sflag:s15] =	ssyncset.done $0x0  }
0xda: {  	[sflag:s15] =	ssyncadd.s32 $0xFFFFFB00  }
0xdb: {  	_ =	swait.ge [sflag:s15], $0x500  }
0xdc: {  	[sflag:s15] =	ssyncset.done $0x0  }
0xdd: {  	[sflag:s15] =	ssyncadd.s32 $0xFFFFFB00  }
0xde: {  	_ =	swait.ge [sflag:s15], $0x500  }
0xdf: {  	[sflag:s15] =	ssyncset.done $0x0  }
0xe0: {  	[sflag:s15] =	ssyncadd.s32 $0xFFFFFB00  }
0xe1: {  	_ =	swait.ge [sflag:s15], $0x500  }
0xe2: {  	[sflag:s15] =	ssyncset.done $0x0  }
0xe3: {  	[sflag:s15] =	ssyncadd.s32 $0xFFFFFB00  }
0xe4: {  	_ =	swait.ge [sflag:s15], $0x500  }
0xe5: {  	[sflag:s15] =	ssyncset.done $0x0  }
0xe6: {  	[sflag:s15] =	ssyncadd.s32 $0xFFFFFB00  }
0xe7: {  	_ =	swait.ge [sflag:s15], $0x500  }
0xe8: {  	[sflag:s15] =	ssyncset.done $0x0  }
0xe9: {  	[sflag:s15] =	ssyncadd.s32 $0xFFFFFB00  }
0xea: {  	_ =	swait.ge [sflag:s15], $0x500  }
0xeb: {  	[sflag:s15] =	ssyncset.done $0x0  }
0xec: {  	[sflag:s15] =	ssyncadd.s32 $0xFFFFFB00  }
0xed: {  	_ =	swait.ge [sflag:s15], $0x500  }
0xee: {  	[sflag:s15] =	ssyncset.done $0x0  }
0xef: {  	[sflag:s15] =	ssyncadd.s32 $0xFFFFFB00  }
0xf0: {  	_ =	swait.ge [sflag:s15], $0x500  }
0xf1: {  	[sflag:s15] =	ssyncset.done $0x0  }
0xf2: {  	[sflag:s15] =	ssyncadd.s32 $0xFFFFFB00  }
0xf3: {  	_ =	swait.ge [sflag:s15], $0x500  }
0xf4: {  	[sflag:s15] =	ssyncset.done $0x0  }
0xf5: {  	[sflag:s15] =	ssyncadd.s32 $0xFFFFFB00  }
0xf6: {  	_ =	swait.ge [sflag:s15], $0x500  }
0xf7: {  	[sflag:s15] =	ssyncset.done $0x0  }
0xf8: {  	[sflag:s15] =	ssyncadd.s32 $0xFFFFFB00  }
0xf9: {  	_ =	swait.ge [sflag:s15], $0x500  }
0xfa: {  	[sflag:s15] =	ssyncset.done $0x0  }
0xfb: {  	[sflag:s15] =	ssyncadd.s32 $0xFFFFFB00  }
0xfc: {  	_ =	swait.ge [sflag:s15], $0x500  }
0xfd: {  	[sflag:s15] =	ssyncset.done $0x0  }
0xfe: {  	[sflag:s15] =	ssyncadd.s32 $0xFFFFFB00  }
0xff: {  	_ =	swait.ge [sflag:s15], $0x500  }
0x100: {  	[sflag:s15] =	ssyncset.done $0x0  }
0x101: {  	[sflag:s15] =	ssyncadd.s32 $0xFFFFFB00  }
0x102: {  	_ =	swait.ge [sflag:s15], $0x500  }
0x103: {  	[sflag:s15] =	ssyncset.done $0x0  }
0x104: {  	[sflag:s15] =	ssyncadd.s32 $0xFFFFFB00  }
0x105: {  	_ =	swait.ge [sflag:s15], $0x500  }
0x106: {  	[sflag:s15] =	ssyncset.done $0x0  }
0x107: {  	[sflag:s15] =	ssyncadd.s32 $0xFFFFFB00  }
0x108: {  	_ =	swait.ge [sflag:s15], $0x500  }
0x109: {  	[sflag:s15] =	ssyncset.done $0x0  }
0x10a: {  	[sflag:s15] =	ssyncadd.s32 $0xFFFFFB00  }
0x10b: {  	_ =	swait.ge [sflag:s15], $0x500  }
0x10c: {  	[sflag:s15] =	ssyncset.done $0x0  }
0x10d: {  	[sflag:s15] =	ssyncadd.s32 $0xFFFFFB00  }
0x10e: {  	_ =	swait.ge [sflag:s15], $0x500  }
0x10f: {  	[sflag:s15] =	ssyncset.done $0x0  }
0x110: {  	[sflag:s15] =	ssyncadd.s32 $0xFFFFFB00  }
0x111: {  	_ =	swait.ge [sflag:s15], $0x500  }
0x112: {  	[sflag:s15] =	ssyncset.done $0x0  }
0x113: {  	[sflag:s15] =	ssyncadd.s32 $0xFFFFFB00  }
0x114: {  	_ =	swait.ge [sflag:s15], $0x500  }
0x115: {  	[sflag:s15] =	ssyncset.done $0x0  }
0x116: {  	[sflag:s15] =	ssyncadd.s32 $0xFFFFFB00  }
0x117: {  	_ =	swait.ge [sflag:s15], $0x500  }
0x118: {  	[sflag:s15] =	ssyncset.done $0x0  }
0x119: {  	[sflag:s15] =	ssyncadd.s32 $0xFFFFFB00  }
0x11a: {  	_ =	swait.ge [sflag:s15], $0x500  }
0x11b: {  	[sflag:s15] =	ssyncset.done $0x0  }
0x11c: {  	[sflag:s15] =	ssyncadd.s32 $0xFFFFFB00  }
0x11d: {  	_ =	swait.ge [sflag:s15], $0x500  }
0x11e: {  	[sflag:s15] =	ssyncset.done $0x0  }
0x11f: {  	[sflag:s15] =	ssyncadd.s32 $0xFFFFFB00  }
0x120: {  	_ =	swait.ge [sflag:s15], $0x500  }
0x121: {  	[sflag:s15] =	ssyncset.done $0x0  }
0x122: {  	[sflag:s15] =	ssyncadd.s32 $0xFFFFFB00  }
0x123: {  	_ =	swait.ge [sflag:s15], $0x500  }
0x124: {  	[sflag:s15] =	ssyncset.done $0x0  }
0x125: {  	[sflag:s15] =	ssyncadd.s32 $0xFFFFFB00  }
0x126: {  	_ =	swait.ge [sflag:s15], $0x500  }
0x127: {  	[sflag:s15] =	ssyncset.done $0x0  }
0x128: {  	[sflag:s15] =	ssyncadd.s32 $0xFFFFFB00  }
0x129: {  	_ =	swait.ge [sflag:s15], $0x500  }
0x12a: {  	[sflag:s15] =	ssyncset.done $0x0  }
0x12b: {  	[sflag:s15] =	ssyncadd.s32 $0xFFFFFB00  }
0x12c: {  	_ =	swait.ge [sflag:s15], $0x500  }
0x12d: {  	[sflag:s15] =	ssyncset.done $0x0  }
0x12e: {  	[sflag:s15] =	ssyncadd.s32 $0xFFFFFB00  }
0x12f: {  	_ =	swait.ge [sflag:s15], $0x500  }
0x130: {  	[sflag:s15] =	ssyncset.done $0x0  }
0x131: {  	[sflag:s15] =	ssyncadd.s32 $0xFFFFFB00  }
0x132: {  	_ =	swait.ge [sflag:s15], $0x500  }
0x133: {  	[sflag:s15] =	ssyncset.done $0x0  }
0x134: {  	[sflag:s15] =	ssyncadd.s32 $0xFFFFFB00  }
0x135: {  	_ =	swait.ge [sflag:s15], $0x500  }
0x136: {  	[sflag:s15] =	ssyncset.done $0x0  }
0x137: {  	[sflag:s15] =	ssyncadd.s32 $0xFFFFFB00  }
0x138: {  	_ =	swait.ge [sflag:s15], $0x500  }
0x139: {  	[sflag:s15] =	ssyncset.done $0x0  }
0x13a: {  	[sflag:s15] =	ssyncadd.s32 $0xFFFFFB00  }
0x13b: {  	_ =	swait.ge [sflag:s15], $0x500  }
0x13c: {  	[sflag:s15] =	ssyncset.done $0x0  }
0x13d: {  	[sflag:s15] =	ssyncadd.s32 $0xFFFFFB00  }
0x13e: {  	[hbm4b:s9+s2] =	stream.linear.scatter [tilespmem:s13], [sflag:$0x2], $0x7D00, $0x38;
	[tilespmem:$0x14820] =	vst v63  }
0x13f: {  	_ =	swait.ge [sflag:s10], $0x7D00  }
0x140: {  	[sflag:s10] =	ssyncset.done $0x0  }
0x141: {  	[sflag:s10] =	ssyncadd.s32 $0xFFFF8300  }
0x142: {  	[hbm4b:s8+s2] =	stream.linear.scatter [tilespmem:s14], [sflag:$0x2], $0x7D00, $0x38;
	[tilespmem:$0x14820] =	vst v63  }
0x143: {  	s17 =	sadd.s32 $0xFA0, s8;
	s18 =	sadd.s32 $0xFA0, s9;
	_ =	swait.ge [sflag:s10], $0x7D00  }
0x144: {  	s19 =	simm.s32 $0x1F40;
	s22 =	simm.s32 $0x3E80;
	[sflag:s10] =	ssyncset.done $0x0  }
.LBB2_2:
0x145: {  	s21 =	sshra.s32 s19, $0x2;
	[sflag:s10] =	ssyncadd.s32 $0xFFFF8300  }
0x146: {  	[tilespmem:s13], [sflag:$0x1] =	stream.indirect.gather [hbm4b:s1+s12], $0x10, s21, s12, $0xb8;
	[tilespmem:$0x14820] =	vst v63  }
0x147: {  	s23 =	rddreg [dreg:$0x5];
	s28 =	sadd.s32 $0x2710, s21  }
0x148: {  	[tilespmem:s14], [sflag:$0x1] =	stream.indirect.gather [hbm4b:s3+s12], $0x10, s28, s12, $0xb8;
	[tilespmem:$0x14820] =	vst v63  }
0x149: {  	s24 =	rddreg [dreg:$0x6];
	s29 =	sadd.s32 $0x50, s21  }
0x14a: {  	[tilespmem:s23], [sflag:$0x1] =	stream.indirect.gather [hbm4b:s1+s12], $0x10, s29, s12, $0xb8;
	[tilespmem:$0x14820] =	vst v63  }
0x14b: {  	s31 =	rddreg [dreg:$0x7];
	s30 =	sadd.s32 $0x2760, s21  }
0x14c: {  	[tilespmem:s24], [sflag:$0x1] =	stream.indirect.gather [hbm4b:s3+s12], $0x10, s30, s12, $0xb8;
	[tilespmem:$0x14820] =	vst v63  }
0x14d: {  	s26 =	rddreg [dreg:$0x8];
	s25 =	sadd.s32 $0xA0, s21  }
0x14e: {  	[tilespmem:s31], [sflag:$0x1] =	stream.indirect.gather [hbm4b:s1+s12], $0x10, s25, s12, $0xb8;
	[tilespmem:$0x14820] =	vst v63  }
0x14f: {  	s28 =	sadd.s32 $0x27B0, s21;
	s29 =	rddreg [dreg:$0x9]  }
0x150: {  	[tilespmem:s26], [sflag:$0x1] =	stream.indirect.gather [hbm4b:s3+s12], $0x10, s28, s12, $0xb8;
	[tilespmem:$0x14820] =	vst v63  }
0x151: {  	s30 =	sadd.s32 $0xF0, s21;
	s31 =	rddreg [dreg:$0xa]  }
0x152: {  	[tilespmem:s29], [sflag:$0x1] =	stream.indirect.gather [hbm4b:s1+s12], $0x10, s30, s12, $0xb8;
	[tilespmem:$0x14820] =	vst v63  }
0x153: {  	s25 =	sadd.s32 $0x2800, s21;
	s26 =	rddreg [dreg:$0xb]  }
0x154: {  	[tilespmem:s31], [sflag:$0x1] =	stream.indirect.gather [hbm4b:s3+s12], $0x10, s25, s12, $0xb8;
	[tilespmem:$0x14820] =	vst v63  }
0x155: {  	s28 =	sadd.s32 $0x140, s21;
	s29 =	rddreg [dreg:$0xc]  }
0x156: {  	[tilespmem:s26], [sflag:$0x1] =	stream.indirect.gather [hbm4b:s1+s12], $0x10, s28, s12, $0xb8;
	[tilespmem:$0x14820] =	vst v63  }
0x157: {  	s30 =	sadd.s32 $0x2850, s21;
	s31 =	rddreg [dreg:$0xd]  }
0x158: {  	[tilespmem:s29], [sflag:$0x1] =	stream.indirect.gather [hbm4b:s3+s12], $0x10, s30, s12, $0xb8;
	[tilespmem:$0x14820] =	vst v63  }
0x159: {  	s25 =	sadd.s32 $0x190, s21;
	s26 =	rddreg [dreg:$0xe]  }
0x15a: {  	[tilespmem:s31], [sflag:$0x1] =	stream.indirect.gather [hbm4b:s1+s12], $0x10, s25, s12, $0xb8;
	[tilespmem:$0x14820] =	vst v63  }
0x15b: {  	s28 =	sadd.s32 $0x28A0, s21;
	s29 =	rddreg [dreg:$0xf]  }
0x15c: {  	[tilespmem:s26], [sflag:$0x1] =	stream.indirect.gather [hbm4b:s3+s12], $0x10, s28, s12, $0xb8;
	[tilespmem:$0x14820] =	vst v63  }
0x15d: {  	s30 =	sadd.s32 $0x1E0, s21;
	s31 =	rddreg [dreg:$0x10]  }
0x15e: {  	[tilespmem:s29], [sflag:$0x1] =	stream.indirect.gather [hbm4b:s1+s12], $0x10, s30, s12, $0xb8;
	[tilespmem:$0x14820] =	vst v63  }
0x15f: {  	s25 =	sadd.s32 $0x28F0, s21;
	s26 =	rddreg [dreg:$0x11]  }
0x160: {  	[tilespmem:s31], [sflag:$0x1] =	stream.indirect.gather [hbm4b:s3+s12], $0x10, s25, s12, $0xb8;
	[tilespmem:$0x14820] =	vst v63  }
0x161: {  	s28 =	sadd.s32 $0x230, s21;
	s29 =	rddreg [dreg:$0x12]  }
0x162: {  	[tilespmem:s26], [sflag:$0x1] =	stream.indirect.gather [hbm4b:s1+s12], $0x10, s28, s12, $0xb8;
	[tilespmem:$0x14820] =	vst v63  }
0x163: {  	s30 =	sadd.s32 $0x2940, s21;
	s31 =	rddreg [dreg:$0x13]  }
0x164: {  	[tilespmem:s29], [sflag:$0x1] =	stream.indirect.gather [hbm4b:s3+s12], $0x10, s30, s12, $0xb8;
	[tilespmem:$0x14820] =	vst v63  }
0x165: {  	s25 =	sadd.s32 $0x280, s21;
	s26 =	rddreg [dreg:$0x14]  }
0x166: {  	[tilespmem:s31], [sflag:$0x1] =	stream.indirect.gather [hbm4b:s1+s12], $0x10, s25, s12, $0xb8;
	[tilespmem:$0x14820] =	vst v63  }
0x167: {  	s28 =	sadd.s32 $0x2990, s21;
	s29 =	rddreg [dreg:$0x15]  }
0x168: {  	[tilespmem:s26], [sflag:$0x1] =	stream.indirect.gather [hbm4b:s3+s12], $0x10, s28, s12, $0xb8;
	[tilespmem:$0x14820] =	vst v63  }
0x169: {  	s30 =	sadd.s32 $0x2D0, s21;
	s31 =	rddreg [dreg:$0x16]  }
0x16a: {  	[tilespmem:s29], [sflag:$0x1] =	stream.indirect.gather [hbm4b:s1+s12], $0x10, s30, s12, $0xb8;
	[tilespmem:$0x14820] =	vst v63  }
0x16b: {  	s25 =	sadd.s32 $0x29E0, s21;
	s26 =	rddreg [dreg:$0x17]  }
0x16c: {  	[tilespmem:s31], [sflag:$0x1] =	stream.indirect.gather [hbm4b:s3+s12], $0x10, s25, s12, $0xb8;
	[tilespmem:$0x14820] =	vst v63  }
0x16d: {  	s28 =	sadd.s32 $0x320, s21;
	s29 =	rddreg [dreg:$0x18]  }
0x16e: {  	[tilespmem:s26], [sflag:$0x1] =	stream.indirect.gather [hbm4b:s1+s12], $0x10, s28, s12, $0xb8;
	[tilespmem:$0x14820] =	vst v63  }
0x16f: {  	s30 =	sadd.s32 $0x2A30, s21;
	s31 =	rddreg [dreg:$0x19]  }
0x170: {  	[tilespmem:s29], [sflag:$0x1] =	stream.indirect.gather [hbm4b:s3+s12], $0x10, s30, s12, $0xb8;
	[tilespmem:$0x14820] =	vst v63  }
0x171: {  	s25 =	sadd.s32 $0x370, s21;
	s26 =	rddreg [dreg:$0x1a]  }
0x172: {  	[tilespmem:s31], [sflag:$0x1] =	stream.indirect.gather [hbm4b:s1+s12], $0x10, s25, s12, $0xb8;
	[tilespmem:$0x14820] =	vst v63  }
0x173: {  	s28 =	sadd.s32 $0x2A80, s21;
	s29 =	rddreg [dreg:$0x1b]  }
0x174: {  	[tilespmem:s26], [sflag:$0x1] =	stream.indirect.gather [hbm4b:s3+s12], $0x10, s28, s12, $0xb8;
	[tilespmem:$0x14820] =	vst v63  }
0x175: {  	s30 =	sadd.s32 $0x3C0, s21;
	s31 =	rddreg [dreg:$0x1c]  }
0x176: {  	[tilespmem:s29], [sflag:$0x1] =	stream.indirect.gather [hbm4b:s1+s12], $0x10, s30, s12, $0xb8;
	[tilespmem:$0x14820] =	vst v63  }
0x177: {  	s25 =	sadd.s32 $0x2AD0, s21;
	s26 =	rddreg [dreg:$0x1d]  }
0x178: {  	[tilespmem:s31], [sflag:$0x1] =	stream.indirect.gather [hbm4b:s3+s12], $0x10, s25, s12, $0xb8;
	[tilespmem:$0x14820] =	vst v63  }
0x179: {  	s28 =	sadd.s32 $0x410, s21;
	s29 =	rddreg [dreg:$0x1e]  }
0x17a: {  	[tilespmem:s26], [sflag:$0x1] =	stream.indirect.gather [hbm4b:s1+s12], $0x10, s28, s12, $0xb8;
	[tilespmem:$0x14820] =	vst v63  }
0x17b: {  	s30 =	sadd.s32 $0x2B20, s21;
	s31 =	rddreg [dreg:$0x1f]  }
0x17c: {  	[tilespmem:s29], [sflag:$0x1] =	stream.indirect.gather [hbm4b:s3+s12], $0x10, s30, s12, $0xb8;
	[tilespmem:$0x14820] =	vst v63  }
0x17d: {  	s25 =	sadd.s32 $0x460, s21;
	s26 =	sld [smem:$0x7E9]  }
0x17e: {  	[tilespmem:s31], [sflag:$0x1] =	stream.indirect.gather [hbm4b:s1+s12], $0x10, s25, s12, $0xb8;
	[tilespmem:$0x14820] =	vst v63  }
0x17f: {  	s28 =	sadd.s32 $0x2B70, s21;
	s29 =	sld [smem:$0x7EA]  }
0x180: {  	[tilespmem:s26], [sflag:$0x1] =	stream.indirect.gather [hbm4b:s3+s12], $0x10, s28, s12, $0xb8;
	[tilespmem:$0x14820] =	vst v63  }
0x181: {  	s30 =	sadd.s32 $0x4B0, s21;
	s31 =	sld [smem:$0x7EB]  }
0x182: {  	[tilespmem:s29], [sflag:$0x1] =	stream.indirect.gather [hbm4b:s1+s12], $0x10, s30, s12, $0xb8;
	[tilespmem:$0x14820] =	vst v63  }
0x183: {  	s25 =	sadd.s32 $0x2BC0, s21;
	s26 =	sld [smem:$0x7EC]  }
0x184: {  	[tilespmem:s31], [sflag:$0x1] =	stream.indirect.gather [hbm4b:s3+s12], $0x10, s25, s12, $0xb8;
	[tilespmem:$0x14820] =	vst v63  }
0x185: {  	s28 =	sadd.s32 $0x500, s21;
	s29 =	sld [smem:$0x7ED]  }
0x186: {  	[tilespmem:s26], [sflag:$0x1] =	stream.indirect.gather [hbm4b:s1+s12], $0x10, s28, s12, $0xb8;
	[tilespmem:$0x14820] =	vst v63  }
0x187: {  	s30 =	sadd.s32 $0x2C10, s21;
	s31 =	sld [smem:$0x7EE]  }
0x188: {  	[tilespmem:s29], [sflag:$0x1] =	stream.indirect.gather [hbm4b:s3+s12], $0x10, s30, s12, $0xb8;
	[tilespmem:$0x14820] =	vst v63  }
0x189: {  	s25 =	sadd.s32 $0x550, s21;
	s26 =	sld [smem:$0x7EF]  }
0x18a: {  	[tilespmem:s31], [sflag:$0x1] =	stream.indirect.gather [hbm4b:s1+s12], $0x10, s25, s12, $0xb8;
	[tilespmem:$0x14820] =	vst v63  }
0x18b: {  	s28 =	sadd.s32 $0x2C60, s21;
	s29 =	sld [smem:$0x7F0]  }
0x18c: {  	[tilespmem:s26], [sflag:$0x1] =	stream.indirect.gather [hbm4b:s3+s12], $0x10, s28, s12, $0xb8;
	[tilespmem:$0x14820] =	vst v63  }
0x18d: {  	s30 =	sadd.s32 $0x5A0, s21;
	s31 =	sld [smem:$0x7F1]  }
0x18e: {  	[tilespmem:s29], [sflag:$0x1] =	stream.indirect.gather [hbm4b:s1+s12], $0x10, s30, s12, $0xb8;
	[tilespmem:$0x14820] =	vst v63  }
0x18f: {  	s25 =	sadd.s32 $0x2CB0, s21;
	s26 =	sld [smem:$0x7F2]  }
0x190: {  	[tilespmem:s31], [sflag:$0x1] =	stream.indirect.gather [hbm4b:s3+s12], $0x10, s25, s12, $0xb8;
	[tilespmem:$0x14820] =	vst v63  }
0x191: {  	s28 =	sadd.s32 $0x5F0, s21;
	s29 =	sld [smem:$0x7F3]  }
0x192: {  	[tilespmem:s26], [sflag:$0x1] =	stream.indirect.gather [hbm4b:s1+s12], $0x10, s28, s12, $0xb8;
	[tilespmem:$0x14820] =	vst v63  }
0x193: {  	s30 =	sadd.s32 $0x2D00, s21;
	s31 =	sld [smem:$0x7F4]  }
0x194: {  	[tilespmem:s29], [sflag:$0x1] =	stream.indirect.gather [hbm4b:s3+s12], $0x10, s30, s12, $0xb8;
	[tilespmem:$0x14820] =	vst v63  }
0x195: {  	s25 =	sadd.s32 $0x640, s21;
	s26 =	sld [smem:$0x7F5]  }
0x196: {  	[tilespmem:s31], [sflag:$0x1] =	stream.indirect.gather [hbm4b:s1+s12], $0x10, s25, s12, $0xb8;
	[tilespmem:$0x14820] =	vst v63  }
0x197: {  	s28 =	sadd.s32 $0x2D50, s21;
	s29 =	sld [smem:$0x7F6]  }
0x198: {  	[tilespmem:s26], [sflag:$0x1] =	stream.indirect.gather [hbm4b:s3+s12], $0x10, s28, s12, $0xb8;
	[tilespmem:$0x14820] =	vst v63  }
0x199: {  	s30 =	sadd.s32 $0x690, s21;
	s31 =	sld [smem:$0x7F7]  }
0x19a: {  	[tilespmem:s29], [sflag:$0x1] =	stream.indirect.gather [hbm4b:s1+s12], $0x10, s30, s12, $0xb8;
	[tilespmem:$0x14820] =	vst v63  }
0x19b: {  	s25 =	sadd.s32 $0x2DA0, s21;
	s26 =	sld [smem:$0x7F8]  }
0x19c: {  	[tilespmem:s31], [sflag:$0x1] =	stream.indirect.gather [hbm4b:s3+s12], $0x10, s25, s12, $0xb8;
	[tilespmem:$0x14820] =	vst v63  }
0x19d: {  	s28 =	sadd.s32 $0x6E0, s21;
	s29 =	sld [smem:$0x7F9]  }
0x19e: {  	[tilespmem:s26], [sflag:$0x1] =	stream.indirect.gather [hbm4b:s1+s12], $0x10, s28, s12, $0xb8;
	[tilespmem:$0x14820] =	vst v63  }
0x19f: {  	s30 =	sadd.s32 $0x2DF0, s21;
	s31 =	sld [smem:$0x7FA]  }
0x1a0: {  	[tilespmem:s29], [sflag:$0x1] =	stream.indirect.gather [hbm4b:s3+s12], $0x10, s30, s12, $0xb8;
	[tilespmem:$0x14820] =	vst v63  }
0x1a1: {  	s25 =	sadd.s32 $0x730, s21;
	s26 =	sld [smem:$0x7FB]  }
0x1a2: {  	[tilespmem:s31], [sflag:$0x1] =	stream.indirect.gather [hbm4b:s1+s12], $0x10, s25, s12, $0xb8;
	[tilespmem:$0x14820] =	vst v63  }
0x1a3: {  	s28 =	sadd.s32 $0x2E40, s21;
	s29 =	sld [smem:$0x7FC]  }
0x1a4: {  	[tilespmem:s26], [sflag:$0x1] =	stream.indirect.gather [hbm4b:s3+s12], $0x10, s28, s12, $0xb8;
	[tilespmem:$0x14820] =	vst v63  }
0x1a5: {  	s30 =	sadd.s32 $0x780, s21;
	s31 =	sld [smem:$0x7FD]  }
0x1a6: {  	[tilespmem:s29], [sflag:$0x1] =	stream.indirect.gather [hbm4b:s1+s12], $0x10, s30, s12, $0xb8;
	[tilespmem:$0x14820] =	vst v63  }
0x1a7: {  	s21 =	sadd.s32 $0x2E90, s21  }
0x1a8: {  	[tilespmem:s31], [sflag:$0x1] =	stream.indirect.gather [hbm4b:s3+s12], $0x10, s21, s12, $0xb8;
	[tilespmem:$0x14820] =	vst v63  }
0x1a9: {  	_ =	swait.ge [sflag:s15], $0x500  }
0x1aa: {  	[sflag:s15] =	ssyncset.done $0x0  }
0x1ab: {  	[sflag:s15] =	ssyncadd.s32 $0xFFFFFB00  }
0x1ac: {  	_ =	swait.ge [sflag:s15], $0x500  }
0x1ad: {  	[sflag:s15] =	ssyncset.done $0x0  }
0x1ae: {  	[sflag:s15] =	ssyncadd.s32 $0xFFFFFB00  }
0x1af: {  	_ =	swait.ge [sflag:s15], $0x500  }
0x1b0: {  	[sflag:s15] =	ssyncset.done $0x0  }
0x1b1: {  	[sflag:s15] =	ssyncadd.s32 $0xFFFFFB00  }
0x1b2: {  	_ =	swait.ge [sflag:s15], $0x500  }
0x1b3: {  	[sflag:s15] =	ssyncset.done $0x0  }
0x1b4: {  	[sflag:s15] =	ssyncadd.s32 $0xFFFFFB00  }
0x1b5: {  	_ =	swait.ge [sflag:s15], $0x500  }
0x1b6: {  	[sflag:s15] =	ssyncset.done $0x0  }
0x1b7: {  	[sflag:s15] =	ssyncadd.s32 $0xFFFFFB00  }
0x1b8: {  	_ =	swait.ge [sflag:s15], $0x500  }
0x1b9: {  	[sflag:s15] =	ssyncset.done $0x0  }
0x1ba: {  	[sflag:s15] =	ssyncadd.s32 $0xFFFFFB00  }
0x1bb: {  	_ =	swait.ge [sflag:s15], $0x500  }
0x1bc: {  	[sflag:s15] =	ssyncset.done $0x0  }
0x1bd: {  	[sflag:s15] =	ssyncadd.s32 $0xFFFFFB00  }
0x1be: {  	_ =	swait.ge [sflag:s15], $0x500  }
0x1bf: {  	[sflag:s15] =	ssyncset.done $0x0  }
0x1c0: {  	[sflag:s15] =	ssyncadd.s32 $0xFFFFFB00  }
0x1c1: {  	_ =	swait.ge [sflag:s15], $0x500  }
0x1c2: {  	[sflag:s15] =	ssyncset.done $0x0  }
0x1c3: {  	[sflag:s15] =	ssyncadd.s32 $0xFFFFFB00  }
0x1c4: {  	_ =	swait.ge [sflag:s15], $0x500  }
0x1c5: {  	[sflag:s15] =	ssyncset.done $0x0  }
0x1c6: {  	[sflag:s15] =	ssyncadd.s32 $0xFFFFFB00  }
0x1c7: {  	_ =	swait.ge [sflag:s15], $0x500  }
0x1c8: {  	[sflag:s15] =	ssyncset.done $0x0  }
0x1c9: {  	[sflag:s15] =	ssyncadd.s32 $0xFFFFFB00  }
0x1ca: {  	_ =	swait.ge [sflag:s15], $0x500  }
0x1cb: {  	[sflag:s15] =	ssyncset.done $0x0  }
0x1cc: {  	[sflag:s15] =	ssyncadd.s32 $0xFFFFFB00  }
0x1cd: {  	_ =	swait.ge [sflag:s15], $0x500  }
0x1ce: {  	[sflag:s15] =	ssyncset.done $0x0  }
0x1cf: {  	[sflag:s15] =	ssyncadd.s32 $0xFFFFFB00  }
0x1d0: {  	_ =	swait.ge [sflag:s15], $0x500  }
0x1d1: {  	[sflag:s15] =	ssyncset.done $0x0  }
0x1d2: {  	[sflag:s15] =	ssyncadd.s32 $0xFFFFFB00  }
0x1d3: {  	_ =	swait.ge [sflag:s15], $0x500  }
0x1d4: {  	[sflag:s15] =	ssyncset.done $0x0  }
0x1d5: {  	[sflag:s15] =	ssyncadd.s32 $0xFFFFFB00  }
0x1d6: {  	_ =	swait.ge [sflag:s15], $0x500  }
0x1d7: {  	[sflag:s15] =	ssyncset.done $0x0  }
0x1d8: {  	[sflag:s15] =	ssyncadd.s32 $0xFFFFFB00  }
0x1d9: {  	_ =	swait.ge [sflag:s15], $0x500  }
0x1da: {  	[sflag:s15] =	ssyncset.done $0x0  }
0x1db: {  	[sflag:s15] =	ssyncadd.s32 $0xFFFFFB00  }
0x1dc: {  	_ =	swait.ge [sflag:s15], $0x500  }
0x1dd: {  	[sflag:s15] =	ssyncset.done $0x0  }
0x1de: {  	[sflag:s15] =	ssyncadd.s32 $0xFFFFFB00  }
0x1df: {  	_ =	swait.ge [sflag:s15], $0x500  }
0x1e0: {  	[sflag:s15] =	ssyncset.done $0x0  }
0x1e1: {  	[sflag:s15] =	ssyncadd.s32 $0xFFFFFB00  }
0x1e2: {  	_ =	swait.ge [sflag:s15], $0x500  }
0x1e3: {  	[sflag:s15] =	ssyncset.done $0x0  }
0x1e4: {  	[sflag:s15] =	ssyncadd.s32 $0xFFFFFB00  }
0x1e5: {  	_ =	swait.ge [sflag:s15], $0x500  }
0x1e6: {  	[sflag:s15] =	ssyncset.done $0x0  }
0x1e7: {  	[sflag:s15] =	ssyncadd.s32 $0xFFFFFB00  }
0x1e8: {  	_ =	swait.ge [sflag:s15], $0x500  }
0x1e9: {  	[sflag:s15] =	ssyncset.done $0x0  }
0x1ea: {  	[sflag:s15] =	ssyncadd.s32 $0xFFFFFB00  }
0x1eb: {  	_ =	swait.ge [sflag:s15], $0x500  }
0x1ec: {  	[sflag:s15] =	ssyncset.done $0x0  }
0x1ed: {  	[sflag:s15] =	ssyncadd.s32 $0xFFFFFB00  }
0x1ee: {  	_ =	swait.ge [sflag:s15], $0x500  }
0x1ef: {  	[sflag:s15] =	ssyncset.done $0x0  }
0x1f0: {  	[sflag:s15] =	ssyncadd.s32 $0xFFFFFB00  }
0x1f1: {  	_ =	swait.ge [sflag:s15], $0x500  }
0x1f2: {  	[sflag:s15] =	ssyncset.done $0x0  }
0x1f3: {  	[sflag:s15] =	ssyncadd.s32 $0xFFFFFB00  }
0x1f4: {  	_ =	swait.ge [sflag:s15], $0x500  }
0x1f5: {  	[sflag:s15] =	ssyncset.done $0x0  }
0x1f6: {  	[sflag:s15] =	ssyncadd.s32 $0xFFFFFB00  }
0x1f7: {  	_ =	swait.ge [sflag:s15], $0x500  }
0x1f8: {  	[sflag:s15] =	ssyncset.done $0x0  }
0x1f9: {  	[sflag:s15] =	ssyncadd.s32 $0xFFFFFB00  }
0x1fa: {  	_ =	swait.ge [sflag:s15], $0x500  }
0x1fb: {  	[sflag:s15] =	ssyncset.done $0x0  }
0x1fc: {  	[sflag:s15] =	ssyncadd.s32 $0xFFFFFB00  }
0x1fd: {  	_ =	swait.ge [sflag:s15], $0x500  }
0x1fe: {  	[sflag:s15] =	ssyncset.done $0x0  }
0x1ff: {  	[sflag:s15] =	ssyncadd.s32 $0xFFFFFB00  }
0x200: {  	_ =	swait.ge [sflag:s15], $0x500  }
0x201: {  	[sflag:s15] =	ssyncset.done $0x0  }
0x202: {  	[sflag:s15] =	ssyncadd.s32 $0xFFFFFB00  }
0x203: {  	_ =	swait.ge [sflag:s15], $0x500  }
0x204: {  	[sflag:s15] =	ssyncset.done $0x0  }
0x205: {  	[sflag:s15] =	ssyncadd.s32 $0xFFFFFB00  }
0x206: {  	_ =	swait.ge [sflag:s15], $0x500  }
0x207: {  	[sflag:s15] =	ssyncset.done $0x0  }
0x208: {  	[sflag:s15] =	ssyncadd.s32 $0xFFFFFB00  }
0x209: {  	_ =	swait.ge [sflag:s15], $0x500  }
0x20a: {  	[sflag:s15] =	ssyncset.done $0x0  }
0x20b: {  	[sflag:s15] =	ssyncadd.s32 $0xFFFFFB00  }
0x20c: {  	_ =	swait.ge [sflag:s15], $0x500  }
0x20d: {  	[sflag:s15] =	ssyncset.done $0x0  }
0x20e: {  	[sflag:s15] =	ssyncadd.s32 $0xFFFFFB00  }
0x20f: {  	_ =	swait.ge [sflag:s15], $0x500  }
0x210: {  	[sflag:s15] =	ssyncset.done $0x0  }
0x211: {  	[sflag:s15] =	ssyncadd.s32 $0xFFFFFB00  }
0x212: {  	_ =	swait.ge [sflag:s15], $0x500  }
0x213: {  	[sflag:s15] =	ssyncset.done $0x0  }
0x214: {  	[sflag:s15] =	ssyncadd.s32 $0xFFFFFB00  }
0x215: {  	_ =	swait.ge [sflag:s15], $0x500  }
0x216: {  	[sflag:s15] =	ssyncset.done $0x0  }
0x217: {  	[sflag:s15] =	ssyncadd.s32 $0xFFFFFB00  }
0x218: {  	_ =	swait.ge [sflag:s15], $0x500  }
0x219: {  	[sflag:s15] =	ssyncset.done $0x0  }
0x21a: {  	[sflag:s15] =	ssyncadd.s32 $0xFFFFFB00  }
0x21b: {  	_ =	swait.ge [sflag:s15], $0x500  }
0x21c: {  	[sflag:s15] =	ssyncset.done $0x0  }
0x21d: {  	[sflag:s15] =	ssyncadd.s32 $0xFFFFFB00  }
0x21e: {  	_ =	swait.ge [sflag:s15], $0x500  }
0x21f: {  	[sflag:s15] =	ssyncset.done $0x0  }
0x220: {  	[sflag:s15] =	ssyncadd.s32 $0xFFFFFB00  }
0x221: {  	_ =	swait.ge [sflag:s15], $0x500  }
0x222: {  	[sflag:s15] =	ssyncset.done $0x0  }
0x223: {  	[sflag:s15] =	ssyncadd.s32 $0xFFFFFB00  }
0x224: {  	_ =	swait.ge [sflag:s15], $0x500  }
0x225: {  	[sflag:s15] =	ssyncset.done $0x0  }
0x226: {  	[sflag:s15] =	ssyncadd.s32 $0xFFFFFB00  }
0x227: {  	_ =	swait.ge [sflag:s15], $0x500  }
0x228: {  	[sflag:s15] =	ssyncset.done $0x0  }
0x229: {  	[sflag:s15] =	ssyncadd.s32 $0xFFFFFB00  }
0x22a: {  	_ =	swait.ge [sflag:s15], $0x500  }
0x22b: {  	[sflag:s15] =	ssyncset.done $0x0  }
0x22c: {  	[sflag:s15] =	ssyncadd.s32 $0xFFFFFB00  }
0x22d: {  	_ =	swait.ge [sflag:s15], $0x500  }
0x22e: {  	[sflag:s15] =	ssyncset.done $0x0  }
0x22f: {  	[sflag:s15] =	ssyncadd.s32 $0xFFFFFB00  }
0x230: {  	_ =	swait.ge [sflag:s15], $0x500  }
0x231: {  	[sflag:s15] =	ssyncset.done $0x0  }
0x232: {  	[sflag:s15] =	ssyncadd.s32 $0xFFFFFB00  }
0x233: {  	_ =	swait.ge [sflag:s15], $0x500  }
0x234: {  	[sflag:s15] =	ssyncset.done $0x0  }
0x235: {  	[sflag:s15] =	ssyncadd.s32 $0xFFFFFB00  }
0x236: {  	_ =	swait.ge [sflag:s15], $0x500  }
0x237: {  	[sflag:s15] =	ssyncset.done $0x0  }
0x238: {  	[sflag:s15] =	ssyncadd.s32 $0xFFFFFB00  }
0x239: {  	_ =	swait.ge [sflag:s15], $0x500  }
0x23a: {  	[sflag:s15] =	ssyncset.done $0x0  }
0x23b: {  	[sflag:s15] =	ssyncadd.s32 $0xFFFFFB00  }
0x23c: {  	_ =	swait.ge [sflag:s15], $0x500  }
0x23d: {  	[sflag:s15] =	ssyncset.done $0x0  }
0x23e: {  	[sflag:s15] =	ssyncadd.s32 $0xFFFFFB00  }
0x23f: {  	[hbm4b:s18+s2] =	stream.linear.scatter [tilespmem:s13], [sflag:$0x2], $0x7D00, $0x38;
	[tilespmem:$0x14820] =	vst v63  }
0x240: {  	p0 =	sne.s32 s22, $0x7D00;
	_ =	swait.ge [sflag:s10], $0x7D00  }
.Ltmp0:
0x241: {  	[sflag:s10] =	ssyncset.done $0x0;
	(pc) =	sbr.rel @p0 .LBB2_2-.Ltmp0, $4  }
0x242: {  	s20 =	sadd.s32 $0x1F40, s22;
	[sflag:s10] =	ssyncadd.s32 $0xFFFF8300  }
0x243: {  	[hbm4b:s17+s2] =	stream.linear.scatter [tilespmem:s14], [sflag:$0x2], $0x7D00, $0x38;
	[tilespmem:$0x14820] =	vst v63  }
0x244: {  	s19 =	smov.u32 s22;
	s22 =	smov.u32 s20;
	_ =	swait.ge [sflag:s10], $0x7D00  }
0x245: {  	s18 =	sadd.s32 $0xFA0, s18;
	s17 =	sadd.s32 $0xFA0, s17;
	[sflag:s10] =	ssyncset.done $0x0  }
0x246: {  	s19 =	sshra.s32 s19, $0x2;
	[sflag:s10] =	ssyncadd.s32 $0xFFFF8300  }
0x247: {  	[tilespmem:s13], [sflag:$0x1] =	stream.indirect.gather [hbm4b:s1+s12], $0x10, s19, s12, $0xb8;
	[tilespmem:$0x14820] =	vst v63  }
0x248: {  	s21 =	rddreg [dreg:$0x5];
	s20 =	sadd.s32 $0x2710, s19  }
0x249: {  	[tilespmem:s14], [sflag:$0x1] =	stream.indirect.gather [hbm4b:s3+s12], $0x10, s20, s12, $0xb8;
	[tilespmem:$0x14820] =	vst v63  }
0x24a: {  	s22 =	rddreg [dreg:$0x6];
	s26 =	sadd.s32 $0x50, s19  }
0x24b: {  	[tilespmem:s21], [sflag:$0x1] =	stream.indirect.gather [hbm4b:s1+s12], $0x10, s26, s12, $0xb8;
	[tilespmem:$0x14820] =	vst v63  }
0x24c: {  	s29 =	rddreg [dreg:$0x7];
	s28 =	sadd.s32 $0x2760, s19  }
0x24d: {  	[tilespmem:s22], [sflag:$0x1] =	stream.indirect.gather [hbm4b:s3+s12], $0x10, s28, s12, $0xb8;
	[tilespmem:$0x14820] =	vst v63  }
0x24e: {  	s31 =	rddreg [dreg:$0x8];
	s30 =	sadd.s32 $0xA0, s19  }
0x24f: {  	[tilespmem:s29], [sflag:$0x1] =	stream.indirect.gather [hbm4b:s1+s12], $0x10, s30, s12, $0xb8;
	[tilespmem:$0x14820] =	vst v63  }
0x250: {  	s24 =	rddreg [dreg:$0x9];
	s23 =	sadd.s32 $0x27B0, s19  }
0x251: {  	[tilespmem:s31], [sflag:$0x1] =	stream.indirect.gather [hbm4b:s3+s12], $0x10, s23, s12, $0xb8;
	[tilespmem:$0x14820] =	vst v63  }
0x252: {  	s25 =	sadd.s32 $0xF0, s19;
	s26 =	rddreg [dreg:$0xa]  }
0x253: {  	[tilespmem:s24], [sflag:$0x1] =	stream.indirect.gather [hbm4b:s1+s12], $0x10, s25, s12, $0xb8;
	[tilespmem:$0x14820] =	vst v63  }
0x254: {  	s28 =	sadd.s32 $0x2800, s19;
	s29 =	rddreg [dreg:$0xb]  }
0x255: {  	[tilespmem:s26], [sflag:$0x1] =	stream.indirect.gather [hbm4b:s3+s12], $0x10, s28, s12, $0xb8;
	[tilespmem:$0x14820] =	vst v63  }
0x256: {  	s30 =	sadd.s32 $0x140, s19;
	s31 =	rddreg [dreg:$0xc]  }
0x257: {  	[tilespmem:s29], [sflag:$0x1] =	stream.indirect.gather [hbm4b:s1+s12], $0x10, s30, s12, $0xb8;
	[tilespmem:$0x14820] =	vst v63  }
0x258: {  	s23 =	sadd.s32 $0x2850, s19;
	s24 =	rddreg [dreg:$0xd]  }
0x259: {  	[tilespmem:s31], [sflag:$0x1] =	stream.indirect.gather [hbm4b:s3+s12], $0x10, s23, s12, $0xb8;
	[tilespmem:$0x14820] =	vst v63  }
0x25a: {  	s25 =	sadd.s32 $0x190, s19;
	s26 =	rddreg [dreg:$0xe]  }
0x25b: {  	[tilespmem:s24], [sflag:$0x1] =	stream.indirect.gather [hbm4b:s1+s12], $0x10, s25, s12, $0xb8;
	[tilespmem:$0x14820] =	vst v63  }
0x25c: {  	s28 =	sadd.s32 $0x28A0, s19;
	s29 =	rddreg [dreg:$0xf]  }
0x25d: {  	[tilespmem:s26], [sflag:$0x1] =	stream.indirect.gather [hbm4b:s3+s12], $0x10, s28, s12, $0xb8;
	[tilespmem:$0x14820] =	vst v63  }
0x25e: {  	s30 =	sadd.s32 $0x1E0, s19;
	s31 =	rddreg [dreg:$0x10]  }
0x25f: {  	[tilespmem:s29], [sflag:$0x1] =	stream.indirect.gather [hbm4b:s1+s12], $0x10, s30, s12, $0xb8;
	[tilespmem:$0x14820] =	vst v63  }
0x260: {  	s23 =	sadd.s32 $0x28F0, s19;
	s24 =	rddreg [dreg:$0x11]  }
0x261: {  	[tilespmem:s31], [sflag:$0x1] =	stream.indirect.gather [hbm4b:s3+s12], $0x10, s23, s12, $0xb8;
	[tilespmem:$0x14820] =	vst v63  }
0x262: {  	s25 =	sadd.s32 $0x230, s19;
	s26 =	rddreg [dreg:$0x12]  }
0x263: {  	[tilespmem:s24], [sflag:$0x1] =	stream.indirect.gather [hbm4b:s1+s12], $0x10, s25, s12, $0xb8;
	[tilespmem:$0x14820] =	vst v63  }
0x264: {  	s28 =	sadd.s32 $0x2940, s19;
	s29 =	rddreg [dreg:$0x13]  }
0x265: {  	[tilespmem:s26], [sflag:$0x1] =	stream.indirect.gather [hbm4b:s3+s12], $0x10, s28, s12, $0xb8;
	[tilespmem:$0x14820] =	vst v63  }
0x266: {  	s30 =	sadd.s32 $0x280, s19;
	s31 =	rddreg [dreg:$0x14]  }
0x267: {  	[tilespmem:s29], [sflag:$0x1] =	stream.indirect.gather [hbm4b:s1+s12], $0x10, s30, s12, $0xb8;
	[tilespmem:$0x14820] =	vst v63  }
0x268: {  	s23 =	sadd.s32 $0x2990, s19;
	s24 =	rddreg [dreg:$0x15]  }
0x269: {  	[tilespmem:s31], [sflag:$0x1] =	stream.indirect.gather [hbm4b:s3+s12], $0x10, s23, s12, $0xb8;
	[tilespmem:$0x14820] =	vst v63  }
0x26a: {  	s25 =	sadd.s32 $0x2D0, s19;
	s26 =	rddreg [dreg:$0x16]  }
0x26b: {  	[tilespmem:s24], [sflag:$0x1] =	stream.indirect.gather [hbm4b:s1+s12], $0x10, s25, s12, $0xb8;
	[tilespmem:$0x14820] =	vst v63  }
0x26c: {  	s28 =	sadd.s32 $0x29E0, s19;
	s29 =	rddreg [dreg:$0x17]  }
0x26d: {  	[tilespmem:s26], [sflag:$0x1] =	stream.indirect.gather [hbm4b:s3+s12], $0x10, s28, s12, $0xb8;
	[tilespmem:$0x14820] =	vst v63  }
0x26e: {  	s30 =	sadd.s32 $0x320, s19;
	s31 =	rddreg [dreg:$0x18]  }
0x26f: {  	[tilespmem:s29], [sflag:$0x1] =	stream.indirect.gather [hbm4b:s1+s12], $0x10, s30, s12, $0xb8;
	[tilespmem:$0x14820] =	vst v63  }
0x270: {  	s23 =	sadd.s32 $0x2A30, s19;
	s24 =	rddreg [dreg:$0x19]  }
0x271: {  	[tilespmem:s31], [sflag:$0x1] =	stream.indirect.gather [hbm4b:s3+s12], $0x10, s23, s12, $0xb8;
	[tilespmem:$0x14820] =	vst v63  }
0x272: {  	s25 =	sadd.s32 $0x370, s19;
	s26 =	rddreg [dreg:$0x1a]  }
0x273: {  	[tilespmem:s24], [sflag:$0x1] =	stream.indirect.gather [hbm4b:s1+s12], $0x10, s25, s12, $0xb8;
	[tilespmem:$0x14820] =	vst v63  }
0x274: {  	s28 =	sadd.s32 $0x2A80, s19;
	s29 =	rddreg [dreg:$0x1b]  }
0x275: {  	[tilespmem:s26], [sflag:$0x1] =	stream.indirect.gather [hbm4b:s3+s12], $0x10, s28, s12, $0xb8;
	[tilespmem:$0x14820] =	vst v63  }
0x276: {  	s30 =	sadd.s32 $0x3C0, s19;
	s31 =	rddreg [dreg:$0x1c]  }
0x277: {  	[tilespmem:s29], [sflag:$0x1] =	stream.indirect.gather [hbm4b:s1+s12], $0x10, s30, s12, $0xb8;
	[tilespmem:$0x14820] =	vst v63  }
0x278: {  	s23 =	sadd.s32 $0x2AD0, s19;
	s24 =	rddreg [dreg:$0x1d]  }
0x279: {  	[tilespmem:s31], [sflag:$0x1] =	stream.indirect.gather [hbm4b:s3+s12], $0x10, s23, s12, $0xb8;
	[tilespmem:$0x14820] =	vst v63  }
0x27a: {  	s25 =	sadd.s32 $0x410, s19;
	s26 =	rddreg [dreg:$0x1e]  }
0x27b: {  	[tilespmem:s24], [sflag:$0x1] =	stream.indirect.gather [hbm4b:s1+s12], $0x10, s25, s12, $0xb8;
	[tilespmem:$0x14820] =	vst v63  }
0x27c: {  	s28 =	sadd.s32 $0x2B20, s19;
	s29 =	rddreg [dreg:$0x1f]  }
0x27d: {  	[tilespmem:s26], [sflag:$0x1] =	stream.indirect.gather [hbm4b:s3+s12], $0x10, s28, s12, $0xb8;
	[tilespmem:$0x14820] =	vst v63  }
0x27e: {  	s30 =	sadd.s32 $0x460, s19;
	s31 =	sld [smem:$0x7E9]  }
0x27f: {  	[tilespmem:s29], [sflag:$0x1] =	stream.indirect.gather [hbm4b:s1+s12], $0x10, s30, s12, $0xb8;
	[tilespmem:$0x14820] =	vst v63  }
0x280: {  	s23 =	sadd.s32 $0x2B70, s19;
	s24 =	sld [smem:$0x7EA]  }
0x281: {  	[tilespmem:s31], [sflag:$0x1] =	stream.indirect.gather [hbm4b:s3+s12], $0x10, s23, s12, $0xb8;
	[tilespmem:$0x14820] =	vst v63  }
0x282: {  	s25 =	sadd.s32 $0x4B0, s19;
	s26 =	sld [smem:$0x7EB]  }
0x283: {  	[tilespmem:s24], [sflag:$0x1] =	stream.indirect.gather [hbm4b:s1+s12], $0x10, s25, s12, $0xb8;
	[tilespmem:$0x14820] =	vst v63  }
0x284: {  	s28 =	sadd.s32 $0x2BC0, s19;
	s29 =	sld [smem:$0x7EC]  }
0x285: {  	[tilespmem:s26], [sflag:$0x1] =	stream.indirect.gather [hbm4b:s3+s12], $0x10, s28, s12, $0xb8;
	[tilespmem:$0x14820] =	vst v63  }
0x286: {  	s30 =	sadd.s32 $0x500, s19;
	s31 =	sld [smem:$0x7ED]  }
0x287: {  	[tilespmem:s29], [sflag:$0x1] =	stream.indirect.gather [hbm4b:s1+s12], $0x10, s30, s12, $0xb8;
	[tilespmem:$0x14820] =	vst v63  }
0x288: {  	s23 =	sadd.s32 $0x2C10, s19;
	s24 =	sld [smem:$0x7EE]  }
0x289: {  	[tilespmem:s31], [sflag:$0x1] =	stream.indirect.gather [hbm4b:s3+s12], $0x10, s23, s12, $0xb8;
	[tilespmem:$0x14820] =	vst v63  }
0x28a: {  	s25 =	sadd.s32 $0x550, s19;
	s26 =	sld [smem:$0x7EF]  }
0x28b: {  	[tilespmem:s24], [sflag:$0x1] =	stream.indirect.gather [hbm4b:s1+s12], $0x10, s25, s12, $0xb8;
	[tilespmem:$0x14820] =	vst v63  }
0x28c: {  	s28 =	sadd.s32 $0x2C60, s19;
	s29 =	sld [smem:$0x7F0]  }
0x28d: {  	[tilespmem:s26], [sflag:$0x1] =	stream.indirect.gather [hbm4b:s3+s12], $0x10, s28, s12, $0xb8;
	[tilespmem:$0x14820] =	vst v63  }
0x28e: {  	s30 =	sadd.s32 $0x5A0, s19;
	s31 =	sld [smem:$0x7F1]  }
0x28f: {  	[tilespmem:s29], [sflag:$0x1] =	stream.indirect.gather [hbm4b:s1+s12], $0x10, s30, s12, $0xb8;
	[tilespmem:$0x14820] =	vst v63  }
0x290: {  	s23 =	sadd.s32 $0x2CB0, s19;
	s24 =	sld [smem:$0x7F2]  }
0x291: {  	[tilespmem:s31], [sflag:$0x1] =	stream.indirect.gather [hbm4b:s3+s12], $0x10, s23, s12, $0xb8;
	[tilespmem:$0x14820] =	vst v63  }
0x292: {  	s25 =	sadd.s32 $0x5F0, s19;
	s26 =	sld [smem:$0x7F3]  }
0x293: {  	[tilespmem:s24], [sflag:$0x1] =	stream.indirect.gather [hbm4b:s1+s12], $0x10, s25, s12, $0xb8;
	[tilespmem:$0x14820] =	vst v63  }
0x294: {  	s28 =	sadd.s32 $0x2D00, s19;
	s29 =	sld [smem:$0x7F4]  }
0x295: {  	[tilespmem:s26], [sflag:$0x1] =	stream.indirect.gather [hbm4b:s3+s12], $0x10, s28, s12, $0xb8;
	[tilespmem:$0x14820] =	vst v63  }
0x296: {  	s30 =	sadd.s32 $0x640, s19;
	s31 =	sld [smem:$0x7F5]  }
0x297: {  	[tilespmem:s29], [sflag:$0x1] =	stream.indirect.gather [hbm4b:s1+s12], $0x10, s30, s12, $0xb8;
	[tilespmem:$0x14820] =	vst v63  }
0x298: {  	s23 =	sadd.s32 $0x2D50, s19;
	s24 =	sld [smem:$0x7F6]  }
0x299: {  	[tilespmem:s31], [sflag:$0x1] =	stream.indirect.gather [hbm4b:s3+s12], $0x10, s23, s12, $0xb8;
	[tilespmem:$0x14820] =	vst v63  }
0x29a: {  	s25 =	sadd.s32 $0x690, s19;
	s26 =	sld [smem:$0x7F7]  }
0x29b: {  	[tilespmem:s24], [sflag:$0x1] =	stream.indirect.gather [hbm4b:s1+s12], $0x10, s25, s12, $0xb8;
	[tilespmem:$0x14820] =	vst v63  }
0x29c: {  	s28 =	sadd.s32 $0x2DA0, s19;
	s29 =	sld [smem:$0x7F8]  }
0x29d: {  	[tilespmem:s26], [sflag:$0x1] =	stream.indirect.gather [hbm4b:s3+s12], $0x10, s28, s12, $0xb8;
	[tilespmem:$0x14820] =	vst v63  }
0x29e: {  	s30 =	sadd.s32 $0x6E0, s19;
	s31 =	sld [smem:$0x7F9]  }
0x29f: {  	[tilespmem:s29], [sflag:$0x1] =	stream.indirect.gather [hbm4b:s1+s12], $0x10, s30, s12, $0xb8;
	[tilespmem:$0x14820] =	vst v63  }
0x2a0: {  	s23 =	sadd.s32 $0x2DF0, s19;
	s24 =	sld [smem:$0x7FA]  }
0x2a1: {  	[tilespmem:s31], [sflag:$0x1] =	stream.indirect.gather [hbm4b:s3+s12], $0x10, s23, s12, $0xb8;
	[tilespmem:$0x14820] =	vst v63  }
0x2a2: {  	s25 =	sadd.s32 $0x730, s19;
	s26 =	sld [smem:$0x7FB]  }
0x2a3: {  	[tilespmem:s24], [sflag:$0x1] =	stream.indirect.gather [hbm4b:s1+s12], $0x10, s25, s12, $0xb8;
	[tilespmem:$0x14820] =	vst v63  }
0x2a4: {  	s28 =	sadd.s32 $0x2E40, s19;
	s29 =	sld [smem:$0x7FC]  }
0x2a5: {  	[tilespmem:s26], [sflag:$0x1] =	stream.indirect.gather [hbm4b:s3+s12], $0x10, s28, s12, $0xb8;
	[tilespmem:$0x14820] =	vst v63  }
0x2a6: {  	s30 =	sadd.s32 $0x780, s19;
	s31 =	sld [smem:$0x7FD]  }
0x2a7: {  	[tilespmem:s29], [sflag:$0x1] =	stream.indirect.gather [hbm4b:s1+s12], $0x10, s30, s12, $0xb8;
	[tilespmem:$0x14820] =	vst v63  }
0x2a8: {  	s19 =	sadd.s32 $0x2E90, s19  }
0x2a9: {  	[tilespmem:s31], [sflag:$0x1] =	stream.indirect.gather [hbm4b:s3+s12], $0x10, s19, s12, $0xb8;
	[tilespmem:$0x14820] =	vst v63  }
0x2aa: {  	_ =	swait.ge [sflag:s15], $0x500  }
0x2ab: {  	[sflag:s15] =	ssyncset.done $0x0  }
0x2ac: {  	[sflag:s15] =	ssyncadd.s32 $0xFFFFFB00  }
0x2ad: {  	_ =	swait.ge [sflag:s15], $0x500  }
0x2ae: {  	[sflag:s15] =	ssyncset.done $0x0  }
0x2af: {  	[sflag:s15] =	ssyncadd.s32 $0xFFFFFB00  }
0x2b0: {  	_ =	swait.ge [sflag:s15], $0x500  }
0x2b1: {  	[sflag:s15] =	ssyncset.done $0x0  }
0x2b2: {  	[sflag:s15] =	ssyncadd.s32 $0xFFFFFB00  }
0x2b3: {  	_ =	swait.ge [sflag:s15], $0x500  }
0x2b4: {  	[sflag:s15] =	ssyncset.done $0x0  }
0x2b5: {  	[sflag:s15] =	ssyncadd.s32 $0xFFFFFB00  }
0x2b6: {  	_ =	swait.ge [sflag:s15], $0x500  }
0x2b7: {  	[sflag:s15] =	ssyncset.done $0x0  }
0x2b8: {  	[sflag:s15] =	ssyncadd.s32 $0xFFFFFB00  }
0x2b9: {  	_ =	swait.ge [sflag:s15], $0x500  }
0x2ba: {  	[sflag:s15] =	ssyncset.done $0x0  }
0x2bb: {  	[sflag:s15] =	ssyncadd.s32 $0xFFFFFB00  }
0x2bc: {  	_ =	swait.ge [sflag:s15], $0x500  }
0x2bd: {  	[sflag:s15] =	ssyncset.done $0x0  }
0x2be: {  	[sflag:s15] =	ssyncadd.s32 $0xFFFFFB00  }
0x2bf: {  	_ =	swait.ge [sflag:s15], $0x500  }
0x2c0: {  	[sflag:s15] =	ssyncset.done $0x0  }
0x2c1: {  	[sflag:s15] =	ssyncadd.s32 $0xFFFFFB00  }
0x2c2: {  	_ =	swait.ge [sflag:s15], $0x500  }
0x2c3: {  	[sflag:s15] =	ssyncset.done $0x0  }
0x2c4: {  	[sflag:s15] =	ssyncadd.s32 $0xFFFFFB00  }
0x2c5: {  	_ =	swait.ge [sflag:s15], $0x500  }
0x2c6: {  	[sflag:s15] =	ssyncset.done $0x0  }
0x2c7: {  	[sflag:s15] =	ssyncadd.s32 $0xFFFFFB00  }
0x2c8: {  	_ =	swait.ge [sflag:s15], $0x500  }
0x2c9: {  	[sflag:s15] =	ssyncset.done $0x0  }
0x2ca: {  	[sflag:s15] =	ssyncadd.s32 $0xFFFFFB00  }
0x2cb: {  	_ =	swait.ge [sflag:s15], $0x500  }
0x2cc: {  	[sflag:s15] =	ssyncset.done $0x0  }
0x2cd: {  	[sflag:s15] =	ssyncadd.s32 $0xFFFFFB00  }
0x2ce: {  	_ =	swait.ge [sflag:s15], $0x500  }
0x2cf: {  	[sflag:s15] =	ssyncset.done $0x0  }
0x2d0: {  	[sflag:s15] =	ssyncadd.s32 $0xFFFFFB00  }
0x2d1: {  	_ =	swait.ge [sflag:s15], $0x500  }
0x2d2: {  	[sflag:s15] =	ssyncset.done $0x0  }
0x2d3: {  	[sflag:s15] =	ssyncadd.s32 $0xFFFFFB00  }
0x2d4: {  	_ =	swait.ge [sflag:s15], $0x500  }
0x2d5: {  	[sflag:s15] =	ssyncset.done $0x0  }
0x2d6: {  	[sflag:s15] =	ssyncadd.s32 $0xFFFFFB00  }
0x2d7: {  	_ =	swait.ge [sflag:s15], $0x500  }
0x2d8: {  	[sflag:s15] =	ssyncset.done $0x0  }
0x2d9: {  	[sflag:s15] =	ssyncadd.s32 $0xFFFFFB00  }
0x2da: {  	_ =	swait.ge [sflag:s15], $0x500  }
0x2db: {  	[sflag:s15] =	ssyncset.done $0x0  }
0x2dc: {  	[sflag:s15] =	ssyncadd.s32 $0xFFFFFB00  }
0x2dd: {  	_ =	swait.ge [sflag:s15], $0x500  }
0x2de: {  	[sflag:s15] =	ssyncset.done $0x0  }
0x2df: {  	[sflag:s15] =	ssyncadd.s32 $0xFFFFFB00  }
0x2e0: {  	_ =	swait.ge [sflag:s15], $0x500  }
0x2e1: {  	[sflag:s15] =	ssyncset.done $0x0  }
0x2e2: {  	[sflag:s15] =	ssyncadd.s32 $0xFFFFFB00  }
0x2e3: {  	_ =	swait.ge [sflag:s15], $0x500  }
0x2e4: {  	[sflag:s15] =	ssyncset.done $0x0  }
0x2e5: {  	[sflag:s15] =	ssyncadd.s32 $0xFFFFFB00  }
0x2e6: {  	_ =	swait.ge [sflag:s15], $0x500  }
0x2e7: {  	[sflag:s15] =	ssyncset.done $0x0  }
0x2e8: {  	[sflag:s15] =	ssyncadd.s32 $0xFFFFFB00  }
0x2e9: {  	_ =	swait.ge [sflag:s15], $0x500  }
0x2ea: {  	[sflag:s15] =	ssyncset.done $0x0  }
0x2eb: {  	[sflag:s15] =	ssyncadd.s32 $0xFFFFFB00  }
0x2ec: {  	_ =	swait.ge [sflag:s15], $0x500  }
0x2ed: {  	[sflag:s15] =	ssyncset.done $0x0  }
0x2ee: {  	[sflag:s15] =	ssyncadd.s32 $0xFFFFFB00  }
0x2ef: {  	_ =	swait.ge [sflag:s15], $0x500  }
0x2f0: {  	[sflag:s15] =	ssyncset.done $0x0  }
0x2f1: {  	[sflag:s15] =	ssyncadd.s32 $0xFFFFFB00  }
0x2f2: {  	_ =	swait.ge [sflag:s15], $0x500  }
0x2f3: {  	[sflag:s15] =	ssyncset.done $0x0  }
0x2f4: {  	[sflag:s15] =	ssyncadd.s32 $0xFFFFFB00  }
0x2f5: {  	_ =	swait.ge [sflag:s15], $0x500  }
0x2f6: {  	[sflag:s15] =	ssyncset.done $0x0  }
0x2f7: {  	[sflag:s15] =	ssyncadd.s32 $0xFFFFFB00  }
0x2f8: {  	_ =	swait.ge [sflag:s15], $0x500  }
0x2f9: {  	[sflag:s15] =	ssyncset.done $0x0  }
0x2fa: {  	[sflag:s15] =	ssyncadd.s32 $0xFFFFFB00  }
0x2fb: {  	_ =	swait.ge [sflag:s15], $0x500  }
0x2fc: {  	[sflag:s15] =	ssyncset.done $0x0  }
0x2fd: {  	[sflag:s15] =	ssyncadd.s32 $0xFFFFFB00  }
0x2fe: {  	_ =	swait.ge [sflag:s15], $0x500  }
0x2ff: {  	[sflag:s15] =	ssyncset.done $0x0  }
0x300: {  	[sflag:s15] =	ssyncadd.s32 $0xFFFFFB00  }
0x301: {  	_ =	swait.ge [sflag:s15], $0x500  }
0x302: {  	[sflag:s15] =	ssyncset.done $0x0  }
0x303: {  	[sflag:s15] =	ssyncadd.s32 $0xFFFFFB00  }
0x304: {  	_ =	swait.ge [sflag:s15], $0x500  }
0x305: {  	[sflag:s15] =	ssyncset.done $0x0  }
0x306: {  	[sflag:s15] =	ssyncadd.s32 $0xFFFFFB00  }
0x307: {  	_ =	swait.ge [sflag:s15], $0x500  }
0x308: {  	[sflag:s15] =	ssyncset.done $0x0  }
0x309: {  	[sflag:s15] =	ssyncadd.s32 $0xFFFFFB00  }
0x30a: {  	_ =	swait.ge [sflag:s15], $0x500  }
0x30b: {  	[sflag:s15] =	ssyncset.done $0x0  }
0x30c: {  	[sflag:s15] =	ssyncadd.s32 $0xFFFFFB00  }
0x30d: {  	_ =	swait.ge [sflag:s15], $0x500  }
0x30e: {  	[sflag:s15] =	ssyncset.done $0x0  }
0x30f: {  	[sflag:s15] =	ssyncadd.s32 $0xFFFFFB00  }
0x310: {  	_ =	swait.ge [sflag:s15], $0x500  }
0x311: {  	[sflag:s15] =	ssyncset.done $0x0  }
0x312: {  	[sflag:s15] =	ssyncadd.s32 $0xFFFFFB00  }
0x313: {  	_ =	swait.ge [sflag:s15], $0x500  }
0x314: {  	[sflag:s15] =	ssyncset.done $0x0  }
0x315: {  	[sflag:s15] =	ssyncadd.s32 $0xFFFFFB00  }
0x316: {  	_ =	swait.ge [sflag:s15], $0x500  }
0x317: {  	[sflag:s15] =	ssyncset.done $0x0  }
0x318: {  	[sflag:s15] =	ssyncadd.s32 $0xFFFFFB00  }
0x319: {  	_ =	swait.ge [sflag:s15], $0x500  }
0x31a: {  	[sflag:s15] =	ssyncset.done $0x0  }
0x31b: {  	[sflag:s15] =	ssyncadd.s32 $0xFFFFFB00  }
0x31c: {  	_ =	swait.ge [sflag:s15], $0x500  }
0x31d: {  	[sflag:s15] =	ssyncset.done $0x0  }
0x31e: {  	[sflag:s15] =	ssyncadd.s32 $0xFFFFFB00  }
0x31f: {  	_ =	swait.ge [sflag:s15], $0x500  }
0x320: {  	[sflag:s15] =	ssyncset.done $0x0  }
0x321: {  	[sflag:s15] =	ssyncadd.s32 $0xFFFFFB00  }
0x322: {  	_ =	swait.ge [sflag:s15], $0x500  }
0x323: {  	[sflag:s15] =	ssyncset.done $0x0  }
0x324: {  	[sflag:s15] =	ssyncadd.s32 $0xFFFFFB00  }
0x325: {  	_ =	swait.ge [sflag:s15], $0x500  }
0x326: {  	[sflag:s15] =	ssyncset.done $0x0  }
0x327: {  	[sflag:s15] =	ssyncadd.s32 $0xFFFFFB00  }
0x328: {  	_ =	swait.ge [sflag:s15], $0x500  }
0x329: {  	[sflag:s15] =	ssyncset.done $0x0  }
0x32a: {  	[sflag:s15] =	ssyncadd.s32 $0xFFFFFB00  }
0x32b: {  	_ =	swait.ge [sflag:s15], $0x500  }
0x32c: {  	[sflag:s15] =	ssyncset.done $0x0  }
0x32d: {  	[sflag:s15] =	ssyncadd.s32 $0xFFFFFB00  }
0x32e: {  	_ =	swait.ge [sflag:s15], $0x500  }
0x32f: {  	[sflag:s15] =	ssyncset.done $0x0  }
0x330: {  	[sflag:s15] =	ssyncadd.s32 $0xFFFFFB00  }
0x331: {  	_ =	swait.ge [sflag:s15], $0x500  }
0x332: {  	[sflag:s15] =	ssyncset.done $0x0  }
0x333: {  	[sflag:s15] =	ssyncadd.s32 $0xFFFFFB00  }
0x334: {  	_ =	swait.ge [sflag:s15], $0x500  }
0x335: {  	[sflag:s15] =	ssyncset.done $0x0  }
0x336: {  	[sflag:s15] =	ssyncadd.s32 $0xFFFFFB00  }
0x337: {  	_ =	swait.ge [sflag:s15], $0x500  }
0x338: {  	[sflag:s15] =	ssyncset.done $0x0  }
0x339: {  	[sflag:s15] =	ssyncadd.s32 $0xFFFFFB00  }
0x33a: {  	_ =	swait.ge [sflag:s15], $0x500  }
0x33b: {  	[sflag:s15] =	ssyncset.done $0x0  }
0x33c: {  	[sflag:s15] =	ssyncadd.s32 $0xFFFFFB00  }
0x33d: {  	_ =	swait.ge [sflag:s15], $0x500  }
0x33e: {  	[sflag:s15] =	ssyncset.done $0x0  }
0x33f: {  	[sflag:s15] =	ssyncadd.s32 $0xFFFFFB00  }
0x340: {  	[hbm4b:s18+s2] =	stream.linear.scatter [tilespmem:s13], [sflag:$0x2], $0x7D00, $0x38;
	[tilespmem:$0x14820] =	vst v63  }
0x341: {  	s16 =	sadd.s32 $0x1, s16;
	_ =	swait.ge [sflag:s10], $0x7D00  }
0x342: {  	p0 =	sne.s32 s16, s7;
	[sflag:s10] =	ssyncset.done $0x0  }
.Ltmp1:
0x343: {  	[sflag:s10] =	ssyncadd.s32 $0xFFFF8300;
	(pc) =	sbr.rel @p0 .LBB2_1-.Ltmp1, $4  }
0x344: {  	[hbm4b:s17+s2] =	stream.linear.scatter [tilespmem:s14], [sflag:$0x2], $0x7D00, $0x38;
	[tilespmem:$0x14820] =	vst v63  }
0x345: {  	_ =	swait.ge [sflag:s10], $0x7D00  }
0x346: {  	[sflag:s10] =	ssyncset.done $0x0  }
0x347: {  	[sflag:s10] =	ssyncadd.s32 $0xFFFF8300  }
0x348: {  	_ =	sfence.sel $0x180000  }
0x349: {  	[bflag:$0x0] =	sbarrier.arrive $0xFFFF  }
0x34a: {  	p0 =	sne.s32 s4, $0x0;
	_ =	strace $0x90000047  }
0x34b: {  	s0 =	sadd.s32 @!p0 $0x100000, s0;
	[bflag:$0x2] =	sbarrier.arrive $0xFFFF  }
0x34c: {  	[sflag:s0] =	ssyncadd.tile.s32 @!p0 $0x1;
	_ =	shalt  }
.Lfunc_end2:
_tile_overlayer_lowered:
.L_overlay_start_2:
0x34d: {  	(tag) =	ssettag $0x2  }
0x34e: {  	s0 =	rddreg [dreg:$0x0];
	s2 =	stileid.u32  }
0x34f: {  	s1 =	rddreg [dreg:$0x1];
	p0 =	sne.s32 s2, $0x0  }
0x350: {  	s3 =	rddreg [dreg:$0x2];
	[bflag:$0x3] =	sbarrier.arrive $0xFFFF;
	s2 =	simm.s32 @!p0 $0x1C02  }
0x351: {  	[timem:s3], [sflag:s2] =	dma.local @!p0 [hbm:s0], s1  }
0x352: {  	s0 =	simm.s32 @!p0 $0x2  }
0x353: {  	_ =	swait.ge @!p0 [sflag:s0], s1  }
0x354: {  	s1 =	ssub.s32 @!p0 $0x0, s1;
	[sflag:s0] =	ssyncset.done @!p0 $0x0  }
0x355: {  	[sflag:s0] =	ssyncadd.s32 @!p0 s1  }
0x356: {  	[bflag:$0x3] =	sbarrier.arrive $0xFFFF  }
0x357: {  	_ =	shalt  }

</sc_bundles>
